<compile_context>
chip_gen: v7x
topology: tpu7x:2x2x1
jax: 0.10.2.dev20260603
libtpu: 0.0.44.dev20260713+nightly
codegen_flags: <defaults>
</compile_context>

<pallas_src>
import functools

import jax
import jax.numpy as jnp
import numpy as np
from jax import lax
from jax.experimental import pallas as pl
from jax.experimental.pallas import tpu as pltpu
from jax.experimental.pallas import tpu_sc as plsc

N = 10000
E = 320000
D = 128

NC = 2
NS = 16
NW = NC * NS
EPT = E // NW
DEG_CHUNK = 2000
ROW_CHUNK = 80
N_ROW_CHUNKS = N // ROW_CHUNK

_BN_SCALE = float(1.0 / np.sqrt(1.0 + 1e-5))

_MESH = plsc.VectorSubcoreMesh(core_axis_name="c", subcore_axis_name="s")



@functools.partial(
    pl.kernel,
    out_type=jax.ShapeDtypeStruct((NW * N,), jnp.float32),
    mesh=_MESH,
    scratch_types=[
        pltpu.VMEM((DEG_CHUNK,), jnp.int32),
        pltpu.VMEM((N,), jnp.float32),
    ],
    compiler_params=pltpu.CompilerParams(needs_layout_passes=False),
)
def _sc_degree(dst_hbm, out_hbm, dst_v, hist_v):
    g = lax.axis_index("c") * NS + lax.axis_index("s")

    def zero_body(i, carry):
        hist_v[pl.ds(i * 16, 16)] = jnp.zeros((16,), jnp.float32)
        return carry

    lax.fori_loop(0, N // 16, zero_body, 0)

    ones = jnp.ones((16,), jnp.float32)

    def chunk_body(ci, carry):
        pltpu.sync_copy(dst_hbm.at[pl.ds(g * EPT + ci * DEG_CHUNK, DEG_CHUNK)],
                        dst_v)

        def inner(j, c2):
            idx = dst_v[pl.ds(j * 16, 16)]
            plsc.addupdate_scatter(hist_v, [idx], ones)
            return c2

        lax.fori_loop(0, DEG_CHUNK // 16, inner, 0)
        return carry

    lax.fori_loop(0, EPT // DEG_CHUNK, chunk_body, 0)
    pltpu.sync_copy(hist_v, out_hbm.at[pl.ds(g * N, N)])


NBUF = 3
ECHUNK = 96
NCHUNK = 105
EPAD = NW * NCHUNK * ECHUNK
_CHUNK_BYTES = ECHUNK * D * 4


@functools.partial(
    pl.kernel,
    out_type=jax.ShapeDtypeStruct((NC * N, D), jnp.float32),
    mesh=_MESH,
    scratch_types=[
        pltpu.VMEM_SHARED((N + 8, D), jnp.float32),
        pltpu.VMEM((NCHUNK * ECHUNK,), jnp.int32),
        [pltpu.VMEM((ECHUNK,), jnp.int32) for _ in range(NBUF)],
        [pltpu.VMEM((ECHUNK,), jnp.int32) for _ in range(NBUF)],
        pltpu.VMEM((NBUF, ECHUNK, D), jnp.float32),
        [pltpu.SemaphoreType.DMA] * NBUF,
        [pltpu.SemaphoreType.DMA] * NBUF,
    ],
)
def _sc_aggregate(u_hbm, pk_hbm, out_hbm,
                  s_sh, pk_st, src_v, dst_v, rows_v, gsems, ssems):
    c = lax.axis_index("c")
    s = lax.axis_index("s")
    g = c * NS + s

    pltpu.async_copy(pk_hbm.at[g], pk_st, gsems[0])

    def zrow(i, carry):
        rows_v[0, i // 8, pl.ds((i % 8) * 16, 16)] = jnp.zeros(
            (16,), jnp.float32)
        return carry

    lax.fori_loop(0, ROW_CHUNK * 8, zrow, 0)
    zsrc = rows_v.at[0, pl.ds(0, ROW_CHUNK)]

    def zero_body(j, carry):
        cid = s + j * NS

        @pl.when(cid < N_ROW_CHUNKS)
        def _():
            pltpu.async_copy(zsrc, s_sh.at[pl.ds(cid * ROW_CHUNK,
                                                 ROW_CHUNK)], ssems[0])
        return carry

    nz = (N_ROW_CHUNKS + NS - 1) // NS
    lax.fori_loop(0, nz, zero_body, 0)

    def zero_drain(j, carry):
        cid = s + j * NS

        @pl.when(cid < N_ROW_CHUNKS)
        def _():
            pltpu.make_async_copy(zsrc, s_sh.at[pl.ds(cid * ROW_CHUNK,
                                                      ROW_CHUNK)],
                                  ssems[0]).wait()
        return carry

    lax.fori_loop(0, nz, zero_drain, 0)
    pltpu.make_async_copy(pk_hbm.at[g], pk_st, gsems[0]).wait()
    plsc.subcore_barrier()

    def unpack(ci, b):
        for k in range(ECHUNK // 16):
            v = pk_st[pl.ds(ci * ECHUNK + k * 16, 16)]
            src_v[b][pl.ds(k * 16, 16)] = lax.bitwise_and(v, 0xFFFF)
            dst_v[b][pl.ds(k * 16, 16)] = lax.shift_right_logical(v, 16)

    def outer_body(o, carry):
        for b in range(NBUF):
            ci = o * NBUF + b

            @pl.when(o > 0)
            def _():
                pltpu.make_async_copy(rows_v.at[b], s_sh.at[dst_v[b]],
                                      ssems[b]).wait()
            unpack(ci, b)
            pltpu.async_copy(u_hbm.at[src_v[b]], rows_v.at[b], gsems[b])
        for b in range(NBUF):
            pltpu.make_async_copy(u_hbm.at[src_v[b]], rows_v.at[b],
                                  gsems[b]).wait()
            pltpu.async_copy(rows_v.at[b], s_sh.at[dst_v[b]], ssems[b],
                             add=True)
        return carry

    lax.fori_loop(0, NCHUNK // NBUF, outer_body, 0)
    for b in range(NBUF):
        pltpu.make_async_copy(rows_v.at[b], s_sh.at[dst_v[b]],
                              ssems[b]).wait()
    plsc.subcore_barrier()

    def out_body(j, carry):
        cid = s + j * NS

        @pl.when(cid < N_ROW_CHUNKS)
        def _():
            r0 = cid * ROW_CHUNK
            pltpu.sync_copy(s_sh.at[pl.ds(r0, ROW_CHUNK)],
                            out_hbm.at[pl.ds(c * N + r0, ROW_CHUNK)])
        return carry

    lax.fori_loop(0, (N_ROW_CHUNKS + NS - 1) // NS, out_body, 0)



_GRID = 10
_BLK = N // _GRID

_row_spec = pl.BlockSpec((_BLK, D), lambda i: (i, 0))
_s0_spec = pl.BlockSpec((_BLK, D), lambda i: (i, 0))
_s1_spec = pl.BlockSpec((_BLK, D), lambda i: (_GRID + i, 0))
_vec_spec = pl.BlockSpec((1, D), lambda i: (0, 0))
_w_spec = pl.BlockSpec((D, D), lambda i: (0, 0))
_dinv_spec = pl.BlockSpec((_BLK, 1), lambda i: (i, 0))

_DOT = dict(preferred_element_type=jnp.float32,
            precision=lax.Precision.HIGHEST)


def _pre_body(x_ref, hist_ref, g_ref, be_ref, ew_ref, eb_ref, w0_ref,
              h1_ref, u0_ref, dinv_ref):
    deg = jnp.sum(hist_ref[...], axis=1, keepdims=True) + 1.0
    dinv = lax.rsqrt(deg)
    xb = x_ref[...] * (g_ref[...] * _BN_SCALE) + be_ref[...]
    h1 = jnp.dot(xb, ew_ref[...], **_DOT) + eb_ref[...]
    h1_ref[...] = h1
    u0_ref[...] = dinv * jnp.dot(h1, w0_ref[...], **_DOT)
    dinv_ref[...] = dinv


_tc_pre = pl.pallas_call(
    _pre_body,
    grid=(_GRID,),
    in_specs=[_row_spec,
              pl.BlockSpec((_BLK, NW), lambda i: (i, 0)),
              _vec_spec, _vec_spec, _w_spec, _vec_spec, _w_spec],
    out_specs=[_row_spec, _row_spec, _dinv_spec],
    out_shape=[jax.ShapeDtypeStruct((N, D), jnp.float32),
               jax.ShapeDtypeStruct((N, D), jnp.float32),
               jax.ShapeDtypeStruct((N, 1), jnp.float32)],
)


def _layer_update(h, u, s0, s1, dinv, b, lg, lb):
    z = dinv * (s0 + s1 + u) + b
    mu = jnp.mean(z, axis=1, keepdims=True)
    zc = z - mu
    var = jnp.mean(zc * zc, axis=1, keepdims=True)
    zn = zc * lax.rsqrt(var + 1e-5) * lg + lb
    zn = jnp.where(zn >= 0, zn, 0.1 * zn)
    return zn + h


def _mid_body(h_ref, u_ref, s0_ref, s1_ref, dinv_ref, b_ref, lg_ref, lb_ref,
              wn_ref, hn_ref, un_ref):
    dinv = dinv_ref[...]
    hn = _layer_update(h_ref[...], u_ref[...], s0_ref[...], s1_ref[...],
                       dinv, b_ref[...], lg_ref[...], lb_ref[...])
    hn_ref[...] = hn
    un_ref[...] = dinv * jnp.dot(hn, wn_ref[...], **_DOT)


_tc_mid = pl.pallas_call(
    _mid_body,
    grid=(_GRID,),
    in_specs=[_row_spec, _row_spec, _s0_spec, _s1_spec, _dinv_spec,
              _vec_spec, _vec_spec, _vec_spec, _w_spec],
    out_specs=[_row_spec, _row_spec],
    out_shape=[jax.ShapeDtypeStruct((N, D), jnp.float32),
               jax.ShapeDtypeStruct((N, D), jnp.float32)],
)


def _post_body(h_ref, u_ref, s0_ref, s1_ref, dinv_ref, b_ref, lg_ref, lb_ref,
               f1w_ref, f1b_ref, fg_ref, fb_ref, f2w_ref, f2b_ref,
               out_ref, acc_ref):
    i = pl.program_id(0)
    hn = _layer_update(h_ref[...], u_ref[...], s0_ref[...], s1_ref[...],
                       dinv_ref[...], b_ref[...], lg_ref[...], lb_ref[...])
    part = jnp.sum(hn, axis=0, keepdims=True)

    @pl.when(i == 0)
    def _():
        acc_ref[...] = part

    @pl.when(i > 0)
    def _():
        acc_ref[...] = acc_ref[...] + part

    @pl.when(i == _GRID - 1)
    def _():
        pooled = acc_ref[...] * (1.0 / N)
        y = jnp.dot(pooled, f1w_ref[...], **_DOT) + f1b_ref[...]
        mu = jnp.mean(y, axis=1, keepdims=True)
        yc = y - mu
        var = jnp.mean(yc * yc, axis=1, keepdims=True)
        yn = yc * lax.rsqrt(var + 1e-5) * fg_ref[...] + fb_ref[...]
        yn = jnp.where(yn >= 0, yn, 0.1 * yn)
        out_ref[...] = jnp.dot(yn, f2w_ref[...], **_DOT) + f2b_ref[...]


_tc_post = pl.pallas_call(
    _post_body,
    grid=(_GRID,),
    in_specs=[_row_spec, _row_spec, _s0_spec, _s1_spec, _dinv_spec,
              _vec_spec, _vec_spec, _vec_spec,
              _w_spec, _vec_spec, _vec_spec, _vec_spec, _w_spec, _vec_spec],
    out_specs=pl.BlockSpec((1, D), lambda i: (0, 0)),
    out_shape=jax.ShapeDtypeStruct((1, D), jnp.float32),
    scratch_shapes=[pltpu.VMEM((1, D), jnp.float32)],
)



def kernel(x, edge_index, bn_gamma, bn_beta, emb_W, emb_b, W0, b0, W1, b1,
           W2, b2, ln0_g, ln0_b, ln1_g, ln1_b, ln2_g, ln2_b, fc1_W, fc1_b,
           fcn_g, fcn_b, fc2_W, fc2_b):
    src = edge_index[0]
    dst = edge_index[1]
    pk = src + dst * 65536
    pads = jnp.broadcast_to(
        (N + jnp.arange(EPAD // NW - EPT, dtype=jnp.int32) % 8) * 65536,
        (NW, EPAD // NW - EPT))
    pk3 = jnp.concatenate([pk.reshape(NW, EPT), pads], axis=1)

    r = lambda v: v.reshape(1, D)

    hist = _sc_degree(dst).reshape(NW, N).T

    h1, u0, dinv = _tc_pre(x, hist, r(bn_gamma), r(bn_beta), emb_W,
                           r(emb_b), W0)

    s = _sc_aggregate(u0, pk3)
    h2, u1 = _tc_mid(h1, u0, s, s, dinv, r(b0), r(ln0_g), r(ln0_b), W1)

    s = _sc_aggregate(u1, pk3)
    h3, u2 = _tc_mid(h2, u1, s, s, dinv, r(b1), r(ln1_g), r(ln1_b), W2)

    s = _sc_aggregate(u2, pk3)
    out = _tc_post(h3, u2, s, s, dinv, r(b2), r(ln2_g), r(ln2_b),
                   fc1_W, r(fc1_b), r(fcn_g), r(fcn_b), fc2_W, r(fc2_b))
    return out

# --- scband reference (transcript-rebuilt; emitter-appended) ---
"""Pipeline reference for scband-robust-topology-aware-gnn-12317966205311 (READ-ONLY COPY).

The authoritative reference and input builder live on the scoring server;
editing this copy changes nothing except your own understanding.
"""

import jax, jax.numpy as jnp
import numpy as np

N = 10000
E = 320000
D = 128
H = 128
OUT = 128


def _kaiming(k, shape, fan_in):
    gain = np.sqrt(2.0 / (1.0 + 0.01 ** 2))
    return jax.random.normal(k, shape, jnp.float32) * (gain / np.sqrt(fan_in))


def setup_inputs(seed: int = 0) -> dict:
    key = jax.random.key(seed)
    ks = jax.random.split(key, 16)
    inp = {}
    inp["x"] = jax.random.normal(ks[0], (N, D), jnp.float32)
    inp["edge_index"] = jax.random.randint(ks[1], (2, E), 0, N, dtype=jnp.int32)
    inp["bn_gamma"] = jnp.ones((D,), jnp.float32)
    inp["bn_beta"] = jnp.zeros((D,), jnp.float32)
    inp["emb_W"] = _kaiming(ks[2], (D, H), D)
    inp["emb_b"] = jnp.zeros((H,), jnp.float32)
    inp["W0"] = _kaiming(ks[3], (H, H), H)
    inp["b0"] = jnp.zeros((H,), jnp.float32)
    inp["W1"] = _kaiming(ks[4], (H, H), H)
    inp["b1"] = jnp.zeros((H,), jnp.float32)
    inp["W2"] = _kaiming(ks[5], (H, H), H)
    inp["b2"] = jnp.zeros((H,), jnp.float32)
    inp["ln0_g"] = jnp.ones((H,), jnp.float32)
    inp["ln0_b"] = jnp.zeros((H,), jnp.float32)
    inp["ln1_g"] = jnp.ones((H,), jnp.float32)
    inp["ln1_b"] = jnp.zeros((H,), jnp.float32)
    inp["ln2_g"] = jnp.ones((H,), jnp.float32)
    inp["ln2_b"] = jnp.zeros((H,), jnp.float32)
    inp["fc1_W"] = _kaiming(ks[6], (H, H), H)
    inp["fc1_b"] = jnp.zeros((H,), jnp.float32)
    inp["fcn_g"] = jnp.ones((H,), jnp.float32)
    inp["fcn_b"] = jnp.zeros((H,), jnp.float32)
    inp["fc2_W"] = _kaiming(ks[7], (H, OUT), H)
    inp["fc2_b"] = jnp.zeros((OUT,), jnp.float32)
    return inp


def _leaky(x):
    return jnp.where(x >= 0, x, 0.1 * x)


def _layer_norm(x, g, b):
    mu = jnp.mean(x, axis=-1, keepdims=True)
    var = jnp.mean((x - mu) ** 2, axis=-1, keepdims=True)
    return (x - mu) / jnp.sqrt(var + 1e-5) * g + b


def _gcn(x, src, dst, W, b, n):
    deg = jnp.zeros((n,), x.dtype).at[dst].add(1.0)
    dinv = jnp.where(deg > 0, 1.0 / jnp.sqrt(deg), 0.0)
    norm = dinv[src] * dinv[dst]
    h = x @ W
    out = jnp.zeros_like(h).at[dst].add(h[src] * norm[:, None])
    return out + b


def reference(x, edge_index, bn_gamma, bn_beta, emb_W, emb_b, W0, b0, W1, b1, W2, b2, ln0_g, ln0_b, ln1_g, ln1_b, ln2_g, ln2_b, fc1_W, fc1_b, fcn_g, fcn_b, fc2_W, fc2_b):
    n = x.shape[0]
    loop = jnp.arange(n, dtype=edge_index.dtype)
    src = jnp.concatenate([edge_index[0], loop])
    dst = jnp.concatenate([edge_index[1], loop])
    # BatchNorm1d in eval mode with default running stats (mean=0, var=1)
    h = x / jnp.sqrt(1.0 + 1e-5) * bn_gamma + bn_beta
    h = h @ emb_W + emb_b
    for W, b, g, be in ((W0, b0, ln0_g, ln0_b), (W1, b1, ln1_g, ln1_b), (W2, b2, ln2_g, ln2_b)):
        ident = h
        z = _gcn(h, src, dst, W, b, n)
        z = _layer_norm(z, g, be)
        z = _leaky(z)
        h = z + ident
    h = jnp.mean(h, axis=0, keepdims=True)
    h = h @ fc1_W + fc1_b
    h = _layer_norm(h, fcn_g, fcn_b)
    h = _leaky(h)
    h = h @ fc2_W + fc2_b
    return h

if __name__ == "__main__":
    import jax
    _d = setup_inputs()
    print(jax.jit(kernel)(*tuple(_d.values())))

</pallas_src>

<mosaic_0001>
#map = affine_map<(d0, d1) -> (0)>
module attributes {stable_mosaic.version = 14 : i64} {
  func.func @_sc_degree(%arg0: i32, %arg1: i32, %arg2: memref<320000xi32, #tpu.memory_space<hbm>>, %arg3: memref<320000xf32, #tpu.memory_space<hbm>>, %arg4: memref<2000xi32, #tpu.memory_space<vmem>>, %arg5: memref<10000xf32, #tpu.memory_space<vmem>>) attributes {dimension_semantics = [#tpu.dimension_semantics<core_parallel>, #tpu.dimension_semantics<subcore_parallel>], iteration_bounds = array<i64: 2, 16>, scalar_prefetch = 0 : i64, scratch_operands = 2 : i64, tpu.core_type = #tpu.core_type<sc_vector_subcore>, window_params = [{transform_indices = #map}, {transform_indices = #map}]} {
    %mul3A = arith.constant 16 : i32
    %mul3A_0 = arith.muli %arg0, %mul3A : i32
    %add3A = arith.addi %mul3A_0, %arg1 : i32
    %scan3A = arith.constant 0 : i32
    %scan3A_1 = arith.constant 0 : i32
    %scan3A_2 = arith.constant 625 : i32
    %scan3A_3 = arith.addi %scan3A_1, %scan3A_2 : i32
    %scan3A_4 = arith.constant 1 : i32
    scf.for %scan3A_15 = %scan3A_1 to %scan3A_3 step %scan3A_4  : i32 {
      %broadcast_in_dim3A_16 = arith.constant 0.000000e+00 : f32
      %broadcast_in_dim3A_17 = vector.broadcast %broadcast_in_dim3A_16 : f32 to vector<16xf32>
      %mul3A_18 = arith.constant 16 : i32
      %mul3A_19 = arith.muli %scan3A_15, %mul3A_18 : i32
      %swap3A = arith.index_cast %mul3A_19 : i32 to index
      %swap3A_20 = tpu.vector_load %arg5[%swap3A] {strides = array<i32>} : memref<10000xf32, #tpu.memory_space<vmem>>, vector<16xf32>,
      tpu.vector_store %arg5[%swap3A], %broadcast_in_dim3A_17 {strides = array<i32>} : memref<10000xf32, #tpu.memory_space<vmem>>, vector<16xf32>,
    }
    %scan3A_5 = arith.constant 625 : i32
    %broadcast_in_dim3A = arith.constant 1.000000e+00 : f32
    %broadcast_in_dim3A_6 = vector.broadcast %broadcast_in_dim3A : f32 to vector<16xf32>
    %scan3A_7 = arith.constant 0 : i32
    %scan3A_8 = arith.constant 0 : i32
    %scan3A_9 = arith.constant 5 : i32
    %scan3A_10 = arith.addi %scan3A_8, %scan3A_9 : i32
    %scan3A_11 = arith.constant 1 : i32
    scf.for %scan3A_15 = %scan3A_8 to %scan3A_10 step %scan3A_11  : i32 {
      %mul3A_16 = arith.constant 10000 : i32
      %mul3A_17 = arith.muli %add3A, %mul3A_16 : i32
      %mul3A_18 = arith.constant 2000 : i32
      %mul3A_19 = arith.muli %scan3A_15, %mul3A_18 : i32
      %add3A_20 = arith.addi %mul3A_17, %mul3A_19 : i32
      "tpu.region"() ({
        %run_scoped3A = tpu.sem_alloc : memref<!tpu.dma_semaphore, #tpu.memory_space<semaphore_mem>>
        %dma_start3A = tpu.memref_slice %arg2[%add3A_20] : memref<320000xi32, #tpu.memory_space<hbm>> -> memref<2000xi32, #tpu.memory_space<hbm>>
        %dma_start3A_27 = tpu.memref_slice %arg2[%add3A_20] : memref<320000xi32, #tpu.memory_space<hbm>> -> memref<2000xi32, #tpu.memory_space<hbm>>
        tpu.enqueue_dma source(%dma_start3A_27 : memref<2000xi32, #tpu.memory_space<hbm>>) target(%arg4 : memref<2000xi32, #tpu.memory_space<vmem>>) target_semaphore(%run_scoped3A : memref<!tpu.dma_semaphore, #tpu.memory_space<semaphore_mem>>)
        %dma_wait3A = tpu.memref_slice %arg2[%add3A_20] : memref<320000xi32, #tpu.memory_space<hbm>> -> memref<2000xi32, #tpu.memory_space<hbm>>
        %dma_wait3A_28 = tpu.memref_slice %arg2[%add3A_20] : memref<320000xi32, #tpu.memory_space<hbm>> -> memref<2000xi32, #tpu.memory_space<hbm>>
        tpu.wait_dma2 semaphore(%run_scoped3A : memref<!tpu.dma_semaphore, #tpu.memory_space<semaphore_mem>>) src(%dma_wait3A_28 : memref<2000xi32, #tpu.memory_space<hbm>>) dst(%arg4 : memref<2000xi32, #tpu.memory_space<vmem>>)
        tpu.yield
      }) : () -> ()
      %scan3A_21 = arith.constant 0 : i32
      %scan3A_22 = arith.constant 0 : i32
      %scan3A_23 = arith.constant 125 : i32
      %scan3A_24 = arith.addi %scan3A_22, %scan3A_23 : i32
      %scan3A_25 = arith.constant 1 : i32
      scf.for %scan3A_27 = %scan3A_22 to %scan3A_24 step %scan3A_25  : i32 {
        %mul3A_28 = arith.constant 16 : i32
        %mul3A_29 = arith.muli %scan3A_27, %mul3A_28 : i32
        %get3A = arith.index_cast %mul3A_29 : i32 to index
        %get3A_30 = tpu.vector_load %arg4[%get3A] {strides = array<i32>} : memref<2000xi32, #tpu.memory_space<vmem>>, vector<16xi32>,
        tpu.vector_store_idx %arg5[%get3A_30], %broadcast_in_dim3A_6 {add = true} : memref<10000xf32, #tpu.memory_space<vmem>>[vector<16xi32>], vector<16xf32>,
      }
      %scan3A_26 = arith.constant 125 : i32
    }
    %scan3A_12 = arith.constant 5 : i32
    %mul3A_13 = arith.constant 10000 : i32
    %mul3A_14 = arith.muli %add3A, %mul3A_13 : i32
    "tpu.region"() ({
      %run_scoped3A = tpu.sem_alloc : memref<!tpu.dma_semaphore, #tpu.memory_space<semaphore_mem>>
      %dma_start3A = tpu.memref_slice %arg3[%mul3A_14] : memref<320000xf32, #tpu.memory_space<hbm>> -> memref<10000xf32, #tpu.memory_space<hbm>>
      %dma_start3A_15 = tpu.memref_slice %arg3[%mul3A_14] : memref<320000xf32, #tpu.memory_space<hbm>> -> memref<10000xf32, #tpu.memory_space<hbm>>
      tpu.enqueue_dma source(%arg5 : memref<10000xf32, #tpu.memory_space<vmem>>) target(%dma_start3A_15 : memref<10000xf32, #tpu.memory_space<hbm>>) target_semaphore(%run_scoped3A : memref<!tpu.dma_semaphore, #tpu.memory_space<semaphore_mem>>)
      %dma_wait3A = tpu.memref_slice %arg3[%mul3A_14] : memref<320000xf32, #tpu.memory_space<hbm>> -> memref<10000xf32, #tpu.memory_space<hbm>>
      %dma_wait3A_16 = tpu.memref_slice %arg3[%mul3A_14] : memref<320000xf32, #tpu.memory_space<hbm>> -> memref<10000xf32, #tpu.memory_space<hbm>>
      tpu.wait_dma2 semaphore(%run_scoped3A : memref<!tpu.dma_semaphore, #tpu.memory_space<semaphore_mem>>) src(%arg5 : memref<10000xf32, #tpu.memory_space<vmem>>) dst(%dma_wait3A_16 : memref<10000xf32, #tpu.memory_space<hbm>>)
      tpu.yield
    }) : () -> ()
    return
  }
}

#map = affine_map<(d0, d1) -> (0, 0)>
module attributes {stable_mosaic.version = 14 : i64} {
  func.func @_sc_aggregate(%arg0: i32, %arg1: i32, %arg2: memref<10000x128xf32, #tpu.memory_space<hbm>>, %arg3: memref<32x10080xi32, #tpu.memory_space<hbm>>, %arg4: memref<20000x128xf32, #tpu.memory_space<hbm>>, %arg5: memref<10008x128xf32, #tpu.memory_space<vmem_shared>>, %arg6: memref<10080xi32, #tpu.memory_space<vmem>>, %arg7: memref<96xi32, #tpu.memory_space<vmem>>, %arg8: memref<96xi32, #tpu.memory_space<vmem>>, %arg9: memref<96xi32, #tpu.memory_space<vmem>>, %arg10: memref<96xi32, #tpu.memory_space<vmem>>, %arg11: memref<96xi32, #tpu.memory_space<vmem>>, %arg12: memref<96xi32, #tpu.memory_space<vmem>>, %arg13: memref<3x96x128xf32, #tpu.memory_space<vmem>>, %arg14: memref<!tpu.dma_semaphore, #tpu.memory_space<semaphore_mem>>, %arg15: memref<!tpu.dma_semaphore, #tpu.memory_space<semaphore_mem>>, %arg16: memref<!tpu.dma_semaphore, #tpu.memory_space<semaphore_mem>>, %arg17: memref<!tpu.dma_semaphore, #tpu.memory_space<semaphore_mem>>, %arg18: memref<!tpu.dma_semaphore, #tpu.memory_space<semaphore_mem>>, %arg19: memref<!tpu.dma_semaphore, #tpu.memory_space<semaphore_mem>>) attributes {dimension_semantics = [#tpu.dimension_semantics<core_parallel>, #tpu.dimension_semantics<subcore_parallel>], iteration_bounds = array<i64: 2, 16>, scalar_prefetch = 0 : i64, scratch_operands = 15 : i64, tpu.core_type = #tpu.core_type<sc_vector_subcore>, window_params = [{transform_indices = #map}, {transform_indices = #map}, {transform_indices = #map}]} {
    %mul3A = arith.constant 16 : i32
    %mul3A_0 = arith.muli %arg0, %mul3A : i32
    %add3A = arith.addi %mul3A_0, %arg1 : i32
    %dma_start3A = arith.constant 0 : i32
    %dma_start3A_1 = tpu.memref_slice %arg3[%add3A, %dma_start3A] : memref<32x10080xi32, #tpu.memory_space<hbm>> -> memref<1x10080xi32, #tpu.memory_space<hbm>>
    %dma_start3A_2 = tpu.memref_squeeze %dma_start3A_1 : memref<1x10080xi32, #tpu.memory_space<hbm>> -> memref<10080xi32, #tpu.memory_space<hbm>>
    %dma_start3A_3 = arith.constant 0 : i32
    %dma_start3A_4 = tpu.memref_slice %arg3[%add3A, %dma_start3A_3] : memref<32x10080xi32, #tpu.memory_space<hbm>> -> memref<1x10080xi32, #tpu.memory_space<hbm>>
    %dma_start3A_5 = tpu.memref_squeeze %dma_start3A_4 : memref<1x10080xi32, #tpu.memory_space<hbm>> -> memref<10080xi32, #tpu.memory_space<hbm>>
    tpu.enqueue_dma source(%dma_start3A_5 : memref<10080xi32, #tpu.memory_space<hbm>>) target(%arg6 : memref<10080xi32, #tpu.memory_space<vmem>>) target_semaphore(%arg14 : memref<!tpu.dma_semaphore, #tpu.memory_space<semaphore_mem>>)
    %scan3A = arith.constant 0 : i32
    %scan3A_6 = arith.constant 0 : i32
    %scan3A_7 = arith.constant 640 : i32
    %scan3A_8 = arith.addi %scan3A_6, %scan3A_7 : i32
    %scan3A_9 = arith.constant 1 : i32
    scf.for %scan3A_67 = %scan3A_6 to %scan3A_8 step %scan3A_9  : i32 {
      %broadcast_in_dim3A = arith.constant 0.000000e+00 : f32
      %broadcast_in_dim3A_68 = vector.broadcast %broadcast_in_dim3A : f32 to vector<16xf32>
      %jit3A = arith.constant 8 : i32
      %div3A = arith.divsi %scan3A_67, %jit3A : i32
      %sign3A = arith.constant 0 : i32
      %sign3A_69 = arith.cmpi sgt, %scan3A_67, %sign3A : i32
      %sign3A_70 = arith.extui %sign3A_69 : i1 to i32
      %sign3A_71 = arith.constant 0 : i32
      %sign3A_72 = arith.cmpi slt, %scan3A_67, %sign3A_71 : i32
      %sign3A_73 = arith.extui %sign3A_72 : i1 to i32
      %sign3A_74 = arith.subi %sign3A_70, %sign3A_73 : i32
      %sign3A_75 = arith.constant 0 : i32
      %sign3A_76 = arith.cmpi sgt, %jit3A, %sign3A_75 : i32
      %sign3A_77 = arith.extui %sign3A_76 : i1 to i32
      %sign3A_78 = arith.constant 0 : i32
      %sign3A_79 = arith.cmpi slt, %jit3A, %sign3A_78 : i32
      %sign3A_80 = arith.extui %sign3A_79 : i1 to i32
      %sign3A_81 = arith.subi %sign3A_77, %sign3A_80 : i32
      %ne3A = arith.cmpi ne, %sign3A_74, %sign3A_81 : i32
      %rem3A = arith.remsi %scan3A_67, %jit3A : i32
      %ne3A_82 = arith.constant 0 : i32
      %ne3A_83 = arith.cmpi ne, %rem3A, %ne3A_82 : i32
      %and3A = arith.andi %ne3A, %ne3A_83 : i1
      %sub3A = arith.constant 1 : i32
      %sub3A_84 = arith.subi %div3A, %sub3A : i32
      %select_n3A = arith.select %and3A, %sub3A_84, %div3A : i32
      %jit3A_85 = arith.constant 8 : i32
      %eq3A = arith.constant 0 : i32
      %eq3A_86 = arith.cmpi eq, %jit3A_85, %eq3A : i32
      %jit3A_87 = arith.constant 1 : i32
      %select_n3A_88 = arith.select %eq3A_86, %jit3A_87, %jit3A_85 : i32
      %rem3A_89 = arith.remsi %scan3A_67, %select_n3A_88 : i32
      %ne3A_90 = arith.constant 0 : i32
      %ne3A_91 = arith.cmpi ne, %rem3A_89, %ne3A_90 : i32
      %lt3A = arith.constant 0 : i32
      %lt3A_92 = arith.cmpi slt, %rem3A_89, %lt3A : i32
      %lt3A_93 = arith.constant 0 : i32
      %lt3A_94 = arith.cmpi slt, %select_n3A_88, %lt3A_93 : i32
      %ne3A_95 = arith.xori %lt3A_92, %lt3A_94 : i1
      %and3A_96 = arith.andi %ne3A_95, %ne3A_91 : i1
      %add3A_97 = arith.addi %rem3A_89, %select_n3A_88 : i32
      %select_n3A_98 = arith.select %and3A_96, %add3A_97, %rem3A_89 : i32
      %mul3A_99 = arith.constant 16 : i32
      %mul3A_100 = arith.muli %select_n3A_98, %mul3A_99 : i32
      %swap3A = arith.constant 0 : i32
      %swap3A_101 = arith.index_cast %swap3A : i32 to index
      %swap3A_102 = arith.index_cast %select_n3A : i32 to index
      %swap3A_103 = arith.index_cast %mul3A_100 : i32 to index
      %swap3A_104 = tpu.vector_load %arg13[%swap3A_101, %swap3A_102, %swap3A_103] {strides = array<i32>} : memref<3x96x128xf32, #tpu.memory_space<vmem>>, vector<1x1x16xf32>,
      %swap3A_105 = vector.shape_cast %swap3A_104 : vector<1x1x16xf32> to vector<16xf32>
      %swap3A_106 = vector.shape_cast %broadcast_in_dim3A_68 : vector<16xf32> to vector<1x1x16xf32>
      tpu.vector_store %arg13[%swap3A_101, %swap3A_102, %swap3A_103], %swap3A_106 {strides = array<i32>} : memref<3x96x128xf32, #tpu.memory_space<vmem>>, vector<1x1x16xf32>,
    }
    %scan3A_10 = arith.constant 640 : i32
    %scan3A_11 = arith.constant 0 : i32
    %scan3A_12 = arith.constant 0 : i32
    %scan3A_13 = arith.constant 0 : i32
    %scan3A_14 = arith.constant 8 : i32
    %scan3A_15 = arith.addi %scan3A_13, %scan3A_14 : i32
    %scan3A_16 = arith.constant 1 : i32
    scf.for %scan3A_67 = %scan3A_13 to %scan3A_15 step %scan3A_16  : i32 {
      %mul3A_68 = arith.constant 16 : i32
      %mul3A_69 = arith.muli %scan3A_67, %mul3A_68 : i32
      %add3A_70 = arith.addi %arg1, %mul3A_69 : i32
      %lt3A = arith.constant 125 : i32
      %lt3A_71 = arith.cmpi slt, %add3A_70, %lt3A : i32
      %convert_element_type3A = arith.extui %lt3A_71 : i1 to i32
      %cond3A = arith.constant 0 : i32
      %cond3A_72 = arith.cmpi ne, %convert_element_type3A, %cond3A : i32
      scf.if %cond3A_72 {
        %mul3A_73 = arith.constant 80 : i32
        %mul3A_74 = arith.muli %add3A_70, %mul3A_73 : i32
        %dma_start3A_75 = arith.constant 0 : i32
        %dma_start3A_76 = arith.constant 0 : i32
        %dma_start3A_77 = tpu.memref_slice %arg13[%scan3A_12, %dma_start3A_75, %dma_start3A_76] : memref<3x96x128xf32, #tpu.memory_space<vmem>> -> memref<1x80x128xf32, #tpu.memory_space<vmem>>
        %dma_start3A_78 = tpu.memref_squeeze %dma_start3A_77 : memref<1x80x128xf32, #tpu.memory_space<vmem>> -> memref<80x128xf32, #tpu.memory_space<vmem>>
        %dma_start3A_79 = arith.constant 0 : i32
        %dma_start3A_80 = tpu.memref_slice %arg5[%mul3A_74, %dma_start3A_79] : memref<10008x128xf32, #tpu.memory_space<vmem_shared>> -> memref<80x128xf32, #tpu.memory_space<vmem_shared>>
        %dma_start3A_81 = arith.constant 0 : i32
        %dma_start3A_82 = tpu.memref_slice %arg5[%mul3A_74, %dma_start3A_81] : memref<10008x128xf32, #tpu.memory_space<vmem_shared>> -> memref<80x128xf32, #tpu.memory_space<vmem_shared>>
        %dma_start3A_83 = arith.constant 0 : i32
        %dma_start3A_84 = arith.constant 0 : i32
        %dma_start3A_85 = tpu.memref_slice %arg13[%scan3A_12, %dma_start3A_83, %dma_start3A_84] : memref<3x96x128xf32, #tpu.memory_space<vmem>> -> memref<1x80x128xf32, #tpu.memory_space<vmem>>
        %dma_start3A_86 = tpu.memref_squeeze %dma_start3A_85 : memref<1x80x128xf32, #tpu.memory_space<vmem>> -> memref<80x128xf32, #tpu.memory_space<vmem>>
        tpu.enqueue_dma source(%dma_start3A_86 : memref<80x128xf32, #tpu.memory_space<vmem>>) target(%dma_start3A_82 : memref<80x128xf32, #tpu.memory_space<vmem_shared>>) target_semaphore(%arg17 : memref<!tpu.dma_semaphore, #tpu.memory_space<semaphore_mem>>)
      } else {
      }
    }
    %scan3A_17 = arith.constant 8 : i32
    %scan3A_18 = arith.constant 0 : i32
    %scan3A_19 = arith.constant 0 : i32
    %scan3A_20 = arith.constant 0 : i32
    %scan3A_21 = arith.constant 8 : i32
    %scan3A_22 = arith.addi %scan3A_20, %scan3A_21 : i32
    %scan3A_23 = arith.constant 1 : i32
    scf.for %scan3A_67 = %scan3A_20 to %scan3A_22 step %scan3A_23  : i32 {
      %mul3A_68 = arith.constant 16 : i32
      %mul3A_69 = arith.muli %scan3A_67, %mul3A_68 : i32
      %add3A_70 = arith.addi %arg1, %mul3A_69 : i32
      %lt3A = arith.constant 125 : i32
      %lt3A_71 = arith.cmpi slt, %add3A_70, %lt3A : i32
      %convert_element_type3A = arith.extui %lt3A_71 : i1 to i32
      %cond3A = arith.constant 0 : i32
      %cond3A_72 = arith.cmpi ne, %convert_element_type3A, %cond3A : i32
      scf.if %cond3A_72 {
        %mul3A_73 = arith.constant 80 : i32
        %mul3A_74 = arith.muli %add3A_70, %mul3A_73 : i32
        %dma_wait3A_75 = arith.constant 0 : i32
        %dma_wait3A_76 = arith.constant 0 : i32
        %dma_wait3A_77 = tpu.memref_slice %arg13[%scan3A_19, %dma_wait3A_75, %dma_wait3A_76] : memref<3x96x128xf32, #tpu.memory_space<vmem>> -> memref<1x80x128xf32, #tpu.memory_space<vmem>>
        %dma_wait3A_78 = tpu.memref_squeeze %dma_wait3A_77 : memref<1x80x128xf32, #tpu.memory_space<vmem>> -> memref<80x128xf32, #tpu.memory_space<vmem>>
        %dma_wait3A_79 = arith.constant 0 : i32
        %dma_wait3A_80 = tpu.memref_slice %arg5[%mul3A_74, %dma_wait3A_79] : memref<10008x128xf32, #tpu.memory_space<vmem_shared>> -> memref<80x128xf32, #tpu.memory_space<vmem_shared>>
        %dma_wait3A_81 = arith.constant 0 : i32
        %dma_wait3A_82 = tpu.memref_slice %arg5[%mul3A_74, %dma_wait3A_81] : memref<10008x128xf32, #tpu.memory_space<vmem_shared>> -> memref<80x128xf32, #tpu.memory_space<vmem_shared>>
        %dma_wait3A_83 = arith.constant 0 : i32
        %dma_wait3A_84 = arith.constant 0 : i32
        %dma_wait3A_85 = tpu.memref_slice %arg13[%scan3A_19, %dma_wait3A_83, %dma_wait3A_84] : memref<3x96x128xf32, #tpu.memory_space<vmem>> -> memref<1x80x128xf32, #tpu.memory_space<vmem>>
        %dma_wait3A_86 = tpu.memref_squeeze %dma_wait3A_85 : memref<1x80x128xf32, #tpu.memory_space<vmem>> -> memref<80x128xf32, #tpu.memory_space<vmem>>
        tpu.wait_dma2 semaphore(%arg17 : memref<!tpu.dma_semaphore, #tpu.memory_space<semaphore_mem>>) src(%dma_wait3A_86 : memref<80x128xf32, #tpu.memory_space<vmem>>) dst(%dma_wait3A_82 : memref<80x128xf32, #tpu.memory_space<vmem_shared>>)
      } else {
      }
    }
    %scan3A_24 = arith.constant 8 : i32
    %dma_wait3A = arith.constant 0 : i32
    %dma_wait3A_25 = tpu.memref_slice %arg3[%add3A, %dma_wait3A] : memref<32x10080xi32, #tpu.memory_space<hbm>> -> memref<1x10080xi32, #tpu.memory_space<hbm>>
    %dma_wait3A_26 = tpu.memref_squeeze %dma_wait3A_25 : memref<1x10080xi32, #tpu.memory_space<hbm>> -> memref<10080xi32, #tpu.memory_space<hbm>>
    %dma_wait3A_27 = arith.constant 0 : i32
    %dma_wait3A_28 = tpu.memref_slice %arg3[%add3A, %dma_wait3A_27] : memref<32x10080xi32, #tpu.memory_space<hbm>> -> memref<1x10080xi32, #tpu.memory_space<hbm>>
    %dma_wait3A_29 = tpu.memref_squeeze %dma_wait3A_28 : memref<1x10080xi32, #tpu.memory_space<hbm>> -> memref<10080xi32, #tpu.memory_space<hbm>>
    tpu.wait_dma2 semaphore(%arg14 : memref<!tpu.dma_semaphore, #tpu.memory_space<semaphore_mem>>) src(%dma_wait3A_29 : memref<10080xi32, #tpu.memory_space<hbm>>) dst(%arg6 : memref<10080xi32, #tpu.memory_space<vmem>>)
    %barrier3A = arith.constant 0 : index
    tpu.barrier barrier_id(%barrier3A)
    %scan3A_30 = arith.constant 0 : i32
    %scan3A_31 = arith.constant 0 : i32
    %scan3A_32 = arith.constant 35 : i32
    %scan3A_33 = arith.addi %scan3A_31, %scan3A_32 : i32
    %scan3A_34 = arith.constant 1 : i32
    scf.for %scan3A_67 = %scan3A_31 to %scan3A_33 step %scan3A_34  : i32 {
      %mul3A_68 = arith.constant 3 : i32
      %mul3A_69 = arith.muli %scan3A_67, %mul3A_68 : i32
      %add3A_70 = arith.constant 0 : i32
      %add3A_71 = arith.addi %mul3A_69, %add3A_70 : i32
      %gt3A = arith.constant 0 : i32
      %gt3A_72 = arith.cmpi sgt, %scan3A_67, %gt3A : i32
      %convert_element_type3A = arith.extui %gt3A_72 : i1 to i32
      %cond3A = arith.constant 0 : i32
      %cond3A_73 = arith.cmpi ne, %convert_element_type3A, %cond3A : i32
      scf.if %cond3A_73 {
        %dma_wait3A_538 = arith.constant 0 : i32
        %dma_wait3A_539 = arith.constant 0 : i32
        %dma_wait3A_540 = arith.constant 0 : i32
        %dma_wait3A_541 = tpu.memref_slice %arg13[%dma_wait3A_538, %dma_wait3A_539, %dma_wait3A_540] : memref<3x96x128xf32, #tpu.memory_space<vmem>> -> memref<1x96x128xf32, #tpu.memory_space<vmem>>
        %dma_wait3A_542 = tpu.memref_squeeze %dma_wait3A_541 : memref<1x96x128xf32, #tpu.memory_space<vmem>> -> memref<96x128xf32, #tpu.memory_space<vmem>>
        %dma_wait3A_543 = arith.constant 0 : i32
        %dma_wait3A_544 = arith.constant 0 : i32
        %dma_wait3A_545 = tpu.memref_slice %arg5[%dma_wait3A_543, %dma_wait3A_544] : memref<10008x128xf32, #tpu.memory_space<vmem_shared>> -> memref<10008x128xf32, #tpu.memory_space<vmem_shared>>
        tpu.wait_indirect_dma semaphore(%arg17 : memref<!tpu.dma_semaphore, #tpu.memory_space<semaphore_mem>>) src(%dma_wait3A_542 : memref<96x128xf32, #tpu.memory_space<vmem>>) dst(%dma_wait3A_545 : memref<10008x128xf32, #tpu.memory_space<vmem_shared>>)
      } else {
      }
      %mul3A_74 = arith.constant 96 : i32
      %mul3A_75 = arith.muli %add3A_71, %mul3A_74 : i32
      %add3A_76 = arith.constant 0 : i32
      %add3A_77 = arith.addi %mul3A_75, %add3A_76 : i32
      %get3A = arith.index_cast %add3A_77 : i32 to index
      %get3A_78 = tpu.vector_load %arg6[%get3A] {strides = array<i32>} : memref<10080xi32, #tpu.memory_space<vmem>>, vector<16xi32>,
      %get3A_79 = vector.shape_cast %get3A_78 : vector<16xi32> to vector<16xi32>
      %and3A = arith.constant 65535 : i32
      %and3A_80 = vector.broadcast %and3A : i32 to vector<16xi32>
      %and3A_81 = arith.andi %get3A_79, %and3A_80 : vector<16xi32>
      %swap3A = arith.constant 0 : index
      %swap3A_82 = tpu.vector_load %arg7[%swap3A] {strides = array<i32>} : memref<96xi32, #tpu.memory_space<vmem>>, vector<16xi32>,
      %swap3A_83 = vector.shape_cast %swap3A_82 : vector<16xi32> to vector<16xi32>
      %swap3A_84 = vector.shape_cast %and3A_81 : vector<16xi32> to vector<16xi32>
      tpu.vector_store %arg7[%swap3A], %swap3A_84 {strides = array<i32>} : memref<96xi32, #tpu.memory_space<vmem>>, vector<16xi32>,
      %shift_right_logical3A = arith.constant 16 : i32
      %shift_right_logical3A_85 = vector.broadcast %shift_right_logical3A : i32 to vector<16xi32>
      %shift_right_logical3A_86 = arith.shrui %get3A_79, %shift_right_logical3A_85 : vector<16xi32>
      %swap3A_87 = arith.constant 0 : index
      %swap3A_88 = tpu.vector_load %arg10[%swap3A_87] {strides = array<i32>} : memref<96xi32, #tpu.memory_space<vmem>>, vector<16xi32>,
      %swap3A_89 = vector.shape_cast %swap3A_88 : vector<16xi32> to vector<16xi32>
      %swap3A_90 = vector.shape_cast %shift_right_logical3A_86 : vector<16xi32> to vector<16xi32>
      tpu.vector_store %arg10[%swap3A_87], %swap3A_90 {strides = array<i32>} : memref<96xi32, #tpu.memory_space<vmem>>, vector<16xi32>,
      %mul3A_91 = arith.constant 96 : i32
      %mul3A_92 = arith.muli %add3A_71, %mul3A_91 : i32
      %add3A_93 = arith.constant 16 : i32
      %add3A_94 = arith.addi %mul3A_92, %add3A_93 : i32
      %get3A_95 = arith.index_cast %add3A_94 : i32 to index
      %get3A_96 = tpu.vector_load %arg6[%get3A_95] {strides = array<i32>} : memref<10080xi32, #tpu.memory_space<vmem>>, vector<16xi32>,
      %get3A_97 = vector.shape_cast %get3A_96 : vector<16xi32> to vector<16xi32>
      %and3A_98 = arith.constant 65535 : i32
      %and3A_99 = vector.broadcast %and3A_98 : i32 to vector<16xi32>
      %and3A_100 = arith.andi %get3A_97, %and3A_99 : vector<16xi32>
      %swap3A_101 = arith.constant 16 : index
      %swap3A_102 = tpu.vector_load %arg7[%swap3A_101] {strides = array<i32>} : memref<96xi32, #tpu.memory_space<vmem>>, vector<16xi32>,
      %swap3A_103 = vector.shape_cast %swap3A_102 : vector<16xi32> to vector<16xi32>
      %swap3A_104 = vector.shape_cast %and3A_100 : vector<16xi32> to vector<16xi32>
      tpu.vector_store %arg7[%swap3A_101], %swap3A_104 {strides = array<i32>} : memref<96xi32, #tpu.memory_space<vmem>>, vector<16xi32>,
      %shift_right_logical3A_105 = arith.constant 16 : i32
      %shift_right_logical3A_106 = vector.broadcast %shift_right_logical3A_105 : i32 to vector<16xi32>
      %shift_right_logical3A_107 = arith.shrui %get3A_97, %shift_right_logical3A_106 : vector<16xi32>
      %swap3A_108 = arith.constant 16 : index
      %swap3A_109 = tpu.vector_load %arg10[%swap3A_108] {strides = array<i32>} : memref<96xi32, #tpu.memory_space<vmem>>, vector<16xi32>,
      %swap3A_110 = vector.shape_cast %swap3A_109 : vector<16xi32> to vector<16xi32>
      %swap3A_111 = vector.shape_cast %shift_right_logical3A_107 : vector<16xi32> to vector<16xi32>
      tpu.vector_store %arg10[%swap3A_108], %swap3A_111 {strides = array<i32>} : memref<96xi32, #tpu.memory_space<vmem>>, vector<16xi32>,
      %mul3A_112 = arith.constant 96 : i32
      %mul3A_113 = arith.muli %add3A_71, %mul3A_112 : i32
      %add3A_114 = arith.constant 32 : i32
      %add3A_115 = arith.addi %mul3A_113, %add3A_114 : i32
      %get3A_116 = arith.index_cast %add3A_115 : i32 to index
      %get3A_117 = tpu.vector_load %arg6[%get3A_116] {strides = array<i32>} : memref<10080xi32, #tpu.memory_space<vmem>>, vector<16xi32>,
      %get3A_118 = vector.shape_cast %get3A_117 : vector<16xi32> to vector<16xi32>
      %and3A_119 = arith.constant 65535 : i32
      %and3A_120 = vector.broadcast %and3A_119 : i32 to vector<16xi32>
      %and3A_121 = arith.andi %get3A_118, %and3A_120 : vector<16xi32>
      %swap3A_122 = arith.constant 32 : index
      %swap3A_123 = tpu.vector_load %arg7[%swap3A_122] {strides = array<i32>} : memref<96xi32, #tpu.memory_space<vmem>>, vector<16xi32>,
      %swap3A_124 = vector.shape_cast %swap3A_123 : vector<16xi32> to vector<16xi32>
      %swap3A_125 = vector.shape_cast %and3A_121 : vector<16xi32> to vector<16xi32>
      tpu.vector_store %arg7[%swap3A_122], %swap3A_125 {strides = array<i32>} : memref<96xi32, #tpu.memory_space<vmem>>, vector<16xi32>,
      %shift_right_logical3A_126 = arith.constant 16 : i32
      %shift_right_logical3A_127 = vector.broadcast %shift_right_logical3A_126 : i32 to vector<16xi32>
      %shift_right_logical3A_128 = arith.shrui %get3A_118, %shift_right_logical3A_127 : vector<16xi32>
      %swap3A_129 = arith.constant 32 : index
      %swap3A_130 = tpu.vector_load %arg10[%swap3A_129] {strides = array<i32>} : memref<96xi32, #tpu.memory_space<vmem>>, vector<16xi32>,
      %swap3A_131 = vector.shape_cast %swap3A_130 : vector<16xi32> to vector<16xi32>
      %swap3A_132 = vector.shape_cast %shift_right_logical3A_128 : vector<16xi32> to vector<16xi32>
      tpu.vector_store %arg10[%swap3A_129], %swap3A_132 {strides = array<i32>} : memref<96xi32, #tpu.memory_space<vmem>>, vector<16xi32>,
      %mul3A_133 = arith.constant 96 : i32
      %mul3A_134 = arith.muli %add3A_71, %mul3A_133 : i32
      %add3A_135 = arith.constant 48 : i32
      %add3A_136 = arith.addi %mul3A_134, %add3A_135 : i32
      %get3A_137 = arith.index_cast %add3A_136 : i32 to index
      %get3A_138 = tpu.vector_load %arg6[%get3A_137] {strides = array<i32>} : memref<10080xi32, #tpu.memory_space<vmem>>, vector<16xi32>,
      %get3A_139 = vector.shape_cast %get3A_138 : vector<16xi32> to vector<16xi32>
      %and3A_140 = arith.constant 65535 : i32
      %and3A_141 = vector.broadcast %and3A_140 : i32 to vector<16xi32>
      %and3A_142 = arith.andi %get3A_139, %and3A_141 : vector<16xi32>
      %swap3A_143 = arith.constant 48 : index
      %swap3A_144 = tpu.vector_load %arg7[%swap3A_143] {strides = array<i32>} : memref<96xi32, #tpu.memory_space<vmem>>, vector<16xi32>,
      %swap3A_145 = vector.shape_cast %swap3A_144 : vector<16xi32> to vector<16xi32>
      %swap3A_146 = vector.shape_cast %and3A_142 : vector<16xi32> to vector<16xi32>
      tpu.vector_store %arg7[%swap3A_143], %swap3A_146 {strides = array<i32>} : memref<96xi32, #tpu.memory_space<vmem>>, vector<16xi32>,
      %shift_right_logical3A_147 = arith.constant 16 : i32
      %shift_right_logical3A_148 = vector.broadcast %shift_right_logical3A_147 : i32 to vector<16xi32>
      %shift_right_logical3A_149 = arith.shrui %get3A_139, %shift_right_logical3A_148 : vector<16xi32>
      %swap3A_150 = arith.constant 48 : index
      %swap3A_151 = tpu.vector_load %arg10[%swap3A_150] {strides = array<i32>} : memref<96xi32, #tpu.memory_space<vmem>>, vector<16xi32>,
      %swap3A_152 = vector.shape_cast %swap3A_151 : vector<16xi32> to vector<16xi32>
      %swap3A_153 = vector.shape_cast %shift_right_logical3A_149 : vector<16xi32> to vector<16xi32>
      tpu.vector_store %arg10[%swap3A_150], %swap3A_153 {strides = array<i32>} : memref<96xi32, #tpu.memory_space<vmem>>, vector<16xi32>,
      %mul3A_154 = arith.constant 96 : i32
      %mul3A_155 = arith.muli %add3A_71, %mul3A_154 : i32
      %add3A_156 = arith.constant 64 : i32
      %add3A_157 = arith.addi %mul3A_155, %add3A_156 : i32
      %get3A_158 = arith.index_cast %add3A_157 : i32 to index
      %get3A_159 = tpu.vector_load %arg6[%get3A_158] {strides = array<i32>} : memref<10080xi32, #tpu.memory_space<vmem>>, vector<16xi32>,
      %get3A_160 = vector.shape_cast %get3A_159 : vector<16xi32> to vector<16xi32>
      %and3A_161 = arith.constant 65535 : i32
      %and3A_162 = vector.broadcast %and3A_161 : i32 to vector<16xi32>
      %and3A_163 = arith.andi %get3A_160, %and3A_162 : vector<16xi32>
      %swap3A_164 = arith.constant 64 : index
      %swap3A_165 = tpu.vector_load %arg7[%swap3A_164] {strides = array<i32>} : memref<96xi32, #tpu.memory_space<vmem>>, vector<16xi32>,
      %swap3A_166 = vector.shape_cast %swap3A_165 : vector<16xi32> to vector<16xi32>
      %swap3A_167 = vector.shape_cast %and3A_163 : vector<16xi32> to vector<16xi32>
      tpu.vector_store %arg7[%swap3A_164], %swap3A_167 {strides = array<i32>} : memref<96xi32, #tpu.memory_space<vmem>>, vector<16xi32>,
      %shift_right_logical3A_168 = arith.constant 16 : i32
      %shift_right_logical3A_169 = vector.broadcast %shift_right_logical3A_168 : i32 to vector<16xi32>
      %shift_right_logical3A_170 = arith.shrui %get3A_160, %shift_right_logical3A_169 : vector<16xi32>
      %swap3A_171 = arith.constant 64 : index
      %swap3A_172 = tpu.vector_load %arg10[%swap3A_171] {strides = array<i32>} : memref<96xi32, #tpu.memory_space<vmem>>, vector<16xi32>,
      %swap3A_173 = vector.shape_cast %swap3A_172 : vector<16xi32> to vector<16xi32>
      %swap3A_174 = vector.shape_cast %shift_right_logical3A_170 : vector<16xi32> to vector<16xi32>
      tpu.vector_store %arg10[%swap3A_171], %swap3A_174 {strides = array<i32>} : memref<96xi32, #tpu.memory_space<vmem>>, vector<16xi32>,
      %mul3A_175 = arith.constant 96 : i32
      %mul3A_176 = arith.muli %add3A_71, %mul3A_175 : i32
      %add3A_177 = arith.constant 80 : i32
      %add3A_178 = arith.addi %mul3A_176, %add3A_177 : i32
      %get3A_179 = arith.index_cast %add3A_178 : i32 to index
      %get3A_180 = tpu.vector_load %arg6[%get3A_179] {strides = array<i32>} : memref<10080xi32, #tpu.memory_space<vmem>>, vector<16xi32>,
      %get3A_181 = vector.shape_cast %get3A_180 : vector<16xi32> to vector<16xi32>
      %and3A_182 = arith.constant 65535 : i32
      %and3A_183 = vector.broadcast %and3A_182 : i32 to vector<16xi32>
      %and3A_184 = arith.andi %get3A_181, %and3A_183 : vector<16xi32>
      %swap3A_185 = arith.constant 80 : index
      %swap3A_186 = tpu.vector_load %arg7[%swap3A_185] {strides = array<i32>} : memref<96xi32, #tpu.memory_space<vmem>>, vector<16xi32>,
      %swap3A_187 = vector.shape_cast %swap3A_186 : vector<16xi32> to vector<16xi32>
      %swap3A_188 = vector.shape_cast %and3A_184 : vector<16xi32> to vector<16xi32>
      tpu.vector_store %arg7[%swap3A_185], %swap3A_188 {strides = array<i32>} : memref<96xi32, #tpu.memory_space<vmem>>, vector<16xi32>,
      %shift_right_logical3A_189 = arith.constant 16 : i32
      %shift_right_logical3A_190 = vector.broadcast %shift_right_logical3A_189 : i32 to vector<16xi32>
      %shift_right_logical3A_191 = arith.shrui %get3A_181, %shift_right_logical3A_190 : vector<16xi32>
      %swap3A_192 = arith.constant 80 : index
      %swap3A_193 = tpu.vector_load %arg10[%swap3A_192] {strides = array<i32>} : memref<96xi32, #tpu.memory_space<vmem>>, vector<16xi32>,
      %swap3A_194 = vector.shape_cast %swap3A_193 : vector<16xi32> to vector<16xi32>
      %swap3A_195 = vector.shape_cast %shift_right_logical3A_191 : vector<16xi32> to vector<16xi32>
      tpu.vector_store %arg10[%swap3A_192], %swap3A_195 {strides = array<i32>} : memref<96xi32, #tpu.memory_space<vmem>>, vector<16xi32>,
      %dma_start3A_196 = arith.constant 0 : i32
      %dma_start3A_197 = arith.constant 0 : i32
      %dma_start3A_198 = arith.constant 0 : i32
      %dma_start3A_199 = tpu.memref_slice %arg13[%dma_start3A_196, %dma_start3A_197, %dma_start3A_198] : memref<3x96x128xf32, #tpu.memory_space<vmem>> -> memref<1x96x128xf32, #tpu.memory_space<vmem>>
      %dma_start3A_200 = tpu.memref_squeeze %dma_start3A_199 : memref<1x96x128xf32, #tpu.memory_space<vmem>> -> memref<96x128xf32, #tpu.memory_space<vmem>>
      %dma_start3A_201 = arith.constant 0 : i32
      %dma_start3A_202 = arith.constant 0 : i32
      %dma_start3A_203 = tpu.memref_slice %arg2[%dma_start3A_201, %dma_start3A_202] : memref<10000x128xf32, #tpu.memory_space<hbm>> -> memref<10000x128xf32, #tpu.memory_space<hbm>>
      tpu.enqueue_indirect_dma source(%dma_start3A_203 : memref<10000x128xf32, #tpu.memory_space<hbm>>) target(%dma_start3A_200 : memref<96x128xf32, #tpu.memory_space<vmem>>) offsets(%arg7 : memref<96xi32, #tpu.memory_space<vmem>>) semaphore(%arg14 : memref<!tpu.dma_semaphore, #tpu.memory_space<semaphore_mem>>)
      %mul3A_204 = arith.constant 3 : i32
      %mul3A_205 = arith.muli %scan3A_67, %mul3A_204 : i32
      %add3A_206 = arith.constant 1 : i32
      %add3A_207 = arith.addi %mul3A_205, %add3A_206 : i32
      %gt3A_208 = arith.constant 0 : i32
      %gt3A_209 = arith.cmpi sgt, %scan3A_67, %gt3A_208 : i32
      %convert_element_type3A_210 = arith.extui %gt3A_209 : i1 to i32
      %cond3A_211 = arith.constant 0 : i32
      %cond3A_212 = arith.cmpi ne, %convert_element_type3A_210, %cond3A_211 : i32
      scf.if %cond3A_212 {
        %dma_wait3A_538 = arith.constant 1 : i32
        %dma_wait3A_539 = arith.constant 0 : i32
        %dma_wait3A_540 = arith.constant 0 : i32
        %dma_wait3A_541 = tpu.memref_slice %arg13[%dma_wait3A_538, %dma_wait3A_539, %dma_wait3A_540] : memref<3x96x128xf32, #tpu.memory_space<vmem>> -> memref<1x96x128xf32, #tpu.memory_space<vmem>>
        %dma_wait3A_542 = tpu.memref_squeeze %dma_wait3A_541 : memref<1x96x128xf32, #tpu.memory_space<vmem>> -> memref<96x128xf32, #tpu.memory_space<vmem>>
        %dma_wait3A_543 = arith.constant 0 : i32
        %dma_wait3A_544 = arith.constant 0 : i32
        %dma_wait3A_545 = tpu.memref_slice %arg5[%dma_wait3A_543, %dma_wait3A_544] : memref<10008x128xf32, #tpu.memory_space<vmem_shared>> -> memref<10008x128xf32, #tpu.memory_space<vmem_shared>>
        tpu.wait_indirect_dma semaphore(%arg18 : memref<!tpu.dma_semaphore, #tpu.memory_space<semaphore_mem>>) src(%dma_wait3A_542 : memref<96x128xf32, #tpu.memory_space<vmem>>) dst(%dma_wait3A_545 : memref<10008x128xf32, #tpu.memory_space<vmem_shared>>)
      } else {
      }
      %mul3A_213 = arith.constant 96 : i32
      %mul3A_214 = arith.muli %add3A_207, %mul3A_213 : i32
      %add3A_215 = arith.constant 0 : i32
      %add3A_216 = arith.addi %mul3A_214, %add3A_215 : i32
      %get3A_217 = arith.index_cast %add3A_216 : i32 to index
      %get3A_218 = tpu.vector_load %arg6[%get3A_217] {strides = array<i32>} : memref<10080xi32, #tpu.memory_space<vmem>>, vector<16xi32>,
      %get3A_219 = vector.shape_cast %get3A_218 : vector<16xi32> to vector<16xi32>
      %and3A_220 = arith.constant 65535 : i32
      %and3A_221 = vector.broadcast %and3A_220 : i32 to vector<16xi32>
      %and3A_222 = arith.andi %get3A_219, %and3A_221 : vector<16xi32>
      %swap3A_223 = arith.constant 0 : index
      %swap3A_224 = tpu.vector_load %arg8[%swap3A_223] {strides = array<i32>} : memref<96xi32, #tpu.memory_space<vmem>>, vector<16xi32>,
      %swap3A_225 = vector.shape_cast %swap3A_224 : vector<16xi32> to vector<16xi32>
      %swap3A_226 = vector.shape_cast %and3A_222 : vector<16xi32> to vector<16xi32>
      tpu.vector_store %arg8[%swap3A_223], %swap3A_226 {strides = array<i32>} : memref<96xi32, #tpu.memory_space<vmem>>, vector<16xi32>,
      %shift_right_logical3A_227 = arith.constant 16 : i32
      %shift_right_logical3A_228 = vector.broadcast %shift_right_logical3A_227 : i32 to vector<16xi32>
      %shift_right_logical3A_229 = arith.shrui %get3A_219, %shift_right_logical3A_228 : vector<16xi32>
      %swap3A_230 = arith.constant 0 : index
      %swap3A_231 = tpu.vector_load %arg11[%swap3A_230] {strides = array<i32>} : memref<96xi32, #tpu.memory_space<vmem>>, vector<16xi32>,
      %swap3A_232 = vector.shape_cast %swap3A_231 : vector<16xi32> to vector<16xi32>
      %swap3A_233 = vector.shape_cast %shift_right_logical3A_229 : vector<16xi32> to vector<16xi32>
      tpu.vector_store %arg11[%swap3A_230], %swap3A_233 {strides = array<i32>} : memref<96xi32, #tpu.memory_space<vmem>>, vector<16xi32>,
      %mul3A_234 = arith.constant 96 : i32
      %mul3A_235 = arith.muli %add3A_207, %mul3A_234 : i32
      %add3A_236 = arith.constant 16 : i32
      %add3A_237 = arith.addi %mul3A_235, %add3A_236 : i32
      %get3A_238 = arith.index_cast %add3A_237 : i32 to index
      %get3A_239 = tpu.vector_load %arg6[%get3A_238] {strides = array<i32>} : memref<10080xi32, #tpu.memory_space<vmem>>, vector<16xi32>,
      %get3A_240 = vector.shape_cast %get3A_239 : vector<16xi32> to vector<16xi32>
      %and3A_241 = arith.constant 65535 : i32
      %and3A_242 = vector.broadcast %and3A_241 : i32 to vector<16xi32>
      %and3A_243 = arith.andi %get3A_240, %and3A_242 : vector<16xi32>
      %swap3A_244 = arith.constant 16 : index
      %swap3A_245 = tpu.vector_load %arg8[%swap3A_244] {strides = array<i32>} : memref<96xi32, #tpu.memory_space<vmem>>, vector<16xi32>,
      %swap3A_246 = vector.shape_cast %swap3A_245 : vector<16xi32> to vector<16xi32>
      %swap3A_247 = vector.shape_cast %and3A_243 : vector<16xi32> to vector<16xi32>
      tpu.vector_store %arg8[%swap3A_244], %swap3A_247 {strides = array<i32>} : memref<96xi32, #tpu.memory_space<vmem>>, vector<16xi32>,
      %shift_right_logical3A_248 = arith.constant 16 : i32
      %shift_right_logical3A_249 = vector.broadcast %shift_right_logical3A_248 : i32 to vector<16xi32>
      %shift_right_logical3A_250 = arith.shrui %get3A_240, %shift_right_logical3A_249 : vector<16xi32>
      %swap3A_251 = arith.constant 16 : index
      %swap3A_252 = tpu.vector_load %arg11[%swap3A_251] {strides = array<i32>} : memref<96xi32, #tpu.memory_space<vmem>>, vector<16xi32>,
      %swap3A_253 = vector.shape_cast %swap3A_252 : vector<16xi32> to vector<16xi32>
      %swap3A_254 = vector.shape_cast %shift_right_logical3A_250 : vector<16xi32> to vector<16xi32>
      tpu.vector_store %arg11[%swap3A_251], %swap3A_254 {strides = array<i32>} : memref<96xi32, #tpu.memory_space<vmem>>, vector<16xi32>,
      %mul3A_255 = arith.constant 96 : i32
      %mul3A_256 = arith.muli %add3A_207, %mul3A_255 : i32
      %add3A_257 = arith.constant 32 : i32
      %add3A_258 = arith.addi %mul3A_256, %add3A_257 : i32
      %get3A_259 = arith.index_cast %add3A_258 : i32 to index
      %get3A_260 = tpu.vector_load %arg6[%get3A_259] {strides = array<i32>} : memref<10080xi32, #tpu.memory_space<vmem>>, vector<16xi32>,
      %get3A_261 = vector.shape_cast %get3A_260 : vector<16xi32> to vector<16xi32>
      %and3A_262 = arith.constant 65535 : i32
      %and3A_263 = vector.broadcast %and3A_262 : i32 to vector<16xi32>
      %and3A_264 = arith.andi %get3A_261, %and3A_263 : vector<16xi32>
      %swap3A_265 = arith.constant 32 : index
      %swap3A_266 = tpu.vector_load %arg8[%swap3A_265] {strides = array<i32>} : memref<96xi32, #tpu.memory_space<vmem>>, vector<16xi32>,
      %swap3A_267 = vector.shape_cast %swap3A_266 : vector<16xi32> to vector<16xi32>
      %swap3A_268 = vector.shape_cast %and3A_264 : vector<16xi32> to vector<16xi32>
      tpu.vector_store %arg8[%swap3A_265], %swap3A_268 {strides = array<i32>} : memref<96xi32, #tpu.memory_space<vmem>>, vector<16xi32>,
      %shift_right_logical3A_269 = arith.constant 16 : i32
      %shift_right_logical3A_270 = vector.broadcast %shift_right_logical3A_269 : i32 to vector<16xi32>
      %shift_right_logical3A_271 = arith.shrui %get3A_261, %shift_right_logical3A_270 : vector<16xi32>
      %swap3A_272 = arith.constant 32 : index
      %swap3A_273 = tpu.vector_load %arg11[%swap3A_272] {strides = array<i32>} : memref<96xi32, #tpu.memory_space<vmem>>, vector<16xi32>,
      %swap3A_274 = vector.shape_cast %swap3A_273 : vector<16xi32> to vector<16xi32>
      %swap3A_275 = vector.shape_cast %shift_right_logical3A_271 : vector<16xi32> to vector<16xi32>
      tpu.vector_store %arg11[%swap3A_272], %swap3A_275 {strides = array<i32>} : memref<96xi32, #tpu.memory_space<vmem>>, vector<16xi32>,
      %mul3A_276 = arith.constant 96 : i32
      %mul3A_277 = arith.muli %add3A_207, %mul3A_276 : i32
      %add3A_278 = arith.constant 48 : i32
      %add3A_279 = arith.addi %mul3A_277, %add3A_278 : i32
      %get3A_280 = arith.index_cast %add3A_279 : i32 to index
      %get3A_281 = tpu.vector_load %arg6[%get3A_280] {strides = array<i32>} : memref<10080xi32, #tpu.memory_space<vmem>>, vector<16xi32>,
      %get3A_282 = vector.shape_cast %get3A_281 : vector<16xi32> to vector<16xi32>
      %and3A_283 = arith.constant 65535 : i32
      %and3A_284 = vector.broadcast %and3A_283 : i32 to vector<16xi32>
      %and3A_285 = arith.andi %get3A_282, %and3A_284 : vector<16xi32>
      %swap3A_286 = arith.constant 48 : index
      %swap3A_287 = tpu.vector_load %arg8[%swap3A_286] {strides = array<i32>} : memref<96xi32, #tpu.memory_space<vmem>>, vector<16xi32>,
      %swap3A_288 = vector.shape_cast %swap3A_287 : vector<16xi32> to vector<16xi32>
      %swap3A_289 = vector.shape_cast %and3A_285 : vector<16xi32> to vector<16xi32>
      tpu.vector_store %arg8[%swap3A_286], %swap3A_289 {strides = array<i32>} : memref<96xi32, #tpu.memory_space<vmem>>, vector<16xi32>,
      %shift_right_logical3A_290 = arith.constant 16 : i32
      %shift_right_logical3A_291 = vector.broadcast %shift_right_logical3A_290 : i32 to vector<16xi32>
      %shift_right_logical3A_292 = arith.shrui %get3A_282, %shift_right_logical3A_291 : vector<16xi32>
      %swap3A_293 = arith.constant 48 : index
      %swap3A_294 = tpu.vector_load %arg11[%swap3A_293] {strides = array<i32>} : memref<96xi32, #tpu.memory_space<vmem>>, vector<16xi32>,
      %swap3A_295 = vector.shape_cast %swap3A_294 : vector<16xi32> to vector<16xi32>
      %swap3A_296 = vector.shape_cast %shift_right_logical3A_292 : vector<16xi32> to vector<16xi32>
      tpu.vector_store %arg11[%swap3A_293], %swap3A_296 {strides = array<i32>} : memref<96xi32, #tpu.memory_space<vmem>>, vector<16xi32>,
      %mul3A_297 = arith.constant 96 : i32
      %mul3A_298 = arith.muli %add3A_207, %mul3A_297 : i32
      %add3A_299 = arith.constant 64 : i32
      %add3A_300 = arith.addi %mul3A_298, %add3A_299 : i32
      %get3A_301 = arith.index_cast %add3A_300 : i32 to index
      %get3A_302 = tpu.vector_load %arg6[%get3A_301] {strides = array<i32>} : memref<10080xi32, #tpu.memory_space<vmem>>, vector<16xi32>,
      %get3A_303 = vector.shape_cast %get3A_302 : vector<16xi32> to vector<16xi32>
      %and3A_304 = arith.constant 65535 : i32
      %and3A_305 = vector.broadcast %and3A_304 : i32 to vector<16xi32>
      %and3A_306 = arith.andi %get3A_303, %and3A_305 : vector<16xi32>
      %swap3A_307 = arith.constant 64 : index
      %swap3A_308 = tpu.vector_load %arg8[%swap3A_307] {strides = array<i32>} : memref<96xi32, #tpu.memory_space<vmem>>, vector<16xi32>,
      %swap3A_309 = vector.shape_cast %swap3A_308 : vector<16xi32> to vector<16xi32>
      %swap3A_310 = vector.shape_cast %and3A_306 : vector<16xi32> to vector<16xi32>
      tpu.vector_store %arg8[%swap3A_307], %swap3A_310 {strides = array<i32>} : memref<96xi32, #tpu.memory_space<vmem>>, vector<16xi32>,
      %shift_right_logical3A_311 = arith.constant 16 : i32
      %shift_right_logical3A_312 = vector.broadcast %shift_right_logical3A_311 : i32 to vector<16xi32>
      %shift_right_logical3A_313 = arith.shrui %get3A_303, %shift_right_logical3A_312 : vector<16xi32>
      %swap3A_314 = arith.constant 64 : index
      %swap3A_315 = tpu.vector_load %arg11[%swap3A_314] {strides = array<i32>} : memref<96xi32, #tpu.memory_space<vmem>>, vector<16xi32>,
      %swap3A_316 = vector.shape_cast %swap3A_315 : vector<16xi32> to vector<16xi32>
      %swap3A_317 = vector.shape_cast %shift_right_logical3A_313 : vector<16xi32> to vector<16xi32>
      tpu.vector_store %arg11[%swap3A_314], %swap3A_317 {strides = array<i32>} : memref<96xi32, #tpu.memory_space<vmem>>, vector<16xi32>,
      %mul3A_318 = arith.constant 96 : i32
      %mul3A_319 = arith.muli %add3A_207, %mul3A_318 : i32
      %add3A_320 = arith.constant 80 : i32
      %add3A_321 = arith.addi %mul3A_319, %add3A_320 : i32
      %get3A_322 = arith.index_cast %add3A_321 : i32 to index
      %get3A_323 = tpu.vector_load %arg6[%get3A_322] {strides = array<i32>} : memref<10080xi32, #tpu.memory_space<vmem>>, vector<16xi32>,
      %get3A_324 = vector.shape_cast %get3A_323 : vector<16xi32> to vector<16xi32>
      %and3A_325 = arith.constant 65535 : i32
      %and3A_326 = vector.broadcast %and3A_325 : i32 to vector<16xi32>
      %and3A_327 = arith.andi %get3A_324, %and3A_326 : vector<16xi32>
      %swap3A_328 = arith.constant 80 : index
      %swap3A_329 = tpu.vector_load %arg8[%swap3A_328] {strides = array<i32>} : memref<96xi32, #tpu.memory_space<vmem>>, vector<16xi32>,
      %swap3A_330 = vector.shape_cast %swap3A_329 : vector<16xi32> to vector<16xi32>
      %swap3A_331 = vector.shape_cast %and3A_327 : vector<16xi32> to vector<16xi32>
      tpu.vector_store %arg8[%swap3A_328], %swap3A_331 {strides = array<i32>} : memref<96xi32, #tpu.memory_space<vmem>>, vector<16xi32>,
      %shift_right_logical3A_332 = arith.constant 16 : i32
      %shift_right_logical3A_333 = vector.broadcast %shift_right_logical3A_332 : i32 to vector<16xi32>
      %shift_right_logical3A_334 = arith.shrui %get3A_324, %shift_right_logical3A_333 : vector<16xi32>
      %swap3A_335 = arith.constant 80 : index
      %swap3A_336 = tpu.vector_load %arg11[%swap3A_335] {strides = array<i32>} : memref<96xi32, #tpu.memory_space<vmem>>, vector<16xi32>,
      %swap3A_337 = vector.shape_cast %swap3A_336 : vector<16xi32> to vector<16xi32>
      %swap3A_338 = vector.shape_cast %shift_right_logical3A_334 : vector<16xi32> to vector<16xi32>
      tpu.vector_store %arg11[%swap3A_335], %swap3A_338 {strides = array<i32>} : memref<96xi32, #tpu.memory_space<vmem>>, vector<16xi32>,
      %dma_start3A_339 = arith.constant 1 : i32
      %dma_start3A_340 = arith.constant 0 : i32
      %dma_start3A_341 = arith.constant 0 : i32
      %dma_start3A_342 = tpu.memref_slice %arg13[%dma_start3A_339, %dma_start3A_340, %dma_start3A_341] : memref<3x96x128xf32, #tpu.memory_space<vmem>> -> memref<1x96x128xf32, #tpu.memory_space<vmem>>
      %dma_start3A_343 = tpu.memref_squeeze %dma_start3A_342 : memref<1x96x128xf32, #tpu.memory_space<vmem>> -> memref<96x128xf32, #tpu.memory_space<vmem>>
      %dma_start3A_344 = arith.constant 0 : i32
      %dma_start3A_345 = arith.constant 0 : i32
      %dma_start3A_346 = tpu.memref_slice %arg2[%dma_start3A_344, %dma_start3A_345] : memref<10000x128xf32, #tpu.memory_space<hbm>> -> memref<10000x128xf32, #tpu.memory_space<hbm>>
      tpu.enqueue_indirect_dma source(%dma_start3A_346 : memref<10000x128xf32, #tpu.memory_space<hbm>>) target(%dma_start3A_343 : memref<96x128xf32, #tpu.memory_space<vmem>>) offsets(%arg8 : memref<96xi32, #tpu.memory_space<vmem>>) semaphore(%arg15 : memref<!tpu.dma_semaphore, #tpu.memory_space<semaphore_mem>>)
      %mul3A_347 = arith.constant 3 : i32
      %mul3A_348 = arith.muli %scan3A_67, %mul3A_347 : i32
      %add3A_349 = arith.constant 2 : i32
      %add3A_350 = arith.addi %mul3A_348, %add3A_349 : i32
      %gt3A_351 = arith.constant 0 : i32
      %gt3A_352 = arith.cmpi sgt, %scan3A_67, %gt3A_351 : i32
      %convert_element_type3A_353 = arith.extui %gt3A_352 : i1 to i32
      %cond3A_354 = arith.constant 0 : i32
      %cond3A_355 = arith.cmpi ne, %convert_element_type3A_353, %cond3A_354 : i32
      scf.if %cond3A_355 {
        %dma_wait3A_538 = arith.constant 2 : i32
        %dma_wait3A_539 = arith.constant 0 : i32
        %dma_wait3A_540 = arith.constant 0 : i32
        %dma_wait3A_541 = tpu.memref_slice %arg13[%dma_wait3A_538, %dma_wait3A_539, %dma_wait3A_540] : memref<3x96x128xf32, #tpu.memory_space<vmem>> -> memref<1x96x128xf32, #tpu.memory_space<vmem>>
        %dma_wait3A_542 = tpu.memref_squeeze %dma_wait3A_541 : memref<1x96x128xf32, #tpu.memory_space<vmem>> -> memref<96x128xf32, #tpu.memory_space<vmem>>
        %dma_wait3A_543 = arith.constant 0 : i32
        %dma_wait3A_544 = arith.constant 0 : i32
        %dma_wait3A_545 = tpu.memref_slice %arg5[%dma_wait3A_543, %dma_wait3A_544] : memref<10008x128xf32, #tpu.memory_space<vmem_shared>> -> memref<10008x128xf32, #tpu.memory_space<vmem_shared>>
        tpu.wait_indirect_dma semaphore(%arg19 : memref<!tpu.dma_semaphore, #tpu.memory_space<semaphore_mem>>) src(%dma_wait3A_542 : memref<96x128xf32, #tpu.memory_space<vmem>>) dst(%dma_wait3A_545 : memref<10008x128xf32, #tpu.memory_space<vmem_shared>>)
      } else {
      }
      %mul3A_356 = arith.constant 96 : i32
      %mul3A_357 = arith.muli %add3A_350, %mul3A_356 : i32
      %add3A_358 = arith.constant 0 : i32
      %add3A_359 = arith.addi %mul3A_357, %add3A_358 : i32
      %get3A_360 = arith.index_cast %add3A_359 : i32 to index
      %get3A_361 = tpu.vector_load %arg6[%get3A_360] {strides = array<i32>} : memref<10080xi32, #tpu.memory_space<vmem>>, vector<16xi32>,
      %get3A_362 = vector.shape_cast %get3A_361 : vector<16xi32> to vector<16xi32>
      %and3A_363 = arith.constant 65535 : i32
      %and3A_364 = vector.broadcast %and3A_363 : i32 to vector<16xi32>
      %and3A_365 = arith.andi %get3A_362, %and3A_364 : vector<16xi32>
      %swap3A_366 = arith.constant 0 : index
      %swap3A_367 = tpu.vector_load %arg9[%swap3A_366] {strides = array<i32>} : memref<96xi32, #tpu.memory_space<vmem>>, vector<16xi32>,
      %swap3A_368 = vector.shape_cast %swap3A_367 : vector<16xi32> to vector<16xi32>
      %swap3A_369 = vector.shape_cast %and3A_365 : vector<16xi32> to vector<16xi32>
      tpu.vector_store %arg9[%swap3A_366], %swap3A_369 {strides = array<i32>} : memref<96xi32, #tpu.memory_space<vmem>>, vector<16xi32>,
      %shift_right_logical3A_370 = arith.constant 16 : i32
      %shift_right_logical3A_371 = vector.broadcast %shift_right_logical3A_370 : i32 to vector<16xi32>
      %shift_right_logical3A_372 = arith.shrui %get3A_362, %shift_right_logical3A_371 : vector<16xi32>
      %swap3A_373 = arith.constant 0 : index
      %swap3A_374 = tpu.vector_load %arg12[%swap3A_373] {strides = array<i32>} : memref<96xi32, #tpu.memory_space<vmem>>, vector<16xi32>,
      %swap3A_375 = vector.shape_cast %swap3A_374 : vector<16xi32> to vector<16xi32>
      %swap3A_376 = vector.shape_cast %shift_right_logical3A_372 : vector<16xi32> to vector<16xi32>
      tpu.vector_store %arg12[%swap3A_373], %swap3A_376 {strides = array<i32>} : memref<96xi32, #tpu.memory_space<vmem>>, vector<16xi32>,
      %mul3A_377 = arith.constant 96 : i32
      %mul3A_378 = arith.muli %add3A_350, %mul3A_377 : i32
      %add3A_379 = arith.constant 16 : i32
      %add3A_380 = arith.addi %mul3A_378, %add3A_379 : i32
      %get3A_381 = arith.index_cast %add3A_380 : i32 to index
      %get3A_382 = tpu.vector_load %arg6[%get3A_381] {strides = array<i32>} : memref<10080xi32, #tpu.memory_space<vmem>>, vector<16xi32>,
      %get3A_383 = vector.shape_cast %get3A_382 : vector<16xi32> to vector<16xi32>
      %and3A_384 = arith.constant 65535 : i32
      %and3A_385 = vector.broadcast %and3A_384 : i32 to vector<16xi32>
      %and3A_386 = arith.andi %get3A_383, %and3A_385 : vector<16xi32>
      %swap3A_387 = arith.constant 16 : index
      %swap3A_388 = tpu.vector_load %arg9[%swap3A_387] {strides = array<i32>} : memref<96xi32, #tpu.memory_space<vmem>>, vector<16xi32>,
      %swap3A_389 = vector.shape_cast %swap3A_388 : vector<16xi32> to vector<16xi32>
      %swap3A_390 = vector.shape_cast %and3A_386 : vector<16xi32> to vector<16xi32>
      tpu.vector_store %arg9[%swap3A_387], %swap3A_390 {strides = array<i32>} : memref<96xi32, #tpu.memory_space<vmem>>, vector<16xi32>,
      %shift_right_logical3A_391 = arith.constant 16 : i32
      %shift_right_logical3A_392 = vector.broadcast %shift_right_logical3A_391 : i32 to vector<16xi32>
      %shift_right_logical3A_393 = arith.shrui %get3A_383, %shift_right_logical3A_392 : vector<16xi32>
      %swap3A_394 = arith.constant 16 : index
      %swap3A_395 = tpu.vector_load %arg12[%swap3A_394] {strides = array<i32>} : memref<96xi32, #tpu.memory_space<vmem>>, vector<16xi32>,
      %swap3A_396 = vector.shape_cast %swap3A_395 : vector<16xi32> to vector<16xi32>
      %swap3A_397 = vector.shape_cast %shift_right_logical3A_393 : vector<16xi32> to vector<16xi32>
      tpu.vector_store %arg12[%swap3A_394], %swap3A_397 {strides = array<i32>} : memref<96xi32, #tpu.memory_space<vmem>>, vector<16xi32>,
      %mul3A_398 = arith.constant 96 : i32
      %mul3A_399 = arith.muli %add3A_350, %mul3A_398 : i32
      %add3A_400 = arith.constant 32 : i32
      %add3A_401 = arith.addi %mul3A_399, %add3A_400 : i32
      %get3A_402 = arith.index_cast %add3A_401 : i32 to index
      %get3A_403 = tpu.vector_load %arg6[%get3A_402] {strides = array<i32>} : memref<10080xi32, #tpu.memory_space<vmem>>, vector<16xi32>,
      %get3A_404 = vector.shape_cast %get3A_403 : vector<16xi32> to vector<16xi32>
      %and3A_405 = arith.constant 65535 : i32
      %and3A_406 = vector.broadcast %and3A_405 : i32 to vector<16xi32>
      %and3A_407 = arith.andi %get3A_404, %and3A_406 : vector<16xi32>
      %swap3A_408 = arith.constant 32 : index
      %swap3A_409 = tpu.vector_load %arg9[%swap3A_408] {strides = array<i32>} : memref<96xi32, #tpu.memory_space<vmem>>, vector<16xi32>,
      %swap3A_410 = vector.shape_cast %swap3A_409 : vector<16xi32> to vector<16xi32>
      %swap3A_411 = vector.shape_cast %and3A_407 : vector<16xi32> to vector<16xi32>
      tpu.vector_store %arg9[%swap3A_408], %swap3A_411 {strides = array<i32>} : memref<96xi32, #tpu.memory_space<vmem>>, vector<16xi32>,
      %shift_right_logical3A_412 = arith.constant 16 : i32
      %shift_right_logical3A_413 = vector.broadcast %shift_right_logical3A_412 : i32 to vector<16xi32>
      %shift_right_logical3A_414 = arith.shrui %get3A_404, %shift_right_logical3A_413 : vector<16xi32>
      %swap3A_415 = arith.constant 32 : index
      %swap3A_416 = tpu.vector_load %arg12[%swap3A_415] {strides = array<i32>} : memref<96xi32, #tpu.memory_space<vmem>>, vector<16xi32>,
      %swap3A_417 = vector.shape_cast %swap3A_416 : vector<16xi32> to vector<16xi32>
      %swap3A_418 = vector.shape_cast %shift_right_logical3A_414 : vector<16xi32> to vector<16xi32>
      tpu.vector_store %arg12[%swap3A_415], %swap3A_418 {strides = array<i32>} : memref<96xi32, #tpu.memory_space<vmem>>, vector<16xi32>,
      %mul3A_419 = arith.constant 96 : i32
      %mul3A_420 = arith.muli %add3A_350, %mul3A_419 : i32
      %add3A_421 = arith.constant 48 : i32
      %add3A_422 = arith.addi %mul3A_420, %add3A_421 : i32
      %get3A_423 = arith.index_cast %add3A_422 : i32 to index
      %get3A_424 = tpu.vector_load %arg6[%get3A_423] {strides = array<i32>} : memref<10080xi32, #tpu.memory_space<vmem>>, vector<16xi32>,
      %get3A_425 = vector.shape_cast %get3A_424 : vector<16xi32> to vector<16xi32>
      %and3A_426 = arith.constant 65535 : i32
      %and3A_427 = vector.broadcast %and3A_426 : i32 to vector<16xi32>
      %and3A_428 = arith.andi %get3A_425, %and3A_427 : vector<16xi32>
      %swap3A_429 = arith.constant 48 : index
      %swap3A_430 = tpu.vector_load %arg9[%swap3A_429] {strides = array<i32>} : memref<96xi32, #tpu.memory_space<vmem>>, vector<16xi32>,
      %swap3A_431 = vector.shape_cast %swap3A_430 : vector<16xi32> to vector<16xi32>
      %swap3A_432 = vector.shape_cast %and3A_428 : vector<16xi32> to vector<16xi32>
      tpu.vector_store %arg9[%swap3A_429], %swap3A_432 {strides = array<i32>} : memref<96xi32, #tpu.memory_space<vmem>>, vector<16xi32>,
      %shift_right_logical3A_433 = arith.constant 16 : i32
      %shift_right_logical3A_434 = vector.broadcast %shift_right_logical3A_433 : i32 to vector<16xi32>
      %shift_right_logical3A_435 = arith.shrui %get3A_425, %shift_right_logical3A_434 : vector<16xi32>
      %swap3A_436 = arith.constant 48 : index
      %swap3A_437 = tpu.vector_load %arg12[%swap3A_436] {strides = array<i32>} : memref<96xi32, #tpu.memory_space<vmem>>, vector<16xi32>,
      %swap3A_438 = vector.shape_cast %swap3A_437 : vector<16xi32> to vector<16xi32>
      %swap3A_439 = vector.shape_cast %shift_right_logical3A_435 : vector<16xi32> to vector<16xi32>
      tpu.vector_store %arg12[%swap3A_436], %swap3A_439 {strides = array<i32>} : memref<96xi32, #tpu.memory_space<vmem>>, vector<16xi32>,
      %mul3A_440 = arith.constant 96 : i32
      %mul3A_441 = arith.muli %add3A_350, %mul3A_440 : i32
      %add3A_442 = arith.constant 64 : i32
      %add3A_443 = arith.addi %mul3A_441, %add3A_442 : i32
      %get3A_444 = arith.index_cast %add3A_443 : i32 to index
      %get3A_445 = tpu.vector_load %arg6[%get3A_444] {strides = array<i32>} : memref<10080xi32, #tpu.memory_space<vmem>>, vector<16xi32>,
      %get3A_446 = vector.shape_cast %get3A_445 : vector<16xi32> to vector<16xi32>
      %and3A_447 = arith.constant 65535 : i32
      %and3A_448 = vector.broadcast %and3A_447 : i32 to vector<16xi32>
      %and3A_449 = arith.andi %get3A_446, %and3A_448 : vector<16xi32>
      %swap3A_450 = arith.constant 64 : index
      %swap3A_451 = tpu.vector_load %arg9[%swap3A_450] {strides = array<i32>} : memref<96xi32, #tpu.memory_space<vmem>>, vector<16xi32>,
      %swap3A_452 = vector.shape_cast %swap3A_451 : vector<16xi32> to vector<16xi32>
      %swap3A_453 = vector.shape_cast %and3A_449 : vector<16xi32> to vector<16xi32>
      tpu.vector_store %arg9[%swap3A_450], %swap3A_453 {strides = array<i32>} : memref<96xi32, #tpu.memory_space<vmem>>, vector<16xi32>,
      %shift_right_logical3A_454 = arith.constant 16 : i32
      %shift_right_logical3A_455 = vector.broadcast %shift_right_logical3A_454 : i32 to vector<16xi32>
      %shift_right_logical3A_456 = arith.shrui %get3A_446, %shift_right_logical3A_455 : vector<16xi32>
      %swap3A_457 = arith.constant 64 : index
      %swap3A_458 = tpu.vector_load %arg12[%swap3A_457] {strides = array<i32>} : memref<96xi32, #tpu.memory_space<vmem>>, vector<16xi32>,
      %swap3A_459 = vector.shape_cast %swap3A_458 : vector<16xi32> to vector<16xi32>
      %swap3A_460 = vector.shape_cast %shift_right_logical3A_456 : vector<16xi32> to vector<16xi32>
      tpu.vector_store %arg12[%swap3A_457], %swap3A_460 {strides = array<i32>} : memref<96xi32, #tpu.memory_space<vmem>>, vector<16xi32>,
      %mul3A_461 = arith.constant 96 : i32
      %mul3A_462 = arith.muli %add3A_350, %mul3A_461 : i32
      %add3A_463 = arith.constant 80 : i32
      %add3A_464 = arith.addi %mul3A_462, %add3A_463 : i32
      %get3A_465 = arith.index_cast %add3A_464 : i32 to index
      %get3A_466 = tpu.vector_load %arg6[%get3A_465] {strides = array<i32>} : memref<10080xi32, #tpu.memory_space<vmem>>, vector<16xi32>,
      %get3A_467 = vector.shape_cast %get3A_466 : vector<16xi32> to vector<16xi32>
      %and3A_468 = arith.constant 65535 : i32
      %and3A_469 = vector.broadcast %and3A_468 : i32 to vector<16xi32>
      %and3A_470 = arith.andi %get3A_467, %and3A_469 : vector<16xi32>
      %swap3A_471 = arith.constant 80 : index
      %swap3A_472 = tpu.vector_load %arg9[%swap3A_471] {strides = array<i32>} : memref<96xi32, #tpu.memory_space<vmem>>, vector<16xi32>,
      %swap3A_473 = vector.shape_cast %swap3A_472 : vector<16xi32> to vector<16xi32>
      %swap3A_474 = vector.shape_cast %and3A_470 : vector<16xi32> to vector<16xi32>
      tpu.vector_store %arg9[%swap3A_471], %swap3A_474 {strides = array<i32>} : memref<96xi32, #tpu.memory_space<vmem>>, vector<16xi32>,
      %shift_right_logical3A_475 = arith.constant 16 : i32
      %shift_right_logical3A_476 = vector.broadcast %shift_right_logical3A_475 : i32 to vector<16xi32>
      %shift_right_logical3A_477 = arith.shrui %get3A_467, %shift_right_logical3A_476 : vector<16xi32>
      %swap3A_478 = arith.constant 80 : index
      %swap3A_479 = tpu.vector_load %arg12[%swap3A_478] {strides = array<i32>} : memref<96xi32, #tpu.memory_space<vmem>>, vector<16xi32>,
      %swap3A_480 = vector.shape_cast %swap3A_479 : vector<16xi32> to vector<16xi32>
      %swap3A_481 = vector.shape_cast %shift_right_logical3A_477 : vector<16xi32> to vector<16xi32>
      tpu.vector_store %arg12[%swap3A_478], %swap3A_481 {strides = array<i32>} : memref<96xi32, #tpu.memory_space<vmem>>, vector<16xi32>,
      %dma_start3A_482 = arith.constant 2 : i32
      %dma_start3A_483 = arith.constant 0 : i32
      %dma_start3A_484 = arith.constant 0 : i32
      %dma_start3A_485 = tpu.memref_slice %arg13[%dma_start3A_482, %dma_start3A_483, %dma_start3A_484] : memref<3x96x128xf32, #tpu.memory_space<vmem>> -> memref<1x96x128xf32, #tpu.memory_space<vmem>>
      %dma_start3A_486 = tpu.memref_squeeze %dma_start3A_485 : memref<1x96x128xf32, #tpu.memory_space<vmem>> -> memref<96x128xf32, #tpu.memory_space<vmem>>
      %dma_start3A_487 = arith.constant 0 : i32
      %dma_start3A_488 = arith.constant 0 : i32
      %dma_start3A_489 = tpu.memref_slice %arg2[%dma_start3A_487, %dma_start3A_488] : memref<10000x128xf32, #tpu.memory_space<hbm>> -> memref<10000x128xf32, #tpu.memory_space<hbm>>
      tpu.enqueue_indirect_dma source(%dma_start3A_489 : memref<10000x128xf32, #tpu.memory_space<hbm>>) target(%dma_start3A_486 : memref<96x128xf32, #tpu.memory_space<vmem>>) offsets(%arg9 : memref<96xi32, #tpu.memory_space<vmem>>) semaphore(%arg16 : memref<!tpu.dma_semaphore, #tpu.memory_space<semaphore_mem>>)
      %dma_wait3A_490 = arith.constant 0 : i32
      %dma_wait3A_491 = arith.constant 0 : i32
      %dma_wait3A_492 = arith.constant 0 : i32
      %dma_wait3A_493 = tpu.memref_slice %arg13[%dma_wait3A_490, %dma_wait3A_491, %dma_wait3A_492] : memref<3x96x128xf32, #tpu.memory_space<vmem>> -> memref<1x96x128xf32, #tpu.memory_space<vmem>>
      %dma_wait3A_494 = tpu.memref_squeeze %dma_wait3A_493 : memref<1x96x128xf32, #tpu.memory_space<vmem>> -> memref<96x128xf32, #tpu.memory_space<vmem>>
      %dma_wait3A_495 = arith.constant 0 : i32
      %dma_wait3A_496 = arith.constant 0 : i32
      %dma_wait3A_497 = tpu.memref_slice %arg2[%dma_wait3A_495, %dma_wait3A_496] : memref<10000x128xf32, #tpu.memory_space<hbm>> -> memref<10000x128xf32, #tpu.memory_space<hbm>>
      tpu.wait_indirect_dma semaphore(%arg14 : memref<!tpu.dma_semaphore, #tpu.memory_space<semaphore_mem>>) src(%dma_wait3A_497 : memref<10000x128xf32, #tpu.memory_space<hbm>>) dst(%dma_wait3A_494 : memref<96x128xf32, #tpu.memory_space<vmem>>)
      %dma_start3A_498 = arith.constant 0 : i32
      %dma_start3A_499 = arith.constant 0 : i32
      %dma_start3A_500 = arith.constant 0 : i32
      %dma_start3A_501 = tpu.memref_slice %arg13[%dma_start3A_498, %dma_start3A_499, %dma_start3A_500] : memref<3x96x128xf32, #tpu.memory_space<vmem>> -> memref<1x96x128xf32, #tpu.memory_space<vmem>>
      %dma_start3A_502 = tpu.memref_squeeze %dma_start3A_501 : memref<1x96x128xf32, #tpu.memory_space<vmem>> -> memref<96x128xf32, #tpu.memory_space<vmem>>
      %dma_start3A_503 = arith.constant 0 : i32
      %dma_start3A_504 = arith.constant 0 : i32
      %dma_start3A_505 = tpu.memref_slice %arg5[%dma_start3A_503, %dma_start3A_504] : memref<10008x128xf32, #tpu.memory_space<vmem_shared>> -> memref<10008x128xf32, #tpu.memory_space<vmem_shared>>
      tpu.enqueue_indirect_dma source(%dma_start3A_502 : memref<96x128xf32, #tpu.memory_space<vmem>>) target(%dma_start3A_505 : memref<10008x128xf32, #tpu.memory_space<vmem_shared>>) offsets(%arg10 : memref<96xi32, #tpu.memory_space<vmem>>) semaphore(%arg17 : memref<!tpu.dma_semaphore, #tpu.memory_space<semaphore_mem>>) {add = true}
      %dma_wait3A_506 = arith.constant 1 : i32
      %dma_wait3A_507 = arith.constant 0 : i32
      %dma_wait3A_508 = arith.constant 0 : i32
      %dma_wait3A_509 = tpu.memref_slice %arg13[%dma_wait3A_506, %dma_wait3A_507, %dma_wait3A_508] : memref<3x96x128xf32, #tpu.memory_space<vmem>> -> memref<1x96x128xf32, #tpu.memory_space<vmem>>
      %dma_wait3A_510 = tpu.memref_squeeze %dma_wait3A_509 : memref<1x96x128xf32, #tpu.memory_space<vmem>> -> memref<96x128xf32, #tpu.memory_space<vmem>>
      %dma_wait3A_511 = arith.constant 0 : i32
      %dma_wait3A_512 = arith.constant 0 : i32
      %dma_wait3A_513 = tpu.memref_slice %arg2[%dma_wait3A_511, %dma_wait3A_512] : memref<10000x128xf32, #tpu.memory_space<hbm>> -> memref<10000x128xf32, #tpu.memory_space<hbm>>
      tpu.wait_indirect_dma semaphore(%arg15 : memref<!tpu.dma_semaphore, #tpu.memory_space<semaphore_mem>>) src(%dma_wait3A_513 : memref<10000x128xf32, #tpu.memory_space<hbm>>) dst(%dma_wait3A_510 : memref<96x128xf32, #tpu.memory_space<vmem>>)
      %dma_start3A_514 = arith.constant 1 : i32
      %dma_start3A_515 = arith.constant 0 : i32
      %dma_start3A_516 = arith.constant 0 : i32
      %dma_start3A_517 = tpu.memref_slice %arg13[%dma_start3A_514, %dma_start3A_515, %dma_start3A_516] : memref<3x96x128xf32, #tpu.memory_space<vmem>> -> memref<1x96x128xf32, #tpu.memory_space<vmem>>
      %dma_start3A_518 = tpu.memref_squeeze %dma_start3A_517 : memref<1x96x128xf32, #tpu.memory_space<vmem>> -> memref<96x128xf32, #tpu.memory_space<vmem>>
      %dma_start3A_519 = arith.constant 0 : i32
      %dma_start3A_520 = arith.constant 0 : i32
      %dma_start3A_521 = tpu.memref_slice %arg5[%dma_start3A_519, %dma_start3A_520] : memref<10008x128xf32, #tpu.memory_space<vmem_shared>> -> memref<10008x128xf32, #tpu.memory_space<vmem_shared>>
      tpu.enqueue_indirect_dma source(%dma_start3A_518 : memref<96x128xf32, #tpu.memory_space<vmem>>) target(%dma_start3A_521 : memref<10008x128xf32, #tpu.memory_space<vmem_shared>>) offsets(%arg11 : memref<96xi32, #tpu.memory_space<vmem>>) semaphore(%arg18 : memref<!tpu.dma_semaphore, #tpu.memory_space<semaphore_mem>>) {add = true}
      %dma_wait3A_522 = arith.constant 2 : i32
      %dma_wait3A_523 = arith.constant 0 : i32
      %dma_wait3A_524 = arith.constant 0 : i32
      %dma_wait3A_525 = tpu.memref_slice %arg13[%dma_wait3A_522, %dma_wait3A_523, %dma_wait3A_524] : memref<3x96x128xf32, #tpu.memory_space<vmem>> -> memref<1x96x128xf32, #tpu.memory_space<vmem>>
      %dma_wait3A_526 = tpu.memref_squeeze %dma_wait3A_525 : memref<1x96x128xf32, #tpu.memory_space<vmem>> -> memref<96x128xf32, #tpu.memory_space<vmem>>
      %dma_wait3A_527 = arith.constant 0 : i32
      %dma_wait3A_528 = arith.constant 0 : i32
      %dma_wait3A_529 = tpu.memref_slice %arg2[%dma_wait3A_527, %dma_wait3A_528] : memref<10000x128xf32, #tpu.memory_space<hbm>> -> memref<10000x128xf32, #tpu.memory_space<hbm>>
      tpu.wait_indirect_dma semaphore(%arg16 : memref<!tpu.dma_semaphore, #tpu.memory_space<semaphore_mem>>) src(%dma_wait3A_529 : memref<10000x128xf32, #tpu.memory_space<hbm>>) dst(%dma_wait3A_526 : memref<96x128xf32, #tpu.memory_space<vmem>>)
      %dma_start3A_530 = arith.constant 2 : i32
      %dma_start3A_531 = arith.constant 0 : i32
      %dma_start3A_532 = arith.constant 0 : i32
      %dma_start3A_533 = tpu.memref_slice %arg13[%dma_start3A_530, %dma_start3A_531, %dma_start3A_532] : memref<3x96x128xf32, #tpu.memory_space<vmem>> -> memref<1x96x128xf32, #tpu.memory_space<vmem>>
      %dma_start3A_534 = tpu.memref_squeeze %dma_start3A_533 : memref<1x96x128xf32, #tpu.memory_space<vmem>> -> memref<96x128xf32, #tpu.memory_space<vmem>>
      %dma_start3A_535 = arith.constant 0 : i32
      %dma_start3A_536 = arith.constant 0 : i32
      %dma_start3A_537 = tpu.memref_slice %arg5[%dma_start3A_535, %dma_start3A_536] : memref<10008x128xf32, #tpu.memory_space<vmem_shared>> -> memref<10008x128xf32, #tpu.memory_space<vmem_shared>>
      tpu.enqueue_indirect_dma source(%dma_start3A_534 : memref<96x128xf32, #tpu.memory_space<vmem>>) target(%dma_start3A_537 : memref<10008x128xf32, #tpu.memory_space<vmem_shared>>) offsets(%arg12 : memref<96xi32, #tpu.memory_space<vmem>>) semaphore(%arg19 : memref<!tpu.dma_semaphore, #tpu.memory_space<semaphore_mem>>) {add = true}
    }
    %scan3A_35 = arith.constant 35 : i32
    %dma_wait3A_36 = arith.constant 0 : i32
    %dma_wait3A_37 = arith.constant 0 : i32
    %dma_wait3A_38 = arith.constant 0 : i32
    %dma_wait3A_39 = tpu.memref_slice %arg13[%dma_wait3A_36, %dma_wait3A_37, %dma_wait3A_38] : memref<3x96x128xf32, #tpu.memory_space<vmem>> -> memref<1x96x128xf32, #tpu.memory_space<vmem>>
    %dma_wait3A_40 = tpu.memref_squeeze %dma_wait3A_39 : memref<1x96x128xf32, #tpu.memory_space<vmem>> -> memref<96x128xf32, #tpu.memory_space<vmem>>
    %dma_wait3A_41 = arith.constant 0 : i32
    %dma_wait3A_42 = arith.constant 0 : i32
    %dma_wait3A_43 = tpu.memref_slice %arg5[%dma_wait3A_41, %dma_wait3A_42] : memref<10008x128xf32, #tpu.memory_space<vmem_shared>> -> memref<10008x128xf32, #tpu.memory_space<vmem_shared>>
    tpu.wait_indirect_dma semaphore(%arg17 : memref<!tpu.dma_semaphore, #tpu.memory_space<semaphore_mem>>) src(%dma_wait3A_40 : memref<96x128xf32, #tpu.memory_space<vmem>>) dst(%dma_wait3A_43 : memref<10008x128xf32, #tpu.memory_space<vmem_shared>>)
    %dma_wait3A_44 = arith.constant 1 : i32
    %dma_wait3A_45 = arith.constant 0 : i32
    %dma_wait3A_46 = arith.constant 0 : i32
    %dma_wait3A_47 = tpu.memref_slice %arg13[%dma_wait3A_44, %dma_wait3A_45, %dma_wait3A_46] : memref<3x96x128xf32, #tpu.memory_space<vmem>> -> memref<1x96x128xf32, #tpu.memory_space<vmem>>
    %dma_wait3A_48 = tpu.memref_squeeze %dma_wait3A_47 : memref<1x96x128xf32, #tpu.memory_space<vmem>> -> memref<96x128xf32, #tpu.memory_space<vmem>>
    %dma_wait3A_49 = arith.constant 0 : i32
    %dma_wait3A_50 = arith.constant 0 : i32
    %dma_wait3A_51 = tpu.memref_slice %arg5[%dma_wait3A_49, %dma_wait3A_50] : memref<10008x128xf32, #tpu.memory_space<vmem_shared>> -> memref<10008x128xf32, #tpu.memory_space<vmem_shared>>
    tpu.wait_indirect_dma semaphore(%arg18 : memref<!tpu.dma_semaphore, #tpu.memory_space<semaphore_mem>>) src(%dma_wait3A_48 : memref<96x128xf32, #tpu.memory_space<vmem>>) dst(%dma_wait3A_51 : memref<10008x128xf32, #tpu.memory_space<vmem_shared>>)
    %dma_wait3A_52 = arith.constant 2 : i32
    %dma_wait3A_53 = arith.constant 0 : i32
    %dma_wait3A_54 = arith.constant 0 : i32
    %dma_wait3A_55 = tpu.memref_slice %arg13[%dma_wait3A_52, %dma_wait3A_53, %dma_wait3A_54] : memref<3x96x128xf32, #tpu.memory_space<vmem>> -> memref<1x96x128xf32, #tpu.memory_space<vmem>>
    %dma_wait3A_56 = tpu.memref_squeeze %dma_wait3A_55 : memref<1x96x128xf32, #tpu.memory_space<vmem>> -> memref<96x128xf32, #tpu.memory_space<vmem>>
    %dma_wait3A_57 = arith.constant 0 : i32
    %dma_wait3A_58 = arith.constant 0 : i32
    %dma_wait3A_59 = tpu.memref_slice %arg5[%dma_wait3A_57, %dma_wait3A_58] : memref<10008x128xf32, #tpu.memory_space<vmem_shared>> -> memref<10008x128xf32, #tpu.memory_space<vmem_shared>>
    tpu.wait_indirect_dma semaphore(%arg19 : memref<!tpu.dma_semaphore, #tpu.memory_space<semaphore_mem>>) src(%dma_wait3A_56 : memref<96x128xf32, #tpu.memory_space<vmem>>) dst(%dma_wait3A_59 : memref<10008x128xf32, #tpu.memory_space<vmem_shared>>)
    %barrier3A_60 = arith.constant 0 : index
    tpu.barrier barrier_id(%barrier3A_60)
    %scan3A_61 = arith.constant 0 : i32
    %scan3A_62 = arith.constant 0 : i32
    %scan3A_63 = arith.constant 8 : i32
    %scan3A_64 = arith.addi %scan3A_62, %scan3A_63 : i32
    %scan3A_65 = arith.constant 1 : i32
    scf.for %scan3A_67 = %scan3A_62 to %scan3A_64 step %scan3A_65  : i32 {
      %mul3A_68 = arith.constant 16 : i32
      %mul3A_69 = arith.muli %scan3A_67, %mul3A_68 : i32
      %add3A_70 = arith.addi %arg1, %mul3A_69 : i32
      %lt3A = arith.constant 125 : i32
      %lt3A_71 = arith.cmpi slt, %add3A_70, %lt3A : i32
      %convert_element_type3A = arith.extui %lt3A_71 : i1 to i32
      %cond3A = arith.constant 0 : i32
      %cond3A_72 = arith.cmpi ne, %convert_element_type3A, %cond3A : i32
      scf.if %cond3A_72 {
        %mul3A_73 = arith.constant 80 : i32
        %mul3A_74 = arith.muli %add3A_70, %mul3A_73 : i32
        %mul3A_75 = arith.constant 10000 : i32
        %mul3A_76 = arith.muli %arg0, %mul3A_75 : i32
        %add3A_77 = arith.addi %mul3A_76, %mul3A_74 : i32
        "tpu.region"() ({
          %run_scoped3A = tpu.sem_alloc : memref<!tpu.dma_semaphore, #tpu.memory_space<semaphore_mem>>
          %dma_start3A_78 = arith.constant 0 : i32
          %dma_start3A_79 = tpu.memref_slice %arg4[%add3A_77, %dma_start3A_78] : memref<20000x128xf32, #tpu.memory_space<hbm>> -> memref<80x128xf32, #tpu.memory_space<hbm>>
          %dma_start3A_80 = arith.constant 0 : i32
          %dma_start3A_81 = tpu.memref_slice %arg5[%mul3A_74, %dma_start3A_80] : memref<10008x128xf32, #tpu.memory_space<vmem_shared>> -> memref<80x128xf32, #tpu.memory_space<vmem_shared>>
          tpu.enqueue_dma source(%dma_start3A_81 : memref<80x128xf32, #tpu.memory_space<vmem_shared>>) target(%dma_start3A_79 : memref<80x128xf32, #tpu.memory_space<hbm>>) target_semaphore(%run_scoped3A : memref<!tpu.dma_semaphore, #tpu.memory_space<semaphore_mem>>)
          %dma_wait3A_82 = arith.constant 0 : i32
          %dma_wait3A_83 = tpu.memref_slice %arg4[%add3A_77, %dma_wait3A_82] : memref<20000x128xf32, #tpu.memory_space<hbm>> -> memref<80x128xf32, #tpu.memory_space<hbm>>
          %dma_wait3A_84 = arith.constant 0 : i32
          %dma_wait3A_85 = tpu.memref_slice %arg5[%mul3A_74, %dma_wait3A_84] : memref<10008x128xf32, #tpu.memory_space<vmem_shared>> -> memref<80x128xf32, #tpu.memory_space<vmem_shared>>
          tpu.wait_dma2 semaphore(%run_scoped3A : memref<!tpu.dma_semaphore, #tpu.memory_space<semaphore_mem>>) src(%dma_wait3A_85 : memref<80x128xf32, #tpu.memory_space<vmem_shared>>) dst(%dma_wait3A_83 : memref<80x128xf32, #tpu.memory_space<hbm>>)
          tpu.yield
        }) : () -> ()
      } else {
      }
    }
    %scan3A_66 = arith.constant 8 : i32
    return
  }
}

#map = affine_map<(d0, d1) -> (0, 0)>
module attributes {stable_mosaic.version = 14 : i64} {
  func.func @_sc_aggregate(%arg0: i32, %arg1: i32, %arg2: memref<10000x128xf32, #tpu.memory_space<hbm>>, %arg3: memref<32x10080xi32, #tpu.memory_space<hbm>>, %arg4: memref<20000x128xf32, #tpu.memory_space<hbm>>, %arg5: memref<10008x128xf32, #tpu.memory_space<vmem_shared>>, %arg6: memref<10080xi32, #tpu.memory_space<vmem>>, %arg7: memref<96xi32, #tpu.memory_space<vmem>>, %arg8: memref<96xi32, #tpu.memory_space<vmem>>, %arg9: memref<96xi32, #tpu.memory_space<vmem>>, %arg10: memref<96xi32, #tpu.memory_space<vmem>>, %arg11: memref<96xi32, #tpu.memory_space<vmem>>, %arg12: memref<96xi32, #tpu.memory_space<vmem>>, %arg13: memref<3x96x128xf32, #tpu.memory_space<vmem>>, %arg14: memref<!tpu.dma_semaphore, #tpu.memory_space<semaphore_mem>>, %arg15: memref<!tpu.dma_semaphore, #tpu.memory_space<semaphore_mem>>, %arg16: memref<!tpu.dma_semaphore, #tpu.memory_space<semaphore_mem>>, %arg17: memref<!tpu.dma_semaphore, #tpu.memory_space<semaphore_mem>>, %arg18: memref<!tpu.dma_semaphore, #tpu.memory_space<semaphore_mem>>, %arg19: memref<!tpu.dma_semaphore, #tpu.memory_space<semaphore_mem>>) attributes {dimension_semantics = [#tpu.dimension_semantics<core_parallel>, #tpu.dimension_semantics<subcore_parallel>], iteration_bounds = array<i64: 2, 16>, scalar_prefetch = 0 : i64, scratch_operands = 15 : i64, tpu.core_type = #tpu.core_type<sc_vector_subcore>, window_params = [{transform_indices = #map}, {transform_indices = #map}, {transform_indices = #map}]} {
    %mul3A = arith.constant 16 : i32
    %mul3A_0 = arith.muli %arg0, %mul3A : i32
    %add3A = arith.addi %mul3A_0, %arg1 : i32
    %dma_start3A = arith.constant 0 : i32
    %dma_start3A_1 = tpu.memref_slice %arg3[%add3A, %dma_start3A] : memref<32x10080xi32, #tpu.memory_space<hbm>> -> memref<1x10080xi32, #tpu.memory_space<hbm>>
    %dma_start3A_2 = tpu.memref_squeeze %dma_start3A_1 : memref<1x10080xi32, #tpu.memory_space<hbm>> -> memref<10080xi32, #tpu.memory_space<hbm>>
    %dma_start3A_3 = arith.constant 0 : i32
    %dma_start3A_4 = tpu.memref_slice %arg3[%add3A, %dma_start3A_3] : memref<32x10080xi32, #tpu.memory_space<hbm>> -> memref<1x10080xi32, #tpu.memory_space<hbm>>
    %dma_start3A_5 = tpu.memref_squeeze %dma_start3A_4 : memref<1x10080xi32, #tpu.memory_space<hbm>> -> memref<10080xi32, #tpu.memory_space<hbm>>
    tpu.enqueue_dma source(%dma_start3A_5 : memref<10080xi32, #tpu.memory_space<hbm>>) target(%arg6 : memref<10080xi32, #tpu.memory_space<vmem>>) target_semaphore(%arg14 : memref<!tpu.dma_semaphore, #tpu.memory_space<semaphore_mem>>)
    %scan3A = arith.constant 0 : i32
    %scan3A_6 = arith.constant 0 : i32
    %scan3A_7 = arith.constant 640 : i32
    %scan3A_8 = arith.addi %scan3A_6, %scan3A_7 : i32
    %scan3A_9 = arith.constant 1 : i32
    scf.for %scan3A_67 = %scan3A_6 to %scan3A_8 step %scan3A_9  : i32 {
      %broadcast_in_dim3A = arith.constant 0.000000e+00 : f32
      %broadcast_in_dim3A_68 = vector.broadcast %broadcast_in_dim3A : f32 to vector<16xf32>
      %jit3A = arith.constant 8 : i32
      %div3A = arith.divsi %scan3A_67, %jit3A : i32
      %sign3A = arith.constant 0 : i32
      %sign3A_69 = arith.cmpi sgt, %scan3A_67, %sign3A : i32
      %sign3A_70 = arith.extui %sign3A_69 : i1 to i32
      %sign3A_71 = arith.constant 0 : i32
      %sign3A_72 = arith.cmpi slt, %scan3A_67, %sign3A_71 : i32
      %sign3A_73 = arith.extui %sign3A_72 : i1 to i32
      %sign3A_74 = arith.subi %sign3A_70, %sign3A_73 : i32
      %sign3A_75 = arith.constant 0 : i32
      %sign3A_76 = arith.cmpi sgt, %jit3A, %sign3A_75 : i32
      %sign3A_77 = arith.extui %sign3A_76 : i1 to i32
      %sign3A_78 = arith.constant 0 : i32
      %sign3A_79 = arith.cmpi slt, %jit3A, %sign3A_78 : i32
      %sign3A_80 = arith.extui %sign3A_79 : i1 to i32
      %sign3A_81 = arith.subi %sign3A_77, %sign3A_80 : i32
      %ne3A = arith.cmpi ne, %sign3A_74, %sign3A_81 : i32
      %rem3A = arith.remsi %scan3A_67, %jit3A : i32
      %ne3A_82 = arith.constant 0 : i32
      %ne3A_83 = arith.cmpi ne, %rem3A, %ne3A_82 : i32
      %and3A = arith.andi %ne3A, %ne3A_83 : i1
      %sub3A = arith.constant 1 : i32
      %sub3A_84 = arith.subi %div3A, %sub3A : i32
      %select_n3A = arith.select %and3A, %sub3A_84, %div3A : i32
      %jit3A_85 = arith.constant 8 : i32
      %eq3A = arith.constant 0 : i32
      %eq3A_86 = arith.cmpi eq, %jit3A_85, %eq3A : i32
      %jit3A_87 = arith.constant 1 : i32
      %select_n3A_88 = arith.select %eq3A_86, %jit3A_87, %jit3A_85 : i32
      %rem3A_89 = arith.remsi %scan3A_67, %select_n3A_88 : i32
      %ne3A_90 = arith.constant 0 : i32
      %ne3A_91 = arith.cmpi ne, %rem3A_89, %ne3A_90 : i32
      %lt3A = arith.constant 0 : i32
      %lt3A_92 = arith.cmpi slt, %rem3A_89, %lt3A : i32
      %lt3A_93 = arith.constant 0 : i32
      %lt3A_94 = arith.cmpi slt, %select_n3A_88, %lt3A_93 : i32
      %ne3A_95 = arith.xori %lt3A_92, %lt3A_94 : i1
      %and3A_96 = arith.andi %ne3A_95, %ne3A_91 : i1
      %add3A_97 = arith.addi %rem3A_89, %select_n3A_88 : i32
      %select_n3A_98 = arith.select %and3A_96, %add3A_97, %rem3A_89 : i32
      %mul3A_99 = arith.constant 16 : i32
      %mul3A_100 = arith.muli %select_n3A_98, %mul3A_99 : i32
      %swap3A = arith.constant 0 : i32
      %swap3A_101 = arith.index_cast %swap3A : i32 to index
      %swap3A_102 = arith.index_cast %select_n3A : i32 to index
      %swap3A_103 = arith.index_cast %mul3A_100 : i32 to index
      %swap3A_104 = tpu.vector_load %arg13[%swap3A_101, %swap3A_102, %swap3A_103] {strides = array<i32>} : memref<3x96x128xf32, #tpu.memory_space<vmem>>, vector<1x1x16xf32>,
      %swap3A_105 = vector.shape_cast %swap3A_104 : vector<1x1x16xf32> to vector<16xf32>
      %swap3A_106 = vector.shape_cast %broadcast_in_dim3A_68 : vector<16xf32> to vector<1x1x16xf32>
      tpu.vector_store %arg13[%swap3A_101, %swap3A_102, %swap3A_103], %swap3A_106 {strides = array<i32>} : memref<3x96x128xf32, #tpu.memory_space<vmem>>, vector<1x1x16xf32>,
    }
    %scan3A_10 = arith.constant 640 : i32
    %scan3A_11 = arith.constant 0 : i32
    %scan3A_12 = arith.constant 0 : i32
    %scan3A_13 = arith.constant 0 : i32
    %scan3A_14 = arith.constant 8 : i32
    %scan3A_15 = arith.addi %scan3A_13, %scan3A_14 : i32
    %scan3A_16 = arith.constant 1 : i32
    scf.for %scan3A_67 = %scan3A_13 to %scan3A_15 step %scan3A_16  : i32 {
      %mul3A_68 = arith.constant 16 : i32
      %mul3A_69 = arith.muli %scan3A_67, %mul3A_68 : i32
      %add3A_70 = arith.addi %arg1, %mul3A_69 : i32
      %lt3A = arith.constant 125 : i32
      %lt3A_71 = arith.cmpi slt, %add3A_70, %lt3A : i32
      %convert_element_type3A = arith.extui %lt3A_71 : i1 to i32
      %cond3A = arith.constant 0 : i32
      %cond3A_72 = arith.cmpi ne, %convert_element_type3A, %cond3A : i32
      scf.if %cond3A_72 {
        %mul3A_73 = arith.constant 80 : i32
        %mul3A_74 = arith.muli %add3A_70, %mul3A_73 : i32
        %dma_start3A_75 = arith.constant 0 : i32
        %dma_start3A_76 = arith.constant 0 : i32
        %dma_start3A_77 = tpu.memref_slice %arg13[%scan3A_12, %dma_start3A_75, %dma_start3A_76] : memref<3x96x128xf32, #tpu.memory_space<vmem>> -> memref<1x80x128xf32, #tpu.memory_space<vmem>>
        %dma_start3A_78 = tpu.memref_squeeze %dma_start3A_77 : memref<1x80x128xf32, #tpu.memory_space<vmem>> -> memref<80x128xf32, #tpu.memory_space<vmem>>
        %dma_start3A_79 = arith.constant 0 : i32
        %dma_start3A_80 = tpu.memref_slice %arg5[%mul3A_74, %dma_start3A_79] : memref<10008x128xf32, #tpu.memory_space<vmem_shared>> -> memref<80x128xf32, #tpu.memory_space<vmem_shared>>
        %dma_start3A_81 = arith.constant 0 : i32
        %dma_start3A_82 = tpu.memref_slice %arg5[%mul3A_74, %dma_start3A_81] : memref<10008x128xf32, #tpu.memory_space<vmem_shared>> -> memref<80x128xf32, #tpu.memory_space<vmem_shared>>
        %dma_start3A_83 = arith.constant 0 : i32
        %dma_start3A_84 = arith.constant 0 : i32
        %dma_start3A_85 = tpu.memref_slice %arg13[%scan3A_12, %dma_start3A_83, %dma_start3A_84] : memref<3x96x128xf32, #tpu.memory_space<vmem>> -> memref<1x80x128xf32, #tpu.memory_space<vmem>>
        %dma_start3A_86 = tpu.memref_squeeze %dma_start3A_85 : memref<1x80x128xf32, #tpu.memory_space<vmem>> -> memref<80x128xf32, #tpu.memory_space<vmem>>
        tpu.enqueue_dma source(%dma_start3A_86 : memref<80x128xf32, #tpu.memory_space<vmem>>) target(%dma_start3A_82 : memref<80x128xf32, #tpu.memory_space<vmem_shared>>) target_semaphore(%arg17 : memref<!tpu.dma_semaphore, #tpu.memory_space<semaphore_mem>>)
      } else {
      }
    }
    %scan3A_17 = arith.constant 8 : i32
    %scan3A_18 = arith.constant 0 : i32
    %scan3A_19 = arith.constant 0 : i32
    %scan3A_20 = arith.constant 0 : i32
    %scan3A_21 = arith.constant 8 : i32
    %scan3A_22 = arith.addi %scan3A_20, %scan3A_21 : i32
    %scan3A_23 = arith.constant 1 : i32
    scf.for %scan3A_67 = %scan3A_20 to %scan3A_22 step %scan3A_23  : i32 {
      %mul3A_68 = arith.constant 16 : i32
      %mul3A_69 = arith.muli %scan3A_67, %mul3A_68 : i32
      %add3A_70 = arith.addi %arg1, %mul3A_69 : i32
      %lt3A = arith.constant 125 : i32
      %lt3A_71 = arith.cmpi slt, %add3A_70, %lt3A : i32
      %convert_element_type3A = arith.extui %lt3A_71 : i1 to i32
      %cond3A = arith.constant 0 : i32
      %cond3A_72 = arith.cmpi ne, %convert_element_type3A, %cond3A : i32
      scf.if %cond3A_72 {
        %mul3A_73 = arith.constant 80 : i32
        %mul3A_74 = arith.muli %add3A_70, %mul3A_73 : i32
        %dma_wait3A_75 = arith.constant 0 : i32
        %dma_wait3A_76 = arith.constant 0 : i32
        %dma_wait3A_77 = tpu.memref_slice %arg13[%scan3A_19, %dma_wait3A_75, %dma_wait3A_76] : memref<3x96x128xf32, #tpu.memory_space<vmem>> -> memref<1x80x128xf32, #tpu.memory_space<vmem>>
        %dma_wait3A_78 = tpu.memref_squeeze %dma_wait3A_77 : memref<1x80x128xf32, #tpu.memory_space<vmem>> -> memref<80x128xf32, #tpu.memory_space<vmem>>
        %dma_wait3A_79 = arith.constant 0 : i32
        %dma_wait3A_80 = tpu.memref_slice %arg5[%mul3A_74, %dma_wait3A_79] : memref<10008x128xf32, #tpu.memory_space<vmem_shared>> -> memref<80x128xf32, #tpu.memory_space<vmem_shared>>
        %dma_wait3A_81 = arith.constant 0 : i32
        %dma_wait3A_82 = tpu.memref_slice %arg5[%mul3A_74, %dma_wait3A_81] : memref<10008x128xf32, #tpu.memory_space<vmem_shared>> -> memref<80x128xf32, #tpu.memory_space<vmem_shared>>
        %dma_wait3A_83 = arith.constant 0 : i32
        %dma_wait3A_84 = arith.constant 0 : i32
        %dma_wait3A_85 = tpu.memref_slice %arg13[%scan3A_19, %dma_wait3A_83, %dma_wait3A_84] : memref<3x96x128xf32, #tpu.memory_space<vmem>> -> memref<1x80x128xf32, #tpu.memory_space<vmem>>
        %dma_wait3A_86 = tpu.memref_squeeze %dma_wait3A_85 : memref<1x80x128xf32, #tpu.memory_space<vmem>> -> memref<80x128xf32, #tpu.memory_space<vmem>>
        tpu.wait_dma2 semaphore(%arg17 : memref<!tpu.dma_semaphore, #tpu.memory_space<semaphore_mem>>) src(%dma_wait3A_86 : memref<80x128xf32, #tpu.memory_space<vmem>>) dst(%dma_wait3A_82 : memref<80x128xf32, #tpu.memory_space<vmem_shared>>)
      } else {
      }
    }
    %scan3A_24 = arith.constant 8 : i32
    %dma_wait3A = arith.constant 0 : i32
    %dma_wait3A_25 = tpu.memref_slice %arg3[%add3A, %dma_wait3A] : memref<32x10080xi32, #tpu.memory_space<hbm>> -> memref<1x10080xi32, #tpu.memory_space<hbm>>
    %dma_wait3A_26 = tpu.memref_squeeze %dma_wait3A_25 : memref<1x10080xi32, #tpu.memory_space<hbm>> -> memref<10080xi32, #tpu.memory_space<hbm>>
    %dma_wait3A_27 = arith.constant 0 : i32
    %dma_wait3A_28 = tpu.memref_slice %arg3[%add3A, %dma_wait3A_27] : memref<32x10080xi32, #tpu.memory_space<hbm>> -> memref<1x10080xi32, #tpu.memory_space<hbm>>
    %dma_wait3A_29 = tpu.memref_squeeze %dma_wait3A_28 : memref<1x10080xi32, #tpu.memory_space<hbm>> -> memref<10080xi32, #tpu.memory_space<hbm>>
    tpu.wait_dma2 semaphore(%arg14 : memref<!tpu.dma_semaphore, #tpu.memory_space<semaphore_mem>>) src(%dma_wait3A_29 : memref<10080xi32, #tpu.memory_space<hbm>>) dst(%arg6 : memref<10080xi32, #tpu.memory_space<vmem>>)
    %barrier3A = arith.constant 0 : index
    tpu.barrier barrier_id(%barrier3A)
    %scan3A_30 = arith.constant 0 : i32
    %scan3A_31 = arith.constant 0 : i32
    %scan3A_32 = arith.constant 35 : i32
    %scan3A_33 = arith.addi %scan3A_31, %scan3A_32 : i32
    %scan3A_34 = arith.constant 1 : i32
    scf.for %scan3A_67 = %scan3A_31 to %scan3A_33 step %scan3A_34  : i32 {
      %mul3A_68 = arith.constant 3 : i32
      %mul3A_69 = arith.muli %scan3A_67, %mul3A_68 : i32
      %add3A_70 = arith.constant 0 : i32
      %add3A_71 = arith.addi %mul3A_69, %add3A_70 : i32
      %gt3A = arith.constant 0 : i32
      %gt3A_72 = arith.cmpi sgt, %scan3A_67, %gt3A : i32
      %convert_element_type3A = arith.extui %gt3A_72 : i1 to i32
      %cond3A = arith.constant 0 : i32
      %cond3A_73 = arith.cmpi ne, %convert_element_type3A, %cond3A : i32
      scf.if %cond3A_73 {
        %dma_wait3A_538 = arith.constant 0 : i32
        %dma_wait3A_539 = arith.constant 0 : i32
        %dma_wait3A_540 = arith.constant 0 : i32
        %dma_wait3A_541 = tpu.memref_slice %arg13[%dma_wait3A_538, %dma_wait3A_539, %dma_wait3A_540] : memref<3x96x128xf32, #tpu.memory_space<vmem>> -> memref<1x96x128xf32, #tpu.memory_space<vmem>>
        %dma_wait3A_542 = tpu.memref_squeeze %dma_wait3A_541 : memref<1x96x128xf32, #tpu.memory_space<vmem>> -> memref<96x128xf32, #tpu.memory_space<vmem>>
        %dma_wait3A_543 = arith.constant 0 : i32
        %dma_wait3A_544 = arith.constant 0 : i32
        %dma_wait3A_545 = tpu.memref_slice %arg5[%dma_wait3A_543, %dma_wait3A_544] : memref<10008x128xf32, #tpu.memory_space<vmem_shared>> -> memref<10008x128xf32, #tpu.memory_space<vmem_shared>>
        tpu.wait_indirect_dma semaphore(%arg17 : memref<!tpu.dma_semaphore, #tpu.memory_space<semaphore_mem>>) src(%dma_wait3A_542 : memref<96x128xf32, #tpu.memory_space<vmem>>) dst(%dma_wait3A_545 : memref<10008x128xf32, #tpu.memory_space<vmem_shared>>)
      } else {
      }
      %mul3A_74 = arith.constant 96 : i32
      %mul3A_75 = arith.muli %add3A_71, %mul3A_74 : i32
      %add3A_76 = arith.constant 0 : i32
      %add3A_77 = arith.addi %mul3A_75, %add3A_76 : i32
      %get3A = arith.index_cast %add3A_77 : i32 to index
      %get3A_78 = tpu.vector_load %arg6[%get3A] {strides = array<i32>} : memref<10080xi32, #tpu.memory_space<vmem>>, vector<16xi32>,
      %get3A_79 = vector.shape_cast %get3A_78 : vector<16xi32> to vector<16xi32>
      %and3A = arith.constant 65535 : i32
      %and3A_80 = vector.broadcast %and3A : i32 to vector<16xi32>
      %and3A_81 = arith.andi %get3A_79, %and3A_80 : vector<16xi32>
      %swap3A = arith.constant 0 : index
      %swap3A_82 = tpu.vector_load %arg7[%swap3A] {strides = array<i32>} : memref<96xi32, #tpu.memory_space<vmem>>, vector<16xi32>,
      %swap3A_83 = vector.shape_cast %swap3A_82 : vector<16xi32> to vector<16xi32>
      %swap3A_84 = vector.shape_cast %and3A_81 : vector<16xi32> to vector<16xi32>
      tpu.vector_store %arg7[%swap3A], %swap3A_84 {strides = array<i32>} : memref<96xi32, #tpu.memory_space<vmem>>, vector<16xi32>,
      %shift_right_logical3A = arith.constant 16 : i32
      %shift_right_logical3A_85 = vector.broadcast %shift_right_logical3A : i32 to vector<16xi32>
      %shift_right_logical3A_86 = arith.shrui %get3A_79, %shift_right_logical3A_85 : vector<16xi32>
      %swap3A_87 = arith.constant 0 : index
      %swap3A_88 = tpu.vector_load %arg10[%swap3A_87] {strides = array<i32>} : memref<96xi32, #tpu.memory_space<vmem>>, vector<16xi32>,
      %swap3A_89 = vector.shape_cast %swap3A_88 : vector<16xi32> to vector<16xi32>
      %swap3A_90 = vector.shape_cast %shift_right_logical3A_86 : vector<16xi32> to vector<16xi32>
      tpu.vector_store %arg10[%swap3A_87], %swap3A_90 {strides = array<i32>} : memref<96xi32, #tpu.memory_space<vmem>>, vector<16xi32>,
      %mul3A_91 = arith.constant 96 : i32
      %mul3A_92 = arith.muli %add3A_71, %mul3A_91 : i32
      %add3A_93 = arith.constant 16 : i32
      %add3A_94 = arith.addi %mul3A_92, %add3A_93 : i32
      %get3A_95 = arith.index_cast %add3A_94 : i32 to index
      %get3A_96 = tpu.vector_load %arg6[%get3A_95] {strides = array<i32>} : memref<10080xi32, #tpu.memory_space<vmem>>, vector<16xi32>,
      %get3A_97 = vector.shape_cast %get3A_96 : vector<16xi32> to vector<16xi32>
      %and3A_98 = arith.constant 65535 : i32
      %and3A_99 = vector.broadcast %and3A_98 : i32 to vector<16xi32>
      %and3A_100 = arith.andi %get3A_97, %and3A_99 : vector<16xi32>
      %swap3A_101 = arith.constant 16 : index
      %swap3A_102 = tpu.vector_load %arg7[%swap3A_101] {strides = array<i32>} : memref<96xi32, #tpu.memory_space<vmem>>, vector<16xi32>,
      %swap3A_103 = vector.shape_cast %swap3A_102 : vector<16xi32> to vector<16xi32>
      %swap3A_104 = vector.shape_cast %and3A_100 : vector<16xi32> to vector<16xi32>
      tpu.vector_store %arg7[%swap3A_101], %swap3A_104 {strides = array<i32>} : memref<96xi32, #tpu.memory_space<vmem>>, vector<16xi32>,
      %shift_right_logical3A_105 = arith.constant 16 : i32
      %shift_right_logical3A_106 = vector.broadcast %shift_right_logical3A_105 : i32 to vector<16xi32>
      %shift_right_logical3A_107 = arith.shrui %get3A_97, %shift_right_logical3A_106 : vector<16xi32>
      %swap3A_108 = arith.constant 16 : index
      %swap3A_109 = tpu.vector_load %arg10[%swap3A_108] {strides = array<i32>} : memref<96xi32, #tpu.memory_space<vmem>>, vector<16xi32>,
      %swap3A_110 = vector.shape_cast %swap3A_109 : vector<16xi32> to vector<16xi32>
      %swap3A_111 = vector.shape_cast %shift_right_logical3A_107 : vector<16xi32> to vector<16xi32>
      tpu.vector_store %arg10[%swap3A_108], %swap3A_111 {strides = array<i32>} : memref<96xi32, #tpu.memory_space<vmem>>, vector<16xi32>,
      %mul3A_112 = arith.constant 96 : i32
      %mul3A_113 = arith.muli %add3A_71, %mul3A_112 : i32
      %add3A_114 = arith.constant 32 : i32
      %add3A_115 = arith.addi %mul3A_113, %add3A_114 : i32
      %get3A_116 = arith.index_cast %add3A_115 : i32 to index
      %get3A_117 = tpu.vector_load %arg6[%get3A_116] {strides = array<i32>} : memref<10080xi32, #tpu.memory_space<vmem>>, vector<16xi32>,
      %get3A_118 = vector.shape_cast %get3A_117 : vector<16xi32> to vector<16xi32>
      %and3A_119 = arith.constant 65535 : i32
      %and3A_120 = vector.broadcast %and3A_119 : i32 to vector<16xi32>
      %and3A_121 = arith.andi %get3A_118, %and3A_120 : vector<16xi32>
      %swap3A_122 = arith.constant 32 : index
      %swap3A_123 = tpu.vector_load %arg7[%swap3A_122] {strides = array<i32>} : memref<96xi32, #tpu.memory_space<vmem>>, vector<16xi32>,
      %swap3A_124 = vector.shape_cast %swap3A_123 : vector<16xi32> to vector<16xi32>
      %swap3A_125 = vector.shape_cast %and3A_121 : vector<16xi32> to vector<16xi32>
      tpu.vector_store %arg7[%swap3A_122], %swap3A_125 {strides = array<i32>} : memref<96xi32, #tpu.memory_space<vmem>>, vector<16xi32>,
      %shift_right_logical3A_126 = arith.constant 16 : i32
      %shift_right_logical3A_127 = vector.broadcast %shift_right_logical3A_126 : i32 to vector<16xi32>
      %shift_right_logical3A_128 = arith.shrui %get3A_118, %shift_right_logical3A_127 : vector<16xi32>
      %swap3A_129 = arith.constant 32 : index
      %swap3A_130 = tpu.vector_load %arg10[%swap3A_129] {strides = array<i32>} : memref<96xi32, #tpu.memory_space<vmem>>, vector<16xi32>,
      %swap3A_131 = vector.shape_cast %swap3A_130 : vector<16xi32> to vector<16xi32>
      %swap3A_132 = vector.shape_cast %shift_right_logical3A_128 : vector<16xi32> to vector<16xi32>
      tpu.vector_store %arg10[%swap3A_129], %swap3A_132 {strides = array<i32>} : memref<96xi32, #tpu.memory_space<vmem>>, vector<16xi32>,
      %mul3A_133 = arith.constant 96 : i32
      %mul3A_134 = arith.muli %add3A_71, %mul3A_133 : i32
      %add3A_135 = arith.constant 48 : i32
      %add3A_136 = arith.addi %mul3A_134, %add3A_135 : i32
      %get3A_137 = arith.index_cast %add3A_136 : i32 to index
      %get3A_138 = tpu.vector_load %arg6[%get3A_137] {strides = array<i32>} : memref<10080xi32, #tpu.memory_space<vmem>>, vector<16xi32>,
      %get3A_139 = vector.shape_cast %get3A_138 : vector<16xi32> to vector<16xi32>
      %and3A_140 = arith.constant 65535 : i32
      %and3A_141 = vector.broadcast %and3A_140 : i32 to vector<16xi32>
      %and3A_142 = arith.andi %get3A_139, %and3A_141 : vector<16xi32>
      %swap3A_143 = arith.constant 48 : index
      %swap3A_144 = tpu.vector_load %arg7[%swap3A_143] {strides = array<i32>} : memref<96xi32, #tpu.memory_space<vmem>>, vector<16xi32>,
      %swap3A_145 = vector.shape_cast %swap3A_144 : vector<16xi32> to vector<16xi32>
      %swap3A_146 = vector.shape_cast %and3A_142 : vector<16xi32> to vector<16xi32>
      tpu.vector_store %arg7[%swap3A_143], %swap3A_146 {strides = array<i32>} : memref<96xi32, #tpu.memory_space<vmem>>, vector<16xi32>,
      %shift_right_logical3A_147 = arith.constant 16 : i32
      %shift_right_logical3A_148 = vector.broadcast %shift_right_logical3A_147 : i32 to vector<16xi32>
      %shift_right_logical3A_149 = arith.shrui %get3A_139, %shift_right_logical3A_148 : vector<16xi32>
      %swap3A_150 = arith.constant 48 : index
      %swap3A_151 = tpu.vector_load %arg10[%swap3A_150] {strides = array<i32>} : memref<96xi32, #tpu.memory_space<vmem>>, vector<16xi32>,
      %swap3A_152 = vector.shape_cast %swap3A_151 : vector<16xi32> to vector<16xi32>
      %swap3A_153 = vector.shape_cast %shift_right_logical3A_149 : vector<16xi32> to vector<16xi32>
      tpu.vector_store %arg10[%swap3A_150], %swap3A_153 {strides = array<i32>} : memref<96xi32, #tpu.memory_space<vmem>>, vector<16xi32>,
      %mul3A_154 = arith.constant 96 : i32
      %mul3A_155 = arith.muli %add3A_71, %mul3A_154 : i32
      %add3A_156 = arith.constant 64 : i32
      %add3A_157 = arith.addi %mul3A_155, %add3A_156 : i32
      %get3A_158 = arith.index_cast %add3A_157 : i32 to index
      %get3A_159 = tpu.vector_load %arg6[%get3A_158] {strides = array<i32>} : memref<10080xi32, #tpu.memory_space<vmem>>, vector<16xi32>,
      %get3A_160 = vector.shape_cast %get3A_159 : vector<16xi32> to vector<16xi32>
      %and3A_161 = arith.constant 65535 : i32
      %and3A_162 = vector.broadcast %and3A_161 : i32 to vector<16xi32>
      %and3A_163 = arith.andi %get3A_160, %and3A_162 : vector<16xi32>
      %swap3A_164 = arith.constant 64 : index
      %swap3A_165 = tpu.vector_load %arg7[%swap3A_164] {strides = array<i32>} : memref<96xi32, #tpu.memory_space<vmem>>, vector<16xi32>,
      %swap3A_166 = vector.shape_cast %swap3A_165 : vector<16xi32> to vector<16xi32>
      %swap3A_167 = vector.shape_cast %and3A_163 : vector<16xi32> to vector<16xi32>
      tpu.vector_store %arg7[%swap3A_164], %swap3A_167 {strides = array<i32>} : memref<96xi32, #tpu.memory_space<vmem>>, vector<16xi32>,
      %shift_right_logical3A_168 = arith.constant 16 : i32
      %shift_right_logical3A_169 = vector.broadcast %shift_right_logical3A_168 : i32 to vector<16xi32>
      %shift_right_logical3A_170 = arith.shrui %get3A_160, %shift_right_logical3A_169 : vector<16xi32>
      %swap3A_171 = arith.constant 64 : index
      %swap3A_172 = tpu.vector_load %arg10[%swap3A_171] {strides = array<i32>} : memref<96xi32, #tpu.memory_space<vmem>>, vector<16xi32>,
      %swap3A_173 = vector.shape_cast %swap3A_172 : vector<16xi32> to vector<16xi32>
      %swap3A_174 = vector.shape_cast %shift_right_logical3A_170 : vector<16xi32> to vector<16xi32>
      tpu.vector_store %arg10[%swap3A_171], %swap3A_174 {strides = array<i32>} : memref<96xi32, #tpu.memory_space<vmem>>, vector<16xi32>,
      %mul3A_175 = arith.constant 96 : i32
      %mul3A_176 = arith.muli %add3A_71, %mul3A_175 : i32
      %add3A_177 = arith.constant 80 : i32
      %add3A_178 = arith.addi %mul3A_176, %add3A_177 : i32
      %get3A_179 = arith.index_cast %add3A_178 : i32 to index
      %get3A_180 = tpu.vector_load %arg6[%get3A_179] {strides = array<i32>} : memref<10080xi32, #tpu.memory_space<vmem>>, vector<16xi32>,
      %get3A_181 = vector.shape_cast %get3A_180 : vector<16xi32> to vector<16xi32>
      %and3A_182 = arith.constant 65535 : i32
      %and3A_183 = vector.broadcast %and3A_182 : i32 to vector<16xi32>
      %and3A_184 = arith.andi %get3A_181, %and3A_183 : vector<16xi32>
      %swap3A_185 = arith.constant 80 : index
      %swap3A_186 = tpu.vector_load %arg7[%swap3A_185] {strides = array<i32>} : memref<96xi32, #tpu.memory_space<vmem>>, vector<16xi32>,
      %swap3A_187 = vector.shape_cast %swap3A_186 : vector<16xi32> to vector<16xi32>
      %swap3A_188 = vector.shape_cast %and3A_184 : vector<16xi32> to vector<16xi32>
      tpu.vector_store %arg7[%swap3A_185], %swap3A_188 {strides = array<i32>} : memref<96xi32, #tpu.memory_space<vmem>>, vector<16xi32>,
      %shift_right_logical3A_189 = arith.constant 16 : i32
      %shift_right_logical3A_190 = vector.broadcast %shift_right_logical3A_189 : i32 to vector<16xi32>
      %shift_right_logical3A_191 = arith.shrui %get3A_181, %shift_right_logical3A_190 : vector<16xi32>
      %swap3A_192 = arith.constant 80 : index
      %swap3A_193 = tpu.vector_load %arg10[%swap3A_192] {strides = array<i32>} : memref<96xi32, #tpu.memory_space<vmem>>, vector<16xi32>,
      %swap3A_194 = vector.shape_cast %swap3A_193 : vector<16xi32> to vector<16xi32>
      %swap3A_195 = vector.shape_cast %shift_right_logical3A_191 : vector<16xi32> to vector<16xi32>
      tpu.vector_store %arg10[%swap3A_192], %swap3A_195 {strides = array<i32>} : memref<96xi32, #tpu.memory_space<vmem>>, vector<16xi32>,
      %dma_start3A_196 = arith.constant 0 : i32
      %dma_start3A_197 = arith.constant 0 : i32
      %dma_start3A_198 = arith.constant 0 : i32
      %dma_start3A_199 = tpu.memref_slice %arg13[%dma_start3A_196, %dma_start3A_197, %dma_start3A_198] : memref<3x96x128xf32, #tpu.memory_space<vmem>> -> memref<1x96x128xf32, #tpu.memory_space<vmem>>
      %dma_start3A_200 = tpu.memref_squeeze %dma_start3A_199 : memref<1x96x128xf32, #tpu.memory_space<vmem>> -> memref<96x128xf32, #tpu.memory_space<vmem>>
      %dma_start3A_201 = arith.constant 0 : i32
      %dma_start3A_202 = arith.constant 0 : i32
      %dma_start3A_203 = tpu.memref_slice %arg2[%dma_start3A_201, %dma_start3A_202] : memref<10000x128xf32, #tpu.memory_space<hbm>> -> memref<10000x128xf32, #tpu.memory_space<hbm>>
      tpu.enqueue_indirect_dma source(%dma_start3A_203 : memref<10000x128xf32, #tpu.memory_space<hbm>>) target(%dma_start3A_200 : memref<96x128xf32, #tpu.memory_space<vmem>>) offsets(%arg7 : memref<96xi32, #tpu.memory_space<vmem>>) semaphore(%arg14 : memref<!tpu.dma_semaphore, #tpu.memory_space<semaphore_mem>>)
      %mul3A_204 = arith.constant 3 : i32
      %mul3A_205 = arith.muli %scan3A_67, %mul3A_204 : i32
      %add3A_206 = arith.constant 1 : i32
      %add3A_207 = arith.addi %mul3A_205, %add3A_206 : i32
      %gt3A_208 = arith.constant 0 : i32
      %gt3A_209 = arith.cmpi sgt, %scan3A_67, %gt3A_208 : i32
      %convert_element_type3A_210 = arith.extui %gt3A_209 : i1 to i32
      %cond3A_211 = arith.constant 0 : i32
      %cond3A_212 = arith.cmpi ne, %convert_element_type3A_210, %cond3A_211 : i32
      scf.if %cond3A_212 {
        %dma_wait3A_538 = arith.constant 1 : i32
        %dma_wait3A_539 = arith.constant 0 : i32
        %dma_wait3A_540 = arith.constant 0 : i32
        %dma_wait3A_541 = tpu.memref_slice %arg13[%dma_wait3A_538, %dma_wait3A_539, %dma_wait3A_540] : memref<3x96x128xf32, #tpu.memory_space<vmem>> -> memref<1x96x128xf32, #tpu.memory_space<vmem>>
        %dma_wait3A_542 = tpu.memref_squeeze %dma_wait3A_541 : memref<1x96x128xf32, #tpu.memory_space<vmem>> -> memref<96x128xf32, #tpu.memory_space<vmem>>
        %dma_wait3A_543 = arith.constant 0 : i32
        %dma_wait3A_544 = arith.constant 0 : i32
        %dma_wait3A_545 = tpu.memref_slice %arg5[%dma_wait3A_543, %dma_wait3A_544] : memref<10008x128xf32, #tpu.memory_space<vmem_shared>> -> memref<10008x128xf32, #tpu.memory_space<vmem_shared>>
        tpu.wait_indirect_dma semaphore(%arg18 : memref<!tpu.dma_semaphore, #tpu.memory_space<semaphore_mem>>) src(%dma_wait3A_542 : memref<96x128xf32, #tpu.memory_space<vmem>>) dst(%dma_wait3A_545 : memref<10008x128xf32, #tpu.memory_space<vmem_shared>>)
      } else {
      }
      %mul3A_213 = arith.constant 96 : i32
      %mul3A_214 = arith.muli %add3A_207, %mul3A_213 : i32
      %add3A_215 = arith.constant 0 : i32
      %add3A_216 = arith.addi %mul3A_214, %add3A_215 : i32
      %get3A_217 = arith.index_cast %add3A_216 : i32 to index
      %get3A_218 = tpu.vector_load %arg6[%get3A_217] {strides = array<i32>} : memref<10080xi32, #tpu.memory_space<vmem>>, vector<16xi32>,
      %get3A_219 = vector.shape_cast %get3A_218 : vector<16xi32> to vector<16xi32>
      %and3A_220 = arith.constant 65535 : i32
      %and3A_221 = vector.broadcast %and3A_220 : i32 to vector<16xi32>
      %and3A_222 = arith.andi %get3A_219, %and3A_221 : vector<16xi32>
      %swap3A_223 = arith.constant 0 : index
      %swap3A_224 = tpu.vector_load %arg8[%swap3A_223] {strides = array<i32>} : memref<96xi32, #tpu.memory_space<vmem>>, vector<16xi32>,
      %swap3A_225 = vector.shape_cast %swap3A_224 : vector<16xi32> to vector<16xi32>
      %swap3A_226 = vector.shape_cast %and3A_222 : vector<16xi32> to vector<16xi32>
      tpu.vector_store %arg8[%swap3A_223], %swap3A_226 {strides = array<i32>} : memref<96xi32, #tpu.memory_space<vmem>>, vector<16xi32>,
      %shift_right_logical3A_227 = arith.constant 16 : i32
      %shift_right_logical3A_228 = vector.broadcast %shift_right_logical3A_227 : i32 to vector<16xi32>
      %shift_right_logical3A_229 = arith.shrui %get3A_219, %shift_right_logical3A_228 : vector<16xi32>
      %swap3A_230 = arith.constant 0 : index
      %swap3A_231 = tpu.vector_load %arg11[%swap3A_230] {strides = array<i32>} : memref<96xi32, #tpu.memory_space<vmem>>, vector<16xi32>,
      %swap3A_232 = vector.shape_cast %swap3A_231 : vector<16xi32> to vector<16xi32>
      %swap3A_233 = vector.shape_cast %shift_right_logical3A_229 : vector<16xi32> to vector<16xi32>
      tpu.vector_store %arg11[%swap3A_230], %swap3A_233 {strides = array<i32>} : memref<96xi32, #tpu.memory_space<vmem>>, vector<16xi32>,
      %mul3A_234 = arith.constant 96 : i32
      %mul3A_235 = arith.muli %add3A_207, %mul3A_234 : i32
      %add3A_236 = arith.constant 16 : i32
      %add3A_237 = arith.addi %mul3A_235, %add3A_236 : i32
      %get3A_238 = arith.index_cast %add3A_237 : i32 to index
      %get3A_239 = tpu.vector_load %arg6[%get3A_238] {strides = array<i32>} : memref<10080xi32, #tpu.memory_space<vmem>>, vector<16xi32>,
      %get3A_240 = vector.shape_cast %get3A_239 : vector<16xi32> to vector<16xi32>
      %and3A_241 = arith.constant 65535 : i32
      %and3A_242 = vector.broadcast %and3A_241 : i32 to vector<16xi32>
      %and3A_243 = arith.andi %get3A_240, %and3A_242 : vector<16xi32>
      %swap3A_244 = arith.constant 16 : index
      %swap3A_245 = tpu.vector_load %arg8[%swap3A_244] {strides = array<i32>} : memref<96xi32, #tpu.memory_space<vmem>>, vector<16xi32>,
      %swap3A_246 = vector.shape_cast %swap3A_245 : vector<16xi32> to vector<16xi32>
      %swap3A_247 = vector.shape_cast %and3A_243 : vector<16xi32> to vector<16xi32>
      tpu.vector_store %arg8[%swap3A_244], %swap3A_247 {strides = array<i32>} : memref<96xi32, #tpu.memory_space<vmem>>, vector<16xi32>,
      %shift_right_logical3A_248 = arith.constant 16 : i32
      %shift_right_logical3A_249 = vector.broadcast %shift_right_logical3A_248 : i32 to vector<16xi32>
      %shift_right_logical3A_250 = arith.shrui %get3A_240, %shift_right_logical3A_249 : vector<16xi32>
      %swap3A_251 = arith.constant 16 : index
      %swap3A_252 = tpu.vector_load %arg11[%swap3A_251] {strides = array<i32>} : memref<96xi32, #tpu.memory_space<vmem>>, vector<16xi32>,
      %swap3A_253 = vector.shape_cast %swap3A_252 : vector<16xi32> to vector<16xi32>
      %swap3A_254 = vector.shape_cast %shift_right_logical3A_250 : vector<16xi32> to vector<16xi32>
      tpu.vector_store %arg11[%swap3A_251], %swap3A_254 {strides = array<i32>} : memref<96xi32, #tpu.memory_space<vmem>>, vector<16xi32>,
      %mul3A_255 = arith.constant 96 : i32
      %mul3A_256 = arith.muli %add3A_207, %mul3A_255 : i32
      %add3A_257 = arith.constant 32 : i32
      %add3A_258 = arith.addi %mul3A_256, %add3A_257 : i32
      %get3A_259 = arith.index_cast %add3A_258 : i32 to index
      %get3A_260 = tpu.vector_load %arg6[%get3A_259] {strides = array<i32>} : memref<10080xi32, #tpu.memory_space<vmem>>, vector<16xi32>,
      %get3A_261 = vector.shape_cast %get3A_260 : vector<16xi32> to vector<16xi32>
      %and3A_262 = arith.constant 65535 : i32
      %and3A_263 = vector.broadcast %and3A_262 : i32 to vector<16xi32>
      %and3A_264 = arith.andi %get3A_261, %and3A_263 : vector<16xi32>
      %swap3A_265 = arith.constant 32 : index
      %swap3A_266 = tpu.vector_load %arg8[%swap3A_265] {strides = array<i32>} : memref<96xi32, #tpu.memory_space<vmem>>, vector<16xi32>,
      %swap3A_267 = vector.shape_cast %swap3A_266 : vector<16xi32> to vector<16xi32>
      %swap3A_268 = vector.shape_cast %and3A_264 : vector<16xi32> to vector<16xi32>
      tpu.vector_store %arg8[%swap3A_265], %swap3A_268 {strides = array<i32>} : memref<96xi32, #tpu.memory_space<vmem>>, vector<16xi32>,
      %shift_right_logical3A_269 = arith.constant 16 : i32
      %shift_right_logical3A_270 = vector.broadcast %shift_right_logical3A_269 : i32 to vector<16xi32>
      %shift_right_logical3A_271 = arith.shrui %get3A_261, %shift_right_logical3A_270 : vector<16xi32>
      %swap3A_272 = arith.constant 32 : index
      %swap3A_273 = tpu.vector_load %arg11[%swap3A_272] {strides = array<i32>} : memref<96xi32, #tpu.memory_space<vmem>>, vector<16xi32>,
      %swap3A_274 = vector.shape_cast %swap3A_273 : vector<16xi32> to vector<16xi32>
      %swap3A_275 = vector.shape_cast %shift_right_logical3A_271 : vector<16xi32> to vector<16xi32>
      tpu.vector_store %arg11[%swap3A_272], %swap3A_275 {strides = array<i32>} : memref<96xi32, #tpu.memory_space<vmem>>, vector<16xi32>,
      %mul3A_276 = arith.constant 96 : i32
      %mul3A_277 = arith.muli %add3A_207, %mul3A_276 : i32
      %add3A_278 = arith.constant 48 : i32
      %add3A_279 = arith.addi %mul3A_277, %add3A_278 : i32
      %get3A_280 = arith.index_cast %add3A_279 : i32 to index
      %get3A_281 = tpu.vector_load %arg6[%get3A_280] {strides = array<i32>} : memref<10080xi32, #tpu.memory_space<vmem>>, vector<16xi32>,
      %get3A_282 = vector.shape_cast %get3A_281 : vector<16xi32> to vector<16xi32>
      %and3A_283 = arith.constant 65535 : i32
      %and3A_284 = vector.broadcast %and3A_283 : i32 to vector<16xi32>
      %and3A_285 = arith.andi %get3A_282, %and3A_284 : vector<16xi32>
      %swap3A_286 = arith.constant 48 : index
      %swap3A_287 = tpu.vector_load %arg8[%swap3A_286] {strides = array<i32>} : memref<96xi32, #tpu.memory_space<vmem>>, vector<16xi32>,
      %swap3A_288 = vector.shape_cast %swap3A_287 : vector<16xi32> to vector<16xi32>
      %swap3A_289 = vector.shape_cast %and3A_285 : vector<16xi32> to vector<16xi32>
      tpu.vector_store %arg8[%swap3A_286], %swap3A_289 {strides = array<i32>} : memref<96xi32, #tpu.memory_space<vmem>>, vector<16xi32>,
      %shift_right_logical3A_290 = arith.constant 16 : i32
      %shift_right_logical3A_291 = vector.broadcast %shift_right_logical3A_290 : i32 to vector<16xi32>
      %shift_right_logical3A_292 = arith.shrui %get3A_282, %shift_right_logical3A_291 : vector<16xi32>
      %swap3A_293 = arith.constant 48 : index
      %swap3A_294 = tpu.vector_load %arg11[%swap3A_293] {strides = array<i32>} : memref<96xi32, #tpu.memory_space<vmem>>, vector<16xi32>,
      %swap3A_295 = vector.shape_cast %swap3A_294 : vector<16xi32> to vector<16xi32>
      %swap3A_296 = vector.shape_cast %shift_right_logical3A_292 : vector<16xi32> to vector<16xi32>
      tpu.vector_store %arg11[%swap3A_293], %swap3A_296 {strides = array<i32>} : memref<96xi32, #tpu.memory_space<vmem>>, vector<16xi32>,
      %mul3A_297 = arith.constant 96 : i32
      %mul3A_298 = arith.muli %add3A_207, %mul3A_297 : i32
      %add3A_299 = arith.constant 64 : i32
      %add3A_300 = arith.addi %mul3A_298, %add3A_299 : i32
      %get3A_301 = arith.index_cast %add3A_300 : i32 to index
      %get3A_302 = tpu.vector_load %arg6[%get3A_301] {strides = array<i32>} : memref<10080xi32, #tpu.memory_space<vmem>>, vector<16xi32>,
      %get3A_303 = vector.shape_cast %get3A_302 : vector<16xi32> to vector<16xi32>
      %and3A_304 = arith.constant 65535 : i32
      %and3A_305 = vector.broadcast %and3A_304 : i32 to vector<16xi32>
      %and3A_306 = arith.andi %get3A_303, %and3A_305 : vector<16xi32>
      %swap3A_307 = arith.constant 64 : index
      %swap3A_308 = tpu.vector_load %arg8[%swap3A_307] {strides = array<i32>} : memref<96xi32, #tpu.memory_space<vmem>>, vector<16xi32>,
      %swap3A_309 = vector.shape_cast %swap3A_308 : vector<16xi32> to vector<16xi32>
      %swap3A_310 = vector.shape_cast %and3A_306 : vector<16xi32> to vector<16xi32>
      tpu.vector_store %arg8[%swap3A_307], %swap3A_310 {strides = array<i32>} : memref<96xi32, #tpu.memory_space<vmem>>, vector<16xi32>,
      %shift_right_logical3A_311 = arith.constant 16 : i32
      %shift_right_logical3A_312 = vector.broadcast %shift_right_logical3A_311 : i32 to vector<16xi32>
      %shift_right_logical3A_313 = arith.shrui %get3A_303, %shift_right_logical3A_312 : vector<16xi32>
      %swap3A_314 = arith.constant 64 : index
      %swap3A_315 = tpu.vector_load %arg11[%swap3A_314] {strides = array<i32>} : memref<96xi32, #tpu.memory_space<vmem>>, vector<16xi32>,
      %swap3A_316 = vector.shape_cast %swap3A_315 : vector<16xi32> to vector<16xi32>
      %swap3A_317 = vector.shape_cast %shift_right_logical3A_313 : vector<16xi32> to vector<16xi32>
      tpu.vector_store %arg11[%swap3A_314], %swap3A_317 {strides = array<i32>} : memref<96xi32, #tpu.memory_space<vmem>>, vector<16xi32>,
      %mul3A_318 = arith.constant 96 : i32
      %mul3A_319 = arith.muli %add3A_207, %mul3A_318 : i32
      %add3A_320 = arith.constant 80 : i32
      %add3A_321 = arith.addi %mul3A_319, %add3A_320 : i32
      %get3A_322 = arith.index_cast %add3A_321 : i32 to index
      %get3A_323 = tpu.vector_load %arg6[%get3A_322] {strides = array<i32>} : memref<10080xi32, #tpu.memory_space<vmem>>, vector<16xi32>,
      %get3A_324 = vector.shape_cast %get3A_323 : vector<16xi32> to vector<16xi32>
      %and3A_325 = arith.constant 65535 : i32
      %and3A_326 = vector.broadcast %and3A_325 : i32 to vector<16xi32>
      %and3A_327 = arith.andi %get3A_324, %and3A_326 : vector<16xi32>
      %swap3A_328 = arith.constant 80 : index
      %swap3A_329 = tpu.vector_load %arg8[%swap3A_328] {strides = array<i32>} : memref<96xi32, #tpu.memory_space<vmem>>, vector<16xi32>,
      %swap3A_330 = vector.shape_cast %swap3A_329 : vector<16xi32> to vector<16xi32>
      %swap3A_331 = vector.shape_cast %and3A_327 : vector<16xi32> to vector<16xi32>
      tpu.vector_store %arg8[%swap3A_328], %swap3A_331 {strides = array<i32>} : memref<96xi32, #tpu.memory_space<vmem>>, vector<16xi32>,
      %shift_right_logical3A_332 = arith.constant 16 : i32
      %shift_right_logical3A_333 = vector.broadcast %shift_right_logical3A_332 : i32 to vector<16xi32>
      %shift_right_logical3A_334 = arith.shrui %get3A_324, %shift_right_logical3A_333 : vector<16xi32>
      %swap3A_335 = arith.constant 80 : index
      %swap3A_336 = tpu.vector_load %arg11[%swap3A_335] {strides = array<i32>} : memref<96xi32, #tpu.memory_space<vmem>>, vector<16xi32>,
      %swap3A_337 = vector.shape_cast %swap3A_336 : vector<16xi32> to vector<16xi32>
      %swap3A_338 = vector.shape_cast %shift_right_logical3A_334 : vector<16xi32> to vector<16xi32>
      tpu.vector_store %arg11[%swap3A_335], %swap3A_338 {strides = array<i32>} : memref<96xi32, #tpu.memory_space<vmem>>, vector<16xi32>,
      %dma_start3A_339 = arith.constant 1 : i32
      %dma_start3A_340 = arith.constant 0 : i32
      %dma_start3A_341 = arith.constant 0 : i32
      %dma_start3A_342 = tpu.memref_slice %arg13[%dma_start3A_339, %dma_start3A_340, %dma_start3A_341] : memref<3x96x128xf32, #tpu.memory_space<vmem>> -> memref<1x96x128xf32, #tpu.memory_space<vmem>>
      %dma_start3A_343 = tpu.memref_squeeze %dma_start3A_342 : memref<1x96x128xf32, #tpu.memory_space<vmem>> -> memref<96x128xf32, #tpu.memory_space<vmem>>
      %dma_start3A_344 = arith.constant 0 : i32
      %dma_start3A_345 = arith.constant 0 : i32
      %dma_start3A_346 = tpu.memref_slice %arg2[%dma_start3A_344, %dma_start3A_345] : memref<10000x128xf32, #tpu.memory_space<hbm>> -> memref<10000x128xf32, #tpu.memory_space<hbm>>
      tpu.enqueue_indirect_dma source(%dma_start3A_346 : memref<10000x128xf32, #tpu.memory_space<hbm>>) target(%dma_start3A_343 : memref<96x128xf32, #tpu.memory_space<vmem>>) offsets(%arg8 : memref<96xi32, #tpu.memory_space<vmem>>) semaphore(%arg15 : memref<!tpu.dma_semaphore, #tpu.memory_space<semaphore_mem>>)
      %mul3A_347 = arith.constant 3 : i32
      %mul3A_348 = arith.muli %scan3A_67, %mul3A_347 : i32
      %add3A_349 = arith.constant 2 : i32
      %add3A_350 = arith.addi %mul3A_348, %add3A_349 : i32
      %gt3A_351 = arith.constant 0 : i32
      %gt3A_352 = arith.cmpi sgt, %scan3A_67, %gt3A_351 : i32
      %convert_element_type3A_353 = arith.extui %gt3A_352 : i1 to i32
      %cond3A_354 = arith.constant 0 : i32
      %cond3A_355 = arith.cmpi ne, %convert_element_type3A_353, %cond3A_354 : i32
      scf.if %cond3A_355 {
        %dma_wait3A_538 = arith.constant 2 : i32
        %dma_wait3A_539 = arith.constant 0 : i32
        %dma_wait3A_540 = arith.constant 0 : i32
        %dma_wait3A_541 = tpu.memref_slice %arg13[%dma_wait3A_538, %dma_wait3A_539, %dma_wait3A_540] : memref<3x96x128xf32, #tpu.memory_space<vmem>> -> memref<1x96x128xf32, #tpu.memory_space<vmem>>
        %dma_wait3A_542 = tpu.memref_squeeze %dma_wait3A_541 : memref<1x96x128xf32, #tpu.memory_space<vmem>> -> memref<96x128xf32, #tpu.memory_space<vmem>>
        %dma_wait3A_543 = arith.constant 0 : i32
        %dma_wait3A_544 = arith.constant 0 : i32
        %dma_wait3A_545 = tpu.memref_slice %arg5[%dma_wait3A_543, %dma_wait3A_544] : memref<10008x128xf32, #tpu.memory_space<vmem_shared>> -> memref<10008x128xf32, #tpu.memory_space<vmem_shared>>
        tpu.wait_indirect_dma semaphore(%arg19 : memref<!tpu.dma_semaphore, #tpu.memory_space<semaphore_mem>>) src(%dma_wait3A_542 : memref<96x128xf32, #tpu.memory_space<vmem>>) dst(%dma_wait3A_545 : memref<10008x128xf32, #tpu.memory_space<vmem_shared>>)
      } else {
      }
      %mul3A_356 = arith.constant 96 : i32
      %mul3A_357 = arith.muli %add3A_350, %mul3A_356 : i32
      %add3A_358 = arith.constant 0 : i32
      %add3A_359 = arith.addi %mul3A_357, %add3A_358 : i32
      %get3A_360 = arith.index_cast %add3A_359 : i32 to index
      %get3A_361 = tpu.vector_load %arg6[%get3A_360] {strides = array<i32>} : memref<10080xi32, #tpu.memory_space<vmem>>, vector<16xi32>,
      %get3A_362 = vector.shape_cast %get3A_361 : vector<16xi32> to vector<16xi32>
      %and3A_363 = arith.constant 65535 : i32
      %and3A_364 = vector.broadcast %and3A_363 : i32 to vector<16xi32>
      %and3A_365 = arith.andi %get3A_362, %and3A_364 : vector<16xi32>
      %swap3A_366 = arith.constant 0 : index
      %swap3A_367 = tpu.vector_load %arg9[%swap3A_366] {strides = array<i32>} : memref<96xi32, #tpu.memory_space<vmem>>, vector<16xi32>,
      %swap3A_368 = vector.shape_cast %swap3A_367 : vector<16xi32> to vector<16xi32>
      %swap3A_369 = vector.shape_cast %and3A_365 : vector<16xi32> to vector<16xi32>
      tpu.vector_store %arg9[%swap3A_366], %swap3A_369 {strides = array<i32>} : memref<96xi32, #tpu.memory_space<vmem>>, vector<16xi32>,
      %shift_right_logical3A_370 = arith.constant 16 : i32
      %shift_right_logical3A_371 = vector.broadcast %shift_right_logical3A_370 : i32 to vector<16xi32>
      %shift_right_logical3A_372 = arith.shrui %get3A_362, %shift_right_logical3A_371 : vector<16xi32>
      %swap3A_373 = arith.constant 0 : index
      %swap3A_374 = tpu.vector_load %arg12[%swap3A_373] {strides = array<i32>} : memref<96xi32, #tpu.memory_space<vmem>>, vector<16xi32>,
      %swap3A_375 = vector.shape_cast %swap3A_374 : vector<16xi32> to vector<16xi32>
      %swap3A_376 = vector.shape_cast %shift_right_logical3A_372 : vector<16xi32> to vector<16xi32>
      tpu.vector_store %arg12[%swap3A_373], %swap3A_376 {strides = array<i32>} : memref<96xi32, #tpu.memory_space<vmem>>, vector<16xi32>,
      %mul3A_377 = arith.constant 96 : i32
      %mul3A_378 = arith.muli %add3A_350, %mul3A_377 : i32
      %add3A_379 = arith.constant 16 : i32
      %add3A_380 = arith.addi %mul3A_378, %add3A_379 : i32
      %get3A_381 = arith.index_cast %add3A_380 : i32 to index
      %get3A_382 = tpu.vector_load %arg6[%get3A_381] {strides = array<i32>} : memref<10080xi32, #tpu.memory_space<vmem>>, vector<16xi32>,
      %get3A_383 = vector.shape_cast %get3A_382 : vector<16xi32> to vector<16xi32>
      %and3A_384 = arith.constant 65535 : i32
      %and3A_385 = vector.broadcast %and3A_384 : i32 to vector<16xi32>
      %and3A_386 = arith.andi %get3A_383, %and3A_385 : vector<16xi32>
      %swap3A_387 = arith.constant 16 : index
      %swap3A_388 = tpu.vector_load %arg9[%swap3A_387] {strides = array<i32>} : memref<96xi32, #tpu.memory_space<vmem>>, vector<16xi32>,
      %swap3A_389 = vector.shape_cast %swap3A_388 : vector<16xi32> to vector<16xi32>
      %swap3A_390 = vector.shape_cast %and3A_386 : vector<16xi32> to vector<16xi32>
      tpu.vector_store %arg9[%swap3A_387], %swap3A_390 {strides = array<i32>} : memref<96xi32, #tpu.memory_space<vmem>>, vector<16xi32>,
      %shift_right_logical3A_391 = arith.constant 16 : i32
      %shift_right_logical3A_392 = vector.broadcast %shift_right_logical3A_391 : i32 to vector<16xi32>
      %shift_right_logical3A_393 = arith.shrui %get3A_383, %shift_right_logical3A_392 : vector<16xi32>
      %swap3A_394 = arith.constant 16 : index
      %swap3A_395 = tpu.vector_load %arg12[%swap3A_394] {strides = array<i32>} : memref<96xi32, #tpu.memory_space<vmem>>, vector<16xi32>,
      %swap3A_396 = vector.shape_cast %swap3A_395 : vector<16xi32> to vector<16xi32>
      %swap3A_397 = vector.shape_cast %shift_right_logical3A_393 : vector<16xi32> to vector<16xi32>
      tpu.vector_store %arg12[%swap3A_394], %swap3A_397 {strides = array<i32>} : memref<96xi32, #tpu.memory_space<vmem>>, vector<16xi32>,
      %mul3A_398 = arith.constant 96 : i32
      %mul3A_399 = arith.muli %add3A_350, %mul3A_398 : i32
      %add3A_400 = arith.constant 32 : i32
      %add3A_401 = arith.addi %mul3A_399, %add3A_400 : i32
      %get3A_402 = arith.index_cast %add3A_401 : i32 to index
      %get3A_403 = tpu.vector_load %arg6[%get3A_402] {strides = array<i32>} : memref<10080xi32, #tpu.memory_space<vmem>>, vector<16xi32>,
      %get3A_404 = vector.shape_cast %get3A_403 : vector<16xi32> to vector<16xi32>
      %and3A_405 = arith.constant 65535 : i32
      %and3A_406 = vector.broadcast %and3A_405 : i32 to vector<16xi32>
      %and3A_407 = arith.andi %get3A_404, %and3A_406 : vector<16xi32>
      %swap3A_408 = arith.constant 32 : index
      %swap3A_409 = tpu.vector_load %arg9[%swap3A_408] {strides = array<i32>} : memref<96xi32, #tpu.memory_space<vmem>>, vector<16xi32>,
      %swap3A_410 = vector.shape_cast %swap3A_409 : vector<16xi32> to vector<16xi32>
      %swap3A_411 = vector.shape_cast %and3A_407 : vector<16xi32> to vector<16xi32>
      tpu.vector_store %arg9[%swap3A_408], %swap3A_411 {strides = array<i32>} : memref<96xi32, #tpu.memory_space<vmem>>, vector<16xi32>,
      %shift_right_logical3A_412 = arith.constant 16 : i32
      %shift_right_logical3A_413 = vector.broadcast %shift_right_logical3A_412 : i32 to vector<16xi32>
      %shift_right_logical3A_414 = arith.shrui %get3A_404, %shift_right_logical3A_413 : vector<16xi32>
      %swap3A_415 = arith.constant 32 : index
      %swap3A_416 = tpu.vector_load %arg12[%swap3A_415] {strides = array<i32>} : memref<96xi32, #tpu.memory_space<vmem>>, vector<16xi32>,
      %swap3A_417 = vector.shape_cast %swap3A_416 : vector<16xi32> to vector<16xi32>
      %swap3A_418 = vector.shape_cast %shift_right_logical3A_414 : vector<16xi32> to vector<16xi32>
      tpu.vector_store %arg12[%swap3A_415], %swap3A_418 {strides = array<i32>} : memref<96xi32, #tpu.memory_space<vmem>>, vector<16xi32>,
      %mul3A_419 = arith.constant 96 : i32
      %mul3A_420 = arith.muli %add3A_350, %mul3A_419 : i32
      %add3A_421 = arith.constant 48 : i32
      %add3A_422 = arith.addi %mul3A_420, %add3A_421 : i32
      %get3A_423 = arith.index_cast %add3A_422 : i32 to index
      %get3A_424 = tpu.vector_load %arg6[%get3A_423] {strides = array<i32>} : memref<10080xi32, #tpu.memory_space<vmem>>, vector<16xi32>,
      %get3A_425 = vector.shape_cast %get3A_424 : vector<16xi32> to vector<16xi32>
      %and3A_426 = arith.constant 65535 : i32
      %and3A_427 = vector.broadcast %and3A_426 : i32 to vector<16xi32>
      %and3A_428 = arith.andi %get3A_425, %and3A_427 : vector<16xi32>
      %swap3A_429 = arith.constant 48 : index
      %swap3A_430 = tpu.vector_load %arg9[%swap3A_429] {strides = array<i32>} : memref<96xi32, #tpu.memory_space<vmem>>, vector<16xi32>,
      %swap3A_431 = vector.shape_cast %swap3A_430 : vector<16xi32> to vector<16xi32>
      %swap3A_432 = vector.shape_cast %and3A_428 : vector<16xi32> to vector<16xi32>
      tpu.vector_store %arg9[%swap3A_429], %swap3A_432 {strides = array<i32>} : memref<96xi32, #tpu.memory_space<vmem>>, vector<16xi32>,
      %shift_right_logical3A_433 = arith.constant 16 : i32
      %shift_right_logical3A_434 = vector.broadcast %shift_right_logical3A_433 : i32 to vector<16xi32>
      %shift_right_logical3A_435 = arith.shrui %get3A_425, %shift_right_logical3A_434 : vector<16xi32>
      %swap3A_436 = arith.constant 48 : index
      %swap3A_437 = tpu.vector_load %arg12[%swap3A_436] {strides = array<i32>} : memref<96xi32, #tpu.memory_space<vmem>>, vector<16xi32>,
      %swap3A_438 = vector.shape_cast %swap3A_437 : vector<16xi32> to vector<16xi32>
      %swap3A_439 = vector.shape_cast %shift_right_logical3A_435 : vector<16xi32> to vector<16xi32>
      tpu.vector_store %arg12[%swap3A_436], %swap3A_439 {strides = array<i32>} : memref<96xi32, #tpu.memory_space<vmem>>, vector<16xi32>,
      %mul3A_440 = arith.constant 96 : i32
      %mul3A_441 = arith.muli %add3A_350, %mul3A_440 : i32
      %add3A_442 = arith.constant 64 : i32
      %add3A_443 = arith.addi %mul3A_441, %add3A_442 : i32
      %get3A_444 = arith.index_cast %add3A_443 : i32 to index
      %get3A_445 = tpu.vector_load %arg6[%get3A_444] {strides = array<i32>} : memref<10080xi32, #tpu.memory_space<vmem>>, vector<16xi32>,
      %get3A_446 = vector.shape_cast %get3A_445 : vector<16xi32> to vector<16xi32>
      %and3A_447 = arith.constant 65535 : i32
      %and3A_448 = vector.broadcast %and3A_447 : i32 to vector<16xi32>
      %and3A_449 = arith.andi %get3A_446, %and3A_448 : vector<16xi32>
      %swap3A_450 = arith.constant 64 : index
      %swap3A_451 = tpu.vector_load %arg9[%swap3A_450] {strides = array<i32>} : memref<96xi32, #tpu.memory_space<vmem>>, vector<16xi32>,
      %swap3A_452 = vector.shape_cast %swap3A_451 : vector<16xi32> to vector<16xi32>
      %swap3A_453 = vector.shape_cast %and3A_449 : vector<16xi32> to vector<16xi32>
      tpu.vector_store %arg9[%swap3A_450], %swap3A_453 {strides = array<i32>} : memref<96xi32, #tpu.memory_space<vmem>>, vector<16xi32>,
      %shift_right_logical3A_454 = arith.constant 16 : i32
      %shift_right_logical3A_455 = vector.broadcast %shift_right_logical3A_454 : i32 to vector<16xi32>
      %shift_right_logical3A_456 = arith.shrui %get3A_446, %shift_right_logical3A_455 : vector<16xi32>
      %swap3A_457 = arith.constant 64 : index
      %swap3A_458 = tpu.vector_load %arg12[%swap3A_457] {strides = array<i32>} : memref<96xi32, #tpu.memory_space<vmem>>, vector<16xi32>,
      %swap3A_459 = vector.shape_cast %swap3A_458 : vector<16xi32> to vector<16xi32>
      %swap3A_460 = vector.shape_cast %shift_right_logical3A_456 : vector<16xi32> to vector<16xi32>
      tpu.vector_store %arg12[%swap3A_457], %swap3A_460 {strides = array<i32>} : memref<96xi32, #tpu.memory_space<vmem>>, vector<16xi32>,
      %mul3A_461 = arith.constant 96 : i32
      %mul3A_462 = arith.muli %add3A_350, %mul3A_461 : i32
      %add3A_463 = arith.constant 80 : i32
      %add3A_464 = arith.addi %mul3A_462, %add3A_463 : i32
      %get3A_465 = arith.index_cast %add3A_464 : i32 to index
      %get3A_466 = tpu.vector_load %arg6[%get3A_465] {strides = array<i32>} : memref<10080xi32, #tpu.memory_space<vmem>>, vector<16xi32>,
      %get3A_467 = vector.shape_cast %get3A_466 : vector<16xi32> to vector<16xi32>
      %and3A_468 = arith.constant 65535 : i32
      %and3A_469 = vector.broadcast %and3A_468 : i32 to vector<16xi32>
      %and3A_470 = arith.andi %get3A_467, %and3A_469 : vector<16xi32>
      %swap3A_471 = arith.constant 80 : index
      %swap3A_472 = tpu.vector_load %arg9[%swap3A_471] {strides = array<i32>} : memref<96xi32, #tpu.memory_space<vmem>>, vector<16xi32>,
      %swap3A_473 = vector.shape_cast %swap3A_472 : vector<16xi32> to vector<16xi32>
      %swap3A_474 = vector.shape_cast %and3A_470 : vector<16xi32> to vector<16xi32>
      tpu.vector_store %arg9[%swap3A_471], %swap3A_474 {strides = array<i32>} : memref<96xi32, #tpu.memory_space<vmem>>, vector<16xi32>,
      %shift_right_logical3A_475 = arith.constant 16 : i32
      %shift_right_logical3A_476 = vector.broadcast %shift_right_logical3A_475 : i32 to vector<16xi32>
      %shift_right_logical3A_477 = arith.shrui %get3A_467, %shift_right_logical3A_476 : vector<16xi32>
      %swap3A_478 = arith.constant 80 : index
      %swap3A_479 = tpu.vector_load %arg12[%swap3A_478] {strides = array<i32>} : memref<96xi32, #tpu.memory_space<vmem>>, vector<16xi32>,
      %swap3A_480 = vector.shape_cast %swap3A_479 : vector<16xi32> to vector<16xi32>
      %swap3A_481 = vector.shape_cast %shift_right_logical3A_477 : vector<16xi32> to vector<16xi32>
      tpu.vector_store %arg12[%swap3A_478], %swap3A_481 {strides = array<i32>} : memref<96xi32, #tpu.memory_space<vmem>>, vector<16xi32>,
      %dma_start3A_482 = arith.constant 2 : i32
      %dma_start3A_483 = arith.constant 0 : i32
      %dma_start3A_484 = arith.constant 0 : i32
      %dma_start3A_485 = tpu.memref_slice %arg13[%dma_start3A_482, %dma_start3A_483, %dma_start3A_484] : memref<3x96x128xf32, #tpu.memory_space<vmem>> -> memref<1x96x128xf32, #tpu.memory_space<vmem>>
      %dma_start3A_486 = tpu.memref_squeeze %dma_start3A_485 : memref<1x96x128xf32, #tpu.memory_space<vmem>> -> memref<96x128xf32, #tpu.memory_space<vmem>>
      %dma_start3A_487 = arith.constant 0 : i32
      %dma_start3A_488 = arith.constant 0 : i32
      %dma_start3A_489 = tpu.memref_slice %arg2[%dma_start3A_487, %dma_start3A_488] : memref<10000x128xf32, #tpu.memory_space<hbm>> -> memref<10000x128xf32, #tpu.memory_space<hbm>>
      tpu.enqueue_indirect_dma source(%dma_start3A_489 : memref<10000x128xf32, #tpu.memory_space<hbm>>) target(%dma_start3A_486 : memref<96x128xf32, #tpu.memory_space<vmem>>) offsets(%arg9 : memref<96xi32, #tpu.memory_space<vmem>>) semaphore(%arg16 : memref<!tpu.dma_semaphore, #tpu.memory_space<semaphore_mem>>)
      %dma_wait3A_490 = arith.constant 0 : i32
      %dma_wait3A_491 = arith.constant 0 : i32
      %dma_wait3A_492 = arith.constant 0 : i32
      %dma_wait3A_493 = tpu.memref_slice %arg13[%dma_wait3A_490, %dma_wait3A_491, %dma_wait3A_492] : memref<3x96x128xf32, #tpu.memory_space<vmem>> -> memref<1x96x128xf32, #tpu.memory_space<vmem>>
      %dma_wait3A_494 = tpu.memref_squeeze %dma_wait3A_493 : memref<1x96x128xf32, #tpu.memory_space<vmem>> -> memref<96x128xf32, #tpu.memory_space<vmem>>
      %dma_wait3A_495 = arith.constant 0 : i32
      %dma_wait3A_496 = arith.constant 0 : i32
      %dma_wait3A_497 = tpu.memref_slice %arg2[%dma_wait3A_495, %dma_wait3A_496] : memref<10000x128xf32, #tpu.memory_space<hbm>> -> memref<10000x128xf32, #tpu.memory_space<hbm>>
      tpu.wait_indirect_dma semaphore(%arg14 : memref<!tpu.dma_semaphore, #tpu.memory_space<semaphore_mem>>) src(%dma_wait3A_497 : memref<10000x128xf32, #tpu.memory_space<hbm>>) dst(%dma_wait3A_494 : memref<96x128xf32, #tpu.memory_space<vmem>>)
      %dma_start3A_498 = arith.constant 0 : i32
      %dma_start3A_499 = arith.constant 0 : i32
      %dma_start3A_500 = arith.constant 0 : i32
      %dma_start3A_501 = tpu.memref_slice %arg13[%dma_start3A_498, %dma_start3A_499, %dma_start3A_500] : memref<3x96x128xf32, #tpu.memory_space<vmem>> -> memref<1x96x128xf32, #tpu.memory_space<vmem>>
      %dma_start3A_502 = tpu.memref_squeeze %dma_start3A_501 : memref<1x96x128xf32, #tpu.memory_space<vmem>> -> memref<96x128xf32, #tpu.memory_space<vmem>>
      %dma_start3A_503 = arith.constant 0 : i32
      %dma_start3A_504 = arith.constant 0 : i32
      %dma_start3A_505 = tpu.memref_slice %arg5[%dma_start3A_503, %dma_start3A_504] : memref<10008x128xf32, #tpu.memory_space<vmem_shared>> -> memref<10008x128xf32, #tpu.memory_space<vmem_shared>>
      tpu.enqueue_indirect_dma source(%dma_start3A_502 : memref<96x128xf32, #tpu.memory_space<vmem>>) target(%dma_start3A_505 : memref<10008x128xf32, #tpu.memory_space<vmem_shared>>) offsets(%arg10 : memref<96xi32, #tpu.memory_space<vmem>>) semaphore(%arg17 : memref<!tpu.dma_semaphore, #tpu.memory_space<semaphore_mem>>) {add = true}
      %dma_wait3A_506 = arith.constant 1 : i32
      %dma_wait3A_507 = arith.constant 0 : i32
      %dma_wait3A_508 = arith.constant 0 : i32
      %dma_wait3A_509 = tpu.memref_slice %arg13[%dma_wait3A_506, %dma_wait3A_507, %dma_wait3A_508] : memref<3x96x128xf32, #tpu.memory_space<vmem>> -> memref<1x96x128xf32, #tpu.memory_space<vmem>>
      %dma_wait3A_510 = tpu.memref_squeeze %dma_wait3A_509 : memref<1x96x128xf32, #tpu.memory_space<vmem>> -> memref<96x128xf32, #tpu.memory_space<vmem>>
      %dma_wait3A_511 = arith.constant 0 : i32
      %dma_wait3A_512 = arith.constant 0 : i32
      %dma_wait3A_513 = tpu.memref_slice %arg2[%dma_wait3A_511, %dma_wait3A_512] : memref<10000x128xf32, #tpu.memory_space<hbm>> -> memref<10000x128xf32, #tpu.memory_space<hbm>>
      tpu.wait_indirect_dma semaphore(%arg15 : memref<!tpu.dma_semaphore, #tpu.memory_space<semaphore_mem>>) src(%dma_wait3A_513 : memref<10000x128xf32, #tpu.memory_space<hbm>>) dst(%dma_wait3A_510 : memref<96x128xf32, #tpu.memory_space<vmem>>)
      %dma_start3A_514 = arith.constant 1 : i32
      %dma_start3A_515 = arith.constant 0 : i32
      %dma_start3A_516 = arith.constant 0 : i32
      %dma_start3A_517 = tpu.memref_slice %arg13[%dma_start3A_514, %dma_start3A_515, %dma_start3A_516] : memref<3x96x128xf32, #tpu.memory_space<vmem>> -> memref<1x96x128xf32, #tpu.memory_space<vmem>>
      %dma_start3A_518 = tpu.memref_squeeze %dma_start3A_517 : memref<1x96x128xf32, #tpu.memory_space<vmem>> -> memref<96x128xf32, #tpu.memory_space<vmem>>
      %dma_start3A_519 = arith.constant 0 : i32
      %dma_start3A_520 = arith.constant 0 : i32
      %dma_start3A_521 = tpu.memref_slice %arg5[%dma_start3A_519, %dma_start3A_520] : memref<10008x128xf32, #tpu.memory_space<vmem_shared>> -> memref<10008x128xf32, #tpu.memory_space<vmem_shared>>
      tpu.enqueue_indirect_dma source(%dma_start3A_518 : memref<96x128xf32, #tpu.memory_space<vmem>>) target(%dma_start3A_521 : memref<10008x128xf32, #tpu.memory_space<vmem_shared>>) offsets(%arg11 : memref<96xi32, #tpu.memory_space<vmem>>) semaphore(%arg18 : memref<!tpu.dma_semaphore, #tpu.memory_space<semaphore_mem>>) {add = true}
      %dma_wait3A_522 = arith.constant 2 : i32
      %dma_wait3A_523 = arith.constant 0 : i32
      %dma_wait3A_524 = arith.constant 0 : i32
      %dma_wait3A_525 = tpu.memref_slice %arg13[%dma_wait3A_522, %dma_wait3A_523, %dma_wait3A_524] : memref<3x96x128xf32, #tpu.memory_space<vmem>> -> memref<1x96x128xf32, #tpu.memory_space<vmem>>
      %dma_wait3A_526 = tpu.memref_squeeze %dma_wait3A_525 : memref<1x96x128xf32, #tpu.memory_space<vmem>> -> memref<96x128xf32, #tpu.memory_space<vmem>>
      %dma_wait3A_527 = arith.constant 0 : i32
      %dma_wait3A_528 = arith.constant 0 : i32
      %dma_wait3A_529 = tpu.memref_slice %arg2[%dma_wait3A_527, %dma_wait3A_528] : memref<10000x128xf32, #tpu.memory_space<hbm>> -> memref<10000x128xf32, #tpu.memory_space<hbm>>
      tpu.wait_indirect_dma semaphore(%arg16 : memref<!tpu.dma_semaphore, #tpu.memory_space<semaphore_mem>>) src(%dma_wait3A_529 : memref<10000x128xf32, #tpu.memory_space<hbm>>) dst(%dma_wait3A_526 : memref<96x128xf32, #tpu.memory_space<vmem>>)
      %dma_start3A_530 = arith.constant 2 : i32
      %dma_start3A_531 = arith.constant 0 : i32
      %dma_start3A_532 = arith.constant 0 : i32
      %dma_start3A_533 = tpu.memref_slice %arg13[%dma_start3A_530, %dma_start3A_531, %dma_start3A_532] : memref<3x96x128xf32, #tpu.memory_space<vmem>> -> memref<1x96x128xf32, #tpu.memory_space<vmem>>
      %dma_start3A_534 = tpu.memref_squeeze %dma_start3A_533 : memref<1x96x128xf32, #tpu.memory_space<vmem>> -> memref<96x128xf32, #tpu.memory_space<vmem>>
      %dma_start3A_535 = arith.constant 0 : i32
      %dma_start3A_536 = arith.constant 0 : i32
      %dma_start3A_537 = tpu.memref_slice %arg5[%dma_start3A_535, %dma_start3A_536] : memref<10008x128xf32, #tpu.memory_space<vmem_shared>> -> memref<10008x128xf32, #tpu.memory_space<vmem_shared>>
      tpu.enqueue_indirect_dma source(%dma_start3A_534 : memref<96x128xf32, #tpu.memory_space<vmem>>) target(%dma_start3A_537 : memref<10008x128xf32, #tpu.memory_space<vmem_shared>>) offsets(%arg12 : memref<96xi32, #tpu.memory_space<vmem>>) semaphore(%arg19 : memref<!tpu.dma_semaphore, #tpu.memory_space<semaphore_mem>>) {add = true}
    }
    %scan3A_35 = arith.constant 35 : i32
    %dma_wait3A_36 = arith.constant 0 : i32
    %dma_wait3A_37 = arith.constant 0 : i32
    %dma_wait3A_38 = arith.constant 0 : i32
    %dma_wait3A_39 = tpu.memref_slice %arg13[%dma_wait3A_36, %dma_wait3A_37, %dma_wait3A_38] : memref<3x96x128xf32, #tpu.memory_space<vmem>> -> memref<1x96x128xf32, #tpu.memory_space<vmem>>
    %dma_wait3A_40 = tpu.memref_squeeze %dma_wait3A_39 : memref<1x96x128xf32, #tpu.memory_space<vmem>> -> memref<96x128xf32, #tpu.memory_space<vmem>>
    %dma_wait3A_41 = arith.constant 0 : i32
    %dma_wait3A_42 = arith.constant 0 : i32
    %dma_wait3A_43 = tpu.memref_slice %arg5[%dma_wait3A_41, %dma_wait3A_42] : memref<10008x128xf32, #tpu.memory_space<vmem_shared>> -> memref<10008x128xf32, #tpu.memory_space<vmem_shared>>
    tpu.wait_indirect_dma semaphore(%arg17 : memref<!tpu.dma_semaphore, #tpu.memory_space<semaphore_mem>>) src(%dma_wait3A_40 : memref<96x128xf32, #tpu.memory_space<vmem>>) dst(%dma_wait3A_43 : memref<10008x128xf32, #tpu.memory_space<vmem_shared>>)
    %dma_wait3A_44 = arith.constant 1 : i32
    %dma_wait3A_45 = arith.constant 0 : i32
    %dma_wait3A_46 = arith.constant 0 : i32
    %dma_wait3A_47 = tpu.memref_slice %arg13[%dma_wait3A_44, %dma_wait3A_45, %dma_wait3A_46] : memref<3x96x128xf32, #tpu.memory_space<vmem>> -> memref<1x96x128xf32, #tpu.memory_space<vmem>>
    %dma_wait3A_48 = tpu.memref_squeeze %dma_wait3A_47 : memref<1x96x128xf32, #tpu.memory_space<vmem>> -> memref<96x128xf32, #tpu.memory_space<vmem>>
    %dma_wait3A_49 = arith.constant 0 : i32
    %dma_wait3A_50 = arith.constant 0 : i32
    %dma_wait3A_51 = tpu.memref_slice %arg5[%dma_wait3A_49, %dma_wait3A_50] : memref<10008x128xf32, #tpu.memory_space<vmem_shared>> -> memref<10008x128xf32, #tpu.memory_space<vmem_shared>>
    tpu.wait_indirect_dma semaphore(%arg18 : memref<!tpu.dma_semaphore, #tpu.memory_space<semaphore_mem>>) src(%dma_wait3A_48 : memref<96x128xf32, #tpu.memory_space<vmem>>) dst(%dma_wait3A_51 : memref<10008x128xf32, #tpu.memory_space<vmem_shared>>)
    %dma_wait3A_52 = arith.constant 2 : i32
    %dma_wait3A_53 = arith.constant 0 : i32
    %dma_wait3A_54 = arith.constant 0 : i32
    %dma_wait3A_55 = tpu.memref_slice %arg13[%dma_wait3A_52, %dma_wait3A_53, %dma_wait3A_54] : memref<3x96x128xf32, #tpu.memory_space<vmem>> -> memref<1x96x128xf32, #tpu.memory_space<vmem>>
    %dma_wait3A_56 = tpu.memref_squeeze %dma_wait3A_55 : memref<1x96x128xf32, #tpu.memory_space<vmem>> -> memref<96x128xf32, #tpu.memory_space<vmem>>
    %dma_wait3A_57 = arith.constant 0 : i32
    %dma_wait3A_58 = arith.constant 0 : i32
    %dma_wait3A_59 = tpu.memref_slice %arg5[%dma_wait3A_57, %dma_wait3A_58] : memref<10008x128xf32, #tpu.memory_space<vmem_shared>> -> memref<10008x128xf32, #tpu.memory_space<vmem_shared>>
    tpu.wait_indirect_dma semaphore(%arg19 : memref<!tpu.dma_semaphore, #tpu.memory_space<semaphore_mem>>) src(%dma_wait3A_56 : memref<96x128xf32, #tpu.memory_space<vmem>>) dst(%dma_wait3A_59 : memref<10008x128xf32, #tpu.memory_space<vmem_shared>>)
    %barrier3A_60 = arith.constant 0 : index
    tpu.barrier barrier_id(%barrier3A_60)
    %scan3A_61 = arith.constant 0 : i32
    %scan3A_62 = arith.constant 0 : i32
    %scan3A_63 = arith.constant 8 : i32
    %scan3A_64 = arith.addi %scan3A_62, %scan3A_63 : i32
    %scan3A_65 = arith.constant 1 : i32
    scf.for %scan3A_67 = %scan3A_62 to %scan3A_64 step %scan3A_65  : i32 {
      %mul3A_68 = arith.constant 16 : i32
      %mul3A_69 = arith.muli %scan3A_67, %mul3A_68 : i32
      %add3A_70 = arith.addi %arg1, %mul3A_69 : i32
      %lt3A = arith.constant 125 : i32
      %lt3A_71 = arith.cmpi slt, %add3A_70, %lt3A : i32
      %convert_element_type3A = arith.extui %lt3A_71 : i1 to i32
      %cond3A = arith.constant 0 : i32
      %cond3A_72 = arith.cmpi ne, %convert_element_type3A, %cond3A : i32
      scf.if %cond3A_72 {
        %mul3A_73 = arith.constant 80 : i32
        %mul3A_74 = arith.muli %add3A_70, %mul3A_73 : i32
        %mul3A_75 = arith.constant 10000 : i32
        %mul3A_76 = arith.muli %arg0, %mul3A_75 : i32
        %add3A_77 = arith.addi %mul3A_76, %mul3A_74 : i32
        "tpu.region"() ({
          %run_scoped3A = tpu.sem_alloc : memref<!tpu.dma_semaphore, #tpu.memory_space<semaphore_mem>>
          %dma_start3A_78 = arith.constant 0 : i32
          %dma_start3A_79 = tpu.memref_slice %arg4[%add3A_77, %dma_start3A_78] : memref<20000x128xf32, #tpu.memory_space<hbm>> -> memref<80x128xf32, #tpu.memory_space<hbm>>
          %dma_start3A_80 = arith.constant 0 : i32
          %dma_start3A_81 = tpu.memref_slice %arg5[%mul3A_74, %dma_start3A_80] : memref<10008x128xf32, #tpu.memory_space<vmem_shared>> -> memref<80x128xf32, #tpu.memory_space<vmem_shared>>
          tpu.enqueue_dma source(%dma_start3A_81 : memref<80x128xf32, #tpu.memory_space<vmem_shared>>) target(%dma_start3A_79 : memref<80x128xf32, #tpu.memory_space<hbm>>) target_semaphore(%run_scoped3A : memref<!tpu.dma_semaphore, #tpu.memory_space<semaphore_mem>>)
          %dma_wait3A_82 = arith.constant 0 : i32
          %dma_wait3A_83 = tpu.memref_slice %arg4[%add3A_77, %dma_wait3A_82] : memref<20000x128xf32, #tpu.memory_space<hbm>> -> memref<80x128xf32, #tpu.memory_space<hbm>>
          %dma_wait3A_84 = arith.constant 0 : i32
          %dma_wait3A_85 = tpu.memref_slice %arg5[%mul3A_74, %dma_wait3A_84] : memref<10008x128xf32, #tpu.memory_space<vmem_shared>> -> memref<80x128xf32, #tpu.memory_space<vmem_shared>>
          tpu.wait_dma2 semaphore(%run_scoped3A : memref<!tpu.dma_semaphore, #tpu.memory_space<semaphore_mem>>) src(%dma_wait3A_85 : memref<80x128xf32, #tpu.memory_space<vmem_shared>>) dst(%dma_wait3A_83 : memref<80x128xf32, #tpu.memory_space<hbm>>)
          tpu.yield
        }) : () -> ()
      } else {
      }
    }
    %scan3A_66 = arith.constant 8 : i32
    return
  }
}

#map = affine_map<(d0, d1) -> (0, 0)>
module attributes {stable_mosaic.version = 14 : i64} {
  func.func @_sc_aggregate(%arg0: i32, %arg1: i32, %arg2: memref<10000x128xf32, #tpu.memory_space<hbm>>, %arg3: memref<32x10080xi32, #tpu.memory_space<hbm>>, %arg4: memref<20000x128xf32, #tpu.memory_space<hbm>>, %arg5: memref<10008x128xf32, #tpu.memory_space<vmem_shared>>, %arg6: memref<10080xi32, #tpu.memory_space<vmem>>, %arg7: memref<96xi32, #tpu.memory_space<vmem>>, %arg8: memref<96xi32, #tpu.memory_space<vmem>>, %arg9: memref<96xi32, #tpu.memory_space<vmem>>, %arg10: memref<96xi32, #tpu.memory_space<vmem>>, %arg11: memref<96xi32, #tpu.memory_space<vmem>>, %arg12: memref<96xi32, #tpu.memory_space<vmem>>, %arg13: memref<3x96x128xf32, #tpu.memory_space<vmem>>, %arg14: memref<!tpu.dma_semaphore, #tpu.memory_space<semaphore_mem>>, %arg15: memref<!tpu.dma_semaphore, #tpu.memory_space<semaphore_mem>>, %arg16: memref<!tpu.dma_semaphore, #tpu.memory_space<semaphore_mem>>, %arg17: memref<!tpu.dma_semaphore, #tpu.memory_space<semaphore_mem>>, %arg18: memref<!tpu.dma_semaphore, #tpu.memory_space<semaphore_mem>>, %arg19: memref<!tpu.dma_semaphore, #tpu.memory_space<semaphore_mem>>) attributes {dimension_semantics = [#tpu.dimension_semantics<core_parallel>, #tpu.dimension_semantics<subcore_parallel>], iteration_bounds = array<i64: 2, 16>, scalar_prefetch = 0 : i64, scratch_operands = 15 : i64, tpu.core_type = #tpu.core_type<sc_vector_subcore>, window_params = [{transform_indices = #map}, {transform_indices = #map}, {transform_indices = #map}]} {
    %mul3A = arith.constant 16 : i32
    %mul3A_0 = arith.muli %arg0, %mul3A : i32
    %add3A = arith.addi %mul3A_0, %arg1 : i32
    %dma_start3A = arith.constant 0 : i32
    %dma_start3A_1 = tpu.memref_slice %arg3[%add3A, %dma_start3A] : memref<32x10080xi32, #tpu.memory_space<hbm>> -> memref<1x10080xi32, #tpu.memory_space<hbm>>
    %dma_start3A_2 = tpu.memref_squeeze %dma_start3A_1 : memref<1x10080xi32, #tpu.memory_space<hbm>> -> memref<10080xi32, #tpu.memory_space<hbm>>
    %dma_start3A_3 = arith.constant 0 : i32
    %dma_start3A_4 = tpu.memref_slice %arg3[%add3A, %dma_start3A_3] : memref<32x10080xi32, #tpu.memory_space<hbm>> -> memref<1x10080xi32, #tpu.memory_space<hbm>>
    %dma_start3A_5 = tpu.memref_squeeze %dma_start3A_4 : memref<1x10080xi32, #tpu.memory_space<hbm>> -> memref<10080xi32, #tpu.memory_space<hbm>>
    tpu.enqueue_dma source(%dma_start3A_5 : memref<10080xi32, #tpu.memory_space<hbm>>) target(%arg6 : memref<10080xi32, #tpu.memory_space<vmem>>) target_semaphore(%arg14 : memref<!tpu.dma_semaphore, #tpu.memory_space<semaphore_mem>>)
    %scan3A = arith.constant 0 : i32
    %scan3A_6 = arith.constant 0 : i32
    %scan3A_7 = arith.constant 640 : i32
    %scan3A_8 = arith.addi %scan3A_6, %scan3A_7 : i32
    %scan3A_9 = arith.constant 1 : i32
    scf.for %scan3A_67 = %scan3A_6 to %scan3A_8 step %scan3A_9  : i32 {
      %broadcast_in_dim3A = arith.constant 0.000000e+00 : f32
      %broadcast_in_dim3A_68 = vector.broadcast %broadcast_in_dim3A : f32 to vector<16xf32>
      %jit3A = arith.constant 8 : i32
      %div3A = arith.divsi %scan3A_67, %jit3A : i32
      %sign3A = arith.constant 0 : i32
      %sign3A_69 = arith.cmpi sgt, %scan3A_67, %sign3A : i32
      %sign3A_70 = arith.extui %sign3A_69 : i1 to i32
      %sign3A_71 = arith.constant 0 : i32
      %sign3A_72 = arith.cmpi slt, %scan3A_67, %sign3A_71 : i32
      %sign3A_73 = arith.extui %sign3A_72 : i1 to i32
      %sign3A_74 = arith.subi %sign3A_70, %sign3A_73 : i32
      %sign3A_75 = arith.constant 0 : i32
      %sign3A_76 = arith.cmpi sgt, %jit3A, %sign3A_75 : i32
      %sign3A_77 = arith.extui %sign3A_76 : i1 to i32
      %sign3A_78 = arith.constant 0 : i32
      %sign3A_79 = arith.cmpi slt, %jit3A, %sign3A_78 : i32
      %sign3A_80 = arith.extui %sign3A_79 : i1 to i32
      %sign3A_81 = arith.subi %sign3A_77, %sign3A_80 : i32
      %ne3A = arith.cmpi ne, %sign3A_74, %sign3A_81 : i32
      %rem3A = arith.remsi %scan3A_67, %jit3A : i32
      %ne3A_82 = arith.constant 0 : i32
      %ne3A_83 = arith.cmpi ne, %rem3A, %ne3A_82 : i32
      %and3A = arith.andi %ne3A, %ne3A_83 : i1
      %sub3A = arith.constant 1 : i32
      %sub3A_84 = arith.subi %div3A, %sub3A : i32
      %select_n3A = arith.select %and3A, %sub3A_84, %div3A : i32
      %jit3A_85 = arith.constant 8 : i32
      %eq3A = arith.constant 0 : i32
      %eq3A_86 = arith.cmpi eq, %jit3A_85, %eq3A : i32
      %jit3A_87 = arith.constant 1 : i32
      %select_n3A_88 = arith.select %eq3A_86, %jit3A_87, %jit3A_85 : i32
      %rem3A_89 = arith.remsi %scan3A_67, %select_n3A_88 : i32
      %ne3A_90 = arith.constant 0 : i32
      %ne3A_91 = arith.cmpi ne, %rem3A_89, %ne3A_90 : i32
      %lt3A = arith.constant 0 : i32
      %lt3A_92 = arith.cmpi slt, %rem3A_89, %lt3A : i32
      %lt3A_93 = arith.constant 0 : i32
      %lt3A_94 = arith.cmpi slt, %select_n3A_88, %lt3A_93 : i32
      %ne3A_95 = arith.xori %lt3A_92, %lt3A_94 : i1
      %and3A_96 = arith.andi %ne3A_95, %ne3A_91 : i1
      %add3A_97 = arith.addi %rem3A_89, %select_n3A_88 : i32
      %select_n3A_98 = arith.select %and3A_96, %add3A_97, %rem3A_89 : i32
      %mul3A_99 = arith.constant 16 : i32
      %mul3A_100 = arith.muli %select_n3A_98, %mul3A_99 : i32
      %swap3A = arith.constant 0 : i32
      %swap3A_101 = arith.index_cast %swap3A : i32 to index
      %swap3A_102 = arith.index_cast %select_n3A : i32 to index
      %swap3A_103 = arith.index_cast %mul3A_100 : i32 to index
      %swap3A_104 = tpu.vector_load %arg13[%swap3A_101, %swap3A_102, %swap3A_103] {strides = array<i32>} : memref<3x96x128xf32, #tpu.memory_space<vmem>>, vector<1x1x16xf32>,
      %swap3A_105 = vector.shape_cast %swap3A_104 : vector<1x1x16xf32> to vector<16xf32>
      %swap3A_106 = vector.shape_cast %broadcast_in_dim3A_68 : vector<16xf32> to vector<1x1x16xf32>
      tpu.vector_store %arg13[%swap3A_101, %swap3A_102, %swap3A_103], %swap3A_106 {strides = array<i32>} : memref<3x96x128xf32, #tpu.memory_space<vmem>>, vector<1x1x16xf32>,
    }
    %scan3A_10 = arith.constant 640 : i32
    %scan3A_11 = arith.constant 0 : i32
    %scan3A_12 = arith.constant 0 : i32
    %scan3A_13 = arith.constant 0 : i32
    %scan3A_14 = arith.constant 8 : i32
    %scan3A_15 = arith.addi %scan3A_13, %scan3A_14 : i32
    %scan3A_16 = arith.constant 1 : i32
    scf.for %scan3A_67 = %scan3A_13 to %scan3A_15 step %scan3A_16  : i32 {
      %mul3A_68 = arith.constant 16 : i32
      %mul3A_69 = arith.muli %scan3A_67, %mul3A_68 : i32
      %add3A_70 = arith.addi %arg1, %mul3A_69 : i32
      %lt3A = arith.constant 125 : i32
      %lt3A_71 = arith.cmpi slt, %add3A_70, %lt3A : i32
      %convert_element_type3A = arith.extui %lt3A_71 : i1 to i32
      %cond3A = arith.constant 0 : i32
      %cond3A_72 = arith.cmpi ne, %convert_element_type3A, %cond3A : i32
      scf.if %cond3A_72 {
        %mul3A_73 = arith.constant 80 : i32
        %mul3A_74 = arith.muli %add3A_70, %mul3A_73 : i32
        %dma_start3A_75 = arith.constant 0 : i32
        %dma_start3A_76 = arith.constant 0 : i32
        %dma_start3A_77 = tpu.memref_slice %arg13[%scan3A_12, %dma_start3A_75, %dma_start3A_76] : memref<3x96x128xf32, #tpu.memory_space<vmem>> -> memref<1x80x128xf32, #tpu.memory_space<vmem>>
        %dma_start3A_78 = tpu.memref_squeeze %dma_start3A_77 : memref<1x80x128xf32, #tpu.memory_space<vmem>> -> memref<80x128xf32, #tpu.memory_space<vmem>>
        %dma_start3A_79 = arith.constant 0 : i32
        %dma_start3A_80 = tpu.memref_slice %arg5[%mul3A_74, %dma_start3A_79] : memref<10008x128xf32, #tpu.memory_space<vmem_shared>> -> memref<80x128xf32, #tpu.memory_space<vmem_shared>>
        %dma_start3A_81 = arith.constant 0 : i32
        %dma_start3A_82 = tpu.memref_slice %arg5[%mul3A_74, %dma_start3A_81] : memref<10008x128xf32, #tpu.memory_space<vmem_shared>> -> memref<80x128xf32, #tpu.memory_space<vmem_shared>>
        %dma_start3A_83 = arith.constant 0 : i32
        %dma_start3A_84 = arith.constant 0 : i32
        %dma_start3A_85 = tpu.memref_slice %arg13[%scan3A_12, %dma_start3A_83, %dma_start3A_84] : memref<3x96x128xf32, #tpu.memory_space<vmem>> -> memref<1x80x128xf32, #tpu.memory_space<vmem>>
        %dma_start3A_86 = tpu.memref_squeeze %dma_start3A_85 : memref<1x80x128xf32, #tpu.memory_space<vmem>> -> memref<80x128xf32, #tpu.memory_space<vmem>>
        tpu.enqueue_dma source(%dma_start3A_86 : memref<80x128xf32, #tpu.memory_space<vmem>>) target(%dma_start3A_82 : memref<80x128xf32, #tpu.memory_space<vmem_shared>>) target_semaphore(%arg17 : memref<!tpu.dma_semaphore, #tpu.memory_space<semaphore_mem>>)
      } else {
      }
    }
    %scan3A_17 = arith.constant 8 : i32
    %scan3A_18 = arith.constant 0 : i32
    %scan3A_19 = arith.constant 0 : i32
    %scan3A_20 = arith.constant 0 : i32
    %scan3A_21 = arith.constant 8 : i32
    %scan3A_22 = arith.addi %scan3A_20, %scan3A_21 : i32
    %scan3A_23 = arith.constant 1 : i32
    scf.for %scan3A_67 = %scan3A_20 to %scan3A_22 step %scan3A_23  : i32 {
      %mul3A_68 = arith.constant 16 : i32
      %mul3A_69 = arith.muli %scan3A_67, %mul3A_68 : i32
      %add3A_70 = arith.addi %arg1, %mul3A_69 : i32
      %lt3A = arith.constant 125 : i32
      %lt3A_71 = arith.cmpi slt, %add3A_70, %lt3A : i32
      %convert_element_type3A = arith.extui %lt3A_71 : i1 to i32
      %cond3A = arith.constant 0 : i32
      %cond3A_72 = arith.cmpi ne, %convert_element_type3A, %cond3A : i32
      scf.if %cond3A_72 {
        %mul3A_73 = arith.constant 80 : i32
        %mul3A_74 = arith.muli %add3A_70, %mul3A_73 : i32
        %dma_wait3A_75 = arith.constant 0 : i32
        %dma_wait3A_76 = arith.constant 0 : i32
        %dma_wait3A_77 = tpu.memref_slice %arg13[%scan3A_19, %dma_wait3A_75, %dma_wait3A_76] : memref<3x96x128xf32, #tpu.memory_space<vmem>> -> memref<1x80x128xf32, #tpu.memory_space<vmem>>
        %dma_wait3A_78 = tpu.memref_squeeze %dma_wait3A_77 : memref<1x80x128xf32, #tpu.memory_space<vmem>> -> memref<80x128xf32, #tpu.memory_space<vmem>>
        %dma_wait3A_79 = arith.constant 0 : i32
        %dma_wait3A_80 = tpu.memref_slice %arg5[%mul3A_74, %dma_wait3A_79] : memref<10008x128xf32, #tpu.memory_space<vmem_shared>> -> memref<80x128xf32, #tpu.memory_space<vmem_shared>>
        %dma_wait3A_81 = arith.constant 0 : i32
        %dma_wait3A_82 = tpu.memref_slice %arg5[%mul3A_74, %dma_wait3A_81] : memref<10008x128xf32, #tpu.memory_space<vmem_shared>> -> memref<80x128xf32, #tpu.memory_space<vmem_shared>>
        %dma_wait3A_83 = arith.constant 0 : i32
        %dma_wait3A_84 = arith.constant 0 : i32
        %dma_wait3A_85 = tpu.memref_slice %arg13[%scan3A_19, %dma_wait3A_83, %dma_wait3A_84] : memref<3x96x128xf32, #tpu.memory_space<vmem>> -> memref<1x80x128xf32, #tpu.memory_space<vmem>>
        %dma_wait3A_86 = tpu.memref_squeeze %dma_wait3A_85 : memref<1x80x128xf32, #tpu.memory_space<vmem>> -> memref<80x128xf32, #tpu.memory_space<vmem>>
        tpu.wait_dma2 semaphore(%arg17 : memref<!tpu.dma_semaphore, #tpu.memory_space<semaphore_mem>>) src(%dma_wait3A_86 : memref<80x128xf32, #tpu.memory_space<vmem>>) dst(%dma_wait3A_82 : memref<80x128xf32, #tpu.memory_space<vmem_shared>>)
      } else {
      }
    }
    %scan3A_24 = arith.constant 8 : i32
    %dma_wait3A = arith.constant 0 : i32
    %dma_wait3A_25 = tpu.memref_slice %arg3[%add3A, %dma_wait3A] : memref<32x10080xi32, #tpu.memory_space<hbm>> -> memref<1x10080xi32, #tpu.memory_space<hbm>>
    %dma_wait3A_26 = tpu.memref_squeeze %dma_wait3A_25 : memref<1x10080xi32, #tpu.memory_space<hbm>> -> memref<10080xi32, #tpu.memory_space<hbm>>
    %dma_wait3A_27 = arith.constant 0 : i32
    %dma_wait3A_28 = tpu.memref_slice %arg3[%add3A, %dma_wait3A_27] : memref<32x10080xi32, #tpu.memory_space<hbm>> -> memref<1x10080xi32, #tpu.memory_space<hbm>>
    %dma_wait3A_29 = tpu.memref_squeeze %dma_wait3A_28 : memref<1x10080xi32, #tpu.memory_space<hbm>> -> memref<10080xi32, #tpu.memory_space<hbm>>
    tpu.wait_dma2 semaphore(%arg14 : memref<!tpu.dma_semaphore, #tpu.memory_space<semaphore_mem>>) src(%dma_wait3A_29 : memref<10080xi32, #tpu.memory_space<hbm>>) dst(%arg6 : memref<10080xi32, #tpu.memory_space<vmem>>)
    %barrier3A = arith.constant 0 : index
    tpu.barrier barrier_id(%barrier3A)
    %scan3A_30 = arith.constant 0 : i32
    %scan3A_31 = arith.constant 0 : i32
    %scan3A_32 = arith.constant 35 : i32
    %scan3A_33 = arith.addi %scan3A_31, %scan3A_32 : i32
    %scan3A_34 = arith.constant 1 : i32
    scf.for %scan3A_67 = %scan3A_31 to %scan3A_33 step %scan3A_34  : i32 {
      %mul3A_68 = arith.constant 3 : i32
      %mul3A_69 = arith.muli %scan3A_67, %mul3A_68 : i32
      %add3A_70 = arith.constant 0 : i32
      %add3A_71 = arith.addi %mul3A_69, %add3A_70 : i32
      %gt3A = arith.constant 0 : i32
      %gt3A_72 = arith.cmpi sgt, %scan3A_67, %gt3A : i32
      %convert_element_type3A = arith.extui %gt3A_72 : i1 to i32
      %cond3A = arith.constant 0 : i32
      %cond3A_73 = arith.cmpi ne, %convert_element_type3A, %cond3A : i32
      scf.if %cond3A_73 {
        %dma_wait3A_538 = arith.constant 0 : i32
        %dma_wait3A_539 = arith.constant 0 : i32
        %dma_wait3A_540 = arith.constant 0 : i32
        %dma_wait3A_541 = tpu.memref_slice %arg13[%dma_wait3A_538, %dma_wait3A_539, %dma_wait3A_540] : memref<3x96x128xf32, #tpu.memory_space<vmem>> -> memref<1x96x128xf32, #tpu.memory_space<vmem>>
        %dma_wait3A_542 = tpu.memref_squeeze %dma_wait3A_541 : memref<1x96x128xf32, #tpu.memory_space<vmem>> -> memref<96x128xf32, #tpu.memory_space<vmem>>
        %dma_wait3A_543 = arith.constant 0 : i32
        %dma_wait3A_544 = arith.constant 0 : i32
        %dma_wait3A_545 = tpu.memref_slice %arg5[%dma_wait3A_543, %dma_wait3A_544] : memref<10008x128xf32, #tpu.memory_space<vmem_shared>> -> memref<10008x128xf32, #tpu.memory_space<vmem_shared>>
        tpu.wait_indirect_dma semaphore(%arg17 : memref<!tpu.dma_semaphore, #tpu.memory_space<semaphore_mem>>) src(%dma_wait3A_542 : memref<96x128xf32, #tpu.memory_space<vmem>>) dst(%dma_wait3A_545 : memref<10008x128xf32, #tpu.memory_space<vmem_shared>>)
      } else {
      }
      %mul3A_74 = arith.constant 96 : i32
      %mul3A_75 = arith.muli %add3A_71, %mul3A_74 : i32
      %add3A_76 = arith.constant 0 : i32
      %add3A_77 = arith.addi %mul3A_75, %add3A_76 : i32
      %get3A = arith.index_cast %add3A_77 : i32 to index
      %get3A_78 = tpu.vector_load %arg6[%get3A] {strides = array<i32>} : memref<10080xi32, #tpu.memory_space<vmem>>, vector<16xi32>,
      %get3A_79 = vector.shape_cast %get3A_78 : vector<16xi32> to vector<16xi32>
      %and3A = arith.constant 65535 : i32
      %and3A_80 = vector.broadcast %and3A : i32 to vector<16xi32>
      %and3A_81 = arith.andi %get3A_79, %and3A_80 : vector<16xi32>
      %swap3A = arith.constant 0 : index
      %swap3A_82 = tpu.vector_load %arg7[%swap3A] {strides = array<i32>} : memref<96xi32, #tpu.memory_space<vmem>>, vector<16xi32>,
      %swap3A_83 = vector.shape_cast %swap3A_82 : vector<16xi32> to vector<16xi32>
      %swap3A_84 = vector.shape_cast %and3A_81 : vector<16xi32> to vector<16xi32>
      tpu.vector_store %arg7[%swap3A], %swap3A_84 {strides = array<i32>} : memref<96xi32, #tpu.memory_space<vmem>>, vector<16xi32>,
      %shift_right_logical3A = arith.constant 16 : i32
      %shift_right_logical3A_85 = vector.broadcast %shift_right_logical3A : i32 to vector<16xi32>
      %shift_right_logical3A_86 = arith.shrui %get3A_79, %shift_right_logical3A_85 : vector<16xi32>
      %swap3A_87 = arith.constant 0 : index
      %swap3A_88 = tpu.vector_load %arg10[%swap3A_87] {strides = array<i32>} : memref<96xi32, #tpu.memory_space<vmem>>, vector<16xi32>,
      %swap3A_89 = vector.shape_cast %swap3A_88 : vector<16xi32> to vector<16xi32>
      %swap3A_90 = vector.shape_cast %shift_right_logical3A_86 : vector<16xi32> to vector<16xi32>
      tpu.vector_store %arg10[%swap3A_87], %swap3A_90 {strides = array<i32>} : memref<96xi32, #tpu.memory_space<vmem>>, vector<16xi32>,
      %mul3A_91 = arith.constant 96 : i32
      %mul3A_92 = arith.muli %add3A_71, %mul3A_91 : i32
      %add3A_93 = arith.constant 16 : i32
      %add3A_94 = arith.addi %mul3A_92, %add3A_93 : i32
      %get3A_95 = arith.index_cast %add3A_94 : i32 to index
      %get3A_96 = tpu.vector_load %arg6[%get3A_95] {strides = array<i32>} : memref<10080xi32, #tpu.memory_space<vmem>>, vector<16xi32>,
      %get3A_97 = vector.shape_cast %get3A_96 : vector<16xi32> to vector<16xi32>
      %and3A_98 = arith.constant 65535 : i32
      %and3A_99 = vector.broadcast %and3A_98 : i32 to vector<16xi32>
      %and3A_100 = arith.andi %get3A_97, %and3A_99 : vector<16xi32>
      %swap3A_101 = arith.constant 16 : index
      %swap3A_102 = tpu.vector_load %arg7[%swap3A_101] {strides = array<i32>} : memref<96xi32, #tpu.memory_space<vmem>>, vector<16xi32>,
      %swap3A_103 = vector.shape_cast %swap3A_102 : vector<16xi32> to vector<16xi32>
      %swap3A_104 = vector.shape_cast %and3A_100 : vector<16xi32> to vector<16xi32>
      tpu.vector_store %arg7[%swap3A_101], %swap3A_104 {strides = array<i32>} : memref<96xi32, #tpu.memory_space<vmem>>, vector<16xi32>,
      %shift_right_logical3A_105 = arith.constant 16 : i32
      %shift_right_logical3A_106 = vector.broadcast %shift_right_logical3A_105 : i32 to vector<16xi32>
      %shift_right_logical3A_107 = arith.shrui %get3A_97, %shift_right_logical3A_106 : vector<16xi32>
      %swap3A_108 = arith.constant 16 : index
      %swap3A_109 = tpu.vector_load %arg10[%swap3A_108] {strides = array<i32>} : memref<96xi32, #tpu.memory_space<vmem>>, vector<16xi32>,
      %swap3A_110 = vector.shape_cast %swap3A_109 : vector<16xi32> to vector<16xi32>
      %swap3A_111 = vector.shape_cast %shift_right_logical3A_107 : vector<16xi32> to vector<16xi32>
      tpu.vector_store %arg10[%swap3A_108], %swap3A_111 {strides = array<i32>} : memref<96xi32, #tpu.memory_space<vmem>>, vector<16xi32>,
      %mul3A_112 = arith.constant 96 : i32
      %mul3A_113 = arith.muli %add3A_71, %mul3A_112 : i32
      %add3A_114 = arith.constant 32 : i32
      %add3A_115 = arith.addi %mul3A_113, %add3A_114 : i32
      %get3A_116 = arith.index_cast %add3A_115 : i32 to index
      %get3A_117 = tpu.vector_load %arg6[%get3A_116] {strides = array<i32>} : memref<10080xi32, #tpu.memory_space<vmem>>, vector<16xi32>,
      %get3A_118 = vector.shape_cast %get3A_117 : vector<16xi32> to vector<16xi32>
      %and3A_119 = arith.constant 65535 : i32
      %and3A_120 = vector.broadcast %and3A_119 : i32 to vector<16xi32>
      %and3A_121 = arith.andi %get3A_118, %and3A_120 : vector<16xi32>
      %swap3A_122 = arith.constant 32 : index
      %swap3A_123 = tpu.vector_load %arg7[%swap3A_122] {strides = array<i32>} : memref<96xi32, #tpu.memory_space<vmem>>, vector<16xi32>,
      %swap3A_124 = vector.shape_cast %swap3A_123 : vector<16xi32> to vector<16xi32>
      %swap3A_125 = vector.shape_cast %and3A_121 : vector<16xi32> to vector<16xi32>
      tpu.vector_store %arg7[%swap3A_122], %swap3A_125 {strides = array<i32>} : memref<96xi32, #tpu.memory_space<vmem>>, vector<16xi32>,
      %shift_right_logical3A_126 = arith.constant 16 : i32
      %shift_right_logical3A_127 = vector.broadcast %shift_right_logical3A_126 : i32 to vector<16xi32>
      %shift_right_logical3A_128 = arith.shrui %get3A_118, %shift_right_logical3A_127 : vector<16xi32>
      %swap3A_129 = arith.constant 32 : index
      %swap3A_130 = tpu.vector_load %arg10[%swap3A_129] {strides = array<i32>} : memref<96xi32, #tpu.memory_space<vmem>>, vector<16xi32>,
      %swap3A_131 = vector.shape_cast %swap3A_130 : vector<16xi32> to vector<16xi32>
      %swap3A_132 = vector.shape_cast %shift_right_logical3A_128 : vector<16xi32> to vector<16xi32>
      tpu.vector_store %arg10[%swap3A_129], %swap3A_132 {strides = array<i32>} : memref<96xi32, #tpu.memory_space<vmem>>, vector<16xi32>,
      %mul3A_133 = arith.constant 96 : i32
      %mul3A_134 = arith.muli %add3A_71, %mul3A_133 : i32
      %add3A_135 = arith.constant 48 : i32
      %add3A_136 = arith.addi %mul3A_134, %add3A_135 : i32
      %get3A_137 = arith.index_cast %add3A_136 : i32 to index
      %get3A_138 = tpu.vector_load %arg6[%get3A_137] {strides = array<i32>} : memref<10080xi32, #tpu.memory_space<vmem>>, vector<16xi32>,
      %get3A_139 = vector.shape_cast %get3A_138 : vector<16xi32> to vector<16xi32>
      %and3A_140 = arith.constant 65535 : i32
      %and3A_141 = vector.broadcast %and3A_140 : i32 to vector<16xi32>
      %and3A_142 = arith.andi %get3A_139, %and3A_141 : vector<16xi32>
      %swap3A_143 = arith.constant 48 : index
      %swap3A_144 = tpu.vector_load %arg7[%swap3A_143] {strides = array<i32>} : memref<96xi32, #tpu.memory_space<vmem>>, vector<16xi32>,
      %swap3A_145 = vector.shape_cast %swap3A_144 : vector<16xi32> to vector<16xi32>
      %swap3A_146 = vector.shape_cast %and3A_142 : vector<16xi32> to vector<16xi32>
      tpu.vector_store %arg7[%swap3A_143], %swap3A_146 {strides = array<i32>} : memref<96xi32, #tpu.memory_space<vmem>>, vector<16xi32>,
      %shift_right_logical3A_147 = arith.constant 16 : i32
      %shift_right_logical3A_148 = vector.broadcast %shift_right_logical3A_147 : i32 to vector<16xi32>
      %shift_right_logical3A_149 = arith.shrui %get3A_139, %shift_right_logical3A_148 : vector<16xi32>
      %swap3A_150 = arith.constant 48 : index
      %swap3A_151 = tpu.vector_load %arg10[%swap3A_150] {strides = array<i32>} : memref<96xi32, #tpu.memory_space<vmem>>, vector<16xi32>,
      %swap3A_152 = vector.shape_cast %swap3A_151 : vector<16xi32> to vector<16xi32>
      %swap3A_153 = vector.shape_cast %shift_right_logical3A_149 : vector<16xi32> to vector<16xi32>
      tpu.vector_store %arg10[%swap3A_150], %swap3A_153 {strides = array<i32>} : memref<96xi32, #tpu.memory_space<vmem>>, vector<16xi32>,
      %mul3A_154 = arith.constant 96 : i32
      %mul3A_155 = arith.muli %add3A_71, %mul3A_154 : i32
      %add3A_156 = arith.constant 64 : i32
      %add3A_157 = arith.addi %mul3A_155, %add3A_156 : i32
      %get3A_158 = arith.index_cast %add3A_157 : i32 to index
      %get3A_159 = tpu.vector_load %arg6[%get3A_158] {strides = array<i32>} : memref<10080xi32, #tpu.memory_space<vmem>>, vector<16xi32>,
      %get3A_160 = vector.shape_cast %get3A_159 : vector<16xi32> to vector<16xi32>
      %and3A_161 = arith.constant 65535 : i32
      %and3A_162 = vector.broadcast %and3A_161 : i32 to vector<16xi32>
      %and3A_163 = arith.andi %get3A_160, %and3A_162 : vector<16xi32>
      %swap3A_164 = arith.constant 64 : index
      %swap3A_165 = tpu.vector_load %arg7[%swap3A_164] {strides = array<i32>} : memref<96xi32, #tpu.memory_space<vmem>>, vector<16xi32>,
      %swap3A_166 = vector.shape_cast %swap3A_165 : vector<16xi32> to vector<16xi32>
      %swap3A_167 = vector.shape_cast %and3A_163 : vector<16xi32> to vector<16xi32>
      tpu.vector_store %arg7[%swap3A_164], %swap3A_167 {strides = array<i32>} : memref<96xi32, #tpu.memory_space<vmem>>, vector<16xi32>,
      %shift_right_logical3A_168 = arith.constant 16 : i32
      %shift_right_logical3A_169 = vector.broadcast %shift_right_logical3A_168 : i32 to vector<16xi32>
      %shift_right_logical3A_170 = arith.shrui %get3A_160, %shift_right_logical3A_169 : vector<16xi32>
      %swap3A_171 = arith.constant 64 : index
      %swap3A_172 = tpu.vector_load %arg10[%swap3A_171] {strides = array<i32>} : memref<96xi32, #tpu.memory_space<vmem>>, vector<16xi32>,
      %swap3A_173 = vector.shape_cast %swap3A_172 : vector<16xi32> to vector<16xi32>
      %swap3A_174 = vector.shape_cast %shift_right_logical3A_170 : vector<16xi32> to vector<16xi32>
      tpu.vector_store %arg10[%swap3A_171], %swap3A_174 {strides = array<i32>} : memref<96xi32, #tpu.memory_space<vmem>>, vector<16xi32>,
      %mul3A_175 = arith.constant 96 : i32
      %mul3A_176 = arith.muli %add3A_71, %mul3A_175 : i32
      %add3A_177 = arith.constant 80 : i32
      %add3A_178 = arith.addi %mul3A_176, %add3A_177 : i32
      %get3A_179 = arith.index_cast %add3A_178 : i32 to index
      %get3A_180 = tpu.vector_load %arg6[%get3A_179] {strides = array<i32>} : memref<10080xi32, #tpu.memory_space<vmem>>, vector<16xi32>,
      %get3A_181 = vector.shape_cast %get3A_180 : vector<16xi32> to vector<16xi32>
      %and3A_182 = arith.constant 65535 : i32
      %and3A_183 = vector.broadcast %and3A_182 : i32 to vector<16xi32>
      %and3A_184 = arith.andi %get3A_181, %and3A_183 : vector<16xi32>
      %swap3A_185 = arith.constant 80 : index
      %swap3A_186 = tpu.vector_load %arg7[%swap3A_185] {strides = array<i32>} : memref<96xi32, #tpu.memory_space<vmem>>, vector<16xi32>,
      %swap3A_187 = vector.shape_cast %swap3A_186 : vector<16xi32> to vector<16xi32>
      %swap3A_188 = vector.shape_cast %and3A_184 : vector<16xi32> to vector<16xi32>
      tpu.vector_store %arg7[%swap3A_185], %swap3A_188 {strides = array<i32>} : memref<96xi32, #tpu.memory_space<vmem>>, vector<16xi32>,
      %shift_right_logical3A_189 = arith.constant 16 : i32
      %shift_right_logical3A_190 = vector.broadcast %shift_right_logical3A_189 : i32 to vector<16xi32>
      %shift_right_logical3A_191 = arith.shrui %get3A_181, %shift_right_logical3A_190 : vector<16xi32>
      %swap3A_192 = arith.constant 80 : index
      %swap3A_193 = tpu.vector_load %arg10[%swap3A_192] {strides = array<i32>} : memref<96xi32, #tpu.memory_space<vmem>>, vector<16xi32>,
      %swap3A_194 = vector.shape_cast %swap3A_193 : vector<16xi32> to vector<16xi32>
      %swap3A_195 = vector.shape_cast %shift_right_logical3A_191 : vector<16xi32> to vector<16xi32>
      tpu.vector_store %arg10[%swap3A_192], %swap3A_195 {strides = array<i32>} : memref<96xi32, #tpu.memory_space<vmem>>, vector<16xi32>,
      %dma_start3A_196 = arith.constant 0 : i32
      %dma_start3A_197 = arith.constant 0 : i32
      %dma_start3A_198 = arith.constant 0 : i32
      %dma_start3A_199 = tpu.memref_slice %arg13[%dma_start3A_196, %dma_start3A_197, %dma_start3A_198] : memref<3x96x128xf32, #tpu.memory_space<vmem>> -> memref<1x96x128xf32, #tpu.memory_space<vmem>>
      %dma_start3A_200 = tpu.memref_squeeze %dma_start3A_199 : memref<1x96x128xf32, #tpu.memory_space<vmem>> -> memref<96x128xf32, #tpu.memory_space<vmem>>
      %dma_start3A_201 = arith.constant 0 : i32
      %dma_start3A_202 = arith.constant 0 : i32
      %dma_start3A_203 = tpu.memref_slice %arg2[%dma_start3A_201, %dma_start3A_202] : memref<10000x128xf32, #tpu.memory_space<hbm>> -> memref<10000x128xf32, #tpu.memory_space<hbm>>
      tpu.enqueue_indirect_dma source(%dma_start3A_203 : memref<10000x128xf32, #tpu.memory_space<hbm>>) target(%dma_start3A_200 : memref<96x128xf32, #tpu.memory_space<vmem>>) offsets(%arg7 : memref<96xi32, #tpu.memory_space<vmem>>) semaphore(%arg14 : memref<!tpu.dma_semaphore, #tpu.memory_space<semaphore_mem>>)
      %mul3A_204 = arith.constant 3 : i32
      %mul3A_205 = arith.muli %scan3A_67, %mul3A_204 : i32
      %add3A_206 = arith.constant 1 : i32
      %add3A_207 = arith.addi %mul3A_205, %add3A_206 : i32
      %gt3A_208 = arith.constant 0 : i32
      %gt3A_209 = arith.cmpi sgt, %scan3A_67, %gt3A_208 : i32
      %convert_element_type3A_210 = arith.extui %gt3A_209 : i1 to i32
      %cond3A_211 = arith.constant 0 : i32
      %cond3A_212 = arith.cmpi ne, %convert_element_type3A_210, %cond3A_211 : i32
      scf.if %cond3A_212 {
        %dma_wait3A_538 = arith.constant 1 : i32
        %dma_wait3A_539 = arith.constant 0 : i32
        %dma_wait3A_540 = arith.constant 0 : i32
        %dma_wait3A_541 = tpu.memref_slice %arg13[%dma_wait3A_538, %dma_wait3A_539, %dma_wait3A_540] : memref<3x96x128xf32, #tpu.memory_space<vmem>> -> memref<1x96x128xf32, #tpu.memory_space<vmem>>
        %dma_wait3A_542 = tpu.memref_squeeze %dma_wait3A_541 : memref<1x96x128xf32, #tpu.memory_space<vmem>> -> memref<96x128xf32, #tpu.memory_space<vmem>>
        %dma_wait3A_543 = arith.constant 0 : i32
        %dma_wait3A_544 = arith.constant 0 : i32
        %dma_wait3A_545 = tpu.memref_slice %arg5[%dma_wait3A_543, %dma_wait3A_544] : memref<10008x128xf32, #tpu.memory_space<vmem_shared>> -> memref<10008x128xf32, #tpu.memory_space<vmem_shared>>
        tpu.wait_indirect_dma semaphore(%arg18 : memref<!tpu.dma_semaphore, #tpu.memory_space<semaphore_mem>>) src(%dma_wait3A_542 : memref<96x128xf32, #tpu.memory_space<vmem>>) dst(%dma_wait3A_545 : memref<10008x128xf32, #tpu.memory_space<vmem_shared>>)
      } else {
      }
      %mul3A_213 = arith.constant 96 : i32
      %mul3A_214 = arith.muli %add3A_207, %mul3A_213 : i32
      %add3A_215 = arith.constant 0 : i32
      %add3A_216 = arith.addi %mul3A_214, %add3A_215 : i32
      %get3A_217 = arith.index_cast %add3A_216 : i32 to index
      %get3A_218 = tpu.vector_load %arg6[%get3A_217] {strides = array<i32>} : memref<10080xi32, #tpu.memory_space<vmem>>, vector<16xi32>,
      %get3A_219 = vector.shape_cast %get3A_218 : vector<16xi32> to vector<16xi32>
      %and3A_220 = arith.constant 65535 : i32
      %and3A_221 = vector.broadcast %and3A_220 : i32 to vector<16xi32>
      %and3A_222 = arith.andi %get3A_219, %and3A_221 : vector<16xi32>
      %swap3A_223 = arith.constant 0 : index
      %swap3A_224 = tpu.vector_load %arg8[%swap3A_223] {strides = array<i32>} : memref<96xi32, #tpu.memory_space<vmem>>, vector<16xi32>,
      %swap3A_225 = vector.shape_cast %swap3A_224 : vector<16xi32> to vector<16xi32>
      %swap3A_226 = vector.shape_cast %and3A_222 : vector<16xi32> to vector<16xi32>
      tpu.vector_store %arg8[%swap3A_223], %swap3A_226 {strides = array<i32>} : memref<96xi32, #tpu.memory_space<vmem>>, vector<16xi32>,
      %shift_right_logical3A_227 = arith.constant 16 : i32
      %shift_right_logical3A_228 = vector.broadcast %shift_right_logical3A_227 : i32 to vector<16xi32>
      %shift_right_logical3A_229 = arith.shrui %get3A_219, %shift_right_logical3A_228 : vector<16xi32>
      %swap3A_230 = arith.constant 0 : index
      %swap3A_231 = tpu.vector_load %arg11[%swap3A_230] {strides = array<i32>} : memref<96xi32, #tpu.memory_space<vmem>>, vector<16xi32>,
      %swap3A_232 = vector.shape_cast %swap3A_231 : vector<16xi32> to vector<16xi32>
      %swap3A_233 = vector.shape_cast %shift_right_logical3A_229 : vector<16xi32> to vector<16xi32>
      tpu.vector_store %arg11[%swap3A_230], %swap3A_233 {strides = array<i32>} : memref<96xi32, #tpu.memory_space<vmem>>, vector<16xi32>,
      %mul3A_234 = arith.constant 96 : i32
      %mul3A_235 = arith.muli %add3A_207, %mul3A_234 : i32
      %add3A_236 = arith.constant 16 : i32
      %add3A_237 = arith.addi %mul3A_235, %add3A_236 : i32
      %get3A_238 = arith.index_cast %add3A_237 : i32 to index
      %get3A_239 = tpu.vector_load %arg6[%get3A_238] {strides = array<i32>} : memref<10080xi32, #tpu.memory_space<vmem>>, vector<16xi32>,
      %get3A_240 = vector.shape_cast %get3A_239 : vector<16xi32> to vector<16xi32>
      %and3A_241 = arith.constant 65535 : i32
      %and3A_242 = vector.broadcast %and3A_241 : i32 to vector<16xi32>
      %and3A_243 = arith.andi %get3A_240, %and3A_242 : vector<16xi32>
      %swap3A_244 = arith.constant 16 : index
      %swap3A_245 = tpu.vector_load %arg8[%swap3A_244] {strides = array<i32>} : memref<96xi32, #tpu.memory_space<vmem>>, vector<16xi32>,
      %swap3A_246 = vector.shape_cast %swap3A_245 : vector<16xi32> to vector<16xi32>
      %swap3A_247 = vector.shape_cast %and3A_243 : vector<16xi32> to vector<16xi32>
      tpu.vector_store %arg8[%swap3A_244], %swap3A_247 {strides = array<i32>} : memref<96xi32, #tpu.memory_space<vmem>>, vector<16xi32>,
      %shift_right_logical3A_248 = arith.constant 16 : i32
      %shift_right_logical3A_249 = vector.broadcast %shift_right_logical3A_248 : i32 to vector<16xi32>
      %shift_right_logical3A_250 = arith.shrui %get3A_240, %shift_right_logical3A_249 : vector<16xi32>
      %swap3A_251 = arith.constant 16 : index
      %swap3A_252 = tpu.vector_load %arg11[%swap3A_251] {strides = array<i32>} : memref<96xi32, #tpu.memory_space<vmem>>, vector<16xi32>,
      %swap3A_253 = vector.shape_cast %swap3A_252 : vector<16xi32> to vector<16xi32>
      %swap3A_254 = vector.shape_cast %shift_right_logical3A_250 : vector<16xi32> to vector<16xi32>
      tpu.vector_store %arg11[%swap3A_251], %swap3A_254 {strides = array<i32>} : memref<96xi32, #tpu.memory_space<vmem>>, vector<16xi32>,
      %mul3A_255 = arith.constant 96 : i32
      %mul3A_256 = arith.muli %add3A_207, %mul3A_255 : i32
      %add3A_257 = arith.constant 32 : i32
      %add3A_258 = arith.addi %mul3A_256, %add3A_257 : i32
      %get3A_259 = arith.index_cast %add3A_258 : i32 to index
      %get3A_260 = tpu.vector_load %arg6[%get3A_259] {strides = array<i32>} : memref<10080xi32, #tpu.memory_space<vmem>>, vector<16xi32>,
      %get3A_261 = vector.shape_cast %get3A_260 : vector<16xi32> to vector<16xi32>
      %and3A_262 = arith.constant 65535 : i32
      %and3A_263 = vector.broadcast %and3A_262 : i32 to vector<16xi32>
      %and3A_264 = arith.andi %get3A_261, %and3A_263 : vector<16xi32>
      %swap3A_265 = arith.constant 32 : index
      %swap3A_266 = tpu.vector_load %arg8[%swap3A_265] {strides = array<i32>} : memref<96xi32, #tpu.memory_space<vmem>>, vector<16xi32>,
      %swap3A_267 = vector.shape_cast %swap3A_266 : vector<16xi32> to vector<16xi32>
      %swap3A_268 = vector.shape_cast %and3A_264 : vector<16xi32> to vector<16xi32>
      tpu.vector_store %arg8[%swap3A_265], %swap3A_268 {strides = array<i32>} : memref<96xi32, #tpu.memory_space<vmem>>, vector<16xi32>,
      %shift_right_logical3A_269 = arith.constant 16 : i32
      %shift_right_logical3A_270 = vector.broadcast %shift_right_logical3A_269 : i32 to vector<16xi32>
      %shift_right_logical3A_271 = arith.shrui %get3A_261, %shift_right_logical3A_270 : vector<16xi32>
      %swap3A_272 = arith.constant 32 : index
      %swap3A_273 = tpu.vector_load %arg11[%swap3A_272] {strides = array<i32>} : memref<96xi32, #tpu.memory_space<vmem>>, vector<16xi32>,
      %swap3A_274 = vector.shape_cast %swap3A_273 : vector<16xi32> to vector<16xi32>
      %swap3A_275 = vector.shape_cast %shift_right_logical3A_271 : vector<16xi32> to vector<16xi32>
      tpu.vector_store %arg11[%swap3A_272], %swap3A_275 {strides = array<i32>} : memref<96xi32, #tpu.memory_space<vmem>>, vector<16xi32>,
      %mul3A_276 = arith.constant 96 : i32
      %mul3A_277 = arith.muli %add3A_207, %mul3A_276 : i32
      %add3A_278 = arith.constant 48 : i32
      %add3A_279 = arith.addi %mul3A_277, %add3A_278 : i32
      %get3A_280 = arith.index_cast %add3A_279 : i32 to index
      %get3A_281 = tpu.vector_load %arg6[%get3A_280] {strides = array<i32>} : memref<10080xi32, #tpu.memory_space<vmem>>, vector<16xi32>,
      %get3A_282 = vector.shape_cast %get3A_281 : vector<16xi32> to vector<16xi32>
      %and3A_283 = arith.constant 65535 : i32
      %and3A_284 = vector.broadcast %and3A_283 : i32 to vector<16xi32>
      %and3A_285 = arith.andi %get3A_282, %and3A_284 : vector<16xi32>
      %swap3A_286 = arith.constant 48 : index
      %swap3A_287 = tpu.vector_load %arg8[%swap3A_286] {strides = array<i32>} : memref<96xi32, #tpu.memory_space<vmem>>, vector<16xi32>,
      %swap3A_288 = vector.shape_cast %swap3A_287 : vector<16xi32> to vector<16xi32>
      %swap3A_289 = vector.shape_cast %and3A_285 : vector<16xi32> to vector<16xi32>
      tpu.vector_store %arg8[%swap3A_286], %swap3A_289 {strides = array<i32>} : memref<96xi32, #tpu.memory_space<vmem>>, vector<16xi32>,
      %shift_right_logical3A_290 = arith.constant 16 : i32
      %shift_right_logical3A_291 = vector.broadcast %shift_right_logical3A_290 : i32 to vector<16xi32>
      %shift_right_logical3A_292 = arith.shrui %get3A_282, %shift_right_logical3A_291 : vector<16xi32>
      %swap3A_293 = arith.constant 48 : index
      %swap3A_294 = tpu.vector_load %arg11[%swap3A_293] {strides = array<i32>} : memref<96xi32, #tpu.memory_space<vmem>>, vector<16xi32>,
      %swap3A_295 = vector.shape_cast %swap3A_294 : vector<16xi32> to vector<16xi32>
      %swap3A_296 = vector.shape_cast %shift_right_logical3A_292 : vector<16xi32> to vector<16xi32>
      tpu.vector_store %arg11[%swap3A_293], %swap3A_296 {strides = array<i32>} : memref<96xi32, #tpu.memory_space<vmem>>, vector<16xi32>,
      %mul3A_297 = arith.constant 96 : i32
      %mul3A_298 = arith.muli %add3A_207, %mul3A_297 : i32
      %add3A_299 = arith.constant 64 : i32
      %add3A_300 = arith.addi %mul3A_298, %add3A_299 : i32
      %get3A_301 = arith.index_cast %add3A_300 : i32 to index
      %get3A_302 = tpu.vector_load %arg6[%get3A_301] {strides = array<i32>} : memref<10080xi32, #tpu.memory_space<vmem>>, vector<16xi32>,
      %get3A_303 = vector.shape_cast %get3A_302 : vector<16xi32> to vector<16xi32>
      %and3A_304 = arith.constant 65535 : i32
      %and3A_305 = vector.broadcast %and3A_304 : i32 to vector<16xi32>
      %and3A_306 = arith.andi %get3A_303, %and3A_305 : vector<16xi32>
      %swap3A_307 = arith.constant 64 : index
      %swap3A_308 = tpu.vector_load %arg8[%swap3A_307] {strides = array<i32>} : memref<96xi32, #tpu.memory_space<vmem>>, vector<16xi32>,
      %swap3A_309 = vector.shape_cast %swap3A_308 : vector<16xi32> to vector<16xi32>
      %swap3A_310 = vector.shape_cast %and3A_306 : vector<16xi32> to vector<16xi32>
      tpu.vector_store %arg8[%swap3A_307], %swap3A_310 {strides = array<i32>} : memref<96xi32, #tpu.memory_space<vmem>>, vector<16xi32>,
      %shift_right_logical3A_311 = arith.constant 16 : i32
      %shift_right_logical3A_312 = vector.broadcast %shift_right_logical3A_311 : i32 to vector<16xi32>
      %shift_right_logical3A_313 = arith.shrui %get3A_303, %shift_right_logical3A_312 : vector<16xi32>
      %swap3A_314 = arith.constant 64 : index
      %swap3A_315 = tpu.vector_load %arg11[%swap3A_314] {strides = array<i32>} : memref<96xi32, #tpu.memory_space<vmem>>, vector<16xi32>,
      %swap3A_316 = vector.shape_cast %swap3A_315 : vector<16xi32> to vector<16xi32>
      %swap3A_317 = vector.shape_cast %shift_right_logical3A_313 : vector<16xi32> to vector<16xi32>
      tpu.vector_store %arg11[%swap3A_314], %swap3A_317 {strides = array<i32>} : memref<96xi32, #tpu.memory_space<vmem>>, vector<16xi32>,
      %mul3A_318 = arith.constant 96 : i32
      %mul3A_319 = arith.muli %add3A_207, %mul3A_318 : i32
      %add3A_320 = arith.constant 80 : i32
      %add3A_321 = arith.addi %mul3A_319, %add3A_320 : i32
      %get3A_322 = arith.index_cast %add3A_321 : i32 to index
      %get3A_323 = tpu.vector_load %arg6[%get3A_322] {strides = array<i32>} : memref<10080xi32, #tpu.memory_space<vmem>>, vector<16xi32>,
      %get3A_324 = vector.shape_cast %get3A_323 : vector<16xi32> to vector<16xi32>
      %and3A_325 = arith.constant 65535 : i32
      %and3A_326 = vector.broadcast %and3A_325 : i32 to vector<16xi32>
      %and3A_327 = arith.andi %get3A_324, %and3A_326 : vector<16xi32>
      %swap3A_328 = arith.constant 80 : index
      %swap3A_329 = tpu.vector_load %arg8[%swap3A_328] {strides = array<i32>} : memref<96xi32, #tpu.memory_space<vmem>>, vector<16xi32>,
      %swap3A_330 = vector.shape_cast %swap3A_329 : vector<16xi32> to vector<16xi32>
      %swap3A_331 = vector.shape_cast %and3A_327 : vector<16xi32> to vector<16xi32>
      tpu.vector_store %arg8[%swap3A_328], %swap3A_331 {strides = array<i32>} : memref<96xi32, #tpu.memory_space<vmem>>, vector<16xi32>,
      %shift_right_logical3A_332 = arith.constant 16 : i32
      %shift_right_logical3A_333 = vector.broadcast %shift_right_logical3A_332 : i32 to vector<16xi32>
      %shift_right_logical3A_334 = arith.shrui %get3A_324, %shift_right_logical3A_333 : vector<16xi32>
      %swap3A_335 = arith.constant 80 : index
      %swap3A_336 = tpu.vector_load %arg11[%swap3A_335] {strides = array<i32>} : memref<96xi32, #tpu.memory_space<vmem>>, vector<16xi32>,
      %swap3A_337 = vector.shape_cast %swap3A_336 : vector<16xi32> to vector<16xi32>
      %swap3A_338 = vector.shape_cast %shift_right_logical3A_334 : vector<16xi32> to vector<16xi32>
      tpu.vector_store %arg11[%swap3A_335], %swap3A_338 {strides = array<i32>} : memref<96xi32, #tpu.memory_space<vmem>>, vector<16xi32>,
      %dma_start3A_339 = arith.constant 1 : i32
      %dma_start3A_340 = arith.constant 0 : i32
      %dma_start3A_341 = arith.constant 0 : i32
      %dma_start3A_342 = tpu.memref_slice %arg13[%dma_start3A_339, %dma_start3A_340, %dma_start3A_341] : memref<3x96x128xf32, #tpu.memory_space<vmem>> -> memref<1x96x128xf32, #tpu.memory_space<vmem>>
      %dma_start3A_343 = tpu.memref_squeeze %dma_start3A_342 : memref<1x96x128xf32, #tpu.memory_space<vmem>> -> memref<96x128xf32, #tpu.memory_space<vmem>>
      %dma_start3A_344 = arith.constant 0 : i32
      %dma_start3A_345 = arith.constant 0 : i32
      %dma_start3A_346 = tpu.memref_slice %arg2[%dma_start3A_344, %dma_start3A_345] : memref<10000x128xf32, #tpu.memory_space<hbm>> -> memref<10000x128xf32, #tpu.memory_space<hbm>>
      tpu.enqueue_indirect_dma source(%dma_start3A_346 : memref<10000x128xf32, #tpu.memory_space<hbm>>) target(%dma_start3A_343 : memref<96x128xf32, #tpu.memory_space<vmem>>) offsets(%arg8 : memref<96xi32, #tpu.memory_space<vmem>>) semaphore(%arg15 : memref<!tpu.dma_semaphore, #tpu.memory_space<semaphore_mem>>)
      %mul3A_347 = arith.constant 3 : i32
      %mul3A_348 = arith.muli %scan3A_67, %mul3A_347 : i32
      %add3A_349 = arith.constant 2 : i32
      %add3A_350 = arith.addi %mul3A_348, %add3A_349 : i32
      %gt3A_351 = arith.constant 0 : i32
      %gt3A_352 = arith.cmpi sgt, %scan3A_67, %gt3A_351 : i32
      %convert_element_type3A_353 = arith.extui %gt3A_352 : i1 to i32
      %cond3A_354 = arith.constant 0 : i32
      %cond3A_355 = arith.cmpi ne, %convert_element_type3A_353, %cond3A_354 : i32
      scf.if %cond3A_355 {
        %dma_wait3A_538 = arith.constant 2 : i32
        %dma_wait3A_539 = arith.constant 0 : i32
        %dma_wait3A_540 = arith.constant 0 : i32
        %dma_wait3A_541 = tpu.memref_slice %arg13[%dma_wait3A_538, %dma_wait3A_539, %dma_wait3A_540] : memref<3x96x128xf32, #tpu.memory_space<vmem>> -> memref<1x96x128xf32, #tpu.memory_space<vmem>>
        %dma_wait3A_542 = tpu.memref_squeeze %dma_wait3A_541 : memref<1x96x128xf32, #tpu.memory_space<vmem>> -> memref<96x128xf32, #tpu.memory_space<vmem>>
        %dma_wait3A_543 = arith.constant 0 : i32
        %dma_wait3A_544 = arith.constant 0 : i32
        %dma_wait3A_545 = tpu.memref_slice %arg5[%dma_wait3A_543, %dma_wait3A_544] : memref<10008x128xf32, #tpu.memory_space<vmem_shared>> -> memref<10008x128xf32, #tpu.memory_space<vmem_shared>>
        tpu.wait_indirect_dma semaphore(%arg19 : memref<!tpu.dma_semaphore, #tpu.memory_space<semaphore_mem>>) src(%dma_wait3A_542 : memref<96x128xf32, #tpu.memory_space<vmem>>) dst(%dma_wait3A_545 : memref<10008x128xf32, #tpu.memory_space<vmem_shared>>)
      } else {
      }
      %mul3A_356 = arith.constant 96 : i32
      %mul3A_357 = arith.muli %add3A_350, %mul3A_356 : i32
      %add3A_358 = arith.constant 0 : i32
      %add3A_359 = arith.addi %mul3A_357, %add3A_358 : i32
      %get3A_360 = arith.index_cast %add3A_359 : i32 to index
      %get3A_361 = tpu.vector_load %arg6[%get3A_360] {strides = array<i32>} : memref<10080xi32, #tpu.memory_space<vmem>>, vector<16xi32>,
      %get3A_362 = vector.shape_cast %get3A_361 : vector<16xi32> to vector<16xi32>
      %and3A_363 = arith.constant 65535 : i32
      %and3A_364 = vector.broadcast %and3A_363 : i32 to vector<16xi32>
      %and3A_365 = arith.andi %get3A_362, %and3A_364 : vector<16xi32>
      %swap3A_366 = arith.constant 0 : index
      %swap3A_367 = tpu.vector_load %arg9[%swap3A_366] {strides = array<i32>} : memref<96xi32, #tpu.memory_space<vmem>>, vector<16xi32>,
      %swap3A_368 = vector.shape_cast %swap3A_367 : vector<16xi32> to vector<16xi32>
      %swap3A_369 = vector.shape_cast %and3A_365 : vector<16xi32> to vector<16xi32>
      tpu.vector_store %arg9[%swap3A_366], %swap3A_369 {strides = array<i32>} : memref<96xi32, #tpu.memory_space<vmem>>, vector<16xi32>,
      %shift_right_logical3A_370 = arith.constant 16 : i32
      %shift_right_logical3A_371 = vector.broadcast %shift_right_logical3A_370 : i32 to vector<16xi32>
      %shift_right_logical3A_372 = arith.shrui %get3A_362, %shift_right_logical3A_371 : vector<16xi32>
      %swap3A_373 = arith.constant 0 : index
      %swap3A_374 = tpu.vector_load %arg12[%swap3A_373] {strides = array<i32>} : memref<96xi32, #tpu.memory_space<vmem>>, vector<16xi32>,
      %swap3A_375 = vector.shape_cast %swap3A_374 : vector<16xi32> to vector<16xi32>
      %swap3A_376 = vector.shape_cast %shift_right_logical3A_372 : vector<16xi32> to vector<16xi32>
      tpu.vector_store %arg12[%swap3A_373], %swap3A_376 {strides = array<i32>} : memref<96xi32, #tpu.memory_space<vmem>>, vector<16xi32>,
      %mul3A_377 = arith.constant 96 : i32
      %mul3A_378 = arith.muli %add3A_350, %mul3A_377 : i32
      %add3A_379 = arith.constant 16 : i32
      %add3A_380 = arith.addi %mul3A_378, %add3A_379 : i32
      %get3A_381 = arith.index_cast %add3A_380 : i32 to index
      %get3A_382 = tpu.vector_load %arg6[%get3A_381] {strides = array<i32>} : memref<10080xi32, #tpu.memory_space<vmem>>, vector<16xi32>,
      %get3A_383 = vector.shape_cast %get3A_382 : vector<16xi32> to vector<16xi32>
      %and3A_384 = arith.constant 65535 : i32
      %and3A_385 = vector.broadcast %and3A_384 : i32 to vector<16xi32>
      %and3A_386 = arith.andi %get3A_383, %and3A_385 : vector<16xi32>
      %swap3A_387 = arith.constant 16 : index
      %swap3A_388 = tpu.vector_load %arg9[%swap3A_387] {strides = array<i32>} : memref<96xi32, #tpu.memory_space<vmem>>, vector<16xi32>,
      %swap3A_389 = vector.shape_cast %swap3A_388 : vector<16xi32> to vector<16xi32>
      %swap3A_390 = vector.shape_cast %and3A_386 : vector<16xi32> to vector<16xi32>
      tpu.vector_store %arg9[%swap3A_387], %swap3A_390 {strides = array<i32>} : memref<96xi32, #tpu.memory_space<vmem>>, vector<16xi32>,
      %shift_right_logical3A_391 = arith.constant 16 : i32
      %shift_right_logical3A_392 = vector.broadcast %shift_right_logical3A_391 : i32 to vector<16xi32>
      %shift_right_logical3A_393 = arith.shrui %get3A_383, %shift_right_logical3A_392 : vector<16xi32>
      %swap3A_394 = arith.constant 16 : index
      %swap3A_395 = tpu.vector_load %arg12[%swap3A_394] {strides = array<i32>} : memref<96xi32, #tpu.memory_space<vmem>>, vector<16xi32>,
      %swap3A_396 = vector.shape_cast %swap3A_395 : vector<16xi32> to vector<16xi32>
      %swap3A_397 = vector.shape_cast %shift_right_logical3A_393 : vector<16xi32> to vector<16xi32>
      tpu.vector_store %arg12[%swap3A_394], %swap3A_397 {strides = array<i32>} : memref<96xi32, #tpu.memory_space<vmem>>, vector<16xi32>,
      %mul3A_398 = arith.constant 96 : i32
      %mul3A_399 = arith.muli %add3A_350, %mul3A_398 : i32
      %add3A_400 = arith.constant 32 : i32
      %add3A_401 = arith.addi %mul3A_399, %add3A_400 : i32
      %get3A_402 = arith.index_cast %add3A_401 : i32 to index
      %get3A_403 = tpu.vector_load %arg6[%get3A_402] {strides = array<i32>} : memref<10080xi32, #tpu.memory_space<vmem>>, vector<16xi32>,
      %get3A_404 = vector.shape_cast %get3A_403 : vector<16xi32> to vector<16xi32>
      %and3A_405 = arith.constant 65535 : i32
      %and3A_406 = vector.broadcast %and3A_405 : i32 to vector<16xi32>
      %and3A_407 = arith.andi %get3A_404, %and3A_406 : vector<16xi32>
      %swap3A_408 = arith.constant 32 : index
      %swap3A_409 = tpu.vector_load %arg9[%swap3A_408] {strides = array<i32>} : memref<96xi32, #tpu.memory_space<vmem>>, vector<16xi32>,
      %swap3A_410 = vector.shape_cast %swap3A_409 : vector<16xi32> to vector<16xi32>
      %swap3A_411 = vector.shape_cast %and3A_407 : vector<16xi32> to vector<16xi32>
      tpu.vector_store %arg9[%swap3A_408], %swap3A_411 {strides = array<i32>} : memref<96xi32, #tpu.memory_space<vmem>>, vector<16xi32>,
      %shift_right_logical3A_412 = arith.constant 16 : i32
      %shift_right_logical3A_413 = vector.broadcast %shift_right_logical3A_412 : i32 to vector<16xi32>
      %shift_right_logical3A_414 = arith.shrui %get3A_404, %shift_right_logical3A_413 : vector<16xi32>
      %swap3A_415 = arith.constant 32 : index
      %swap3A_416 = tpu.vector_load %arg12[%swap3A_415] {strides = array<i32>} : memref<96xi32, #tpu.memory_space<vmem>>, vector<16xi32>,
      %swap3A_417 = vector.shape_cast %swap3A_416 : vector<16xi32> to vector<16xi32>
      %swap3A_418 = vector.shape_cast %shift_right_logical3A_414 : vector<16xi32> to vector<16xi32>
      tpu.vector_store %arg12[%swap3A_415], %swap3A_418 {strides = array<i32>} : memref<96xi32, #tpu.memory_space<vmem>>, vector<16xi32>,
      %mul3A_419 = arith.constant 96 : i32
      %mul3A_420 = arith.muli %add3A_350, %mul3A_419 : i32
      %add3A_421 = arith.constant 48 : i32
      %add3A_422 = arith.addi %mul3A_420, %add3A_421 : i32
      %get3A_423 = arith.index_cast %add3A_422 : i32 to index
      %get3A_424 = tpu.vector_load %arg6[%get3A_423] {strides = array<i32>} : memref<10080xi32, #tpu.memory_space<vmem>>, vector<16xi32>,
      %get3A_425 = vector.shape_cast %get3A_424 : vector<16xi32> to vector<16xi32>
      %and3A_426 = arith.constant 65535 : i32
      %and3A_427 = vector.broadcast %and3A_426 : i32 to vector<16xi32>
      %and3A_428 = arith.andi %get3A_425, %and3A_427 : vector<16xi32>
      %swap3A_429 = arith.constant 48 : index
      %swap3A_430 = tpu.vector_load %arg9[%swap3A_429] {strides = array<i32>} : memref<96xi32, #tpu.memory_space<vmem>>, vector<16xi32>,
      %swap3A_431 = vector.shape_cast %swap3A_430 : vector<16xi32> to vector<16xi32>
      %swap3A_432 = vector.shape_cast %and3A_428 : vector<16xi32> to vector<16xi32>
      tpu.vector_store %arg9[%swap3A_429], %swap3A_432 {strides = array<i32>} : memref<96xi32, #tpu.memory_space<vmem>>, vector<16xi32>,
      %shift_right_logical3A_433 = arith.constant 16 : i32
      %shift_right_logical3A_434 = vector.broadcast %shift_right_logical3A_433 : i32 to vector<16xi32>
      %shift_right_logical3A_435 = arith.shrui %get3A_425, %shift_right_logical3A_434 : vector<16xi32>
      %swap3A_436 = arith.constant 48 : index
      %swap3A_437 = tpu.vector_load %arg12[%swap3A_436] {strides = array<i32>} : memref<96xi32, #tpu.memory_space<vmem>>, vector<16xi32>,
      %swap3A_438 = vector.shape_cast %swap3A_437 : vector<16xi32> to vector<16xi32>
      %swap3A_439 = vector.shape_cast %shift_right_logical3A_435 : vector<16xi32> to vector<16xi32>
      tpu.vector_store %arg12[%swap3A_436], %swap3A_439 {strides = array<i32>} : memref<96xi32, #tpu.memory_space<vmem>>, vector<16xi32>,
      %mul3A_440 = arith.constant 96 : i32
      %mul3A_441 = arith.muli %add3A_350, %mul3A_440 : i32
      %add3A_442 = arith.constant 64 : i32
      %add3A_443 = arith.addi %mul3A_441, %add3A_442 : i32
      %get3A_444 = arith.index_cast %add3A_443 : i32 to index
      %get3A_445 = tpu.vector_load %arg6[%get3A_444] {strides = array<i32>} : memref<10080xi32, #tpu.memory_space<vmem>>, vector<16xi32>,
      %get3A_446 = vector.shape_cast %get3A_445 : vector<16xi32> to vector<16xi32>
      %and3A_447 = arith.constant 65535 : i32
      %and3A_448 = vector.broadcast %and3A_447 : i32 to vector<16xi32>
      %and3A_449 = arith.andi %get3A_446, %and3A_448 : vector<16xi32>
      %swap3A_450 = arith.constant 64 : index
      %swap3A_451 = tpu.vector_load %arg9[%swap3A_450] {strides = array<i32>} : memref<96xi32, #tpu.memory_space<vmem>>, vector<16xi32>,
      %swap3A_452 = vector.shape_cast %swap3A_451 : vector<16xi32> to vector<16xi32>
      %swap3A_453 = vector.shape_cast %and3A_449 : vector<16xi32> to vector<16xi32>
      tpu.vector_store %arg9[%swap3A_450], %swap3A_453 {strides = array<i32>} : memref<96xi32, #tpu.memory_space<vmem>>, vector<16xi32>,
      %shift_right_logical3A_454 = arith.constant 16 : i32
      %shift_right_logical3A_455 = vector.broadcast %shift_right_logical3A_454 : i32 to vector<16xi32>
      %shift_right_logical3A_456 = arith.shrui %get3A_446, %shift_right_logical3A_455 : vector<16xi32>
      %swap3A_457 = arith.constant 64 : index
      %swap3A_458 = tpu.vector_load %arg12[%swap3A_457] {strides = array<i32>} : memref<96xi32, #tpu.memory_space<vmem>>, vector<16xi32>,
      %swap3A_459 = vector.shape_cast %swap3A_458 : vector<16xi32> to vector<16xi32>
      %swap3A_460 = vector.shape_cast %shift_right_logical3A_456 : vector<16xi32> to vector<16xi32>
      tpu.vector_store %arg12[%swap3A_457], %swap3A_460 {strides = array<i32>} : memref<96xi32, #tpu.memory_space<vmem>>, vector<16xi32>,
      %mul3A_461 = arith.constant 96 : i32
      %mul3A_462 = arith.muli %add3A_350, %mul3A_461 : i32
      %add3A_463 = arith.constant 80 : i32
      %add3A_464 = arith.addi %mul3A_462, %add3A_463 : i32
      %get3A_465 = arith.index_cast %add3A_464 : i32 to index
      %get3A_466 = tpu.vector_load %arg6[%get3A_465] {strides = array<i32>} : memref<10080xi32, #tpu.memory_space<vmem>>, vector<16xi32>,
      %get3A_467 = vector.shape_cast %get3A_466 : vector<16xi32> to vector<16xi32>
      %and3A_468 = arith.constant 65535 : i32
      %and3A_469 = vector.broadcast %and3A_468 : i32 to vector<16xi32>
      %and3A_470 = arith.andi %get3A_467, %and3A_469 : vector<16xi32>
      %swap3A_471 = arith.constant 80 : index
      %swap3A_472 = tpu.vector_load %arg9[%swap3A_471] {strides = array<i32>} : memref<96xi32, #tpu.memory_space<vmem>>, vector<16xi32>,
      %swap3A_473 = vector.shape_cast %swap3A_472 : vector<16xi32> to vector<16xi32>
      %swap3A_474 = vector.shape_cast %and3A_470 : vector<16xi32> to vector<16xi32>
      tpu.vector_store %arg9[%swap3A_471], %swap3A_474 {strides = array<i32>} : memref<96xi32, #tpu.memory_space<vmem>>, vector<16xi32>,
      %shift_right_logical3A_475 = arith.constant 16 : i32
      %shift_right_logical3A_476 = vector.broadcast %shift_right_logical3A_475 : i32 to vector<16xi32>
      %shift_right_logical3A_477 = arith.shrui %get3A_467, %shift_right_logical3A_476 : vector<16xi32>
      %swap3A_478 = arith.constant 80 : index
      %swap3A_479 = tpu.vector_load %arg12[%swap3A_478] {strides = array<i32>} : memref<96xi32, #tpu.memory_space<vmem>>, vector<16xi32>,
      %swap3A_480 = vector.shape_cast %swap3A_479 : vector<16xi32> to vector<16xi32>
      %swap3A_481 = vector.shape_cast %shift_right_logical3A_477 : vector<16xi32> to vector<16xi32>
      tpu.vector_store %arg12[%swap3A_478], %swap3A_481 {strides = array<i32>} : memref<96xi32, #tpu.memory_space<vmem>>, vector<16xi32>,
      %dma_start3A_482 = arith.constant 2 : i32
      %dma_start3A_483 = arith.constant 0 : i32
      %dma_start3A_484 = arith.constant 0 : i32
      %dma_start3A_485 = tpu.memref_slice %arg13[%dma_start3A_482, %dma_start3A_483, %dma_start3A_484] : memref<3x96x128xf32, #tpu.memory_space<vmem>> -> memref<1x96x128xf32, #tpu.memory_space<vmem>>
      %dma_start3A_486 = tpu.memref_squeeze %dma_start3A_485 : memref<1x96x128xf32, #tpu.memory_space<vmem>> -> memref<96x128xf32, #tpu.memory_space<vmem>>
      %dma_start3A_487 = arith.constant 0 : i32
      %dma_start3A_488 = arith.constant 0 : i32
      %dma_start3A_489 = tpu.memref_slice %arg2[%dma_start3A_487, %dma_start3A_488] : memref<10000x128xf32, #tpu.memory_space<hbm>> -> memref<10000x128xf32, #tpu.memory_space<hbm>>
      tpu.enqueue_indirect_dma source(%dma_start3A_489 : memref<10000x128xf32, #tpu.memory_space<hbm>>) target(%dma_start3A_486 : memref<96x128xf32, #tpu.memory_space<vmem>>) offsets(%arg9 : memref<96xi32, #tpu.memory_space<vmem>>) semaphore(%arg16 : memref<!tpu.dma_semaphore, #tpu.memory_space<semaphore_mem>>)
      %dma_wait3A_490 = arith.constant 0 : i32
      %dma_wait3A_491 = arith.constant 0 : i32
      %dma_wait3A_492 = arith.constant 0 : i32
      %dma_wait3A_493 = tpu.memref_slice %arg13[%dma_wait3A_490, %dma_wait3A_491, %dma_wait3A_492] : memref<3x96x128xf32, #tpu.memory_space<vmem>> -> memref<1x96x128xf32, #tpu.memory_space<vmem>>
      %dma_wait3A_494 = tpu.memref_squeeze %dma_wait3A_493 : memref<1x96x128xf32, #tpu.memory_space<vmem>> -> memref<96x128xf32, #tpu.memory_space<vmem>>
      %dma_wait3A_495 = arith.constant 0 : i32
      %dma_wait3A_496 = arith.constant 0 : i32
      %dma_wait3A_497 = tpu.memref_slice %arg2[%dma_wait3A_495, %dma_wait3A_496] : memref<10000x128xf32, #tpu.memory_space<hbm>> -> memref<10000x128xf32, #tpu.memory_space<hbm>>
      tpu.wait_indirect_dma semaphore(%arg14 : memref<!tpu.dma_semaphore, #tpu.memory_space<semaphore_mem>>) src(%dma_wait3A_497 : memref<10000x128xf32, #tpu.memory_space<hbm>>) dst(%dma_wait3A_494 : memref<96x128xf32, #tpu.memory_space<vmem>>)
      %dma_start3A_498 = arith.constant 0 : i32
      %dma_start3A_499 = arith.constant 0 : i32
      %dma_start3A_500 = arith.constant 0 : i32
      %dma_start3A_501 = tpu.memref_slice %arg13[%dma_start3A_498, %dma_start3A_499, %dma_start3A_500] : memref<3x96x128xf32, #tpu.memory_space<vmem>> -> memref<1x96x128xf32, #tpu.memory_space<vmem>>
      %dma_start3A_502 = tpu.memref_squeeze %dma_start3A_501 : memref<1x96x128xf32, #tpu.memory_space<vmem>> -> memref<96x128xf32, #tpu.memory_space<vmem>>
      %dma_start3A_503 = arith.constant 0 : i32
      %dma_start3A_504 = arith.constant 0 : i32
      %dma_start3A_505 = tpu.memref_slice %arg5[%dma_start3A_503, %dma_start3A_504] : memref<10008x128xf32, #tpu.memory_space<vmem_shared>> -> memref<10008x128xf32, #tpu.memory_space<vmem_shared>>
      tpu.enqueue_indirect_dma source(%dma_start3A_502 : memref<96x128xf32, #tpu.memory_space<vmem>>) target(%dma_start3A_505 : memref<10008x128xf32, #tpu.memory_space<vmem_shared>>) offsets(%arg10 : memref<96xi32, #tpu.memory_space<vmem>>) semaphore(%arg17 : memref<!tpu.dma_semaphore, #tpu.memory_space<semaphore_mem>>) {add = true}
      %dma_wait3A_506 = arith.constant 1 : i32
      %dma_wait3A_507 = arith.constant 0 : i32
      %dma_wait3A_508 = arith.constant 0 : i32
      %dma_wait3A_509 = tpu.memref_slice %arg13[%dma_wait3A_506, %dma_wait3A_507, %dma_wait3A_508] : memref<3x96x128xf32, #tpu.memory_space<vmem>> -> memref<1x96x128xf32, #tpu.memory_space<vmem>>
      %dma_wait3A_510 = tpu.memref_squeeze %dma_wait3A_509 : memref<1x96x128xf32, #tpu.memory_space<vmem>> -> memref<96x128xf32, #tpu.memory_space<vmem>>
      %dma_wait3A_511 = arith.constant 0 : i32
      %dma_wait3A_512 = arith.constant 0 : i32
      %dma_wait3A_513 = tpu.memref_slice %arg2[%dma_wait3A_511, %dma_wait3A_512] : memref<10000x128xf32, #tpu.memory_space<hbm>> -> memref<10000x128xf32, #tpu.memory_space<hbm>>
      tpu.wait_indirect_dma semaphore(%arg15 : memref<!tpu.dma_semaphore, #tpu.memory_space<semaphore_mem>>) src(%dma_wait3A_513 : memref<10000x128xf32, #tpu.memory_space<hbm>>) dst(%dma_wait3A_510 : memref<96x128xf32, #tpu.memory_space<vmem>>)
      %dma_start3A_514 = arith.constant 1 : i32
      %dma_start3A_515 = arith.constant 0 : i32
      %dma_start3A_516 = arith.constant 0 : i32
      %dma_start3A_517 = tpu.memref_slice %arg13[%dma_start3A_514, %dma_start3A_515, %dma_start3A_516] : memref<3x96x128xf32, #tpu.memory_space<vmem>> -> memref<1x96x128xf32, #tpu.memory_space<vmem>>
      %dma_start3A_518 = tpu.memref_squeeze %dma_start3A_517 : memref<1x96x128xf32, #tpu.memory_space<vmem>> -> memref<96x128xf32, #tpu.memory_space<vmem>>
      %dma_start3A_519 = arith.constant 0 : i32
      %dma_start3A_520 = arith.constant 0 : i32
      %dma_start3A_521 = tpu.memref_slice %arg5[%dma_start3A_519, %dma_start3A_520] : memref<10008x128xf32, #tpu.memory_space<vmem_shared>> -> memref<10008x128xf32, #tpu.memory_space<vmem_shared>>
      tpu.enqueue_indirect_dma source(%dma_start3A_518 : memref<96x128xf32, #tpu.memory_space<vmem>>) target(%dma_start3A_521 : memref<10008x128xf32, #tpu.memory_space<vmem_shared>>) offsets(%arg11 : memref<96xi32, #tpu.memory_space<vmem>>) semaphore(%arg18 : memref<!tpu.dma_semaphore, #tpu.memory_space<semaphore_mem>>) {add = true}
      %dma_wait3A_522 = arith.constant 2 : i32
      %dma_wait3A_523 = arith.constant 0 : i32
      %dma_wait3A_524 = arith.constant 0 : i32
      %dma_wait3A_525 = tpu.memref_slice %arg13[%dma_wait3A_522, %dma_wait3A_523, %dma_wait3A_524] : memref<3x96x128xf32, #tpu.memory_space<vmem>> -> memref<1x96x128xf32, #tpu.memory_space<vmem>>
      %dma_wait3A_526 = tpu.memref_squeeze %dma_wait3A_525 : memref<1x96x128xf32, #tpu.memory_space<vmem>> -> memref<96x128xf32, #tpu.memory_space<vmem>>
      %dma_wait3A_527 = arith.constant 0 : i32
      %dma_wait3A_528 = arith.constant 0 : i32
      %dma_wait3A_529 = tpu.memref_slice %arg2[%dma_wait3A_527, %dma_wait3A_528] : memref<10000x128xf32, #tpu.memory_space<hbm>> -> memref<10000x128xf32, #tpu.memory_space<hbm>>
      tpu.wait_indirect_dma semaphore(%arg16 : memref<!tpu.dma_semaphore, #tpu.memory_space<semaphore_mem>>) src(%dma_wait3A_529 : memref<10000x128xf32, #tpu.memory_space<hbm>>) dst(%dma_wait3A_526 : memref<96x128xf32, #tpu.memory_space<vmem>>)
      %dma_start3A_530 = arith.constant 2 : i32
      %dma_start3A_531 = arith.constant 0 : i32
      %dma_start3A_532 = arith.constant 0 : i32
      %dma_start3A_533 = tpu.memref_slice %arg13[%dma_start3A_530, %dma_start3A_531, %dma_start3A_532] : memref<3x96x128xf32, #tpu.memory_space<vmem>> -> memref<1x96x128xf32, #tpu.memory_space<vmem>>
      %dma_start3A_534 = tpu.memref_squeeze %dma_start3A_533 : memref<1x96x128xf32, #tpu.memory_space<vmem>> -> memref<96x128xf32, #tpu.memory_space<vmem>>
      %dma_start3A_535 = arith.constant 0 : i32
      %dma_start3A_536 = arith.constant 0 : i32
      %dma_start3A_537 = tpu.memref_slice %arg5[%dma_start3A_535, %dma_start3A_536] : memref<10008x128xf32, #tpu.memory_space<vmem_shared>> -> memref<10008x128xf32, #tpu.memory_space<vmem_shared>>
      tpu.enqueue_indirect_dma source(%dma_start3A_534 : memref<96x128xf32, #tpu.memory_space<vmem>>) target(%dma_start3A_537 : memref<10008x128xf32, #tpu.memory_space<vmem_shared>>) offsets(%arg12 : memref<96xi32, #tpu.memory_space<vmem>>) semaphore(%arg19 : memref<!tpu.dma_semaphore, #tpu.memory_space<semaphore_mem>>) {add = true}
    }
    %scan3A_35 = arith.constant 35 : i32
    %dma_wait3A_36 = arith.constant 0 : i32
    %dma_wait3A_37 = arith.constant 0 : i32
    %dma_wait3A_38 = arith.constant 0 : i32
    %dma_wait3A_39 = tpu.memref_slice %arg13[%dma_wait3A_36, %dma_wait3A_37, %dma_wait3A_38] : memref<3x96x128xf32, #tpu.memory_space<vmem>> -> memref<1x96x128xf32, #tpu.memory_space<vmem>>
    %dma_wait3A_40 = tpu.memref_squeeze %dma_wait3A_39 : memref<1x96x128xf32, #tpu.memory_space<vmem>> -> memref<96x128xf32, #tpu.memory_space<vmem>>
    %dma_wait3A_41 = arith.constant 0 : i32
    %dma_wait3A_42 = arith.constant 0 : i32
    %dma_wait3A_43 = tpu.memref_slice %arg5[%dma_wait3A_41, %dma_wait3A_42] : memref<10008x128xf32, #tpu.memory_space<vmem_shared>> -> memref<10008x128xf32, #tpu.memory_space<vmem_shared>>
    tpu.wait_indirect_dma semaphore(%arg17 : memref<!tpu.dma_semaphore, #tpu.memory_space<semaphore_mem>>) src(%dma_wait3A_40 : memref<96x128xf32, #tpu.memory_space<vmem>>) dst(%dma_wait3A_43 : memref<10008x128xf32, #tpu.memory_space<vmem_shared>>)
    %dma_wait3A_44 = arith.constant 1 : i32
    %dma_wait3A_45 = arith.constant 0 : i32
    %dma_wait3A_46 = arith.constant 0 : i32
    %dma_wait3A_47 = tpu.memref_slice %arg13[%dma_wait3A_44, %dma_wait3A_45, %dma_wait3A_46] : memref<3x96x128xf32, #tpu.memory_space<vmem>> -> memref<1x96x128xf32, #tpu.memory_space<vmem>>
    %dma_wait3A_48 = tpu.memref_squeeze %dma_wait3A_47 : memref<1x96x128xf32, #tpu.memory_space<vmem>> -> memref<96x128xf32, #tpu.memory_space<vmem>>
    %dma_wait3A_49 = arith.constant 0 : i32
    %dma_wait3A_50 = arith.constant 0 : i32
    %dma_wait3A_51 = tpu.memref_slice %arg5[%dma_wait3A_49, %dma_wait3A_50] : memref<10008x128xf32, #tpu.memory_space<vmem_shared>> -> memref<10008x128xf32, #tpu.memory_space<vmem_shared>>
    tpu.wait_indirect_dma semaphore(%arg18 : memref<!tpu.dma_semaphore, #tpu.memory_space<semaphore_mem>>) src(%dma_wait3A_48 : memref<96x128xf32, #tpu.memory_space<vmem>>) dst(%dma_wait3A_51 : memref<10008x128xf32, #tpu.memory_space<vmem_shared>>)
    %dma_wait3A_52 = arith.constant 2 : i32
    %dma_wait3A_53 = arith.constant 0 : i32
    %dma_wait3A_54 = arith.constant 0 : i32
    %dma_wait3A_55 = tpu.memref_slice %arg13[%dma_wait3A_52, %dma_wait3A_53, %dma_wait3A_54] : memref<3x96x128xf32, #tpu.memory_space<vmem>> -> memref<1x96x128xf32, #tpu.memory_space<vmem>>
    %dma_wait3A_56 = tpu.memref_squeeze %dma_wait3A_55 : memref<1x96x128xf32, #tpu.memory_space<vmem>> -> memref<96x128xf32, #tpu.memory_space<vmem>>
    %dma_wait3A_57 = arith.constant 0 : i32
    %dma_wait3A_58 = arith.constant 0 : i32
    %dma_wait3A_59 = tpu.memref_slice %arg5[%dma_wait3A_57, %dma_wait3A_58] : memref<10008x128xf32, #tpu.memory_space<vmem_shared>> -> memref<10008x128xf32, #tpu.memory_space<vmem_shared>>
    tpu.wait_indirect_dma semaphore(%arg19 : memref<!tpu.dma_semaphore, #tpu.memory_space<semaphore_mem>>) src(%dma_wait3A_56 : memref<96x128xf32, #tpu.memory_space<vmem>>) dst(%dma_wait3A_59 : memref<10008x128xf32, #tpu.memory_space<vmem_shared>>)
    %barrier3A_60 = arith.constant 0 : index
    tpu.barrier barrier_id(%barrier3A_60)
    %scan3A_61 = arith.constant 0 : i32
    %scan3A_62 = arith.constant 0 : i32
    %scan3A_63 = arith.constant 8 : i32
    %scan3A_64 = arith.addi %scan3A_62, %scan3A_63 : i32
    %scan3A_65 = arith.constant 1 : i32
    scf.for %scan3A_67 = %scan3A_62 to %scan3A_64 step %scan3A_65  : i32 {
      %mul3A_68 = arith.constant 16 : i32
      %mul3A_69 = arith.muli %scan3A_67, %mul3A_68 : i32
      %add3A_70 = arith.addi %arg1, %mul3A_69 : i32
      %lt3A = arith.constant 125 : i32
      %lt3A_71 = arith.cmpi slt, %add3A_70, %lt3A : i32
      %convert_element_type3A = arith.extui %lt3A_71 : i1 to i32
      %cond3A = arith.constant 0 : i32
      %cond3A_72 = arith.cmpi ne, %convert_element_type3A, %cond3A : i32
      scf.if %cond3A_72 {
        %mul3A_73 = arith.constant 80 : i32
        %mul3A_74 = arith.muli %add3A_70, %mul3A_73 : i32
        %mul3A_75 = arith.constant 10000 : i32
        %mul3A_76 = arith.muli %arg0, %mul3A_75 : i32
        %add3A_77 = arith.addi %mul3A_76, %mul3A_74 : i32
        "tpu.region"() ({
          %run_scoped3A = tpu.sem_alloc : memref<!tpu.dma_semaphore, #tpu.memory_space<semaphore_mem>>
          %dma_start3A_78 = arith.constant 0 : i32
          %dma_start3A_79 = tpu.memref_slice %arg4[%add3A_77, %dma_start3A_78] : memref<20000x128xf32, #tpu.memory_space<hbm>> -> memref<80x128xf32, #tpu.memory_space<hbm>>
          %dma_start3A_80 = arith.constant 0 : i32
          %dma_start3A_81 = tpu.memref_slice %arg5[%mul3A_74, %dma_start3A_80] : memref<10008x128xf32, #tpu.memory_space<vmem_shared>> -> memref<80x128xf32, #tpu.memory_space<vmem_shared>>
          tpu.enqueue_dma source(%dma_start3A_81 : memref<80x128xf32, #tpu.memory_space<vmem_shared>>) target(%dma_start3A_79 : memref<80x128xf32, #tpu.memory_space<hbm>>) target_semaphore(%run_scoped3A : memref<!tpu.dma_semaphore, #tpu.memory_space<semaphore_mem>>)
          %dma_wait3A_82 = arith.constant 0 : i32
          %dma_wait3A_83 = tpu.memref_slice %arg4[%add3A_77, %dma_wait3A_82] : memref<20000x128xf32, #tpu.memory_space<hbm>> -> memref<80x128xf32, #tpu.memory_space<hbm>>
          %dma_wait3A_84 = arith.constant 0 : i32
          %dma_wait3A_85 = tpu.memref_slice %arg5[%mul3A_74, %dma_wait3A_84] : memref<10008x128xf32, #tpu.memory_space<vmem_shared>> -> memref<80x128xf32, #tpu.memory_space<vmem_shared>>
          tpu.wait_dma2 semaphore(%run_scoped3A : memref<!tpu.dma_semaphore, #tpu.memory_space<semaphore_mem>>) src(%dma_wait3A_85 : memref<80x128xf32, #tpu.memory_space<vmem_shared>>) dst(%dma_wait3A_83 : memref<80x128xf32, #tpu.memory_space<hbm>>)
          tpu.yield
        }) : () -> ()
      } else {
      }
    }
    %scan3A_66 = arith.constant 8 : i32
    return
  }
}

module attributes {stable_mosaic.version = 14 : i64} {
  func.func @_pre_body(%arg0: i32, %arg1: memref<1000x128xf32, #tpu.memory_space<vmem>>, %arg2: memref<1000x32xf32, #tpu.memory_space<vmem>>, %arg3: memref<1x128xf32, #tpu.memory_space<vmem>>, %arg4: memref<1x128xf32, #tpu.memory_space<vmem>>, %arg5: memref<128x128xf32, #tpu.memory_space<vmem>>, %arg6: memref<1x128xf32, #tpu.memory_space<vmem>>, %arg7: memref<128x128xf32, #tpu.memory_space<vmem>>, %arg8: memref<1000x128xf32, #tpu.memory_space<vmem>>, %arg9: memref<1000x128xf32, #tpu.memory_space<vmem>>, %arg10: memref<1000x1xf32, #tpu.memory_space<vmem>>) attributes {dimension_semantics = [#tpu.dimension_semantics<arbitrary>], iteration_bounds = array<i64: 10>, scalar_prefetch = 0 : i64, scratch_operands = 0 : i64, tpu.core_type = #tpu.core_type<tc>, window_params = [{transform_indices = @transform_0, window_bounds = array<i64: 1000, 128>}, {transform_indices = @transform_1, window_bounds = array<i64: 1000, 32>}, {pipeline_mode = #tpu.pipeline_mode<synchronous>, transform_indices = @transform_2, window_bounds = array<i64: 1, 128>}, {pipeline_mode = #tpu.pipeline_mode<synchronous>, transform_indices = @transform_3, window_bounds = array<i64: 1, 128>}, {pipeline_mode = #tpu.pipeline_mode<synchronous>, transform_indices = @transform_4, window_bounds = array<i64: 128, 128>}, {pipeline_mode = #tpu.pipeline_mode<synchronous>, transform_indices = @transform_5, window_bounds = array<i64: 1, 128>}, {pipeline_mode = #tpu.pipeline_mode<synchronous>, transform_indices = @transform_6, window_bounds = array<i64: 128, 128>}, {transform_indices = @transform_7, window_bounds = array<i64: 1000, 128>}, {transform_indices = @transform_8, window_bounds = array<i64: 1000, 128>}, {transform_indices = @transform_9, window_bounds = array<i64: 1000, 1>}]} {
    %get3A = arith.constant 0 : index
    %get3A_0 = arith.constant 0 : index
    %get3A_1 = vector.load %arg2[%get3A, %get3A_0] : memref<1000x32xf32, #tpu.memory_space<vmem>>, vector<1000x32xf32>
    %reduce_sum3A = arith.constant dense<0.000000e+00> : vector<1000xf32>
    %reduce_sum3A_2 = vector.multi_reduction <add>, %get3A_1, %reduce_sum3A [1] : vector<1000x32xf32> to vector<1000xf32>
    %broadcast_in_dim3A = vector.shape_cast %reduce_sum3A_2 : vector<1000xf32> to vector<1000x1xf32>
    %add3A = arith.constant 1.000000e+00 : f32
    %add3A_3 = vector.broadcast %add3A : f32 to vector<1000x1xf32>
    %add3A_4 = arith.addf %broadcast_in_dim3A, %add3A_3 : vector<1000x1xf32>
    %rsqrt3A = math.rsqrt %add3A_4 : vector<1000x1xf32>
    %get3A_5 = arith.constant 0 : index
    %get3A_6 = arith.constant 0 : index
    %get3A_7 = vector.load %arg1[%get3A_5, %get3A_6] : memref<1000x128xf32, #tpu.memory_space<vmem>>, vector<1000x128xf32>
    %get3A_8 = arith.constant 0 : index
    %get3A_9 = arith.constant 0 : index
    %get3A_10 = vector.load %arg3[%get3A_8, %get3A_9] : memref<1x128xf32, #tpu.memory_space<vmem>>, vector<1x128xf32>
    %mul3A = arith.constant 0.999994993 : f32
    %mul3A_11 = vector.broadcast %mul3A : f32 to vector<1x128xf32>
    %mul3A_12 = arith.mulf %get3A_10, %mul3A_11 : vector<1x128xf32>
    %mul3A_13 = vector.broadcast %mul3A_12 : vector<1x128xf32> to vector<1000x128xf32>
    %mul3A_14 = arith.mulf %get3A_7, %mul3A_13 : vector<1000x128xf32>
    %get3A_15 = arith.constant 0 : index
    %get3A_16 = arith.constant 0 : index
    %get3A_17 = vector.load %arg4[%get3A_15, %get3A_16] : memref<1x128xf32, #tpu.memory_space<vmem>>, vector<1x128xf32>
    %add3A_18 = vector.broadcast %get3A_17 : vector<1x128xf32> to vector<1000x128xf32>
    %add3A_19 = arith.addf %mul3A_14, %add3A_18 : vector<1000x128xf32>
    %get3A_20 = arith.constant 0 : index
    %get3A_21 = arith.constant 0 : index
    %get3A_22 = vector.load %arg5[%get3A_20, %get3A_21] : memref<128x128xf32, #tpu.memory_space<vmem>>, vector<128x128xf32>
    %dot_general3A = arith.constant dense<0.000000e+00> : vector<1000x128xf32>
    %dot_general3A_23 = tpu.matmul %add3A_19, %get3A_22, %dot_general3A {dimension_numbers = #tpu.dot_dimension_numbers<[1], [0], [0], [1], [0, 0, 1, 1], [], []>, precision = #tpu.contract_precision<fp32>, transpose_lhs_hint = false} : vector<1000x128xf32>, vector<128x128xf32>, vector<1000x128xf32> -> vector<1000x128xf32>
    %get3A_24 = arith.constant 0 : index
    %get3A_25 = arith.constant 0 : index
    %get3A_26 = vector.load %arg6[%get3A_24, %get3A_25] : memref<1x128xf32, #tpu.memory_space<vmem>>, vector<1x128xf32>
    %add3A_27 = vector.broadcast %get3A_26 : vector<1x128xf32> to vector<1000x128xf32>
    %add3A_28 = arith.addf %dot_general3A_23, %add3A_27 : vector<1000x128xf32>
    %swap3A = arith.constant 0 : index
    %swap3A_29 = arith.constant 0 : index
    %swap3A_30 = vector.load %arg8[%swap3A, %swap3A_29] : memref<1000x128xf32, #tpu.memory_space<vmem>>, vector<1000x128xf32>
    tpu.vector_store %arg8[%swap3A, %swap3A_29], %add3A_28 {strides = array<i32>} : memref<1000x128xf32, #tpu.memory_space<vmem>>, vector<1000x128xf32>,
    %get3A_31 = arith.constant 0 : index
    %get3A_32 = arith.constant 0 : index
    %get3A_33 = vector.load %arg7[%get3A_31, %get3A_32] : memref<128x128xf32, #tpu.memory_space<vmem>>, vector<128x128xf32>
    %dot_general3A_34 = arith.constant dense<0.000000e+00> : vector<1000x128xf32>
    %dot_general3A_35 = tpu.matmul %add3A_28, %get3A_33, %dot_general3A_34 {dimension_numbers = #tpu.dot_dimension_numbers<[1], [0], [0], [1], [0, 0, 1, 1], [], []>, precision = #tpu.contract_precision<fp32>, transpose_lhs_hint = false} : vector<1000x128xf32>, vector<128x128xf32>, vector<1000x128xf32> -> vector<1000x128xf32>
    %mul3A_36 = vector.broadcast %rsqrt3A : vector<1000x1xf32> to vector<1000x128xf32>
    %mul3A_37 = arith.mulf %mul3A_36, %dot_general3A_35 : vector<1000x128xf32>
    %swap3A_38 = arith.constant 0 : index
    %swap3A_39 = arith.constant 0 : index
    %swap3A_40 = vector.load %arg9[%swap3A_38, %swap3A_39] : memref<1000x128xf32, #tpu.memory_space<vmem>>, vector<1000x128xf32>
    tpu.vector_store %arg9[%swap3A_38, %swap3A_39], %mul3A_37 {strides = array<i32>} : memref<1000x128xf32, #tpu.memory_space<vmem>>, vector<1000x128xf32>,
    %swap3A_41 = arith.constant 0 : index
    %swap3A_42 = arith.constant 0 : index
    %swap3A_43 = vector.load %arg10[%swap3A_41, %swap3A_42] : memref<1000x1xf32, #tpu.memory_space<vmem>>, vector<1000x1xf32>
    tpu.vector_store %arg10[%swap3A_41, %swap3A_42], %rsqrt3A {strides = array<i32>} : memref<1000x1xf32, #tpu.memory_space<vmem>>, vector<1000x1xf32>,
    return
  }
  func.func @transform_0(%arg0: i32) -> (i32, i32) {
    %c0_i32 = arith.constant 0 : i32
    %c0_i32_0 = arith.constant 0 : i32
    return %arg0, %c0_i32 : i32, i32
  }
  func.func @transform_1(%arg0: i32) -> (i32, i32) {
    %c0_i32 = arith.constant 0 : i32
    %c0_i32_0 = arith.constant 0 : i32
    return %arg0, %c0_i32 : i32, i32
  }
  func.func @transform_2(%arg0: i32) -> (i32, i32) {
    %c0_i32 = arith.constant 0 : i32
    %c0_i32_0 = arith.constant 0 : i32
    %c0_i32_1 = arith.constant 0 : i32
    return %c0_i32, %c0_i32_0 : i32, i32
  }
  func.func @transform_3(%arg0: i32) -> (i32, i32) {
    %c0_i32 = arith.constant 0 : i32
    %c0_i32_0 = arith.constant 0 : i32
    %c0_i32_1 = arith.constant 0 : i32
    return %c0_i32, %c0_i32_0 : i32, i32
  }
  func.func @transform_4(%arg0: i32) -> (i32, i32) {
    %c0_i32 = arith.constant 0 : i32
    %c0_i32_0 = arith.constant 0 : i32
    %c0_i32_1 = arith.constant 0 : i32
    return %c0_i32, %c0_i32_0 : i32, i32
  }
  func.func @transform_5(%arg0: i32) -> (i32, i32) {
    %c0_i32 = arith.constant 0 : i32
    %c0_i32_0 = arith.constant 0 : i32
    %c0_i32_1 = arith.constant 0 : i32
    return %c0_i32, %c0_i32_0 : i32, i32
  }
  func.func @transform_6(%arg0: i32) -> (i32, i32) {
    %c0_i32 = arith.constant 0 : i32
    %c0_i32_0 = arith.constant 0 : i32
    %c0_i32_1 = arith.constant 0 : i32
    return %c0_i32, %c0_i32_0 : i32, i32
  }
  func.func @transform_7(%arg0: i32) -> (i32, i32) {
    %c0_i32 = arith.constant 0 : i32
    %c0_i32_0 = arith.constant 0 : i32
    return %arg0, %c0_i32 : i32, i32
  }
  func.func @transform_8(%arg0: i32) -> (i32, i32) {
    %c0_i32 = arith.constant 0 : i32
    %c0_i32_0 = arith.constant 0 : i32
    return %arg0, %c0_i32 : i32, i32
  }
  func.func @transform_9(%arg0: i32) -> (i32, i32) {
    %c0_i32 = arith.constant 0 : i32
    %c0_i32_0 = arith.constant 0 : i32
    return %arg0, %c0_i32 : i32, i32
  }
}

module attributes {stable_mosaic.version = 14 : i64} {
  func.func @_mid_body(%arg0: i32, %arg1: memref<1000x128xf32, #tpu.memory_space<vmem>>, %arg2: memref<1000x128xf32, #tpu.memory_space<vmem>>, %arg3: memref<1000x128xf32, #tpu.memory_space<vmem>>, %arg4: memref<1000x128xf32, #tpu.memory_space<vmem>>, %arg5: memref<1000x1xf32, #tpu.memory_space<vmem>>, %arg6: memref<1x128xf32, #tpu.memory_space<vmem>>, %arg7: memref<1x128xf32, #tpu.memory_space<vmem>>, %arg8: memref<1x128xf32, #tpu.memory_space<vmem>>, %arg9: memref<128x128xf32, #tpu.memory_space<vmem>>, %arg10: memref<1000x128xf32, #tpu.memory_space<vmem>>, %arg11: memref<1000x128xf32, #tpu.memory_space<vmem>>) attributes {dimension_semantics = [#tpu.dimension_semantics<arbitrary>], iteration_bounds = array<i64: 10>, scalar_prefetch = 0 : i64, scratch_operands = 0 : i64, tpu.core_type = #tpu.core_type<tc>, window_params = [{transform_indices = @transform_0, window_bounds = array<i64: 1000, 128>}, {transform_indices = @transform_1, window_bounds = array<i64: 1000, 128>}, {transform_indices = @transform_2, window_bounds = array<i64: 1000, 128>}, {transform_indices = @transform_3, window_bounds = array<i64: 1000, 128>}, {transform_indices = @transform_4, window_bounds = array<i64: 1000, 1>}, {pipeline_mode = #tpu.pipeline_mode<synchronous>, transform_indices = @transform_5, window_bounds = array<i64: 1, 128>}, {pipeline_mode = #tpu.pipeline_mode<synchronous>, transform_indices = @transform_6, window_bounds = array<i64: 1, 128>}, {pipeline_mode = #tpu.pipeline_mode<synchronous>, transform_indices = @transform_7, window_bounds = array<i64: 1, 128>}, {pipeline_mode = #tpu.pipeline_mode<synchronous>, transform_indices = @transform_8, window_bounds = array<i64: 128, 128>}, {transform_indices = @transform_9, window_bounds = array<i64: 1000, 128>}, {transform_indices = @transform_10, window_bounds = array<i64: 1000, 128>}]} {
    %get3A = arith.constant 0 : index
    %get3A_0 = arith.constant 0 : index
    %get3A_1 = vector.load %arg5[%get3A, %get3A_0] : memref<1000x1xf32, #tpu.memory_space<vmem>>, vector<1000x1xf32>
    %get3A_2 = arith.constant 0 : index
    %get3A_3 = arith.constant 0 : index
    %get3A_4 = vector.load %arg1[%get3A_2, %get3A_3] : memref<1000x128xf32, #tpu.memory_space<vmem>>, vector<1000x128xf32>
    %get3A_5 = arith.constant 0 : index
    %get3A_6 = arith.constant 0 : index
    %get3A_7 = vector.load %arg2[%get3A_5, %get3A_6] : memref<1000x128xf32, #tpu.memory_space<vmem>>, vector<1000x128xf32>
    %get3A_8 = arith.constant 0 : index
    %get3A_9 = arith.constant 0 : index
    %get3A_10 = vector.load %arg3[%get3A_8, %get3A_9] : memref<1000x128xf32, #tpu.memory_space<vmem>>, vector<1000x128xf32>
    %get3A_11 = arith.constant 0 : index
    %get3A_12 = arith.constant 0 : index
    %get3A_13 = vector.load %arg4[%get3A_11, %get3A_12] : memref<1000x128xf32, #tpu.memory_space<vmem>>, vector<1000x128xf32>
    %get3A_14 = arith.constant 0 : index
    %get3A_15 = arith.constant 0 : index
    %get3A_16 = vector.load %arg6[%get3A_14, %get3A_15] : memref<1x128xf32, #tpu.memory_space<vmem>>, vector<1x128xf32>
    %get3A_17 = arith.constant 0 : index
    %get3A_18 = arith.constant 0 : index
    %get3A_19 = vector.load %arg7[%get3A_17, %get3A_18] : memref<1x128xf32, #tpu.memory_space<vmem>>, vector<1x128xf32>
    %get3A_20 = arith.constant 0 : index
    %get3A_21 = arith.constant 0 : index
    %get3A_22 = vector.load %arg8[%get3A_20, %get3A_21] : memref<1x128xf32, #tpu.memory_space<vmem>>, vector<1x128xf32>
    %add3A = arith.addf %get3A_10, %get3A_13 : vector<1000x128xf32>
    %add3A_23 = arith.addf %add3A, %get3A_7 : vector<1000x128xf32>
    %mul3A = vector.broadcast %get3A_1 : vector<1000x1xf32> to vector<1000x128xf32>
    %mul3A_24 = arith.mulf %mul3A, %add3A_23 : vector<1000x128xf32>
    %add3A_25 = vector.broadcast %get3A_16 : vector<1x128xf32> to vector<1000x128xf32>
    %add3A_26 = arith.addf %mul3A_24, %add3A_25 : vector<1000x128xf32>
    %reduce_sum3A = arith.constant dense<0.000000e+00> : vector<1000xf32>
    %reduce_sum3A_27 = vector.multi_reduction <add>, %add3A_26, %reduce_sum3A [1] : vector<1000x128xf32> to vector<1000xf32>
    %broadcast_in_dim3A = vector.shape_cast %reduce_sum3A_27 : vector<1000xf32> to vector<1000x1xf32>
    %div3A = arith.constant 1.280000e+02 : f32
    %div3A_28 = vector.broadcast %div3A : f32 to vector<1000x1xf32>
    %div3A_29 = arith.divf %broadcast_in_dim3A, %div3A_28 : vector<1000x1xf32>
    %sub3A = vector.broadcast %div3A_29 : vector<1000x1xf32> to vector<1000x128xf32>
    %sub3A_30 = arith.subf %add3A_26, %sub3A : vector<1000x128xf32>
    %mul3A_31 = arith.mulf %sub3A_30, %sub3A_30 : vector<1000x128xf32>
    %reduce_sum3A_32 = arith.constant dense<0.000000e+00> : vector<1000xf32>
    %reduce_sum3A_33 = vector.multi_reduction <add>, %mul3A_31, %reduce_sum3A_32 [1] : vector<1000x128xf32> to vector<1000xf32>
    %broadcast_in_dim3A_34 = vector.shape_cast %reduce_sum3A_33 : vector<1000xf32> to vector<1000x1xf32>
    %div3A_35 = arith.constant 1.280000e+02 : f32
    %div3A_36 = vector.broadcast %div3A_35 : f32 to vector<1000x1xf32>
    %div3A_37 = arith.divf %broadcast_in_dim3A_34, %div3A_36 : vector<1000x1xf32>
    %add3A_38 = arith.constant 9.99999974E-6 : f32
    %add3A_39 = vector.broadcast %add3A_38 : f32 to vector<1000x1xf32>
    %add3A_40 = arith.addf %div3A_37, %add3A_39 : vector<1000x1xf32>
    %rsqrt3A = math.rsqrt %add3A_40 : vector<1000x1xf32>
    %mul3A_41 = vector.broadcast %rsqrt3A : vector<1000x1xf32> to vector<1000x128xf32>
    %mul3A_42 = arith.mulf %sub3A_30, %mul3A_41 : vector<1000x128xf32>
    %mul3A_43 = vector.broadcast %get3A_19 : vector<1x128xf32> to vector<1000x128xf32>
    %mul3A_44 = arith.mulf %mul3A_42, %mul3A_43 : vector<1000x128xf32>
    %add3A_45 = vector.broadcast %get3A_22 : vector<1x128xf32> to vector<1000x128xf32>
    %add3A_46 = arith.addf %mul3A_44, %add3A_45 : vector<1000x128xf32>
    %ge3A = arith.constant 0.000000e+00 : f32
    %ge3A_47 = vector.broadcast %ge3A : f32 to vector<1000x128xf32>
    %ge3A_48 = arith.cmpf oge, %add3A_46, %ge3A_47 : vector<1000x128xf32>
    %mul3A_49 = arith.constant 1.000000e-01 : f32
    %mul3A_50 = vector.broadcast %mul3A_49 : f32 to vector<1000x128xf32>
    %mul3A_51 = arith.mulf %mul3A_50, %add3A_46 : vector<1000x128xf32>
    %select_n3A = arith.select %ge3A_48, %add3A_46, %mul3A_51 : vector<1000x128xi1>, vector<1000x128xf32>
    %add3A_52 = arith.addf %select_n3A, %get3A_4 : vector<1000x128xf32>
    %swap3A = arith.constant 0 : index
    %swap3A_53 = arith.constant 0 : index
    %swap3A_54 = vector.load %arg10[%swap3A, %swap3A_53] : memref<1000x128xf32, #tpu.memory_space<vmem>>, vector<1000x128xf32>
    tpu.vector_store %arg10[%swap3A, %swap3A_53], %add3A_52 {strides = array<i32>} : memref<1000x128xf32, #tpu.memory_space<vmem>>, vector<1000x128xf32>,
    %get3A_55 = arith.constant 0 : index
    %get3A_56 = arith.constant 0 : index
    %get3A_57 = vector.load %arg9[%get3A_55, %get3A_56] : memref<128x128xf32, #tpu.memory_space<vmem>>, vector<128x128xf32>
    %dot_general3A = arith.constant dense<0.000000e+00> : vector<1000x128xf32>
    %dot_general3A_58 = tpu.matmul %add3A_52, %get3A_57, %dot_general3A {dimension_numbers = #tpu.dot_dimension_numbers<[1], [0], [0], [1], [0, 0, 1, 1], [], []>, precision = #tpu.contract_precision<fp32>, transpose_lhs_hint = false} : vector<1000x128xf32>, vector<128x128xf32>, vector<1000x128xf32> -> vector<1000x128xf32>
    %mul3A_59 = vector.broadcast %get3A_1 : vector<1000x1xf32> to vector<1000x128xf32>
    %mul3A_60 = arith.mulf %mul3A_59, %dot_general3A_58 : vector<1000x128xf32>
    %swap3A_61 = arith.constant 0 : index
    %swap3A_62 = arith.constant 0 : index
    %swap3A_63 = vector.load %arg11[%swap3A_61, %swap3A_62] : memref<1000x128xf32, #tpu.memory_space<vmem>>, vector<1000x128xf32>
    tpu.vector_store %arg11[%swap3A_61, %swap3A_62], %mul3A_60 {strides = array<i32>} : memref<1000x128xf32, #tpu.memory_space<vmem>>, vector<1000x128xf32>,
    return
  }
  func.func @transform_0(%arg0: i32) -> (i32, i32) {
    %c0_i32 = arith.constant 0 : i32
    %c0_i32_0 = arith.constant 0 : i32
    return %arg0, %c0_i32 : i32, i32
  }
  func.func @transform_1(%arg0: i32) -> (i32, i32) {
    %c0_i32 = arith.constant 0 : i32
    %c0_i32_0 = arith.constant 0 : i32
    return %arg0, %c0_i32 : i32, i32
  }
  func.func @transform_2(%arg0: i32) -> (i32, i32) {
    %c0_i32 = arith.constant 0 : i32
    %c0_i32_0 = arith.constant 0 : i32
    return %arg0, %c0_i32 : i32, i32
  }
  func.func @transform_3(%arg0: i32) -> (i32, i32) {
    %add3A = arith.constant 10 : i32
    %add3A_0 = arith.addi %add3A, %arg0 : i32
    %c0_i32 = arith.constant 0 : i32
    %c0_i32_1 = arith.constant 0 : i32
    return %add3A_0, %c0_i32 : i32, i32
  }
  func.func @transform_4(%arg0: i32) -> (i32, i32) {
    %c0_i32 = arith.constant 0 : i32
    %c0_i32_0 = arith.constant 0 : i32
    return %arg0, %c0_i32 : i32, i32
  }
  func.func @transform_5(%arg0: i32) -> (i32, i32) {
    %c0_i32 = arith.constant 0 : i32
    %c0_i32_0 = arith.constant 0 : i32
    %c0_i32_1 = arith.constant 0 : i32
    return %c0_i32, %c0_i32_0 : i32, i32
  }
  func.func @transform_6(%arg0: i32) -> (i32, i32) {
    %c0_i32 = arith.constant 0 : i32
    %c0_i32_0 = arith.constant 0 : i32
    %c0_i32_1 = arith.constant 0 : i32
    return %c0_i32, %c0_i32_0 : i32, i32
  }
  func.func @transform_7(%arg0: i32) -> (i32, i32) {
    %c0_i32 = arith.constant 0 : i32
    %c0_i32_0 = arith.constant 0 : i32
    %c0_i32_1 = arith.constant 0 : i32
    return %c0_i32, %c0_i32_0 : i32, i32
  }
  func.func @transform_8(%arg0: i32) -> (i32, i32) {
    %c0_i32 = arith.constant 0 : i32
    %c0_i32_0 = arith.constant 0 : i32
    %c0_i32_1 = arith.constant 0 : i32
    return %c0_i32, %c0_i32_0 : i32, i32
  }
  func.func @transform_9(%arg0: i32) -> (i32, i32) {
    %c0_i32 = arith.constant 0 : i32
    %c0_i32_0 = arith.constant 0 : i32
    return %arg0, %c0_i32 : i32, i32
  }
  func.func @transform_10(%arg0: i32) -> (i32, i32) {
    %c0_i32 = arith.constant 0 : i32
    %c0_i32_0 = arith.constant 0 : i32
    return %arg0, %c0_i32 : i32, i32
  }
}

module attributes {stable_mosaic.version = 14 : i64} {
  func.func @_post_body(%arg0: i32, %arg1: memref<1000x128xf32, #tpu.memory_space<vmem>>, %arg2: memref<1000x128xf32, #tpu.memory_space<vmem>>, %arg3: memref<1000x128xf32, #tpu.memory_space<vmem>>, %arg4: memref<1000x128xf32, #tpu.memory_space<vmem>>, %arg5: memref<1000x1xf32, #tpu.memory_space<vmem>>, %arg6: memref<1x128xf32, #tpu.memory_space<vmem>>, %arg7: memref<1x128xf32, #tpu.memory_space<vmem>>, %arg8: memref<1x128xf32, #tpu.memory_space<vmem>>, %arg9: memref<128x128xf32, #tpu.memory_space<vmem>>, %arg10: memref<1x128xf32, #tpu.memory_space<vmem>>, %arg11: memref<1x128xf32, #tpu.memory_space<vmem>>, %arg12: memref<1x128xf32, #tpu.memory_space<vmem>>, %arg13: memref<128x128xf32, #tpu.memory_space<vmem>>, %arg14: memref<1x128xf32, #tpu.memory_space<vmem>>, %arg15: memref<1x128xf32, #tpu.memory_space<vmem>>, %arg16: memref<1x128xf32, #tpu.memory_space<vmem>>) attributes {dimension_semantics = [#tpu.dimension_semantics<arbitrary>], iteration_bounds = array<i64: 10>, scalar_prefetch = 0 : i64, scratch_operands = 1 : i64, tpu.core_type = #tpu.core_type<tc>, window_params = [{transform_indices = @transform_0, window_bounds = array<i64: 1000, 128>}, {transform_indices = @transform_1, window_bounds = array<i64: 1000, 128>}, {transform_indices = @transform_2, window_bounds = array<i64: 1000, 128>}, {transform_indices = @transform_3, window_bounds = array<i64: 1000, 128>}, {transform_indices = @transform_4, window_bounds = array<i64: 1000, 1>}, {pipeline_mode = #tpu.pipeline_mode<synchronous>, transform_indices = @transform_5, window_bounds = array<i64: 1, 128>}, {pipeline_mode = #tpu.pipeline_mode<synchronous>, transform_indices = @transform_6, window_bounds = array<i64: 1, 128>}, {pipeline_mode = #tpu.pipeline_mode<synchronous>, transform_indices = @transform_7, window_bounds = array<i64: 1, 128>}, {pipeline_mode = #tpu.pipeline_mode<synchronous>, transform_indices = @transform_8, window_bounds = array<i64: 128, 128>}, {pipeline_mode = #tpu.pipeline_mode<synchronous>, transform_indices = @transform_9, window_bounds = array<i64: 1, 128>}, {pipeline_mode = #tpu.pipeline_mode<synchronous>, transform_indices = @transform_10, window_bounds = array<i64: 1, 128>}, {pipeline_mode = #tpu.pipeline_mode<synchronous>, transform_indices = @transform_11, window_bounds = array<i64: 1, 128>}, {pipeline_mode = #tpu.pipeline_mode<synchronous>, transform_indices = @transform_12, window_bounds = array<i64: 128, 128>}, {pipeline_mode = #tpu.pipeline_mode<synchronous>, transform_indices = @transform_13, window_bounds = array<i64: 1, 128>}, {pipeline_mode = #tpu.pipeline_mode<synchronous>, transform_indices = @transform_14, window_bounds = array<i64: 1, 128>}]} {
    %get3A = arith.constant 0 : index
    %get3A_0 = arith.constant 0 : index
    %get3A_1 = vector.load %arg1[%get3A, %get3A_0] : memref<1000x128xf32, #tpu.memory_space<vmem>>, vector<1000x128xf32>
    %get3A_2 = arith.constant 0 : index
    %get3A_3 = arith.constant 0 : index
    %get3A_4 = vector.load %arg2[%get3A_2, %get3A_3] : memref<1000x128xf32, #tpu.memory_space<vmem>>, vector<1000x128xf32>
    %get3A_5 = arith.constant 0 : index
    %get3A_6 = arith.constant 0 : index
    %get3A_7 = vector.load %arg3[%get3A_5, %get3A_6] : memref<1000x128xf32, #tpu.memory_space<vmem>>, vector<1000x128xf32>
    %get3A_8 = arith.constant 0 : index
    %get3A_9 = arith.constant 0 : index
    %get3A_10 = vector.load %arg4[%get3A_8, %get3A_9] : memref<1000x128xf32, #tpu.memory_space<vmem>>, vector<1000x128xf32>
    %get3A_11 = arith.constant 0 : index
    %get3A_12 = arith.constant 0 : index
    %get3A_13 = vector.load %arg5[%get3A_11, %get3A_12] : memref<1000x1xf32, #tpu.memory_space<vmem>>, vector<1000x1xf32>
    %get3A_14 = arith.constant 0 : index
    %get3A_15 = arith.constant 0 : index
    %get3A_16 = vector.load %arg6[%get3A_14, %get3A_15] : memref<1x128xf32, #tpu.memory_space<vmem>>, vector<1x128xf32>
    %get3A_17 = arith.constant 0 : index
    %get3A_18 = arith.constant 0 : index
    %get3A_19 = vector.load %arg7[%get3A_17, %get3A_18] : memref<1x128xf32, #tpu.memory_space<vmem>>, vector<1x128xf32>
    %get3A_20 = arith.constant 0 : index
    %get3A_21 = arith.constant 0 : index
    %get3A_22 = vector.load %arg8[%get3A_20, %get3A_21] : memref<1x128xf32, #tpu.memory_space<vmem>>, vector<1x128xf32>
    %add3A = arith.addf %get3A_7, %get3A_10 : vector<1000x128xf32>
    %add3A_23 = arith.addf %add3A, %get3A_4 : vector<1000x128xf32>
    %mul3A = vector.broadcast %get3A_13 : vector<1000x1xf32> to vector<1000x128xf32>
    %mul3A_24 = arith.mulf %mul3A, %add3A_23 : vector<1000x128xf32>
    %add3A_25 = vector.broadcast %get3A_16 : vector<1x128xf32> to vector<1000x128xf32>
    %add3A_26 = arith.addf %mul3A_24, %add3A_25 : vector<1000x128xf32>
    %reduce_sum3A = arith.constant dense<0.000000e+00> : vector<1000xf32>
    %reduce_sum3A_27 = vector.multi_reduction <add>, %add3A_26, %reduce_sum3A [1] : vector<1000x128xf32> to vector<1000xf32>
    %broadcast_in_dim3A = vector.shape_cast %reduce_sum3A_27 : vector<1000xf32> to vector<1000x1xf32>
    %div3A = arith.constant 1.280000e+02 : f32
    %div3A_28 = vector.broadcast %div3A : f32 to vector<1000x1xf32>
    %div3A_29 = arith.divf %broadcast_in_dim3A, %div3A_28 : vector<1000x1xf32>
    %sub3A = vector.broadcast %div3A_29 : vector<1000x1xf32> to vector<1000x128xf32>
    %sub3A_30 = arith.subf %add3A_26, %sub3A : vector<1000x128xf32>
    %mul3A_31 = arith.mulf %sub3A_30, %sub3A_30 : vector<1000x128xf32>
    %reduce_sum3A_32 = arith.constant dense<0.000000e+00> : vector<1000xf32>
    %reduce_sum3A_33 = vector.multi_reduction <add>, %mul3A_31, %reduce_sum3A_32 [1] : vector<1000x128xf32> to vector<1000xf32>
    %broadcast_in_dim3A_34 = vector.shape_cast %reduce_sum3A_33 : vector<1000xf32> to vector<1000x1xf32>
    %div3A_35 = arith.constant 1.280000e+02 : f32
    %div3A_36 = vector.broadcast %div3A_35 : f32 to vector<1000x1xf32>
    %div3A_37 = arith.divf %broadcast_in_dim3A_34, %div3A_36 : vector<1000x1xf32>
    %add3A_38 = arith.constant 9.99999974E-6 : f32
    %add3A_39 = vector.broadcast %add3A_38 : f32 to vector<1000x1xf32>
    %add3A_40 = arith.addf %div3A_37, %add3A_39 : vector<1000x1xf32>
    %rsqrt3A = math.rsqrt %add3A_40 : vector<1000x1xf32>
    %mul3A_41 = vector.broadcast %rsqrt3A : vector<1000x1xf32> to vector<1000x128xf32>
    %mul3A_42 = arith.mulf %sub3A_30, %mul3A_41 : vector<1000x128xf32>
    %mul3A_43 = vector.broadcast %get3A_19 : vector<1x128xf32> to vector<1000x128xf32>
    %mul3A_44 = arith.mulf %mul3A_42, %mul3A_43 : vector<1000x128xf32>
    %add3A_45 = vector.broadcast %get3A_22 : vector<1x128xf32> to vector<1000x128xf32>
    %add3A_46 = arith.addf %mul3A_44, %add3A_45 : vector<1000x128xf32>
    %ge3A = arith.constant 0.000000e+00 : f32
    %ge3A_47 = vector.broadcast %ge3A : f32 to vector<1000x128xf32>
    %ge3A_48 = arith.cmpf oge, %add3A_46, %ge3A_47 : vector<1000x128xf32>
    %mul3A_49 = arith.constant 1.000000e-01 : f32
    %mul3A_50 = vector.broadcast %mul3A_49 : f32 to vector<1000x128xf32>
    %mul3A_51 = arith.mulf %mul3A_50, %add3A_46 : vector<1000x128xf32>
    %select_n3A = arith.select %ge3A_48, %add3A_46, %mul3A_51 : vector<1000x128xi1>, vector<1000x128xf32>
    %add3A_52 = arith.addf %select_n3A, %get3A_1 : vector<1000x128xf32>
    %reduce_sum3A_53 = arith.constant dense<0.000000e+00> : vector<128xf32>
    %reduce_sum3A_54 = vector.multi_reduction <add>, %add3A_52, %reduce_sum3A_53 [0] : vector<1000x128xf32> to vector<128xf32>
    %broadcast_in_dim3A_55 = vector.shape_cast %reduce_sum3A_54 : vector<128xf32> to vector<1x128xf32>
    %eq3A = arith.constant 0 : i32
    %eq3A_56 = arith.cmpi eq, %arg0, %eq3A : i32
    %convert_element_type3A = arith.extui %eq3A_56 : i1 to i32
    %cond3A = arith.constant 0 : i32
    %cond3A_57 = arith.cmpi ne, %convert_element_type3A, %cond3A : i32
    scf.if %cond3A_57 {
      %swap3A = arith.constant 0 : index
      %swap3A_67 = arith.constant 0 : index
      %swap3A_68 = vector.load %arg16[%swap3A, %swap3A_67] : memref<1x128xf32, #tpu.memory_space<vmem>>, vector<1x128xf32>
      tpu.vector_store %arg16[%swap3A, %swap3A_67], %broadcast_in_dim3A_55 {strides = array<i32>} : memref<1x128xf32, #tpu.memory_space<vmem>>, vector<1x128xf32>,
    } else {
    }
    %gt3A = arith.constant 0 : i32
    %gt3A_58 = arith.cmpi sgt, %arg0, %gt3A : i32
    %convert_element_type3A_59 = arith.extui %gt3A_58 : i1 to i32
    %cond3A_60 = arith.constant 0 : i32
    %cond3A_61 = arith.cmpi ne, %convert_element_type3A_59, %cond3A_60 : i32
    scf.if %cond3A_61 {
      %get3A_67 = arith.constant 0 : index
      %get3A_68 = arith.constant 0 : index
      %get3A_69 = vector.load %arg16[%get3A_67, %get3A_68] : memref<1x128xf32, #tpu.memory_space<vmem>>, vector<1x128xf32>
      %add3A_70 = arith.addf %get3A_69, %broadcast_in_dim3A_55 : vector<1x128xf32>
      %swap3A = arith.constant 0 : index
      %swap3A_71 = arith.constant 0 : index
      %swap3A_72 = vector.load %arg16[%swap3A, %swap3A_71] : memref<1x128xf32, #tpu.memory_space<vmem>>, vector<1x128xf32>
      tpu.vector_store %arg16[%swap3A, %swap3A_71], %add3A_70 {strides = array<i32>} : memref<1x128xf32, #tpu.memory_space<vmem>>, vector<1x128xf32>,
    } else {
    }
    %eq3A_62 = arith.constant 9 : i32
    %eq3A_63 = arith.cmpi eq, %arg0, %eq3A_62 : i32
    %convert_element_type3A_64 = arith.extui %eq3A_63 : i1 to i32
    %cond3A_65 = arith.constant 0 : i32
    %cond3A_66 = arith.cmpi ne, %convert_element_type3A_64, %cond3A_65 : i32
    scf.if %cond3A_66 {
      %get3A_67 = arith.constant 0 : index
      %get3A_68 = arith.constant 0 : index
      %get3A_69 = vector.load %arg16[%get3A_67, %get3A_68] : memref<1x128xf32, #tpu.memory_space<vmem>>, vector<1x128xf32>
      %mul3A_70 = arith.constant 9.99999974E-5 : f32
      %mul3A_71 = vector.broadcast %mul3A_70 : f32 to vector<1x128xf32>
      %mul3A_72 = arith.mulf %get3A_69, %mul3A_71 : vector<1x128xf32>
      %get3A_73 = arith.constant 0 : index
      %get3A_74 = arith.constant 0 : index
      %get3A_75 = vector.load %arg9[%get3A_73, %get3A_74] : memref<128x128xf32, #tpu.memory_space<vmem>>, vector<128x128xf32>
      %dot_general3A = arith.constant dense<0.000000e+00> : vector<1x128xf32>
      %dot_general3A_76 = tpu.matmul %mul3A_72, %get3A_75, %dot_general3A {dimension_numbers = #tpu.dot_dimension_numbers<[1], [0], [0], [1], [0, 0, 1, 1], [], []>, precision = #tpu.contract_precision<fp32>, transpose_lhs_hint = false} : vector<1x128xf32>, vector<128x128xf32>, vector<1x128xf32> -> vector<1x128xf32>
      %get3A_77 = arith.constant 0 : index
      %get3A_78 = arith.constant 0 : index
      %get3A_79 = vector.load %arg10[%get3A_77, %get3A_78] : memref<1x128xf32, #tpu.memory_space<vmem>>, vector<1x128xf32>
      %add3A_80 = arith.addf %dot_general3A_76, %get3A_79 : vector<1x128xf32>
      %reduce_sum3A_81 = arith.constant dense<0.000000e+00> : vector<1xf32>
      %reduce_sum3A_82 = vector.multi_reduction <add>, %add3A_80, %reduce_sum3A_81 [1] : vector<1x128xf32> to vector<1xf32>
      %broadcast_in_dim3A_83 = vector.shape_cast %reduce_sum3A_82 : vector<1xf32> to vector<1x1xf32>
      %div3A_84 = arith.constant 1.280000e+02 : f32
      %div3A_85 = vector.broadcast %div3A_84 : f32 to vector<1x1xf32>
      %div3A_86 = arith.divf %broadcast_in_dim3A_83, %div3A_85 : vector<1x1xf32>
      %sub3A_87 = vector.broadcast %div3A_86 : vector<1x1xf32> to vector<1x128xf32>
      %sub3A_88 = arith.subf %add3A_80, %sub3A_87 : vector<1x128xf32>
      %mul3A_89 = arith.mulf %sub3A_88, %sub3A_88 : vector<1x128xf32>
      %reduce_sum3A_90 = arith.constant dense<0.000000e+00> : vector<1xf32>
      %reduce_sum3A_91 = vector.multi_reduction <add>, %mul3A_89, %reduce_sum3A_90 [1] : vector<1x128xf32> to vector<1xf32>
      %broadcast_in_dim3A_92 = vector.shape_cast %reduce_sum3A_91 : vector<1xf32> to vector<1x1xf32>
      %div3A_93 = arith.constant 1.280000e+02 : f32
      %div3A_94 = vector.broadcast %div3A_93 : f32 to vector<1x1xf32>
      %div3A_95 = arith.divf %broadcast_in_dim3A_92, %div3A_94 : vector<1x1xf32>
      %add3A_96 = arith.constant 9.99999974E-6 : f32
      %add3A_97 = vector.broadcast %add3A_96 : f32 to vector<1x1xf32>
      %add3A_98 = arith.addf %div3A_95, %add3A_97 : vector<1x1xf32>
      %rsqrt3A_99 = math.rsqrt %add3A_98 : vector<1x1xf32>
      %mul3A_100 = vector.broadcast %rsqrt3A_99 : vector<1x1xf32> to vector<1x128xf32>
      %mul3A_101 = arith.mulf %sub3A_88, %mul3A_100 : vector<1x128xf32>
      %get3A_102 = arith.constant 0 : index
      %get3A_103 = arith.constant 0 : index
      %get3A_104 = vector.load %arg11[%get3A_102, %get3A_103] : memref<1x128xf32, #tpu.memory_space<vmem>>, vector<1x128xf32>
      %mul3A_105 = arith.mulf %mul3A_101, %get3A_104 : vector<1x128xf32>
      %get3A_106 = arith.constant 0 : index
      %get3A_107 = arith.constant 0 : index
      %get3A_108 = vector.load %arg12[%get3A_106, %get3A_107] : memref<1x128xf32, #tpu.memory_space<vmem>>, vector<1x128xf32>
      %add3A_109 = arith.addf %mul3A_105, %get3A_108 : vector<1x128xf32>
      %ge3A_110 = arith.constant 0.000000e+00 : f32
      %ge3A_111 = vector.broadcast %ge3A_110 : f32 to vector<1x128xf32>
      %ge3A_112 = arith.cmpf oge, %add3A_109, %ge3A_111 : vector<1x128xf32>
      %mul3A_113 = arith.constant 1.000000e-01 : f32
      %mul3A_114 = vector.broadcast %mul3A_113 : f32 to vector<1x128xf32>
      %mul3A_115 = arith.mulf %mul3A_114, %add3A_109 : vector<1x128xf32>
      %select_n3A_116 = arith.select %ge3A_112, %add3A_109, %mul3A_115 : vector<1x128xi1>, vector<1x128xf32>
      %get3A_117 = arith.constant 0 : index
      %get3A_118 = arith.constant 0 : index
      %get3A_119 = vector.load %arg13[%get3A_117, %get3A_118] : memref<128x128xf32, #tpu.memory_space<vmem>>, vector<128x128xf32>
      %dot_general3A_120 = arith.constant dense<0.000000e+00> : vector<1x128xf32>
      %dot_general3A_121 = tpu.matmul %select_n3A_116, %get3A_119, %dot_general3A_120 {dimension_numbers = #tpu.dot_dimension_numbers<[1], [0], [0], [1], [0, 0, 1, 1], [], []>, precision = #tpu.contract_precision<fp32>, transpose_lhs_hint = false} : vector<1x128xf32>, vector<128x128xf32>, vector<1x128xf32> -> vector<1x128xf32>
      %get3A_122 = arith.constant 0 : index
      %get3A_123 = arith.constant 0 : index
      %get3A_124 = vector.load %arg14[%get3A_122, %get3A_123] : memref<1x128xf32, #tpu.memory_space<vmem>>, vector<1x128xf32>
      %add3A_125 = arith.addf %dot_general3A_121, %get3A_124 : vector<1x128xf32>
      %swap3A = arith.constant 0 : index
      %swap3A_126 = arith.constant 0 : index
      %swap3A_127 = vector.load %arg15[%swap3A, %swap3A_126] : memref<1x128xf32, #tpu.memory_space<vmem>>, vector<1x128xf32>
      tpu.vector_store %arg15[%swap3A, %swap3A_126], %add3A_125 {strides = array<i32>} : memref<1x128xf32, #tpu.memory_space<vmem>>, vector<1x128xf32>,
    } else {
    }
    return
  }
  func.func @transform_0(%arg0: i32) -> (i32, i32) {
    %c0_i32 = arith.constant 0 : i32
    %c0_i32_0 = arith.constant 0 : i32
    return %arg0, %c0_i32 : i32, i32
  }
  func.func @transform_1(%arg0: i32) -> (i32, i32) {
    %c0_i32 = arith.constant 0 : i32
    %c0_i32_0 = arith.constant 0 : i32
    return %arg0, %c0_i32 : i32, i32
  }
  func.func @transform_2(%arg0: i32) -> (i32, i32) {
    %c0_i32 = arith.constant 0 : i32
    %c0_i32_0 = arith.constant 0 : i32
    return %arg0, %c0_i32 : i32, i32
  }
  func.func @transform_3(%arg0: i32) -> (i32, i32) {
    %add3A = arith.constant 10 : i32
    %add3A_0 = arith.addi %add3A, %arg0 : i32
    %c0_i32 = arith.constant 0 : i32
    %c0_i32_1 = arith.constant 0 : i32
    return %add3A_0, %c0_i32 : i32, i32
  }
  func.func @transform_4(%arg0: i32) -> (i32, i32) {
    %c0_i32 = arith.constant 0 : i32
    %c0_i32_0 = arith.constant 0 : i32
    return %arg0, %c0_i32 : i32, i32
  }
  func.func @transform_5(%arg0: i32) -> (i32, i32) {
    %c0_i32 = arith.constant 0 : i32
    %c0_i32_0 = arith.constant 0 : i32
    %c0_i32_1 = arith.constant 0 : i32
    return %c0_i32, %c0_i32_0 : i32, i32
  }
  func.func @transform_6(%arg0: i32) -> (i32, i32) {
    %c0_i32 = arith.constant 0 : i32
    %c0_i32_0 = arith.constant 0 : i32
    %c0_i32_1 = arith.constant 0 : i32
    return %c0_i32, %c0_i32_0 : i32, i32
  }
  func.func @transform_7(%arg0: i32) -> (i32, i32) {
    %c0_i32 = arith.constant 0 : i32
    %c0_i32_0 = arith.constant 0 : i32
    %c0_i32_1 = arith.constant 0 : i32
    return %c0_i32, %c0_i32_0 : i32, i32
  }
  func.func @transform_8(%arg0: i32) -> (i32, i32) {
    %c0_i32 = arith.constant 0 : i32
    %c0_i32_0 = arith.constant 0 : i32
    %c0_i32_1 = arith.constant 0 : i32
    return %c0_i32, %c0_i32_0 : i32, i32
  }
  func.func @transform_9(%arg0: i32) -> (i32, i32) {
    %c0_i32 = arith.constant 0 : i32
    %c0_i32_0 = arith.constant 0 : i32
    %c0_i32_1 = arith.constant 0 : i32
    return %c0_i32, %c0_i32_0 : i32, i32
  }
  func.func @transform_10(%arg0: i32) -> (i32, i32) {
    %c0_i32 = arith.constant 0 : i32
    %c0_i32_0 = arith.constant 0 : i32
    %c0_i32_1 = arith.constant 0 : i32
    return %c0_i32, %c0_i32_0 : i32, i32
  }
  func.func @transform_11(%arg0: i32) -> (i32, i32) {
    %c0_i32 = arith.constant 0 : i32
    %c0_i32_0 = arith.constant 0 : i32
    %c0_i32_1 = arith.constant 0 : i32
    return %c0_i32, %c0_i32_0 : i32, i32
  }
  func.func @transform_12(%arg0: i32) -> (i32, i32) {
    %c0_i32 = arith.constant 0 : i32
    %c0_i32_0 = arith.constant 0 : i32
    %c0_i32_1 = arith.constant 0 : i32
    return %c0_i32, %c0_i32_0 : i32, i32
  }
  func.func @transform_13(%arg0: i32) -> (i32, i32) {
    %c0_i32 = arith.constant 0 : i32
    %c0_i32_0 = arith.constant 0 : i32
    %c0_i32_1 = arith.constant 0 : i32
    return %c0_i32, %c0_i32_0 : i32, i32
  }
  func.func @transform_14(%arg0: i32) -> (i32, i32) {
    %c0_i32 = arith.constant 0 : i32
    %c0_i32_0 = arith.constant 0 : i32
    %c0_i32_1 = arith.constant 0 : i32
    return %c0_i32, %c0_i32_0 : i32, i32
  }
}

</mosaic_0001>

<sc_bundles>
// kernel: kernel.10.cloned.1.call-start
scs
__scs_entry_jumppad:
0x0: {  	(pc) =	sbr.rel $0x88, $3  }
0x1: {  	(tag) =	ssettag $0x0;
	lr =	simm.s32 $0x1  }
0x2: {  	[smem:$0x3F89] =	sst lr;
	_ =	strace $0xD0000000  }
0x3: {  	_ = 	snop  }
0x4: {  	_ = 	snop  }
0x5: {  	_ = 	snop  }
0x6: {  	_ = 	snop  }
0x7: {  	_ = 	snop  }
__scs_overlays_trampoline_lowered:
0x8: {  	[smem:$0x3F98] =	sst s0  }
0x9: {  	[smem:$0x3F99] =	sst s1  }
0xa: {  	[smem:$0x3F9A] =	sst s2  }
0xb: {  	[smem:$0x3F9B] =	sst s3  }
0xc: {  	[smem:$0x3F9C] =	sst s4  }
0xd: {  	[smem:$0x3F9D] =	sst s5  }
0xe: {  	[smem:$0x3F9E] =	sst s6  }
0xf: {  	[smem:$0x3F9F] =	sst s7  }
0x10: {  	[smem:$0x3FA0] =	sst s8  }
0x11: {  	[smem:$0x3FA1] =	sst s9;
	s0 =	simm.s32 @!p0 $0x0  }
0x12: {  	s1 =	sld [smem:$0x3F87];
	s0 =	simm.s32 @p0 $0x1  }
0x13: {  	[smem:$0x3FA2] =	sst s0;
	s0 =	simm.s32 @!p1 $0x0  }
0x14: {  	s2 =	sld [smem:$0x3F86];
	s0 =	simm.s32 @p1 $0x1  }
0x15: {  	[smem:$0x3FA3] =	sst s0;
	s0 =	simm.s32 @!p2 $0x0  }
0x16: {  	s3 =	sld [smem:$0x3FDB];
	s0 =	simm.s32 @p2 $0x1  }
0x17: {  	s4 =	simm.s32 $0x1BF5;
	[smem:$0x3FA5] =	sst s0  }
0x18: {  	s0 =	sld [smem:$0x3F88];
	_ =	swait.ge [sflag:s4], $0x0  }
0x19: {  	s7 =	sld [smem:$0x3F89]  }
0x1a: {  	s8 =	sadd.s32 $0xFFFFE003, lr  }
0x1b: {  	s9 =	sadd.s32 $0xFFFFFEF7, lr;
	s5 =	simm.s32 $0xFFFFFFFF;
	p2 =	slt.u32 s8, $0xFFFFF086  }
0x1c: {  	p1 =	slt.u32 s9, $0xF7A;
	s5 =	simm.s32 @!p2 $0x0  }
0x1d: {  	s5 =	simm.s32 @p1 $0x1;
	p0 =	seq.s32 s7, s2  }
0x1e: {  	s7 =	smul.u32 @!p0 $0xF7A, s2;
	p2 =	seq.s32 @!p0 s5, $0x0  }
0x1f: {  	s9 =	smul.u32 $0xF7A, s1;
	s8 =	simm.s32 @!p0 $0x1BF5;
	p2 =	por !p2, p0  }
0x20: {  	[sflag:s8] =	ssyncset.s32 @!p0 $0xFFFFF086;
	s6 =	sadd.s32 @!p0 s3, s7;
	s7 =	simm.s32 @!p0 $0x108  }
0x21: {  	s3 =	sadd.s32 s3, s9;
	s6 =	sadd.s32 @!p0 $0x88, s6;
	s7 =	simm.s32 @p2 $0x1082  }
0x22: {  	[simem:s7], [sflag:s8] =	dma.local @!p0 [hbm:s6], $0xF7A  }
0x23: {  	s9 =	sor.u32 $0xD0000000, s2;
	s6 =	simm.s32 $0x108;
	_ =	swait.ge @!p0 [sflag:s8], $0x0  }
0x24: {  	s3 =	sadd.s32 $0x88, s3;
	s6 =	simm.s32 @!p1 $0x1082;
	[sflag:s4] =	ssyncset.s32 $0xFFFFF086  }
0x25: {  	[simem:s6], [sflag:s4] =	dma.local [hbm:s3], $0xF7A  }
0x26: {  	[smem:$0x3F89] =	sst s1;
	(tag) =	ssettag s2;
	_ =	strace s9  }
0x27: {  	s1 =	sld [smem:$0x3F99]  }
0x28: {  	s2 =	sld [smem:$0x3F9A]  }
0x29: {  	s4 =	sld [smem:$0x3F9C]  }
0x2a: {  	p0 =	seq.s32 s5, $0x0;
	s5 =	sld [smem:$0x3F9D]  }
0x2b: {  	s6 =	sld [smem:$0x3F9E]  }
0x2c: {  	s7 =	sld [smem:$0x3F9F]  }
0x2d: {  	s3 =	simm.s32 $0x108;
	s8 =	sld [smem:$0x3FA0]  }
0x2e: {  	s3 =	simm.s32 @!p0 $0x1082;
	s9 =	sld [smem:$0x3FA1]  }
0x2f: {  	lr =	sadd.s32 s0, s3;
	s0 =	sld [smem:$0x3F98]  }
0x30: {  	s3 =	sld [smem:$0x3F9B]  }
0x31: {  	[smem:$0x3FA4] =	sst s10  }
0x32: {  	s10 =	sld [smem:$0x3FA2];
	_ =	sdelay $0x3  }
0x33: {  	p0 =	seq.s32 s10, $0x1;
	s10 =	sld [smem:$0x3FA4];
	_ =	sdelay $0x3  }
0x34: {  	[smem:$0x3FA4] =	sst s10  }
0x35: {  	s10 =	sld [smem:$0x3FA3];
	_ =	sdelay $0x3  }
0x36: {  	p1 =	seq.s32 s10, $0x1;
	s10 =	sld [smem:$0x3FA4];
	_ =	sdelay $0x3  }
0x37: {  	[smem:$0x3FA4] =	sst s10  }
0x38: {  	s10 =	sld [smem:$0x3FA5]  }
0x39: {  	_ = 	snop;
	(pc) =	sbr.ind lr, $3  }
0x3a: {  	_ = 	snop  }
0x3b: {  	_ = 	snop  }
0x3c: {  	p2 =	seq.s32 s10, $0x1;
	s10 =	sld [smem:$0x3FA4]  }
0x3d: {  	_ =	shalt  }
0x3e: {  	_ =	shalt  }
0x3f: {  	_ =	shalt  }
0x40: {  	_ =	shalt  }
0x41: {  	_ =	shalt  }
0x42: {  	_ =	shalt  }
0x43: {  	_ =	shalt  }
0x44: {  	_ =	shalt  }
0x45: {  	_ =	shalt  }
0x46: {  	_ =	shalt  }
0x47: {  	_ =	shalt  }
0x48: {  	_ =	shalt  }
0x49: {  	_ =	shalt  }
0x4a: {  	_ =	shalt  }
0x4b: {  	_ =	shalt  }
0x4c: {  	_ =	shalt  }
0x4d: {  	_ =	shalt  }
0x4e: {  	_ =	shalt  }
0x4f: {  	_ =	shalt  }
0x50: {  	_ =	shalt  }
0x51: {  	_ =	shalt  }
0x52: {  	_ =	shalt  }
0x53: {  	_ =	shalt  }
0x54: {  	_ =	shalt  }
0x55: {  	_ =	shalt  }
0x56: {  	_ =	shalt  }
0x57: {  	_ =	shalt  }
0x58: {  	_ =	shalt  }
0x59: {  	_ =	shalt  }
0x5a: {  	_ =	shalt  }
0x5b: {  	_ =	shalt  }
0x5c: {  	_ =	shalt  }
0x5d: {  	_ =	shalt  }
0x5e: {  	_ =	shalt  }
0x5f: {  	_ =	shalt  }
0x60: {  	_ =	shalt  }
0x61: {  	_ =	shalt  }
0x62: {  	_ =	shalt  }
0x63: {  	_ =	shalt  }
0x64: {  	_ =	shalt  }
0x65: {  	_ =	shalt  }
0x66: {  	_ =	shalt  }
0x67: {  	_ =	shalt  }
0x68: {  	_ =	shalt  }
0x69: {  	_ =	shalt  }
0x6a: {  	_ =	shalt  }
0x6b: {  	_ =	shalt  }
0x6c: {  	_ =	shalt  }
0x6d: {  	_ =	shalt  }
0x6e: {  	_ =	shalt  }
0x6f: {  	_ =	shalt  }
0x70: {  	_ =	shalt  }
0x71: {  	_ =	shalt  }
0x72: {  	_ =	shalt  }
0x73: {  	_ =	shalt  }
0x74: {  	_ =	shalt  }
0x75: {  	_ =	shalt  }
0x76: {  	_ =	shalt  }
0x77: {  	_ =	shalt  }
0x78: {  	_ =	shalt  }
0x79: {  	_ =	shalt  }
0x7a: {  	_ =	shalt  }
0x7b: {  	_ =	shalt  }
0x7c: {  	_ =	shalt  }
0x7d: {  	_ =	shalt  }
0x7e: {  	_ =	shalt  }
0x7f: {  	_ =	shalt  }
0x80: {  	_ =	shalt  }
0x81: {  	_ =	shalt  }
0x82: {  	_ =	shalt  }
0x83: {  	_ =	shalt  }
0x84: {  	_ =	shalt  }
0x85: {  	_ =	shalt  }
0x86: {  	_ =	shalt  }
0x87: {  	_ =	shalt  }
.Lfunc_end0:
.L_simem_size_0:
called_computation_lowered:
.L_overlay_start_0:
0x88: {  	s2 =	sld [smem:$0x3FD9]  }
0x89: {  	s3 =	sld [smem:$0x3FFE];
	_ =	sdelay $0x1  }
0x8a: {  	s1 =	srdreg.scid  }
0x8b: {  	s0 =	sand.u32 $0x1, s1  }
0x8c: {  	s16 =	sshll.u32 s0, $0xA;
	s2 =	sadd.s32 s3, s2  }
0x8d: {  	s2 =	sadd.s32 s2, s16  }
0x8e: {  	[smem:$0x3FB0] =	sst s2  }
0x8f: {  	_ = 	snop  }
0x90: {  	(tm) =	ssettm $0x1  }
0x91: {  	s17 =	sld [smem:$0x3FFB];
	_ =	sdelay $0x3  }
0x92: {  	_ =	strace s17  }
0x93: {  	s2 =	sld [smem:$0x3FFC];
	_ =	sdelay $0x3  }
0x94: {  	_ =	strace s2  }
0x95: {  	s2 =	sld [smem:$0x3FFD];
	_ =	sdelay $0x3  }
0x96: {  	_ =	strace s2  }
0x97: {  	_ =	strace $0x8FFFFFFF  }
0x98: {  	s18 =	sld [smem:$0x3FDB];
	_ =	sdelay $0x1  }
0x99: {  	s19 =	simm.s32 $_scs_section_size  }
0x9a: {  	s4 =	simm.s32 $_size__tile_overlayer_lowered;
	s5 =	simm.s32 $_tile_overlayer_lowered  }
0x9b: {  	s22 =	simm.s32 $0x1BFF;
	s21 =	sshll.u32 s5, $0x1;
	s2 =	sadd.s32 s19, s18  }
0x9c: {  	s6 =	simm.s32 $0x0;
	s20 =	sshll.u32 s4, $0x1;
	s4 =	sadd.s32 s21, s2  }
0x9d: {  	[timem:s6], [sflag:s22] =	dma.local [hbm:s4], s20  }
0x9e: {  	_ =	swait.ge [sflag:s22], s20  }
0x9f: {  	s3 =	ssub.s32 $0x0, s20;
	[sflag:s22] =	ssyncset.done $0x0  }
0xa0: {  	[sflag:s22] =	ssyncadd.s32 s3;
	_ =	sdelay $0x1  }
0xa1: {  	s23 =	simm.s32 $0x1B8B  }
0xa2: {  	_ =	swait.ge [sflag:s23], $0x1  }
0xa3: {  	[sflag:s23] =	ssyncset.done $0x0  }
0xa4: {  	s25 =	simm.s32 $0x1B8E;
	s24 =	sld [smem:$0x3FFE];
	[sflag:s23] =	ssyncadd.s32 $0xFFFFFFFF  }
0xa5: {  	s26 =	simm.s32 $execute0_lowered;
	[smem:$0x3FD2] =	sst s25  }
0xa6: {  	s4 =	sshll.u32 s26, $0x1;
	_ =	strace $0x80000046;
	[dreg:$0x1] =	wrdreg $0xFFFFFFFF  }
0xa7: {  	s28 =	simm.s32 $_size_execute0_lowered;
	s2 =	sadd.s32 s2, s4;
	[dreg:$0x0] =	wrdreg $0x0  }
0xa8: {  	s4 =	sshll.u32 s28, $0x1;
	[dreg:$0x2] =	wrdreg s2  }
0xa9: {  	[dreg:$0x3] =	wrdreg s4  }
0xaa: {  	[dreg:$0x4] =	wrdreg $0xC0  }
0xab: {  	_ =	task [dreg:s6], $0x5FFFF  }
0xac: {  	[dreg:$0x1] =	wrdreg $0xFFFFFFFF  }
0xad: {  	[dreg:$0x0] =	wrdreg $0x60  }
0xae: {  	[dreg:$0x2] =	wrdreg s24  }
0xaf: {  	[dreg:$0x3] =	wrdreg $0x9  }
0xb0: {  	_ =	task.clear_ibuf [dreg:s6], $0x4FFFF;
	_ =	strace $0x90000046  }
0xb1: {  	s29 =	simm.s32 $0x9;
	_ =	strace $0x80000048  }
0xb2: {  	_ =	swait.ge [sflag:s29], $0x1  }
0xb3: {  	[sflag:s29] =	ssyncadd.s32 $0xFFFFFFFF  }
0xb4: {  	_ =	strace $0x90000048  }
0xb5: {  	_ =	sfence  }
0xb6: {  	s30 =	sld [smem:$0x0];
	_ =	sdelay $0x2  }
0xb7: {  	s31 =	sshll.u32 s1, $0xD;
	s1 =	sshrl.u32 s1, $0x2  }
0xb8: {  	s3 =	sand.u32 $0x4000, s31;
	s1 =	sadd.s32 s1, s30  }
0xb9: {  	s0 =	sor.u32 s3, s0;
	s1 =	sshll.u32 s1, $0x11  }
0xba: {  	s0 =	sor.u32 s1, s0  }
0xbb: {  	s0 =	sadd.s32 $0x8F2B, s0  }
0xbc: {  	[sflag:s0] =	ssyncadd.remote.s32 $0x1  }
0xbd: {  	_ =	sfence.sel $0xFFFF  }
0xbe: {  	[dreg:$0x0] =	wrdreg $0xFFFFFFFF;
	(pc) =	sbr.abs _section_cstart, $3  }
0xbf: {  	[dreg:$0x1] =	wrdreg $0xFFFFFFFF  }
0xc0: {  	_ =	task.clear_ibuf [dreg:s6], $0x2FFFF;
	_ =	strace $0x9FFFFFFF  }
0xc1: {  	(tm) =	ssettm $0x7FFFFFFF  }
tec
execute0_lowered:
.L_overlay_start_1:
0x0: {  	(tag) =	ssettag $0x1  }
0x1: {  	s0 =	srdreg.scid  }
0x2: {  	s3 =	sand.u32 $0x1, s0  }
0x3: {  	s0 =	stileid.u32;
	s1 =	sshll.u32 s3, $0x4  }
0x4: {  	s4 =	rddreg [dreg:$0x0];
	s2 =	simm.s32 $0x0;
	s5 =	sor.u32 s0, s1  }
0x5: {  	s10 =	simm.s32 $0x1;
	s11 =	simm.s32 $0x800;
	s6 =	smul.u32 $0x2710, s5  }
0x6: {  	s12 =	simm.s32 $0x0;
	[smem:$0x7FF] =	sst s2;
	s5 =	smul.u32 $0x4E2, s5  }
0x7: {  	s3 =	ssub.s32 $0x2, s3;
	s1 =	rddreg [dreg:$0x1];
	_ =	strace $0x80000047  }
0x8: {  	s7 =	sshrl.u32 s3, $0x1;
	s6 =	sshrl.u32 s6, $0x3;
	s5 =	sadd.s32 s5, s4  }
0x9: {  	s31 =	ssub.s32 s3, s7;
	s9 =	sadd.s32 s6, s4;
	s3 =	sadd.s32 $0x10800, s5  }
0xa: {  	s4 =	smax.u32 s31, $0x1;
	s5 =	sadd.s32 $0x6A00, s9;
	s6 =	sadd.s32 $0x6AFA, s9  }
0xb: {  	v0 =	vimm.f32 $0.0e+00;
	v1 =	vimm.f32 $1.000000000e+00;
	s7 =	sadd.s32 $0x6BF4, s9;
	s8 =	sadd.s32 $0x6CEE, s9;
	s9 =	sadd.s32 $0x6DE8, s9  }
.LBB2_1:
0xc: {  	s13 =	simm.s32 $0x40;
	s14 =	simm.s32 $0x0  }
.LBB2_2:
0xd: {  	p0 =	sne.s32 s13, $0x9C00;
	[tilespmem:s14+$0x800] =	vst v0;
	s14 =	smov.u32 s13;
	s13 =	sadd.s32 $0x40, s13  }
.Ltmp0:
0xe: {  	(pc) =	sbr.rel @p0 .LBB2_2-.Ltmp0, $2  }
0xf: {  	_ =	sdelay $0x2  }
0x10: {  	s14 =	sshra.s32 s14, $0x2  }
0x11: {  	[tilespmem:s14+$0x800] =	vst v0;
	s13 =	simm.s32 $0x0  }
0x12: {  	[tilespmem:s13], [sflag:$0x1] =	stream.linear.gather [hbm4b:s5+s13], $0x7D0, $0x38;
	[tilespmem:$0x2F80] =	vst v63  }
0x13: {  	_ =	swait.ge [sflag:s10], $0x7D0  }
0x14: {  	[sflag:s10] =	ssyncset.done $0x0  }
0x15: {  	s14 =	simm.s32 $0x0;
	s13 =	simm.s32 $0x40;
	[sflag:s10] =	ssyncadd.s32 $0xFFFFF830  }
.LBB2_4:
0x16: {  	p0 =	sne.s32 s13, $0x1F00;
	v2 =	vld [tilespmem:s14+$0x0];
	_ =	sdelay $0x3  }
.Ltmp1:
0x17: {  	(pc) =	sbr.rel @p0 .LBB2_4-.Ltmp1, $2  }
0x18: {  	_ =	sdelay $0x2  }
0x19: {  	s14 =	sshra.s32 s13, $0x2;
	s13 =	sadd.s32 $0x40, s13;
	[tilespmem:v2+s11+$0x0] =	vst.idx.add.f32.msk $0xffff, v1  }
0x1a: {  	v2 =	vld [tilespmem:s14+$0x0];
	_ =	sdelay $0x7  }
0x1b: {  	s13 =	simm.s32 $0x0;
	[tilespmem:v2+s11+$0x0] =	vst.idx.add.f32.msk $0xffff, v1  }
0x1c: {  	[tilespmem:s13], [sflag:$0x1] =	stream.linear.gather [hbm4b:s6+s13], $0x7D0, $0x38;
	[tilespmem:$0x2F80] =	vst v63  }
0x1d: {  	_ =	swait.ge [sflag:s10], $0x7D0  }
0x1e: {  	[sflag:s10] =	ssyncset.done $0x0  }
0x1f: {  	s14 =	simm.s32 $0x0;
	s13 =	simm.s32 $0x40;
	[sflag:s10] =	ssyncadd.s32 $0xFFFFF830  }
.LBB2_6:
0x20: {  	p0 =	sne.s32 s13, $0x1F00;
	v2 =	vld [tilespmem:s14+$0x0];
	_ =	sdelay $0x3  }
.Ltmp2:
0x21: {  	(pc) =	sbr.rel @p0 .LBB2_6-.Ltmp2, $2  }
0x22: {  	_ =	sdelay $0x2  }
0x23: {  	s14 =	sshra.s32 s13, $0x2;
	s13 =	sadd.s32 $0x40, s13;
	[tilespmem:v2+s11+$0x0] =	vst.idx.add.f32.msk $0xffff, v1  }
0x24: {  	v2 =	vld [tilespmem:s14+$0x0];
	_ =	sdelay $0x7  }
0x25: {  	s13 =	simm.s32 $0x0;
	[tilespmem:v2+s11+$0x0] =	vst.idx.add.f32.msk $0xffff, v1  }
0x26: {  	[tilespmem:s13], [sflag:$0x1] =	stream.linear.gather [hbm4b:s7+s13], $0x7D0, $0x38;
	[tilespmem:$0x2F80] =	vst v63  }
0x27: {  	_ =	swait.ge [sflag:s10], $0x7D0  }
0x28: {  	[sflag:s10] =	ssyncset.done $0x0  }
0x29: {  	s14 =	simm.s32 $0x0;
	s13 =	simm.s32 $0x40;
	[sflag:s10] =	ssyncadd.s32 $0xFFFFF830  }
.LBB2_8:
0x2a: {  	p0 =	sne.s32 s13, $0x1F00;
	v2 =	vld [tilespmem:s14+$0x0];
	_ =	sdelay $0x3  }
.Ltmp3:
0x2b: {  	(pc) =	sbr.rel @p0 .LBB2_8-.Ltmp3, $2  }
0x2c: {  	_ =	sdelay $0x2  }
0x2d: {  	s14 =	sshra.s32 s13, $0x2;
	s13 =	sadd.s32 $0x40, s13;
	[tilespmem:v2+s11+$0x0] =	vst.idx.add.f32.msk $0xffff, v1  }
0x2e: {  	v2 =	vld [tilespmem:s14+$0x0];
	_ =	sdelay $0x7  }
0x2f: {  	s13 =	simm.s32 $0x0;
	[tilespmem:v2+s11+$0x0] =	vst.idx.add.f32.msk $0xffff, v1  }
0x30: {  	[tilespmem:s13], [sflag:$0x1] =	stream.linear.gather [hbm4b:s8+s13], $0x7D0, $0x38;
	[tilespmem:$0x2F80] =	vst v63  }
0x31: {  	_ =	swait.ge [sflag:s10], $0x7D0  }
0x32: {  	[sflag:s10] =	ssyncset.done $0x0  }
0x33: {  	s14 =	simm.s32 $0x0;
	s13 =	simm.s32 $0x40;
	[sflag:s10] =	ssyncadd.s32 $0xFFFFF830  }
.LBB2_10:
0x34: {  	p0 =	sne.s32 s13, $0x1F00;
	v2 =	vld [tilespmem:s14+$0x0];
	_ =	sdelay $0x3  }
.Ltmp4:
0x35: {  	(pc) =	sbr.rel @p0 .LBB2_10-.Ltmp4, $2  }
0x36: {  	_ =	sdelay $0x2  }
0x37: {  	s14 =	sshra.s32 s13, $0x2;
	s13 =	sadd.s32 $0x40, s13;
	[tilespmem:v2+s11+$0x0] =	vst.idx.add.f32.msk $0xffff, v1  }
0x38: {  	v2 =	vld [tilespmem:s14+$0x0];
	_ =	sdelay $0x7  }
0x39: {  	s13 =	simm.s32 $0x0;
	[tilespmem:v2+s11+$0x0] =	vst.idx.add.f32.msk $0xffff, v1  }
0x3a: {  	[tilespmem:s13], [sflag:$0x1] =	stream.linear.gather [hbm4b:s9+s13], $0x7D0, $0x38;
	[tilespmem:$0x2F80] =	vst v63  }
0x3b: {  	_ =	swait.ge [sflag:s10], $0x7D0  }
0x3c: {  	[sflag:s10] =	ssyncset.done $0x0  }
0x3d: {  	s14 =	simm.s32 $0x0;
	s13 =	simm.s32 $0x40;
	[sflag:s10] =	ssyncadd.s32 $0xFFFFF830  }
.LBB2_12:
0x3e: {  	p0 =	sne.s32 s13, $0x1F00;
	v2 =	vld [tilespmem:s14+$0x0];
	_ =	sdelay $0x3  }
.Ltmp5:
0x3f: {  	(pc) =	sbr.rel @p0 .LBB2_12-.Ltmp5, $2  }
0x40: {  	_ =	sdelay $0x2  }
0x41: {  	s14 =	sshra.s32 s13, $0x2;
	s13 =	sadd.s32 $0x40, s13;
	[tilespmem:v2+s11+$0x0] =	vst.idx.add.f32.msk $0xffff, v1  }
0x42: {  	v2 =	vld [tilespmem:s14+$0x0];
	_ =	sdelay $0x5  }
0x43: {  	s12 =	sadd.s32 $0x1, s12  }
0x44: {  	p0 =	sne.s32 s12, s4  }
.Ltmp6:
0x45: {  	[tilespmem:v2+s11+$0x0] =	vst.idx.add.f32.msk $0xffff, v1;
	(pc) =	sbr.rel @p0 .LBB2_1-.Ltmp6, $4  }
0x46: {  	[hbm4b:s3+s2] =	stream.linear.scatter [tilespmem:s11], [sflag:$0x1], $0x2710, $0x38;
	[tilespmem:$0x2F80] =	vst v63  }
0x47: {  	_ =	swait.ge [sflag:s10], $0x2710  }
0x48: {  	[sflag:s10] =	ssyncset.done $0x0  }
0x49: {  	[sflag:s10] =	ssyncadd.s32 $0xFFFFD8F0  }
0x4a: {  	_ =	sfence.sel $0x180000  }
0x4b: {  	[bflag:$0x0] =	sbarrier.arrive $0xFFFF  }
0x4c: {  	p0 =	sne.s32 s0, $0x0;
	_ =	strace $0x90000047  }
0x4d: {  	s0 =	sadd.s32 @!p0 $0x100000, s1;
	[bflag:$0x2] =	sbarrier.arrive $0xFFFF  }
0x4e: {  	[sflag:s0] =	ssyncadd.tile.s32 @!p0 $0x1;
	_ =	shalt  }
.Lfunc_end2:
_tile_overlayer_lowered:
.L_overlay_start_2:
0x4f: {  	(tag) =	ssettag $0x2  }
0x50: {  	s0 =	rddreg [dreg:$0x0];
	s2 =	stileid.u32  }
0x51: {  	s1 =	rddreg [dreg:$0x1];
	p0 =	sne.s32 s2, $0x0  }
0x52: {  	s3 =	rddreg [dreg:$0x2];
	[bflag:$0x3] =	sbarrier.arrive $0xFFFF;
	s2 =	simm.s32 @!p0 $0x1C01  }
0x53: {  	[timem:s3], [sflag:s2] =	dma.local @!p0 [hbm:s0], s1  }
0x54: {  	s0 =	simm.s32 @!p0 $0x1  }
0x55: {  	_ =	swait.ge @!p0 [sflag:s0], s1  }
0x56: {  	s1 =	ssub.s32 @!p0 $0x0, s1;
	[sflag:s0] =	ssyncset.done @!p0 $0x0  }
0x57: {  	[sflag:s0] =	ssyncadd.s32 @!p0 s1  }
0x58: {  	[bflag:$0x3] =	sbarrier.arrive $0xFFFF  }
0x59: {  	_ =	shalt  }

// kernel: kernel.13.cloned.1.call-start
scs
__scs_entry_jumppad:
0x0: {  	(pc) =	sbr.rel $0x88, $3  }
0x1: {  	(tag) =	ssettag $0x0;
	lr =	simm.s32 $0x1  }
0x2: {  	[smem:$0x3F89] =	sst lr;
	_ =	strace $0xD0000000  }
0x3: {  	_ = 	snop  }
0x4: {  	_ = 	snop  }
0x5: {  	_ = 	snop  }
0x6: {  	_ = 	snop  }
0x7: {  	_ = 	snop  }
__scs_overlays_trampoline_lowered:
0x8: {  	[smem:$0x3F98] =	sst s0  }
0x9: {  	[smem:$0x3F99] =	sst s1  }
0xa: {  	[smem:$0x3F9A] =	sst s2  }
0xb: {  	[smem:$0x3F9B] =	sst s3  }
0xc: {  	[smem:$0x3F9C] =	sst s4  }
0xd: {  	[smem:$0x3F9D] =	sst s5  }
0xe: {  	[smem:$0x3F9E] =	sst s6  }
0xf: {  	[smem:$0x3F9F] =	sst s7  }
0x10: {  	[smem:$0x3FA0] =	sst s8  }
0x11: {  	[smem:$0x3FA1] =	sst s9;
	s0 =	simm.s32 @!p0 $0x0  }
0x12: {  	s1 =	sld [smem:$0x3F87];
	s0 =	simm.s32 @p0 $0x1  }
0x13: {  	[smem:$0x3FA2] =	sst s0;
	s0 =	simm.s32 @!p1 $0x0  }
0x14: {  	s2 =	sld [smem:$0x3F86];
	s0 =	simm.s32 @p1 $0x1  }
0x15: {  	[smem:$0x3FA3] =	sst s0;
	s0 =	simm.s32 @!p2 $0x0  }
0x16: {  	s3 =	sld [smem:$0x3FDB];
	s0 =	simm.s32 @p2 $0x1  }
0x17: {  	s4 =	simm.s32 $0x1BF5;
	[smem:$0x3FA5] =	sst s0  }
0x18: {  	s0 =	sld [smem:$0x3F88];
	_ =	swait.ge [sflag:s4], $0x0  }
0x19: {  	s7 =	sld [smem:$0x3F89]  }
0x1a: {  	s8 =	sadd.s32 $0xFFFFE003, lr  }
0x1b: {  	s9 =	sadd.s32 $0xFFFFFEF7, lr;
	s5 =	simm.s32 $0xFFFFFFFF;
	p2 =	slt.u32 s8, $0xFFFFF086  }
0x1c: {  	p1 =	slt.u32 s9, $0xF7A;
	s5 =	simm.s32 @!p2 $0x0  }
0x1d: {  	s5 =	simm.s32 @p1 $0x1;
	p0 =	seq.s32 s7, s2  }
0x1e: {  	s7 =	smul.u32 @!p0 $0xF7A, s2;
	p2 =	seq.s32 @!p0 s5, $0x0  }
0x1f: {  	s9 =	smul.u32 $0xF7A, s1;
	s8 =	simm.s32 @!p0 $0x1BF5;
	p2 =	por !p2, p0  }
0x20: {  	[sflag:s8] =	ssyncset.s32 @!p0 $0xFFFFF086;
	s6 =	sadd.s32 @!p0 s3, s7;
	s7 =	simm.s32 @!p0 $0x108  }
0x21: {  	s3 =	sadd.s32 s3, s9;
	s6 =	sadd.s32 @!p0 $0x88, s6;
	s7 =	simm.s32 @p2 $0x1082  }
0x22: {  	[simem:s7], [sflag:s8] =	dma.local @!p0 [hbm:s6], $0xF7A  }
0x23: {  	s9 =	sor.u32 $0xD0000000, s2;
	s6 =	simm.s32 $0x108;
	_ =	swait.ge @!p0 [sflag:s8], $0x0  }
0x24: {  	s3 =	sadd.s32 $0x88, s3;
	s6 =	simm.s32 @!p1 $0x1082;
	[sflag:s4] =	ssyncset.s32 $0xFFFFF086  }
0x25: {  	[simem:s6], [sflag:s4] =	dma.local [hbm:s3], $0xF7A  }
0x26: {  	[smem:$0x3F89] =	sst s1;
	(tag) =	ssettag s2;
	_ =	strace s9  }
0x27: {  	s1 =	sld [smem:$0x3F99]  }
0x28: {  	s2 =	sld [smem:$0x3F9A]  }
0x29: {  	s4 =	sld [smem:$0x3F9C]  }
0x2a: {  	p0 =	seq.s32 s5, $0x0;
	s5 =	sld [smem:$0x3F9D]  }
0x2b: {  	s6 =	sld [smem:$0x3F9E]  }
0x2c: {  	s7 =	sld [smem:$0x3F9F]  }
0x2d: {  	s3 =	simm.s32 $0x108;
	s8 =	sld [smem:$0x3FA0]  }
0x2e: {  	s3 =	simm.s32 @!p0 $0x1082;
	s9 =	sld [smem:$0x3FA1]  }
0x2f: {  	lr =	sadd.s32 s0, s3;
	s0 =	sld [smem:$0x3F98]  }
0x30: {  	s3 =	sld [smem:$0x3F9B]  }
0x31: {  	[smem:$0x3FA4] =	sst s10  }
0x32: {  	s10 =	sld [smem:$0x3FA2];
	_ =	sdelay $0x3  }
0x33: {  	p0 =	seq.s32 s10, $0x1;
	s10 =	sld [smem:$0x3FA4];
	_ =	sdelay $0x3  }
0x34: {  	[smem:$0x3FA4] =	sst s10  }
0x35: {  	s10 =	sld [smem:$0x3FA3];
	_ =	sdelay $0x3  }
0x36: {  	p1 =	seq.s32 s10, $0x1;
	s10 =	sld [smem:$0x3FA4];
	_ =	sdelay $0x3  }
0x37: {  	[smem:$0x3FA4] =	sst s10  }
0x38: {  	s10 =	sld [smem:$0x3FA5]  }
0x39: {  	_ = 	snop;
	(pc) =	sbr.ind lr, $3  }
0x3a: {  	_ = 	snop  }
0x3b: {  	_ = 	snop  }
0x3c: {  	p2 =	seq.s32 s10, $0x1;
	s10 =	sld [smem:$0x3FA4]  }
0x3d: {  	_ =	shalt  }
0x3e: {  	_ =	shalt  }
0x3f: {  	_ =	shalt  }
0x40: {  	_ =	shalt  }
0x41: {  	_ =	shalt  }
0x42: {  	_ =	shalt  }
0x43: {  	_ =	shalt  }
0x44: {  	_ =	shalt  }
0x45: {  	_ =	shalt  }
0x46: {  	_ =	shalt  }
0x47: {  	_ =	shalt  }
0x48: {  	_ =	shalt  }
0x49: {  	_ =	shalt  }
0x4a: {  	_ =	shalt  }
0x4b: {  	_ =	shalt  }
0x4c: {  	_ =	shalt  }
0x4d: {  	_ =	shalt  }
0x4e: {  	_ =	shalt  }
0x4f: {  	_ =	shalt  }
0x50: {  	_ =	shalt  }
0x51: {  	_ =	shalt  }
0x52: {  	_ =	shalt  }
0x53: {  	_ =	shalt  }
0x54: {  	_ =	shalt  }
0x55: {  	_ =	shalt  }
0x56: {  	_ =	shalt  }
0x57: {  	_ =	shalt  }
0x58: {  	_ =	shalt  }
0x59: {  	_ =	shalt  }
0x5a: {  	_ =	shalt  }
0x5b: {  	_ =	shalt  }
0x5c: {  	_ =	shalt  }
0x5d: {  	_ =	shalt  }
0x5e: {  	_ =	shalt  }
0x5f: {  	_ =	shalt  }
0x60: {  	_ =	shalt  }
0x61: {  	_ =	shalt  }
0x62: {  	_ =	shalt  }
0x63: {  	_ =	shalt  }
0x64: {  	_ =	shalt  }
0x65: {  	_ =	shalt  }
0x66: {  	_ =	shalt  }
0x67: {  	_ =	shalt  }
0x68: {  	_ =	shalt  }
0x69: {  	_ =	shalt  }
0x6a: {  	_ =	shalt  }
0x6b: {  	_ =	shalt  }
0x6c: {  	_ =	shalt  }
0x6d: {  	_ =	shalt  }
0x6e: {  	_ =	shalt  }
0x6f: {  	_ =	shalt  }
0x70: {  	_ =	shalt  }
0x71: {  	_ =	shalt  }
0x72: {  	_ =	shalt  }
0x73: {  	_ =	shalt  }
0x74: {  	_ =	shalt  }
0x75: {  	_ =	shalt  }
0x76: {  	_ =	shalt  }
0x77: {  	_ =	shalt  }
0x78: {  	_ =	shalt  }
0x79: {  	_ =	shalt  }
0x7a: {  	_ =	shalt  }
0x7b: {  	_ =	shalt  }
0x7c: {  	_ =	shalt  }
0x7d: {  	_ =	shalt  }
0x7e: {  	_ =	shalt  }
0x7f: {  	_ =	shalt  }
0x80: {  	_ =	shalt  }
0x81: {  	_ =	shalt  }
0x82: {  	_ =	shalt  }
0x83: {  	_ =	shalt  }
0x84: {  	_ =	shalt  }
0x85: {  	_ =	shalt  }
0x86: {  	_ =	shalt  }
0x87: {  	_ =	shalt  }
.Lfunc_end0:
.L_simem_size_0:
called_computation.1_lowered:
.L_overlay_start_0:
0x88: {  	s2 =	sld [smem:$0x3FD9]  }
0x89: {  	s3 =	sld [smem:$0x3FFE];
	_ =	sdelay $0x1  }
0x8a: {  	s1 =	srdreg.scid  }
0x8b: {  	s0 =	sand.u32 $0x1, s1  }
0x8c: {  	s16 =	sshll.u32 s0, $0xA;
	s2 =	sadd.s32 s3, s2  }
0x8d: {  	s2 =	sadd.s32 s2, s16  }
0x8e: {  	[smem:$0x3FB0] =	sst s2  }
0x8f: {  	_ = 	snop  }
0x90: {  	(tm) =	ssettm $0x1  }
0x91: {  	s17 =	sld [smem:$0x3FFB];
	_ =	sdelay $0x3  }
0x92: {  	_ =	strace s17  }
0x93: {  	s2 =	sld [smem:$0x3FFC];
	_ =	sdelay $0x3  }
0x94: {  	_ =	strace s2  }
0x95: {  	s2 =	sld [smem:$0x3FFD];
	_ =	sdelay $0x3  }
0x96: {  	_ =	strace s2  }
0x97: {  	_ =	strace $0x8FFFFFFF  }
0x98: {  	s18 =	sld [smem:$0x3FDB];
	_ =	sdelay $0x1  }
0x99: {  	s19 =	simm.s32 $_scs_section_size  }
0x9a: {  	s4 =	simm.s32 $_size__tile_overlayer_lowered;
	s5 =	simm.s32 $_tile_overlayer_lowered  }
0x9b: {  	s22 =	simm.s32 $0x1BFF;
	s21 =	sshll.u32 s5, $0x1;
	s2 =	sadd.s32 s19, s18  }
0x9c: {  	s6 =	simm.s32 $0x0;
	s20 =	sshll.u32 s4, $0x1;
	s4 =	sadd.s32 s21, s2  }
0x9d: {  	[timem:s6], [sflag:s22] =	dma.local [hbm:s4], s20  }
0x9e: {  	_ =	swait.ge [sflag:s22], s20  }
0x9f: {  	s3 =	ssub.s32 $0x0, s20;
	[sflag:s22] =	ssyncset.done $0x0  }
0xa0: {  	[sflag:s22] =	ssyncadd.s32 s3;
	_ =	sdelay $0x1  }
0xa1: {  	s23 =	simm.s32 $0x1B8B  }
0xa2: {  	_ =	swait.ge [sflag:s23], $0x1  }
0xa3: {  	[sflag:s23] =	ssyncset.done $0x0  }
0xa4: {  	s25 =	simm.s32 $0x1B8E;
	s24 =	sld [smem:$0x3FFE];
	[sflag:s23] =	ssyncadd.s32 $0xFFFFFFFF  }
0xa5: {  	s26 =	simm.s32 $execute0_lowered;
	[smem:$0x3FD2] =	sst s25  }
0xa6: {  	s4 =	sshll.u32 s26, $0x1;
	_ =	strace $0x80000049;
	[dreg:$0x1] =	wrdreg $0xFFFFFFFF  }
0xa7: {  	s28 =	simm.s32 $_size_execute0_lowered;
	s2 =	sadd.s32 s2, s4;
	[dreg:$0x0] =	wrdreg $0x0  }
0xa8: {  	s4 =	sshll.u32 s28, $0x1;
	[dreg:$0x2] =	wrdreg s2  }
0xa9: {  	[dreg:$0x3] =	wrdreg s4  }
0xaa: {  	[dreg:$0x4] =	wrdreg $0xC0  }
0xab: {  	_ =	task [dreg:s6], $0x5FFFF  }
0xac: {  	[dreg:$0x1] =	wrdreg $0xFFFFFFFF  }
0xad: {  	[dreg:$0x0] =	wrdreg $0x60  }
0xae: {  	[dreg:$0x2] =	wrdreg s24  }
0xaf: {  	[dreg:$0x3] =	wrdreg $0x0  }
0xb0: {  	[dreg:$0x4] =	wrdreg $0x9  }
0xb1: {  	_ =	task.clear_ibuf [dreg:s6], $0x5FFFF;
	_ =	strace $0x90000049  }
0xb2: {  	s29 =	simm.s32 $0x9;
	_ =	strace $0x8000004B  }
0xb3: {  	_ =	swait.ge [sflag:s29], $0x1  }
0xb4: {  	[sflag:s29] =	ssyncadd.s32 $0xFFFFFFFF  }
0xb5: {  	_ =	strace $0x9000004B  }
0xb6: {  	_ =	sfence  }
0xb7: {  	s30 =	sld [smem:$0x0];
	_ =	sdelay $0x2  }
0xb8: {  	s31 =	sshll.u32 s1, $0xD;
	s1 =	sshrl.u32 s1, $0x2  }
0xb9: {  	s3 =	sand.u32 $0x4000, s31;
	s1 =	sadd.s32 s1, s30  }
0xba: {  	s0 =	sor.u32 s3, s0;
	s1 =	sshll.u32 s1, $0x11  }
0xbb: {  	s0 =	sor.u32 s1, s0  }
0xbc: {  	s0 =	sadd.s32 $0x8F2B, s0  }
0xbd: {  	[sflag:s0] =	ssyncadd.remote.s32 $0x1  }
0xbe: {  	_ =	sfence.sel $0xFFFF  }
0xbf: {  	[dreg:$0x0] =	wrdreg $0xFFFFFFFF;
	(pc) =	sbr.abs _section_cstart, $3  }
0xc0: {  	[dreg:$0x1] =	wrdreg $0xFFFFFFFF  }
0xc1: {  	_ =	task.clear_ibuf [dreg:s6], $0x2FFFF;
	_ =	strace $0x9FFFFFFF  }
0xc2: {  	(tm) =	ssettm $0x7FFFFFFF  }
0xc3: {  	_ =	shalt  }
tec
execute0_lowered:
.L_overlay_start_1:
0x0: {  	(tag) =	ssettag $0x1  }
0x1: {  	s0 =	srdreg.scid;
	s3 =	rddreg [dreg:$0x0]  }
0x2: {  	s21 =	stileid.u32;
	s2 =	rddreg [dreg:$0x1];
	s5 =	simm.s32 $0x0  }
0x3: {  	s28 =	simm.s32 $0x4;
	s0 =	sand.u32 $0x1, s0;
	s6 =	smul.u32 $0xA000, s21  }
0x4: {  	s29 =	simm.s32 $0x1;
	s11 =	sor.u32 $0x10, s21;
	s20 =	smul.u32 $0x27100, s0  }
0x5: {  	s30 =	simm.s32 $0x60;
	s12 =	sor.u32 $0x20, s21;
	s23 =	smul.u32 $0xA000, s11  }
0x6: {  	s31 =	simm.s32 $0x16040;
	s13 =	sor.u32 $0x30, s21;
	s24 =	smul.u32 $0xA000, s12  }
0x7: {  	s4 =	sshll.u32 s21, $0x7;
	s14 =	sor.u32 $0x40, s21;
	s9 =	smul.u32 $0xA000, s13  }
0x8: {  	[smem:$0x7FF] =	sst s5;
	s15 =	sor.u32 $0x50, s21;
	s25 =	smul.u32 $0xA000, s14  }
0x9: {  	s17 =	sor.u32 $0x60, s21;
	s19 =	sor.u32 $0x70, s21;
	s16 =	smul.u32 $0xA000, s15  }
0xa: {  	p1 =	sgt.u32 s21, $0xC;
	s1 =	sshll.u32 s0, $0x4;
	s18 =	smul.u32 $0xA000, s17  }
0xb: {  	s4 =	sand.u32 $0x380, s4;
	_ =	strace $0x8000004A;
	s26 =	smul.u32 $0xA000, s19  }
0xc: {  	s0 =	ssub.s32 $0x2, s0;
	s15 =	smul.u32 $0x500, s15;
	p0 =	sgt.u32 s19, $0x7C  }
0xd: {  	s1 =	sor.u32 s21, s1;
	s22 =	sshrl.u32 s0, $0x1;
	s6 =	sshrl.u32 s6, $0x2  }
0xe: {  	s1 =	sshrl.u32 s1, $0x3;
	s0 =	ssub.s32 s0, s22;
	s5 =	sshrl.u32 s23, $0x2  }
0xf: {  	s7 =	sadd.s32 s6, s2;
	s22 =	sshrl.u32 s9, $0x2;
	s23 =	sshrl.u32 s16, $0x2  }
0x10: {  	s6 =	simm.s32 $0x3;
	s1 =	smul.u32 $0x13C00, s1;
	s0 =	smax.u32 s0, $0x1  }
0x11: {  	s8 =	sadd.s32 s5, s2;
	s10 =	sadd.s32 s22, s2;
	s5 =	sshrl.u32 s26, $0x2  }
0x12: {  	s26 =	smul.u32 $0x500, s14;
	[dreg:$0x4] =	wrdreg s0;
	s1 =	sor.u32 s4, s1  }
0x13: {  	s0 =	sshrl.u32 s25, $0x2;
	s25 =	sshrl.u32 s18, $0x2;
	s1 =	sshrl.u32 s1, $0x3  }
0x14: {  	s14 =	sadd.s32 s5, s2;
	s18 =	simm.s32 $0x7;
	s1 =	sadd.s32 s1, s3  }
0x15: {  	s4 =	sadd.s32 $0x24400, s3;
	s3 =	sadd.s32 s20, s3;
	s1 =	sadd.s32 $0x1A600, s1  }
0x16: {  	s20 =	smul.u32 $0x500, s21;
	s3 =	sadd.s32 $0x72800, s3;
	[dreg:$0x3] =	wrdreg s1  }
0x17: {  	s1 =	sshrl.u32 s24, $0x2;
	s24 =	smul.u32 $0x500, s12;
	s12 =	sadd.s32 s23, s2  }
0x18: {  	s22 =	sadd.s32 s3, s20;
	s23 =	smul.u32 $0x500, s17;
	s26 =	sadd.s32 s3, s26  }
0x19: {  	s5 =	sadd.s32 s3, s15;
	s15 =	simm.s32 $0x162C0;
	s9 =	sadd.s32 s1, s2  }
0x1a: {  	s1 =	smul.u32 $0x500, s11;
	s11 =	sadd.s32 s0, s2;
	[dreg:$0x5] =	wrdreg s22  }
0x1b: {  	s0 =	smul.u32 $0x500, s13;
	s13 =	sadd.s32 s25, s2;
	[dreg:$0x9] =	wrdreg s26  }
0x1c: {  	s25 =	smul.u32 $0x500, s19;
	[dreg:$0xa] =	wrdreg s5;
	s24 =	sadd.s32 s3, s24  }
0x1d: {  	s26 =	simm.s32 $0x16340;
	s1 =	sadd.s32 s3, s1;
	[dreg:$0x7] =	wrdreg s24  }
0x1e: {  	s5 =	simm.s32 $0x16240;
	s0 =	sadd.s32 s3, s0;
	[dreg:$0x6] =	wrdreg s1  }
0x1f: {  	s19 =	simm.s32 $0x0;
	s24 =	simm.s32 $0x16140;
	[dreg:$0x8] =	wrdreg s0  }
0x20: {  	s1 =	sadd.s32 s3, s23;
	s0 =	sadd.s32 s3, s25;
	s23 =	simm.s32 $0x19340  }
0x21: {  	s25 =	simm.s32 $0x1C340;
	s3 =	simm.s32 $0x2;
	[dreg:$0xb] =	wrdreg s1  }
0x22: {  	v0 =	vimm.f32 $0.0e+00;
	[dreg:$0xc] =	wrdreg s0;
	s1 =	simm.s32 $0x160C0;
	s0 =	simm.s32 $0x161C0  }
.LBB2_1:
0x23: {  	s16 =	rddreg [dreg:$0x3]  }
0x24: {  	s17 =	simm.s32 $0x80;
	s20 =	simm.s32 $0x400;
	s21 =	simm.s32 $0x138C0  }
0x25: {  	[tilespmem:s21], [sflag:$0x1] =	stream.strided.gather [hbm4b:s16+s17], $0x2780, s20, s17, $0x38;
	[tilespmem:$0x1F340] =	vst v63  }
0x26: {  	s16 =	simm.s32 $0x0  }
0x27: {  	s20 =	sand.u32 $0xFE00, s16  }
0x28: {  	s21 =	sand.u32 $0x70, s16;
	s22 =	sshrl.u32 s20, $0x2  }
0x29: {  	s16 =	simm.s32 $0x40;
	s20 =	simm.s32 $0x0;
	s21 =	sor.u32 s21, s22  }
.LBB2_2:
0x2a: {  	p2 =	sne.s32 s16, $0x9FC0  }
0x2b: {  	[tilespmem:s21+$0x16340] =	vst v0;
	s20 =	sadd.s32 $0x10, s20;
	s21 =	smov.u32 s16;
	s16 =	sadd.s32 $0x40, s16  }
.Ltmp0:
0x2c: {  	(pc) =	sbr.rel @p2 .LBB2_2-.Ltmp0, $4  }
0x2d: {  	_ = 	snop  }
0x2e: {  	s21 =	sand.u32 $0xFE00, s21  }
0x2f: {  	s22 =	sand.u32 $0x70, s20;
	s21 =	sshrl.u32 s21, $0x2  }
0x30: {  	s21 =	sor.u32 s22, s21  }
0x31: {  	[tilespmem:s21+$0x16340] =	vst v0  }
0x32: {  	[spmem:s7] =	stream.linear.scatter [tilespmem:s26], [sflag:$0x4], $0x2800, $0x38;
	[tilespmem:$0x1F340] =	vst v63  }
0x33: {  	_ = 	snop  }
0x34: {  	[spmem:s8] =	stream.linear.scatter [tilespmem:s26], [sflag:$0x4], $0x2800, $0x38;
	[tilespmem:$0x1F340] =	vst v63  }
0x35: {  	_ = 	snop  }
0x36: {  	[spmem:s9] =	stream.linear.scatter [tilespmem:s26], [sflag:$0x4], $0x2800, $0x38;
	[tilespmem:$0x1F340] =	vst v63  }
0x37: {  	_ = 	snop  }
0x38: {  	[spmem:s10] =	stream.linear.scatter [tilespmem:s26], [sflag:$0x4], $0x2800, $0x38;
	[tilespmem:$0x1F340] =	vst v63  }
0x39: {  	_ = 	snop  }
0x3a: {  	[spmem:s11] =	stream.linear.scatter [tilespmem:s26], [sflag:$0x4], $0x2800, $0x38;
	[tilespmem:$0x1F340] =	vst v63  }
0x3b: {  	_ = 	snop  }
0x3c: {  	[spmem:s12] =	stream.linear.scatter [tilespmem:s26], [sflag:$0x4], $0x2800, $0x38;
	[tilespmem:$0x1F340] =	vst v63  }
0x3d: {  	_ = 	snop  }
0x3e: {  	[spmem:s13] =	stream.linear.scatter [tilespmem:s26], [sflag:$0x4], $0x2800, $0x38;
	[tilespmem:$0x1F340] =	vst v63  }
0x3f: {  	s16 =	simm.s32 @!p0 $0x16340  }
0x40: {  	[spmem:s14] =	stream.linear.scatter @!p0 [tilespmem:s16], [sflag:$0x4], $0x2800, $0x38;
	[tilespmem:$0x1F340] =	vst v63  }
0x41: {  	_ =	swait.ge [sflag:s28], $0x2800  }
0x42: {  	[sflag:s28] =	ssyncset.done $0x0  }
0x43: {  	[sflag:s28] =	ssyncadd.s32 $0xFFFFD800  }
0x44: {  	_ =	swait.ge [sflag:s28], $0x2800  }
0x45: {  	[sflag:s28] =	ssyncset.done $0x0  }
0x46: {  	[sflag:s28] =	ssyncadd.s32 $0xFFFFD800  }
0x47: {  	_ =	swait.ge [sflag:s28], $0x2800  }
0x48: {  	[sflag:s28] =	ssyncset.done $0x0  }
0x49: {  	[sflag:s28] =	ssyncadd.s32 $0xFFFFD800  }
0x4a: {  	_ =	swait.ge [sflag:s28], $0x2800  }
0x4b: {  	[sflag:s28] =	ssyncset.done $0x0  }
0x4c: {  	[sflag:s28] =	ssyncadd.s32 $0xFFFFD800  }
0x4d: {  	_ =	swait.ge [sflag:s28], $0x2800  }
0x4e: {  	[sflag:s28] =	ssyncset.done $0x0  }
0x4f: {  	[sflag:s28] =	ssyncadd.s32 $0xFFFFD800  }
0x50: {  	_ =	swait.ge [sflag:s28], $0x2800  }
0x51: {  	[sflag:s28] =	ssyncset.done $0x0  }
0x52: {  	[sflag:s28] =	ssyncadd.s32 $0xFFFFD800  }
0x53: {  	_ =	swait.ge [sflag:s28], $0x2800  }
0x54: {  	[sflag:s28] =	ssyncset.done $0x0  }
0x55: {  	s16 =	simm.s32 @!p1 $0x4;
	[sflag:s28] =	ssyncadd.s32 $0xFFFFD800  }
0x56: {  	_ =	swait.ge @!p1 [sflag:s16], $0x2800  }
0x57: {  	[sflag:s16] =	ssyncset.done @!p1 $0x0  }
0x58: {  	[sflag:s16] =	ssyncadd.s32 @!p1 $0xFFFFD800  }
0x59: {  	_ =	swait.ge [sflag:s29], $0x2780  }
0x5a: {  	[sflag:s29] =	ssyncset.done $0x0  }
0x5b: {  	p2 =	por $0x1, $0x1;
	[sflag:s29] =	ssyncadd.s32 $0xFFFFD880  }
0x5c: {  	s16 =	simm.s32 @!p2 $0x4;
	[bflag:$0x0] =	sbarrier.arrive $0xFFFF  }
0x5d: {  	_ =	swait.ge @!p2 [sflag:s16], $0x3000  }
0x5e: {  	[sflag:s16] =	ssyncset.done @!p2 $0x0  }
0x5f: {  	s20 =	simm.s32 $0x13950;
	[sflag:s16] =	ssyncadd.s32 @!p2 $0xFFFFD000  }
0x60: {  	v1 =	vld [tilespmem:s20+$0xFFFFFF70];
	_ =	sdelay $0x4  }
0x61: {  	v2 =	vand.u32 $0xFFFF, v1  }
0x62: {  	v1 =	vshrl.u32 v1, $0x10;
	[tilespmem:$0x16040] =	vst v2  }
0x63: {  	[tilespmem:$0x161C0] =	vst v1  }
0x64: {  	v1 =	vld [tilespmem:s20+$0xFFFFFF80];
	_ =	sdelay $0x4  }
0x65: {  	v2 =	vand.u32 $0xFFFF, v1  }
0x66: {  	v1 =	vshrl.u32 v1, $0x10;
	[tilespmem:$0x16050] =	vst v2  }
0x67: {  	[tilespmem:$0x161D0] =	vst v1  }
0x68: {  	v1 =	vld [tilespmem:s20+$0xFFFFFF90];
	_ =	sdelay $0x4  }
0x69: {  	v2 =	vand.u32 $0xFFFF, v1  }
0x6a: {  	v1 =	vshrl.u32 v1, $0x10;
	[tilespmem:$0x16060] =	vst v2  }
0x6b: {  	[tilespmem:$0x161E0] =	vst v1  }
0x6c: {  	v1 =	vld [tilespmem:s20+$0xFFFFFFA0];
	_ =	sdelay $0x4  }
0x6d: {  	v2 =	vand.u32 $0xFFFF, v1  }
0x6e: {  	v1 =	vshrl.u32 v1, $0x10;
	[tilespmem:$0x16070] =	vst v2  }
0x6f: {  	[tilespmem:$0x161F0] =	vst v1  }
0x70: {  	v1 =	vld [tilespmem:s20+$0xFFFFFFB0];
	_ =	sdelay $0x4  }
0x71: {  	v2 =	vand.u32 $0xFFFF, v1  }
0x72: {  	v1 =	vshrl.u32 v1, $0x10;
	[tilespmem:$0x16080] =	vst v2  }
0x73: {  	[tilespmem:$0x16200] =	vst v1  }
0x74: {  	v1 =	vld [tilespmem:s20+$0xFFFFFFC0];
	_ =	sdelay $0x4  }
0x75: {  	v2 =	vand.u32 $0xFFFF, v1  }
0x76: {  	v1 =	vshrl.u32 v1, $0x10;
	[tilespmem:$0x16090] =	vst v2  }
0x77: {  	s16 =	simm.s32 @!p2 $0x5;
	[tilespmem:$0x16210] =	vst v1  }
0x78: {  	[tilespmem:s26], [sflag:$0x1] =	stream.indirect.gather [hbm4b:s4+s30], $0x80, s31, s30, $0xb8;
	[tilespmem:$0x1F340] =	vst v63  }
0x79: {  	_ =	swait.ge @!p2 [sflag:s16], $0x3000  }
0x7a: {  	[sflag:s16] =	ssyncset.done @!p2 $0x0  }
0x7b: {  	[sflag:s16] =	ssyncadd.s32 @!p2 $0xFFFFD000  }
0x7c: {  	v1 =	vld [tilespmem:s20+$0xFFFFFFD0];
	_ =	sdelay $0x4  }
0x7d: {  	v2 =	vand.u32 $0xFFFF, v1  }
0x7e: {  	v1 =	vshrl.u32 v1, $0x10;
	[tilespmem:$0x160C0] =	vst v2  }
0x7f: {  	[tilespmem:$0x16240] =	vst v1  }
0x80: {  	v1 =	vld [tilespmem:s20+$0xFFFFFFE0];
	_ =	sdelay $0x4  }
0x81: {  	s22 =	simm.s32 $0x0;
	v2 =	vand.u32 $0xFFFF, v1  }
0x82: {  	s17 =	sand.u32 $0x7F80, s22;
	s16 =	sand.u32 $0x60, s22;
	v1 =	vshrl.u32 v1, $0x10;
	[tilespmem:$0x160D0] =	vst v2  }
0x83: {  	s22 =	sor.u32 s16, s17;
	[tilespmem:$0x16250] =	vst v1  }
0x84: {  	v1 =	vld [tilespmem:s22+$0x13940];
	_ =	sdelay $0x4  }
0x85: {  	v2 =	vand.u32 $0xFFFF, v1  }
0x86: {  	v1 =	vshrl.u32 v1, $0x10;
	[tilespmem:$0x160E0] =	vst v2  }
0x87: {  	[tilespmem:$0x16260] =	vst v1  }
0x88: {  	v1 =	vld [tilespmem:s20+$0x0];
	_ =	sdelay $0x4  }
0x89: {  	v2 =	vand.u32 $0xFFFF, v1  }
0x8a: {  	v1 =	vshrl.u32 v1, $0x10;
	[tilespmem:$0x160F0] =	vst v2  }
0x8b: {  	[tilespmem:$0x16270] =	vst v1  }
0x8c: {  	v1 =	vld [tilespmem:s20+$0x10];
	_ =	sdelay $0x4  }
0x8d: {  	v2 =	vand.u32 $0xFFFF, v1  }
0x8e: {  	v1 =	vshrl.u32 v1, $0x10;
	[tilespmem:$0x16100] =	vst v2  }
0x8f: {  	[tilespmem:$0x16280] =	vst v1  }
0x90: {  	v1 =	vld [tilespmem:s20+$0x20];
	_ =	sdelay $0x4  }
0x91: {  	v2 =	vand.u32 $0xFFFF, v1  }
0x92: {  	v1 =	vshrl.u32 v1, $0x10;
	[tilespmem:$0x16110] =	vst v2  }
0x93: {  	s22 =	simm.s32 @!p2 $0x6;
	[tilespmem:$0x16290] =	vst v1  }
0x94: {  	[tilespmem:s23], [sflag:$0x2] =	stream.indirect.gather [hbm4b:s4+s30], $0x80, s1, s30, $0xb8;
	[tilespmem:$0x1F340] =	vst v63  }
0x95: {  	_ =	swait.ge @!p2 [sflag:s22], $0x3000  }
0x96: {  	[sflag:s22] =	ssyncset.done @!p2 $0x0  }
0x97: {  	[sflag:s22] =	ssyncadd.s32 @!p2 $0xFFFFD000  }
0x98: {  	v1 =	vld [tilespmem:s20+$0x30];
	_ =	sdelay $0x4  }
0x99: {  	v2 =	vand.u32 $0xFFFF, v1  }
0x9a: {  	v1 =	vshrl.u32 v1, $0x10;
	[tilespmem:$0x16140] =	vst v2  }
0x9b: {  	[tilespmem:$0x162C0] =	vst v1  }
0x9c: {  	v1 =	vld [tilespmem:s20+$0x40];
	_ =	sdelay $0x4  }
0x9d: {  	v2 =	vand.u32 $0xFFFF, v1  }
0x9e: {  	v1 =	vshrl.u32 v1, $0x10;
	[tilespmem:$0x16150] =	vst v2  }
0x9f: {  	[tilespmem:$0x162D0] =	vst v1  }
0xa0: {  	v1 =	vld [tilespmem:s20+$0x50];
	_ =	sdelay $0x4  }
0xa1: {  	v2 =	vand.u32 $0xFFFF, v1  }
0xa2: {  	v1 =	vshrl.u32 v1, $0x10;
	[tilespmem:$0x16160] =	vst v2  }
0xa3: {  	[tilespmem:$0x162E0] =	vst v1  }
0xa4: {  	v1 =	vld [tilespmem:s20+$0x60];
	_ =	sdelay $0x4  }
0xa5: {  	v2 =	vand.u32 $0xFFFF, v1  }
0xa6: {  	v1 =	vshrl.u32 v1, $0x10;
	[tilespmem:$0x16170] =	vst v2  }
0xa7: {  	s16 =	sadd.s32 s16, s17;
	[tilespmem:$0x162F0] =	vst v1  }
0xa8: {  	v1 =	vld [tilespmem:s16+$0x139C0];
	_ =	sdelay $0x4  }
0xa9: {  	v2 =	vand.u32 $0xFFFF, v1  }
0xaa: {  	v1 =	vshrl.u32 v1, $0x10;
	[tilespmem:$0x16180] =	vst v2  }
0xab: {  	[tilespmem:$0x16300] =	vst v1  }
0xac: {  	s21 =	simm.s32 $0x120;
	v1 =	vld [tilespmem:s20+$0x80]  }
.LBB2_4:
0xad: {  	s20 =	sadd.s32 $0x120, s20;
	s22 =	smov.u32 s21;
	s21 =	sadd.s32 $0x120, s21  }
0xae: {  	p2 =	sne.s32 s21, $0x2760;
	_ =	sdelay $0x2  }
0xaf: {  	v2 =	vand.u32 $0xFFFF, v1;
	v1 =	vshrl.u32 v1, $0x10  }
0xb0: {  	[tilespmem:$0x16190] =	vst v2  }
0xb1: {  	[tilespmem:$0x16310] =	vst v1  }
0xb2: {  	[tilespmem:s25], [sflag:$0x3] =	stream.indirect.gather [hbm4b:s4+s30], $0x80, s24, s30, $0xb8;
	[tilespmem:$0x1F340] =	vst v63  }
0xb3: {  	_ =	swait.ge [sflag:s29], $0x3000  }
0xb4: {  	[sflag:s29] =	ssyncset.done $0x0  }
0xb5: {  	[sflag:s29] =	ssyncadd.s32 $0xFFFFD000  }
0xb6: {  	[spmem:s2] =	stream.indirect.scatter.add.f32 [tilespmem:s26], [sflag:$0x4], $0x80, s0, s30, $0xb8;
	[tilespmem:$0x1F340] =	vst v63  }
0xb7: {  	_ =	swait.ge [sflag:s3], $0x3000  }
0xb8: {  	[sflag:s3] =	ssyncset.done $0x0  }
0xb9: {  	[sflag:s3] =	ssyncadd.s32 $0xFFFFD000  }
0xba: {  	[spmem:s2] =	stream.indirect.scatter.add.f32 [tilespmem:s23], [sflag:$0x5], $0x80, s5, s30, $0xb8;
	[tilespmem:$0x1F340] =	vst v63  }
0xbb: {  	_ =	swait.ge [sflag:s6], $0x3000  }
0xbc: {  	p3 =	seq.s32 s22, $0x0;
	[sflag:s6] =	ssyncset.done $0x0  }
0xbd: {  	s16 =	simm.s32 @!p3 $0x4;
	[sflag:s6] =	ssyncadd.s32 $0xFFFFD000  }
0xbe: {  	[spmem:s2] =	stream.indirect.scatter.add.f32 [tilespmem:s25], [sflag:$0x6], $0x80, s15, s30, $0xb8;
	[tilespmem:$0x1F340] =	vst v63  }
0xbf: {  	_ =	swait.ge @!p3 [sflag:s16], $0x3000  }
0xc0: {  	[sflag:s16] =	ssyncset.done @!p3 $0x0  }
0xc1: {  	[sflag:s16] =	ssyncadd.s32 @!p3 $0xFFFFD000  }
0xc2: {  	v1 =	vld [tilespmem:s20+$0xFFFFFF70];
	_ =	sdelay $0x4  }
0xc3: {  	v2 =	vand.u32 $0xFFFF, v1;
	v1 =	vshrl.u32 v1, $0x10  }
0xc4: {  	[tilespmem:$0x16040] =	vst v2  }
0xc5: {  	[tilespmem:$0x161C0] =	vst v1  }
0xc6: {  	v1 =	vld [tilespmem:s20+$0xFFFFFF80];
	_ =	sdelay $0x4  }
0xc7: {  	v2 =	vand.u32 $0xFFFF, v1;
	v1 =	vshrl.u32 v1, $0x10  }
0xc8: {  	[tilespmem:$0x16050] =	vst v2  }
0xc9: {  	[tilespmem:$0x161D0] =	vst v1  }
0xca: {  	v1 =	vld [tilespmem:s20+$0xFFFFFF90];
	_ =	sdelay $0x4  }
0xcb: {  	v2 =	vand.u32 $0xFFFF, v1;
	v1 =	vshrl.u32 v1, $0x10  }
0xcc: {  	[tilespmem:$0x16060] =	vst v2  }
0xcd: {  	[tilespmem:$0x161E0] =	vst v1  }
0xce: {  	v1 =	vld [tilespmem:s20+$0xFFFFFFA0];
	_ =	sdelay $0x4  }
0xcf: {  	v2 =	vand.u32 $0xFFFF, v1;
	v1 =	vshrl.u32 v1, $0x10  }
0xd0: {  	[tilespmem:$0x16070] =	vst v2  }
0xd1: {  	[tilespmem:$0x161F0] =	vst v1  }
0xd2: {  	v1 =	vld [tilespmem:s20+$0xFFFFFFB0];
	_ =	sdelay $0x4  }
0xd3: {  	v2 =	vand.u32 $0xFFFF, v1;
	v1 =	vshrl.u32 v1, $0x10  }
0xd4: {  	[tilespmem:$0x16080] =	vst v2  }
0xd5: {  	[tilespmem:$0x16200] =	vst v1  }
0xd6: {  	v1 =	vld [tilespmem:s20+$0xFFFFFFC0];
	_ =	sdelay $0x4  }
0xd7: {  	v2 =	vand.u32 $0xFFFF, v1;
	v1 =	vshrl.u32 v1, $0x10  }
0xd8: {  	[tilespmem:$0x16090] =	vst v2  }
0xd9: {  	s16 =	simm.s32 @!p3 $0x5;
	[tilespmem:$0x16210] =	vst v1  }
0xda: {  	[tilespmem:s26], [sflag:$0x1] =	stream.indirect.gather [hbm4b:s4+s30], $0x80, s31, s30, $0xb8;
	[tilespmem:$0x1F340] =	vst v63  }
0xdb: {  	_ =	swait.ge @!p3 [sflag:s16], $0x3000  }
0xdc: {  	[sflag:s16] =	ssyncset.done @!p3 $0x0  }
0xdd: {  	[sflag:s16] =	ssyncadd.s32 @!p3 $0xFFFFD000  }
0xde: {  	v1 =	vld [tilespmem:s20+$0xFFFFFFD0];
	_ =	sdelay $0x4  }
0xdf: {  	v2 =	vand.u32 $0xFFFF, v1;
	v1 =	vshrl.u32 v1, $0x10  }
0xe0: {  	[tilespmem:$0x160C0] =	vst v2  }
0xe1: {  	[tilespmem:$0x16240] =	vst v1  }
0xe2: {  	v1 =	vld [tilespmem:s20+$0xFFFFFFE0];
	_ =	sdelay $0x4  }
0xe3: {  	v2 =	vand.u32 $0xFFFF, v1;
	v1 =	vshrl.u32 v1, $0x10  }
0xe4: {  	s16 =	sand.u32 $0x7F80, s22;
	s22 =	sand.u32 $0x60, s22;
	[tilespmem:$0x160D0] =	vst v2  }
0xe5: {  	s17 =	sor.u32 s22, s16;
	[tilespmem:$0x16250] =	vst v1  }
0xe6: {  	v1 =	vld [tilespmem:s17+$0x13940];
	_ =	sdelay $0x4  }
0xe7: {  	v2 =	vand.u32 $0xFFFF, v1;
	v1 =	vshrl.u32 v1, $0x10  }
0xe8: {  	[tilespmem:$0x160E0] =	vst v2  }
0xe9: {  	[tilespmem:$0x16260] =	vst v1  }
0xea: {  	v1 =	vld [tilespmem:s20+$0x0];
	_ =	sdelay $0x4  }
0xeb: {  	v2 =	vand.u32 $0xFFFF, v1;
	v1 =	vshrl.u32 v1, $0x10  }
0xec: {  	[tilespmem:$0x160F0] =	vst v2  }
0xed: {  	[tilespmem:$0x16270] =	vst v1  }
0xee: {  	v1 =	vld [tilespmem:s20+$0x10];
	_ =	sdelay $0x4  }
0xef: {  	v2 =	vand.u32 $0xFFFF, v1;
	v1 =	vshrl.u32 v1, $0x10  }
0xf0: {  	[tilespmem:$0x16100] =	vst v2  }
0xf1: {  	[tilespmem:$0x16280] =	vst v1  }
0xf2: {  	v1 =	vld [tilespmem:s20+$0x20];
	_ =	sdelay $0x4  }
0xf3: {  	v2 =	vand.u32 $0xFFFF, v1;
	v1 =	vshrl.u32 v1, $0x10  }
0xf4: {  	[tilespmem:$0x16110] =	vst v2  }
0xf5: {  	s17 =	simm.s32 @!p3 $0x6;
	[tilespmem:$0x16290] =	vst v1  }
0xf6: {  	[tilespmem:s23], [sflag:$0x2] =	stream.indirect.gather [hbm4b:s4+s30], $0x80, s1, s30, $0xb8;
	[tilespmem:$0x1F340] =	vst v63  }
0xf7: {  	_ =	swait.ge @!p3 [sflag:s17], $0x3000  }
0xf8: {  	[sflag:s17] =	ssyncset.done @!p3 $0x0  }
0xf9: {  	[sflag:s17] =	ssyncadd.s32 @!p3 $0xFFFFD000  }
0xfa: {  	v1 =	vld [tilespmem:s20+$0x30];
	_ =	sdelay $0x4  }
0xfb: {  	v2 =	vand.u32 $0xFFFF, v1;
	v1 =	vshrl.u32 v1, $0x10  }
0xfc: {  	[tilespmem:$0x16140] =	vst v2  }
0xfd: {  	[tilespmem:$0x162C0] =	vst v1  }
0xfe: {  	v1 =	vld [tilespmem:s20+$0x40];
	_ =	sdelay $0x4  }
0xff: {  	v2 =	vand.u32 $0xFFFF, v1;
	v1 =	vshrl.u32 v1, $0x10  }
0x100: {  	[tilespmem:$0x16150] =	vst v2  }
0x101: {  	[tilespmem:$0x162D0] =	vst v1  }
0x102: {  	v1 =	vld [tilespmem:s20+$0x50];
	_ =	sdelay $0x4  }
0x103: {  	v2 =	vand.u32 $0xFFFF, v1;
	v1 =	vshrl.u32 v1, $0x10  }
0x104: {  	[tilespmem:$0x16160] =	vst v2  }
0x105: {  	[tilespmem:$0x162E0] =	vst v1  }
0x106: {  	v1 =	vld [tilespmem:s20+$0x60];
	_ =	sdelay $0x4  }
0x107: {  	v2 =	vand.u32 $0xFFFF, v1;
	v1 =	vshrl.u32 v1, $0x10  }
0x108: {  	[tilespmem:$0x16170] =	vst v2  }
0x109: {  	s16 =	sadd.s32 s22, s16;
	[tilespmem:$0x162F0] =	vst v1  }
0x10a: {  	v1 =	vld [tilespmem:s16+$0x139C0];
	_ =	sdelay $0x3  }
.Ltmp1:
0x10b: {  	(pc) =	sbr.rel @p2 .LBB2_4-.Ltmp1, $4  }
0x10c: {  	v2 =	vand.u32 $0xFFFF, v1;
	v1 =	vshrl.u32 v1, $0x10  }
0x10d: {  	[tilespmem:$0x16180] =	vst v2  }
0x10e: {  	[tilespmem:$0x16300] =	vst v1  }
0x10f: {  	v1 =	vld [tilespmem:s20+$0x80]  }
0x110: {  	_ =	sdelay $0x3  }
0x111: {  	v2 =	vand.u32 $0xFFFF, v1  }
0x112: {  	v1 =	vshrl.u32 v1, $0x10;
	[tilespmem:$0x16190] =	vst v2  }
0x113: {  	[tilespmem:$0x16310] =	vst v1  }
0x114: {  	[tilespmem:s25], [sflag:$0x3] =	stream.indirect.gather [hbm4b:s4+s30], $0x80, s24, s30, $0xb8;
	[tilespmem:$0x1F340] =	vst v63  }
0x115: {  	_ =	swait.ge [sflag:s29], $0x3000  }
0x116: {  	[sflag:s29] =	ssyncset.done $0x0  }
0x117: {  	[sflag:s29] =	ssyncadd.s32 $0xFFFFD000  }
0x118: {  	[spmem:s2] =	stream.indirect.scatter.add.f32 [tilespmem:s26], [sflag:$0x4], $0x80, s0, s30, $0xb8;
	[tilespmem:$0x1F340] =	vst v63  }
0x119: {  	_ =	swait.ge [sflag:s3], $0x3000  }
0x11a: {  	[sflag:s3] =	ssyncset.done $0x0  }
0x11b: {  	[sflag:s3] =	ssyncadd.s32 $0xFFFFD000  }
0x11c: {  	[spmem:s2] =	stream.indirect.scatter.add.f32 [tilespmem:s23], [sflag:$0x5], $0x80, s5, s30, $0xb8;
	[tilespmem:$0x1F340] =	vst v63  }
0x11d: {  	_ =	swait.ge [sflag:s6], $0x3000  }
0x11e: {  	[sflag:s6] =	ssyncset.done $0x0  }
0x11f: {  	[sflag:s6] =	ssyncadd.s32 $0xFFFFD000  }
0x120: {  	[spmem:s2] =	stream.indirect.scatter.add.f32 [tilespmem:s25], [sflag:$0x6], $0x80, s15, s30, $0xb8;
	[tilespmem:$0x1F340] =	vst v63  }
0x121: {  	_ =	swait.ge [sflag:s28], $0x3000  }
0x122: {  	[sflag:s28] =	ssyncset.done $0x0  }
0x123: {  	s16 =	simm.s32 $0x5;
	[sflag:s28] =	ssyncadd.s32 $0xFFFFD000  }
0x124: {  	_ =	swait.ge [sflag:s16], $0x3000  }
0x125: {  	[sflag:s16] =	ssyncset.done $0x0  }
0x126: {  	s17 =	simm.s32 $0x6;
	[sflag:s16] =	ssyncadd.s32 $0xFFFFD000  }
0x127: {  	_ =	swait.ge [sflag:s17], $0x3000  }
0x128: {  	[sflag:s17] =	ssyncset.done $0x0  }
0x129: {  	s20 =	stileid.u32;
	[sflag:s17] =	ssyncadd.s32 $0xFFFFD000  }
0x12a: {  	s16 =	sshll.u32 s20, $0x6;
	[bflag:$0x0] =	sbarrier.arrive $0xFFFF  }
0x12b: {  	s16 =	sor.u32 $0x1C07, s16;
	s17 =	sshrl.u32 s7, $0x3;
	s20 =	rddreg [dreg:$0x5]  }
0x12c: {  	[hbm:s20], [sflag:s16] =	dma.local [spmem:s17], $0x500  }
0x12d: {  	_ =	swait.ge [sflag:s18], $0x500  }
0x12e: {  	[sflag:s18] =	ssyncset.done $0x0  }
0x12f: {  	s21 =	sshrl.u32 s8, $0x3;
	s22 =	rddreg [dreg:$0x6];
	[sflag:s18] =	ssyncadd.s32 $0xFFFFFB00  }
0x130: {  	[hbm:s22], [sflag:s16] =	dma.local [spmem:s21], $0x500  }
0x131: {  	_ =	swait.ge [sflag:s18], $0x500  }
0x132: {  	[sflag:s18] =	ssyncset.done $0x0  }
0x133: {  	s21 =	sshrl.u32 s9, $0x3;
	s22 =	rddreg [dreg:$0x7];
	[sflag:s18] =	ssyncadd.s32 $0xFFFFFB00  }
0x134: {  	[hbm:s22], [sflag:s16] =	dma.local [spmem:s21], $0x500  }
0x135: {  	_ =	swait.ge [sflag:s18], $0x500  }
0x136: {  	[sflag:s18] =	ssyncset.done $0x0  }
0x137: {  	s21 =	sshrl.u32 s10, $0x3;
	s22 =	rddreg [dreg:$0x8];
	[sflag:s18] =	ssyncadd.s32 $0xFFFFFB00  }
0x138: {  	[hbm:s22], [sflag:s16] =	dma.local [spmem:s21], $0x500  }
0x139: {  	_ =	swait.ge [sflag:s18], $0x500  }
0x13a: {  	[sflag:s18] =	ssyncset.done $0x0  }
0x13b: {  	s21 =	sshrl.u32 s11, $0x3;
	s22 =	rddreg [dreg:$0x9];
	[sflag:s18] =	ssyncadd.s32 $0xFFFFFB00  }
0x13c: {  	[hbm:s22], [sflag:s16] =	dma.local [spmem:s21], $0x500  }
0x13d: {  	_ =	swait.ge [sflag:s18], $0x500  }
0x13e: {  	[sflag:s18] =	ssyncset.done $0x0  }
0x13f: {  	s21 =	sshrl.u32 s12, $0x3;
	s22 =	rddreg [dreg:$0xa];
	[sflag:s18] =	ssyncadd.s32 $0xFFFFFB00  }
0x140: {  	[hbm:s22], [sflag:s16] =	dma.local [spmem:s21], $0x500  }
0x141: {  	_ =	swait.ge [sflag:s18], $0x500  }
0x142: {  	[sflag:s18] =	ssyncset.done $0x0  }
0x143: {  	s20 =	sshrl.u32 s13, $0x3;
	s21 =	rddreg [dreg:$0xb];
	[sflag:s18] =	ssyncadd.s32 $0xFFFFFB00  }
0x144: {  	[hbm:s21], [sflag:s16] =	dma.local [spmem:s20], $0x500  }
0x145: {  	_ =	swait.ge [sflag:s18], $0x500  }
0x146: {  	[sflag:s18] =	ssyncset.done $0x0  }
0x147: {  	s17 =	sshrl.u32 @!p0 s14, $0x3;
	s20 =	rddreg [dreg:$0xc];
	[sflag:s18] =	ssyncadd.s32 $0xFFFFFB00  }
0x148: {  	[hbm:s20], [sflag:s16] =	dma.local @!p0 [spmem:s17], $0x500  }
0x149: {  	s16 =	simm.s32 @!p0 $0x7  }
0x14a: {  	_ =	swait.ge @!p0 [sflag:s16], $0x500  }
0x14b: {  	s19 =	sadd.s32 $0x1, s19;
	s22 =	rddreg [dreg:$0x4]  }
0x14c: {  	p2 =	sne.s32 s19, s22  }
.Ltmp2:
0x14d: {  	_ = 	snop;
	(pc) =	sbr.rel @p2 .LBB2_1-.Ltmp2, $3  }
0x14e: {  	_ =	sdelay $0x1  }
0x14f: {  	[sflag:s16] =	ssyncset.done @!p0 $0x0  }
0x150: {  	[sflag:s16] =	ssyncadd.s32 @!p0 $0xFFFFFB00  }
0x151: {  	_ =	sfence.sel $0x180000  }
0x152: {  	[bflag:$0x0] =	sbarrier.arrive $0xFFFF  }
0x153: {  	_ =	strace $0x9000004A  }
0x154: {  	s0 =	stileid.u32;
	[bflag:$0x2] =	sbarrier.arrive $0xFFFF  }
0x155: {  	p0 =	sne.s32 s0, $0x0;
	s0 =	rddreg [dreg:$0x2]  }
0x156: {  	s0 =	sadd.s32 @!p0 $0x100000, s0  }
0x157: {  	[sflag:s0] =	ssyncadd.tile.s32 @!p0 $0x1;
	_ =	shalt  }
.Lfunc_end2:
_tile_overlayer_lowered:
.L_overlay_start_2:
0x158: {  	(tag) =	ssettag $0x2  }
0x159: {  	s0 =	rddreg [dreg:$0x0];
	s2 =	stileid.u32  }
0x15a: {  	s1 =	rddreg [dreg:$0x1];
	p0 =	sne.s32 s2, $0x0  }
0x15b: {  	s3 =	rddreg [dreg:$0x2];
	[bflag:$0x3] =	sbarrier.arrive $0xFFFF;
	s2 =	simm.s32 @!p0 $0x1C07  }
0x15c: {  	[timem:s3], [sflag:s2] =	dma.local @!p0 [hbm:s0], s1  }
0x15d: {  	s0 =	simm.s32 @!p0 $0x7  }
0x15e: {  	_ =	swait.ge @!p0 [sflag:s0], s1  }
0x15f: {  	s1 =	ssub.s32 @!p0 $0x0, s1;
	[sflag:s0] =	ssyncset.done @!p0 $0x0  }
0x160: {  	[sflag:s0] =	ssyncadd.s32 @!p0 s1  }
0x161: {  	[bflag:$0x3] =	sbarrier.arrive $0xFFFF  }
0x162: {  	_ =	shalt  }

// kernel: kernel.16.cloned.1.call-start
scs
__scs_entry_jumppad:
0x0: {  	(pc) =	sbr.rel $0x88, $3  }
0x1: {  	(tag) =	ssettag $0x0;
	lr =	simm.s32 $0x1  }
0x2: {  	[smem:$0x3F89] =	sst lr;
	_ =	strace $0xD0000000  }
0x3: {  	_ = 	snop  }
0x4: {  	_ = 	snop  }
0x5: {  	_ = 	snop  }
0x6: {  	_ = 	snop  }
0x7: {  	_ = 	snop  }
__scs_overlays_trampoline_lowered:
0x8: {  	[smem:$0x3F98] =	sst s0  }
0x9: {  	[smem:$0x3F99] =	sst s1  }
0xa: {  	[smem:$0x3F9A] =	sst s2  }
0xb: {  	[smem:$0x3F9B] =	sst s3  }
0xc: {  	[smem:$0x3F9C] =	sst s4  }
0xd: {  	[smem:$0x3F9D] =	sst s5  }
0xe: {  	[smem:$0x3F9E] =	sst s6  }
0xf: {  	[smem:$0x3F9F] =	sst s7  }
0x10: {  	[smem:$0x3FA0] =	sst s8  }
0x11: {  	[smem:$0x3FA1] =	sst s9;
	s0 =	simm.s32 @!p0 $0x0  }
0x12: {  	s1 =	sld [smem:$0x3F87];
	s0 =	simm.s32 @p0 $0x1  }
0x13: {  	[smem:$0x3FA2] =	sst s0;
	s0 =	simm.s32 @!p1 $0x0  }
0x14: {  	s2 =	sld [smem:$0x3F86];
	s0 =	simm.s32 @p1 $0x1  }
0x15: {  	[smem:$0x3FA3] =	sst s0;
	s0 =	simm.s32 @!p2 $0x0  }
0x16: {  	s3 =	sld [smem:$0x3FDB];
	s0 =	simm.s32 @p2 $0x1  }
0x17: {  	s4 =	simm.s32 $0x1BF5;
	[smem:$0x3FA5] =	sst s0  }
0x18: {  	s0 =	sld [smem:$0x3F88];
	_ =	swait.ge [sflag:s4], $0x0  }
0x19: {  	s7 =	sld [smem:$0x3F89]  }
0x1a: {  	s8 =	sadd.s32 $0xFFFFE003, lr  }
0x1b: {  	s9 =	sadd.s32 $0xFFFFFEF7, lr;
	s5 =	simm.s32 $0xFFFFFFFF;
	p2 =	slt.u32 s8, $0xFFFFF086  }
0x1c: {  	p1 =	slt.u32 s9, $0xF7A;
	s5 =	simm.s32 @!p2 $0x0  }
0x1d: {  	s5 =	simm.s32 @p1 $0x1;
	p0 =	seq.s32 s7, s2  }
0x1e: {  	s7 =	smul.u32 @!p0 $0xF7A, s2;
	p2 =	seq.s32 @!p0 s5, $0x0  }
0x1f: {  	s9 =	smul.u32 $0xF7A, s1;
	s8 =	simm.s32 @!p0 $0x1BF5;
	p2 =	por !p2, p0  }
0x20: {  	[sflag:s8] =	ssyncset.s32 @!p0 $0xFFFFF086;
	s6 =	sadd.s32 @!p0 s3, s7;
	s7 =	simm.s32 @!p0 $0x108  }
0x21: {  	s3 =	sadd.s32 s3, s9;
	s6 =	sadd.s32 @!p0 $0x88, s6;
	s7 =	simm.s32 @p2 $0x1082  }
0x22: {  	[simem:s7], [sflag:s8] =	dma.local @!p0 [hbm:s6], $0xF7A  }
0x23: {  	s9 =	sor.u32 $0xD0000000, s2;
	s6 =	simm.s32 $0x108;
	_ =	swait.ge @!p0 [sflag:s8], $0x0  }
0x24: {  	s3 =	sadd.s32 $0x88, s3;
	s6 =	simm.s32 @!p1 $0x1082;
	[sflag:s4] =	ssyncset.s32 $0xFFFFF086  }
0x25: {  	[simem:s6], [sflag:s4] =	dma.local [hbm:s3], $0xF7A  }
0x26: {  	[smem:$0x3F89] =	sst s1;
	(tag) =	ssettag s2;
	_ =	strace s9  }
0x27: {  	s1 =	sld [smem:$0x3F99]  }
0x28: {  	s2 =	sld [smem:$0x3F9A]  }
0x29: {  	s4 =	sld [smem:$0x3F9C]  }
0x2a: {  	p0 =	seq.s32 s5, $0x0;
	s5 =	sld [smem:$0x3F9D]  }
0x2b: {  	s6 =	sld [smem:$0x3F9E]  }
0x2c: {  	s7 =	sld [smem:$0x3F9F]  }
0x2d: {  	s3 =	simm.s32 $0x108;
	s8 =	sld [smem:$0x3FA0]  }
0x2e: {  	s3 =	simm.s32 @!p0 $0x1082;
	s9 =	sld [smem:$0x3FA1]  }
0x2f: {  	lr =	sadd.s32 s0, s3;
	s0 =	sld [smem:$0x3F98]  }
0x30: {  	s3 =	sld [smem:$0x3F9B]  }
0x31: {  	[smem:$0x3FA4] =	sst s10  }
0x32: {  	s10 =	sld [smem:$0x3FA2];
	_ =	sdelay $0x3  }
0x33: {  	p0 =	seq.s32 s10, $0x1;
	s10 =	sld [smem:$0x3FA4];
	_ =	sdelay $0x3  }
0x34: {  	[smem:$0x3FA4] =	sst s10  }
0x35: {  	s10 =	sld [smem:$0x3FA3];
	_ =	sdelay $0x3  }
0x36: {  	p1 =	seq.s32 s10, $0x1;
	s10 =	sld [smem:$0x3FA4];
	_ =	sdelay $0x3  }
0x37: {  	[smem:$0x3FA4] =	sst s10  }
0x38: {  	s10 =	sld [smem:$0x3FA5]  }
0x39: {  	_ = 	snop;
	(pc) =	sbr.ind lr, $3  }
0x3a: {  	_ = 	snop  }
0x3b: {  	_ = 	snop  }
0x3c: {  	p2 =	seq.s32 s10, $0x1;
	s10 =	sld [smem:$0x3FA4]  }
0x3d: {  	_ =	shalt  }
0x3e: {  	_ =	shalt  }
0x3f: {  	_ =	shalt  }
0x40: {  	_ =	shalt  }
0x41: {  	_ =	shalt  }
0x42: {  	_ =	shalt  }
0x43: {  	_ =	shalt  }
0x44: {  	_ =	shalt  }
0x45: {  	_ =	shalt  }
0x46: {  	_ =	shalt  }
0x47: {  	_ =	shalt  }
0x48: {  	_ =	shalt  }
0x49: {  	_ =	shalt  }
0x4a: {  	_ =	shalt  }
0x4b: {  	_ =	shalt  }
0x4c: {  	_ =	shalt  }
0x4d: {  	_ =	shalt  }
0x4e: {  	_ =	shalt  }
0x4f: {  	_ =	shalt  }
0x50: {  	_ =	shalt  }
0x51: {  	_ =	shalt  }
0x52: {  	_ =	shalt  }
0x53: {  	_ =	shalt  }
0x54: {  	_ =	shalt  }
0x55: {  	_ =	shalt  }
0x56: {  	_ =	shalt  }
0x57: {  	_ =	shalt  }
0x58: {  	_ =	shalt  }
0x59: {  	_ =	shalt  }
0x5a: {  	_ =	shalt  }
0x5b: {  	_ =	shalt  }
0x5c: {  	_ =	shalt  }
0x5d: {  	_ =	shalt  }
0x5e: {  	_ =	shalt  }
0x5f: {  	_ =	shalt  }
0x60: {  	_ =	shalt  }
0x61: {  	_ =	shalt  }
0x62: {  	_ =	shalt  }
0x63: {  	_ =	shalt  }
0x64: {  	_ =	shalt  }
0x65: {  	_ =	shalt  }
0x66: {  	_ =	shalt  }
0x67: {  	_ =	shalt  }
0x68: {  	_ =	shalt  }
0x69: {  	_ =	shalt  }
0x6a: {  	_ =	shalt  }
0x6b: {  	_ =	shalt  }
0x6c: {  	_ =	shalt  }
0x6d: {  	_ =	shalt  }
0x6e: {  	_ =	shalt  }
0x6f: {  	_ =	shalt  }
0x70: {  	_ =	shalt  }
0x71: {  	_ =	shalt  }
0x72: {  	_ =	shalt  }
0x73: {  	_ =	shalt  }
0x74: {  	_ =	shalt  }
0x75: {  	_ =	shalt  }
0x76: {  	_ =	shalt  }
0x77: {  	_ =	shalt  }
0x78: {  	_ =	shalt  }
0x79: {  	_ =	shalt  }
0x7a: {  	_ =	shalt  }
0x7b: {  	_ =	shalt  }
0x7c: {  	_ =	shalt  }
0x7d: {  	_ =	shalt  }
0x7e: {  	_ =	shalt  }
0x7f: {  	_ =	shalt  }
0x80: {  	_ =	shalt  }
0x81: {  	_ =	shalt  }
0x82: {  	_ =	shalt  }
0x83: {  	_ =	shalt  }
0x84: {  	_ =	shalt  }
0x85: {  	_ =	shalt  }
0x86: {  	_ =	shalt  }
0x87: {  	_ =	shalt  }
.Lfunc_end0:
.L_simem_size_0:
called_computation.2_lowered:
.L_overlay_start_0:
0x88: {  	s2 =	sld [smem:$0x3FD9]  }
0x89: {  	s3 =	sld [smem:$0x3FFE];
	_ =	sdelay $0x1  }
0x8a: {  	s1 =	srdreg.scid  }
0x8b: {  	s0 =	sand.u32 $0x1, s1  }
0x8c: {  	s16 =	sshll.u32 s0, $0xA;
	s2 =	sadd.s32 s3, s2  }
0x8d: {  	s2 =	sadd.s32 s2, s16  }
0x8e: {  	[smem:$0x3FB0] =	sst s2  }
0x8f: {  	_ = 	snop  }
0x90: {  	(tm) =	ssettm $0x1  }
0x91: {  	s17 =	sld [smem:$0x3FFB];
	_ =	sdelay $0x3  }
0x92: {  	_ =	strace s17  }
0x93: {  	s2 =	sld [smem:$0x3FFC];
	_ =	sdelay $0x3  }
0x94: {  	_ =	strace s2  }
0x95: {  	s2 =	sld [smem:$0x3FFD];
	_ =	sdelay $0x3  }
0x96: {  	_ =	strace s2  }
0x97: {  	_ =	strace $0x8FFFFFFF  }
0x98: {  	s18 =	sld [smem:$0x3FDB];
	_ =	sdelay $0x1  }
0x99: {  	s19 =	simm.s32 $_scs_section_size  }
0x9a: {  	s4 =	simm.s32 $_size__tile_overlayer_lowered;
	s5 =	simm.s32 $_tile_overlayer_lowered  }
0x9b: {  	s22 =	simm.s32 $0x1BFF;
	s21 =	sshll.u32 s5, $0x1;
	s2 =	sadd.s32 s19, s18  }
0x9c: {  	s6 =	simm.s32 $0x0;
	s20 =	sshll.u32 s4, $0x1;
	s4 =	sadd.s32 s21, s2  }
0x9d: {  	[timem:s6], [sflag:s22] =	dma.local [hbm:s4], s20  }
0x9e: {  	_ =	swait.ge [sflag:s22], s20  }
0x9f: {  	s3 =	ssub.s32 $0x0, s20;
	[sflag:s22] =	ssyncset.done $0x0  }
0xa0: {  	[sflag:s22] =	ssyncadd.s32 s3;
	_ =	sdelay $0x1  }
0xa1: {  	s23 =	simm.s32 $0x1B8B  }
0xa2: {  	_ =	swait.ge [sflag:s23], $0x1  }
0xa3: {  	[sflag:s23] =	ssyncset.done $0x0  }
0xa4: {  	s25 =	simm.s32 $0x1B8E;
	s24 =	sld [smem:$0x3FFE];
	[sflag:s23] =	ssyncadd.s32 $0xFFFFFFFF  }
0xa5: {  	s26 =	simm.s32 $execute0_lowered;
	[smem:$0x3FD2] =	sst s25  }
0xa6: {  	s4 =	sshll.u32 s26, $0x1;
	_ =	strace $0x8000004C;
	[dreg:$0x1] =	wrdreg $0xFFFFFFFF  }
0xa7: {  	s28 =	simm.s32 $_size_execute0_lowered;
	s2 =	sadd.s32 s2, s4;
	[dreg:$0x0] =	wrdreg $0x0  }
0xa8: {  	s4 =	sshll.u32 s28, $0x1;
	[dreg:$0x2] =	wrdreg s2  }
0xa9: {  	[dreg:$0x3] =	wrdreg s4  }
0xaa: {  	[dreg:$0x4] =	wrdreg $0xC0  }
0xab: {  	_ =	task [dreg:s6], $0x5FFFF  }
0xac: {  	[dreg:$0x1] =	wrdreg $0xFFFFFFFF  }
0xad: {  	[dreg:$0x0] =	wrdreg $0x60  }
0xae: {  	[dreg:$0x2] =	wrdreg s24  }
0xaf: {  	[dreg:$0x3] =	wrdreg $0x0  }
0xb0: {  	[dreg:$0x4] =	wrdreg $0x9  }
0xb1: {  	_ =	task.clear_ibuf [dreg:s6], $0x5FFFF;
	_ =	strace $0x9000004C  }
0xb2: {  	s29 =	simm.s32 $0x9;
	_ =	strace $0x8000004E  }
0xb3: {  	_ =	swait.ge [sflag:s29], $0x1  }
0xb4: {  	[sflag:s29] =	ssyncadd.s32 $0xFFFFFFFF  }
0xb5: {  	_ =	strace $0x9000004E  }
0xb6: {  	_ =	sfence  }
0xb7: {  	s30 =	sld [smem:$0x0];
	_ =	sdelay $0x2  }
0xb8: {  	s31 =	sshll.u32 s1, $0xD;
	s1 =	sshrl.u32 s1, $0x2  }
0xb9: {  	s3 =	sand.u32 $0x4000, s31;
	s1 =	sadd.s32 s1, s30  }
0xba: {  	s0 =	sor.u32 s3, s0;
	s1 =	sshll.u32 s1, $0x11  }
0xbb: {  	s0 =	sor.u32 s1, s0  }
0xbc: {  	s0 =	sadd.s32 $0x8F2B, s0  }
0xbd: {  	[sflag:s0] =	ssyncadd.remote.s32 $0x1  }
0xbe: {  	_ =	sfence.sel $0xFFFF  }
0xbf: {  	[dreg:$0x0] =	wrdreg $0xFFFFFFFF;
	(pc) =	sbr.abs _section_cstart, $3  }
0xc0: {  	[dreg:$0x1] =	wrdreg $0xFFFFFFFF  }
0xc1: {  	_ =	task.clear_ibuf [dreg:s6], $0x2FFFF;
	_ =	strace $0x9FFFFFFF  }
0xc2: {  	(tm) =	ssettm $0x7FFFFFFF  }
0xc3: {  	_ =	shalt  }
tec
execute0_lowered:
.L_overlay_start_1:
0x0: {  	(tag) =	ssettag $0x1  }
0x1: {  	s0 =	srdreg.scid;
	s3 =	rddreg [dreg:$0x0]  }
0x2: {  	s21 =	stileid.u32;
	s2 =	rddreg [dreg:$0x1];
	s5 =	simm.s32 $0x0  }
0x3: {  	s28 =	simm.s32 $0x4;
	s0 =	sand.u32 $0x1, s0;
	s6 =	smul.u32 $0xA000, s21  }
0x4: {  	s29 =	simm.s32 $0x1;
	s11 =	sor.u32 $0x10, s21;
	s20 =	smul.u32 $0x27100, s0  }
0x5: {  	s30 =	simm.s32 $0x60;
	s12 =	sor.u32 $0x20, s21;
	s23 =	smul.u32 $0xA000, s11  }
0x6: {  	s31 =	simm.s32 $0x16040;
	s13 =	sor.u32 $0x30, s21;
	s24 =	smul.u32 $0xA000, s12  }
0x7: {  	s4 =	sshll.u32 s21, $0x7;
	s14 =	sor.u32 $0x40, s21;
	s9 =	smul.u32 $0xA000, s13  }
0x8: {  	[smem:$0x7FF] =	sst s5;
	s15 =	sor.u32 $0x50, s21;
	s25 =	smul.u32 $0xA000, s14  }
0x9: {  	s17 =	sor.u32 $0x60, s21;
	s19 =	sor.u32 $0x70, s21;
	s16 =	smul.u32 $0xA000, s15  }
0xa: {  	p1 =	sgt.u32 s21, $0xC;
	s1 =	sshll.u32 s0, $0x4;
	s18 =	smul.u32 $0xA000, s17  }
0xb: {  	s4 =	sand.u32 $0x380, s4;
	_ =	strace $0x8000004D;
	s26 =	smul.u32 $0xA000, s19  }
0xc: {  	s0 =	ssub.s32 $0x2, s0;
	s15 =	smul.u32 $0x500, s15;
	p0 =	sgt.u32 s19, $0x7C  }
0xd: {  	s1 =	sor.u32 s21, s1;
	s22 =	sshrl.u32 s0, $0x1;
	s6 =	sshrl.u32 s6, $0x2  }
0xe: {  	s1 =	sshrl.u32 s1, $0x3;
	s0 =	ssub.s32 s0, s22;
	s5 =	sshrl.u32 s23, $0x2  }
0xf: {  	s7 =	sadd.s32 s6, s2;
	s22 =	sshrl.u32 s9, $0x2;
	s23 =	sshrl.u32 s16, $0x2  }
0x10: {  	s6 =	simm.s32 $0x3;
	s1 =	smul.u32 $0x13C00, s1;
	s0 =	smax.u32 s0, $0x1  }
0x11: {  	s8 =	sadd.s32 s5, s2;
	s10 =	sadd.s32 s22, s2;
	s5 =	sshrl.u32 s26, $0x2  }
0x12: {  	s26 =	smul.u32 $0x500, s14;
	[dreg:$0x4] =	wrdreg s0;
	s1 =	sor.u32 s4, s1  }
0x13: {  	s0 =	sshrl.u32 s25, $0x2;
	s25 =	sshrl.u32 s18, $0x2;
	s1 =	sshrl.u32 s1, $0x3  }
0x14: {  	s14 =	sadd.s32 s5, s2;
	s18 =	simm.s32 $0x7;
	s1 =	sadd.s32 s1, s3  }
0x15: {  	s4 =	sadd.s32 $0x24400, s3;
	s3 =	sadd.s32 s20, s3;
	s1 =	sadd.s32 $0x1A600, s1  }
0x16: {  	s20 =	smul.u32 $0x500, s21;
	s3 =	sadd.s32 $0x72800, s3;
	[dreg:$0x3] =	wrdreg s1  }
0x17: {  	s1 =	sshrl.u32 s24, $0x2;
	s24 =	smul.u32 $0x500, s12;
	s12 =	sadd.s32 s23, s2  }
0x18: {  	s22 =	sadd.s32 s3, s20;
	s23 =	smul.u32 $0x500, s17;
	s26 =	sadd.s32 s3, s26  }
0x19: {  	s5 =	sadd.s32 s3, s15;
	s15 =	simm.s32 $0x162C0;
	s9 =	sadd.s32 s1, s2  }
0x1a: {  	s1 =	smul.u32 $0x500, s11;
	s11 =	sadd.s32 s0, s2;
	[dreg:$0x5] =	wrdreg s22  }
0x1b: {  	s0 =	smul.u32 $0x500, s13;
	s13 =	sadd.s32 s25, s2;
	[dreg:$0x9] =	wrdreg s26  }
0x1c: {  	s25 =	smul.u32 $0x500, s19;
	[dreg:$0xa] =	wrdreg s5;
	s24 =	sadd.s32 s3, s24  }
0x1d: {  	s26 =	simm.s32 $0x16340;
	s1 =	sadd.s32 s3, s1;
	[dreg:$0x7] =	wrdreg s24  }
0x1e: {  	s5 =	simm.s32 $0x16240;
	s0 =	sadd.s32 s3, s0;
	[dreg:$0x6] =	wrdreg s1  }
0x1f: {  	s19 =	simm.s32 $0x0;
	s24 =	simm.s32 $0x16140;
	[dreg:$0x8] =	wrdreg s0  }
0x20: {  	s1 =	sadd.s32 s3, s23;
	s0 =	sadd.s32 s3, s25;
	s23 =	simm.s32 $0x19340  }
0x21: {  	s25 =	simm.s32 $0x1C340;
	s3 =	simm.s32 $0x2;
	[dreg:$0xb] =	wrdreg s1  }
0x22: {  	v0 =	vimm.f32 $0.0e+00;
	[dreg:$0xc] =	wrdreg s0;
	s1 =	simm.s32 $0x160C0;
	s0 =	simm.s32 $0x161C0  }
.LBB2_1:
0x23: {  	s16 =	rddreg [dreg:$0x3]  }
0x24: {  	s17 =	simm.s32 $0x80;
	s20 =	simm.s32 $0x400;
	s21 =	simm.s32 $0x138C0  }
0x25: {  	[tilespmem:s21], [sflag:$0x1] =	stream.strided.gather [hbm4b:s16+s17], $0x2780, s20, s17, $0x38;
	[tilespmem:$0x1F340] =	vst v63  }
0x26: {  	s16 =	simm.s32 $0x0  }
0x27: {  	s20 =	sand.u32 $0xFE00, s16  }
0x28: {  	s21 =	sand.u32 $0x70, s16;
	s22 =	sshrl.u32 s20, $0x2  }
0x29: {  	s16 =	simm.s32 $0x40;
	s20 =	simm.s32 $0x0;
	s21 =	sor.u32 s21, s22  }
.LBB2_2:
0x2a: {  	p2 =	sne.s32 s16, $0x9FC0  }
0x2b: {  	[tilespmem:s21+$0x16340] =	vst v0;
	s20 =	sadd.s32 $0x10, s20;
	s21 =	smov.u32 s16;
	s16 =	sadd.s32 $0x40, s16  }
.Ltmp0:
0x2c: {  	(pc) =	sbr.rel @p2 .LBB2_2-.Ltmp0, $4  }
0x2d: {  	_ = 	snop  }
0x2e: {  	s21 =	sand.u32 $0xFE00, s21  }
0x2f: {  	s22 =	sand.u32 $0x70, s20;
	s21 =	sshrl.u32 s21, $0x2  }
0x30: {  	s21 =	sor.u32 s22, s21  }
0x31: {  	[tilespmem:s21+$0x16340] =	vst v0  }
0x32: {  	[spmem:s7] =	stream.linear.scatter [tilespmem:s26], [sflag:$0x4], $0x2800, $0x38;
	[tilespmem:$0x1F340] =	vst v63  }
0x33: {  	_ = 	snop  }
0x34: {  	[spmem:s8] =	stream.linear.scatter [tilespmem:s26], [sflag:$0x4], $0x2800, $0x38;
	[tilespmem:$0x1F340] =	vst v63  }
0x35: {  	_ = 	snop  }
0x36: {  	[spmem:s9] =	stream.linear.scatter [tilespmem:s26], [sflag:$0x4], $0x2800, $0x38;
	[tilespmem:$0x1F340] =	vst v63  }
0x37: {  	_ = 	snop  }
0x38: {  	[spmem:s10] =	stream.linear.scatter [tilespmem:s26], [sflag:$0x4], $0x2800, $0x38;
	[tilespmem:$0x1F340] =	vst v63  }
0x39: {  	_ = 	snop  }
0x3a: {  	[spmem:s11] =	stream.linear.scatter [tilespmem:s26], [sflag:$0x4], $0x2800, $0x38;
	[tilespmem:$0x1F340] =	vst v63  }
0x3b: {  	_ = 	snop  }
0x3c: {  	[spmem:s12] =	stream.linear.scatter [tilespmem:s26], [sflag:$0x4], $0x2800, $0x38;
	[tilespmem:$0x1F340] =	vst v63  }
0x3d: {  	_ = 	snop  }
0x3e: {  	[spmem:s13] =	stream.linear.scatter [tilespmem:s26], [sflag:$0x4], $0x2800, $0x38;
	[tilespmem:$0x1F340] =	vst v63  }
0x3f: {  	s16 =	simm.s32 @!p0 $0x16340  }
0x40: {  	[spmem:s14] =	stream.linear.scatter @!p0 [tilespmem:s16], [sflag:$0x4], $0x2800, $0x38;
	[tilespmem:$0x1F340] =	vst v63  }
0x41: {  	_ =	swait.ge [sflag:s28], $0x2800  }
0x42: {  	[sflag:s28] =	ssyncset.done $0x0  }
0x43: {  	[sflag:s28] =	ssyncadd.s32 $0xFFFFD800  }
0x44: {  	_ =	swait.ge [sflag:s28], $0x2800  }
0x45: {  	[sflag:s28] =	ssyncset.done $0x0  }
0x46: {  	[sflag:s28] =	ssyncadd.s32 $0xFFFFD800  }
0x47: {  	_ =	swait.ge [sflag:s28], $0x2800  }
0x48: {  	[sflag:s28] =	ssyncset.done $0x0  }
0x49: {  	[sflag:s28] =	ssyncadd.s32 $0xFFFFD800  }
0x4a: {  	_ =	swait.ge [sflag:s28], $0x2800  }
0x4b: {  	[sflag:s28] =	ssyncset.done $0x0  }
0x4c: {  	[sflag:s28] =	ssyncadd.s32 $0xFFFFD800  }
0x4d: {  	_ =	swait.ge [sflag:s28], $0x2800  }
0x4e: {  	[sflag:s28] =	ssyncset.done $0x0  }
0x4f: {  	[sflag:s28] =	ssyncadd.s32 $0xFFFFD800  }
0x50: {  	_ =	swait.ge [sflag:s28], $0x2800  }
0x51: {  	[sflag:s28] =	ssyncset.done $0x0  }
0x52: {  	[sflag:s28] =	ssyncadd.s32 $0xFFFFD800  }
0x53: {  	_ =	swait.ge [sflag:s28], $0x2800  }
0x54: {  	[sflag:s28] =	ssyncset.done $0x0  }
0x55: {  	s16 =	simm.s32 @!p1 $0x4;
	[sflag:s28] =	ssyncadd.s32 $0xFFFFD800  }
0x56: {  	_ =	swait.ge @!p1 [sflag:s16], $0x2800  }
0x57: {  	[sflag:s16] =	ssyncset.done @!p1 $0x0  }
0x58: {  	[sflag:s16] =	ssyncadd.s32 @!p1 $0xFFFFD800  }
0x59: {  	_ =	swait.ge [sflag:s29], $0x2780  }
0x5a: {  	[sflag:s29] =	ssyncset.done $0x0  }
0x5b: {  	p2 =	por $0x1, $0x1;
	[sflag:s29] =	ssyncadd.s32 $0xFFFFD880  }
0x5c: {  	s16 =	simm.s32 @!p2 $0x4;
	[bflag:$0x0] =	sbarrier.arrive $0xFFFF  }
0x5d: {  	_ =	swait.ge @!p2 [sflag:s16], $0x3000  }
0x5e: {  	[sflag:s16] =	ssyncset.done @!p2 $0x0  }
0x5f: {  	s20 =	simm.s32 $0x13950;
	[sflag:s16] =	ssyncadd.s32 @!p2 $0xFFFFD000  }
0x60: {  	v1 =	vld [tilespmem:s20+$0xFFFFFF70];
	_ =	sdelay $0x4  }
0x61: {  	v2 =	vand.u32 $0xFFFF, v1  }
0x62: {  	v1 =	vshrl.u32 v1, $0x10;
	[tilespmem:$0x16040] =	vst v2  }
0x63: {  	[tilespmem:$0x161C0] =	vst v1  }
0x64: {  	v1 =	vld [tilespmem:s20+$0xFFFFFF80];
	_ =	sdelay $0x4  }
0x65: {  	v2 =	vand.u32 $0xFFFF, v1  }
0x66: {  	v1 =	vshrl.u32 v1, $0x10;
	[tilespmem:$0x16050] =	vst v2  }
0x67: {  	[tilespmem:$0x161D0] =	vst v1  }
0x68: {  	v1 =	vld [tilespmem:s20+$0xFFFFFF90];
	_ =	sdelay $0x4  }
0x69: {  	v2 =	vand.u32 $0xFFFF, v1  }
0x6a: {  	v1 =	vshrl.u32 v1, $0x10;
	[tilespmem:$0x16060] =	vst v2  }
0x6b: {  	[tilespmem:$0x161E0] =	vst v1  }
0x6c: {  	v1 =	vld [tilespmem:s20+$0xFFFFFFA0];
	_ =	sdelay $0x4  }
0x6d: {  	v2 =	vand.u32 $0xFFFF, v1  }
0x6e: {  	v1 =	vshrl.u32 v1, $0x10;
	[tilespmem:$0x16070] =	vst v2  }
0x6f: {  	[tilespmem:$0x161F0] =	vst v1  }
0x70: {  	v1 =	vld [tilespmem:s20+$0xFFFFFFB0];
	_ =	sdelay $0x4  }
0x71: {  	v2 =	vand.u32 $0xFFFF, v1  }
0x72: {  	v1 =	vshrl.u32 v1, $0x10;
	[tilespmem:$0x16080] =	vst v2  }
0x73: {  	[tilespmem:$0x16200] =	vst v1  }
0x74: {  	v1 =	vld [tilespmem:s20+$0xFFFFFFC0];
	_ =	sdelay $0x4  }
0x75: {  	v2 =	vand.u32 $0xFFFF, v1  }
0x76: {  	v1 =	vshrl.u32 v1, $0x10;
	[tilespmem:$0x16090] =	vst v2  }
0x77: {  	s16 =	simm.s32 @!p2 $0x5;
	[tilespmem:$0x16210] =	vst v1  }
0x78: {  	[tilespmem:s26], [sflag:$0x1] =	stream.indirect.gather [hbm4b:s4+s30], $0x80, s31, s30, $0xb8;
	[tilespmem:$0x1F340] =	vst v63  }
0x79: {  	_ =	swait.ge @!p2 [sflag:s16], $0x3000  }
0x7a: {  	[sflag:s16] =	ssyncset.done @!p2 $0x0  }
0x7b: {  	[sflag:s16] =	ssyncadd.s32 @!p2 $0xFFFFD000  }
0x7c: {  	v1 =	vld [tilespmem:s20+$0xFFFFFFD0];
	_ =	sdelay $0x4  }
0x7d: {  	v2 =	vand.u32 $0xFFFF, v1  }
0x7e: {  	v1 =	vshrl.u32 v1, $0x10;
	[tilespmem:$0x160C0] =	vst v2  }
0x7f: {  	[tilespmem:$0x16240] =	vst v1  }
0x80: {  	v1 =	vld [tilespmem:s20+$0xFFFFFFE0];
	_ =	sdelay $0x4  }
0x81: {  	s22 =	simm.s32 $0x0;
	v2 =	vand.u32 $0xFFFF, v1  }
0x82: {  	s17 =	sand.u32 $0x7F80, s22;
	s16 =	sand.u32 $0x60, s22;
	v1 =	vshrl.u32 v1, $0x10;
	[tilespmem:$0x160D0] =	vst v2  }
0x83: {  	s22 =	sor.u32 s16, s17;
	[tilespmem:$0x16250] =	vst v1  }
0x84: {  	v1 =	vld [tilespmem:s22+$0x13940];
	_ =	sdelay $0x4  }
0x85: {  	v2 =	vand.u32 $0xFFFF, v1  }
0x86: {  	v1 =	vshrl.u32 v1, $0x10;
	[tilespmem:$0x160E0] =	vst v2  }
0x87: {  	[tilespmem:$0x16260] =	vst v1  }
0x88: {  	v1 =	vld [tilespmem:s20+$0x0];
	_ =	sdelay $0x4  }
0x89: {  	v2 =	vand.u32 $0xFFFF, v1  }
0x8a: {  	v1 =	vshrl.u32 v1, $0x10;
	[tilespmem:$0x160F0] =	vst v2  }
0x8b: {  	[tilespmem:$0x16270] =	vst v1  }
0x8c: {  	v1 =	vld [tilespmem:s20+$0x10];
	_ =	sdelay $0x4  }
0x8d: {  	v2 =	vand.u32 $0xFFFF, v1  }
0x8e: {  	v1 =	vshrl.u32 v1, $0x10;
	[tilespmem:$0x16100] =	vst v2  }
0x8f: {  	[tilespmem:$0x16280] =	vst v1  }
0x90: {  	v1 =	vld [tilespmem:s20+$0x20];
	_ =	sdelay $0x4  }
0x91: {  	v2 =	vand.u32 $0xFFFF, v1  }
0x92: {  	v1 =	vshrl.u32 v1, $0x10;
	[tilespmem:$0x16110] =	vst v2  }
0x93: {  	s22 =	simm.s32 @!p2 $0x6;
	[tilespmem:$0x16290] =	vst v1  }
0x94: {  	[tilespmem:s23], [sflag:$0x2] =	stream.indirect.gather [hbm4b:s4+s30], $0x80, s1, s30, $0xb8;
	[tilespmem:$0x1F340] =	vst v63  }
0x95: {  	_ =	swait.ge @!p2 [sflag:s22], $0x3000  }
0x96: {  	[sflag:s22] =	ssyncset.done @!p2 $0x0  }
0x97: {  	[sflag:s22] =	ssyncadd.s32 @!p2 $0xFFFFD000  }
0x98: {  	v1 =	vld [tilespmem:s20+$0x30];
	_ =	sdelay $0x4  }
0x99: {  	v2 =	vand.u32 $0xFFFF, v1  }
0x9a: {  	v1 =	vshrl.u32 v1, $0x10;
	[tilespmem:$0x16140] =	vst v2  }
0x9b: {  	[tilespmem:$0x162C0] =	vst v1  }
0x9c: {  	v1 =	vld [tilespmem:s20+$0x40];
	_ =	sdelay $0x4  }
0x9d: {  	v2 =	vand.u32 $0xFFFF, v1  }
0x9e: {  	v1 =	vshrl.u32 v1, $0x10;
	[tilespmem:$0x16150] =	vst v2  }
0x9f: {  	[tilespmem:$0x162D0] =	vst v1  }
0xa0: {  	v1 =	vld [tilespmem:s20+$0x50];
	_ =	sdelay $0x4  }
0xa1: {  	v2 =	vand.u32 $0xFFFF, v1  }
0xa2: {  	v1 =	vshrl.u32 v1, $0x10;
	[tilespmem:$0x16160] =	vst v2  }
0xa3: {  	[tilespmem:$0x162E0] =	vst v1  }
0xa4: {  	v1 =	vld [tilespmem:s20+$0x60];
	_ =	sdelay $0x4  }
0xa5: {  	v2 =	vand.u32 $0xFFFF, v1  }
0xa6: {  	v1 =	vshrl.u32 v1, $0x10;
	[tilespmem:$0x16170] =	vst v2  }
0xa7: {  	s16 =	sadd.s32 s16, s17;
	[tilespmem:$0x162F0] =	vst v1  }
0xa8: {  	v1 =	vld [tilespmem:s16+$0x139C0];
	_ =	sdelay $0x4  }
0xa9: {  	v2 =	vand.u32 $0xFFFF, v1  }
0xaa: {  	v1 =	vshrl.u32 v1, $0x10;
	[tilespmem:$0x16180] =	vst v2  }
0xab: {  	[tilespmem:$0x16300] =	vst v1  }
0xac: {  	s21 =	simm.s32 $0x120;
	v1 =	vld [tilespmem:s20+$0x80]  }
.LBB2_4:
0xad: {  	s20 =	sadd.s32 $0x120, s20;
	s22 =	smov.u32 s21;
	s21 =	sadd.s32 $0x120, s21  }
0xae: {  	p2 =	sne.s32 s21, $0x2760;
	_ =	sdelay $0x2  }
0xaf: {  	v2 =	vand.u32 $0xFFFF, v1;
	v1 =	vshrl.u32 v1, $0x10  }
0xb0: {  	[tilespmem:$0x16190] =	vst v2  }
0xb1: {  	[tilespmem:$0x16310] =	vst v1  }
0xb2: {  	[tilespmem:s25], [sflag:$0x3] =	stream.indirect.gather [hbm4b:s4+s30], $0x80, s24, s30, $0xb8;
	[tilespmem:$0x1F340] =	vst v63  }
0xb3: {  	_ =	swait.ge [sflag:s29], $0x3000  }
0xb4: {  	[sflag:s29] =	ssyncset.done $0x0  }
0xb5: {  	[sflag:s29] =	ssyncadd.s32 $0xFFFFD000  }
0xb6: {  	[spmem:s2] =	stream.indirect.scatter.add.f32 [tilespmem:s26], [sflag:$0x4], $0x80, s0, s30, $0xb8;
	[tilespmem:$0x1F340] =	vst v63  }
0xb7: {  	_ =	swait.ge [sflag:s3], $0x3000  }
0xb8: {  	[sflag:s3] =	ssyncset.done $0x0  }
0xb9: {  	[sflag:s3] =	ssyncadd.s32 $0xFFFFD000  }
0xba: {  	[spmem:s2] =	stream.indirect.scatter.add.f32 [tilespmem:s23], [sflag:$0x5], $0x80, s5, s30, $0xb8;
	[tilespmem:$0x1F340] =	vst v63  }
0xbb: {  	_ =	swait.ge [sflag:s6], $0x3000  }
0xbc: {  	p3 =	seq.s32 s22, $0x0;
	[sflag:s6] =	ssyncset.done $0x0  }
0xbd: {  	s16 =	simm.s32 @!p3 $0x4;
	[sflag:s6] =	ssyncadd.s32 $0xFFFFD000  }
0xbe: {  	[spmem:s2] =	stream.indirect.scatter.add.f32 [tilespmem:s25], [sflag:$0x6], $0x80, s15, s30, $0xb8;
	[tilespmem:$0x1F340] =	vst v63  }
0xbf: {  	_ =	swait.ge @!p3 [sflag:s16], $0x3000  }
0xc0: {  	[sflag:s16] =	ssyncset.done @!p3 $0x0  }
0xc1: {  	[sflag:s16] =	ssyncadd.s32 @!p3 $0xFFFFD000  }
0xc2: {  	v1 =	vld [tilespmem:s20+$0xFFFFFF70];
	_ =	sdelay $0x4  }
0xc3: {  	v2 =	vand.u32 $0xFFFF, v1;
	v1 =	vshrl.u32 v1, $0x10  }
0xc4: {  	[tilespmem:$0x16040] =	vst v2  }
0xc5: {  	[tilespmem:$0x161C0] =	vst v1  }
0xc6: {  	v1 =	vld [tilespmem:s20+$0xFFFFFF80];
	_ =	sdelay $0x4  }
0xc7: {  	v2 =	vand.u32 $0xFFFF, v1;
	v1 =	vshrl.u32 v1, $0x10  }
0xc8: {  	[tilespmem:$0x16050] =	vst v2  }
0xc9: {  	[tilespmem:$0x161D0] =	vst v1  }
0xca: {  	v1 =	vld [tilespmem:s20+$0xFFFFFF90];
	_ =	sdelay $0x4  }
0xcb: {  	v2 =	vand.u32 $0xFFFF, v1;
	v1 =	vshrl.u32 v1, $0x10  }
0xcc: {  	[tilespmem:$0x16060] =	vst v2  }
0xcd: {  	[tilespmem:$0x161E0] =	vst v1  }
0xce: {  	v1 =	vld [tilespmem:s20+$0xFFFFFFA0];
	_ =	sdelay $0x4  }
0xcf: {  	v2 =	vand.u32 $0xFFFF, v1;
	v1 =	vshrl.u32 v1, $0x10  }
0xd0: {  	[tilespmem:$0x16070] =	vst v2  }
0xd1: {  	[tilespmem:$0x161F0] =	vst v1  }
0xd2: {  	v1 =	vld [tilespmem:s20+$0xFFFFFFB0];
	_ =	sdelay $0x4  }
0xd3: {  	v2 =	vand.u32 $0xFFFF, v1;
	v1 =	vshrl.u32 v1, $0x10  }
0xd4: {  	[tilespmem:$0x16080] =	vst v2  }
0xd5: {  	[tilespmem:$0x16200] =	vst v1  }
0xd6: {  	v1 =	vld [tilespmem:s20+$0xFFFFFFC0];
	_ =	sdelay $0x4  }
0xd7: {  	v2 =	vand.u32 $0xFFFF, v1;
	v1 =	vshrl.u32 v1, $0x10  }
0xd8: {  	[tilespmem:$0x16090] =	vst v2  }
0xd9: {  	s16 =	simm.s32 @!p3 $0x5;
	[tilespmem:$0x16210] =	vst v1  }
0xda: {  	[tilespmem:s26], [sflag:$0x1] =	stream.indirect.gather [hbm4b:s4+s30], $0x80, s31, s30, $0xb8;
	[tilespmem:$0x1F340] =	vst v63  }
0xdb: {  	_ =	swait.ge @!p3 [sflag:s16], $0x3000  }
0xdc: {  	[sflag:s16] =	ssyncset.done @!p3 $0x0  }
0xdd: {  	[sflag:s16] =	ssyncadd.s32 @!p3 $0xFFFFD000  }
0xde: {  	v1 =	vld [tilespmem:s20+$0xFFFFFFD0];
	_ =	sdelay $0x4  }
0xdf: {  	v2 =	vand.u32 $0xFFFF, v1;
	v1 =	vshrl.u32 v1, $0x10  }
0xe0: {  	[tilespmem:$0x160C0] =	vst v2  }
0xe1: {  	[tilespmem:$0x16240] =	vst v1  }
0xe2: {  	v1 =	vld [tilespmem:s20+$0xFFFFFFE0];
	_ =	sdelay $0x4  }
0xe3: {  	v2 =	vand.u32 $0xFFFF, v1;
	v1 =	vshrl.u32 v1, $0x10  }
0xe4: {  	s16 =	sand.u32 $0x7F80, s22;
	s22 =	sand.u32 $0x60, s22;
	[tilespmem:$0x160D0] =	vst v2  }
0xe5: {  	s17 =	sor.u32 s22, s16;
	[tilespmem:$0x16250] =	vst v1  }
0xe6: {  	v1 =	vld [tilespmem:s17+$0x13940];
	_ =	sdelay $0x4  }
0xe7: {  	v2 =	vand.u32 $0xFFFF, v1;
	v1 =	vshrl.u32 v1, $0x10  }
0xe8: {  	[tilespmem:$0x160E0] =	vst v2  }
0xe9: {  	[tilespmem:$0x16260] =	vst v1  }
0xea: {  	v1 =	vld [tilespmem:s20+$0x0];
	_ =	sdelay $0x4  }
0xeb: {  	v2 =	vand.u32 $0xFFFF, v1;
	v1 =	vshrl.u32 v1, $0x10  }
0xec: {  	[tilespmem:$0x160F0] =	vst v2  }
0xed: {  	[tilespmem:$0x16270] =	vst v1  }
0xee: {  	v1 =	vld [tilespmem:s20+$0x10];
	_ =	sdelay $0x4  }
0xef: {  	v2 =	vand.u32 $0xFFFF, v1;
	v1 =	vshrl.u32 v1, $0x10  }
0xf0: {  	[tilespmem:$0x16100] =	vst v2  }
0xf1: {  	[tilespmem:$0x16280] =	vst v1  }
0xf2: {  	v1 =	vld [tilespmem:s20+$0x20];
	_ =	sdelay $0x4  }
0xf3: {  	v2 =	vand.u32 $0xFFFF, v1;
	v1 =	vshrl.u32 v1, $0x10  }
0xf4: {  	[tilespmem:$0x16110] =	vst v2  }
0xf5: {  	s17 =	simm.s32 @!p3 $0x6;
	[tilespmem:$0x16290] =	vst v1  }
0xf6: {  	[tilespmem:s23], [sflag:$0x2] =	stream.indirect.gather [hbm4b:s4+s30], $0x80, s1, s30, $0xb8;
	[tilespmem:$0x1F340] =	vst v63  }
0xf7: {  	_ =	swait.ge @!p3 [sflag:s17], $0x3000  }
0xf8: {  	[sflag:s17] =	ssyncset.done @!p3 $0x0  }
0xf9: {  	[sflag:s17] =	ssyncadd.s32 @!p3 $0xFFFFD000  }
0xfa: {  	v1 =	vld [tilespmem:s20+$0x30];
	_ =	sdelay $0x4  }
0xfb: {  	v2 =	vand.u32 $0xFFFF, v1;
	v1 =	vshrl.u32 v1, $0x10  }
0xfc: {  	[tilespmem:$0x16140] =	vst v2  }
0xfd: {  	[tilespmem:$0x162C0] =	vst v1  }
0xfe: {  	v1 =	vld [tilespmem:s20+$0x40];
	_ =	sdelay $0x4  }
0xff: {  	v2 =	vand.u32 $0xFFFF, v1;
	v1 =	vshrl.u32 v1, $0x10  }
0x100: {  	[tilespmem:$0x16150] =	vst v2  }
0x101: {  	[tilespmem:$0x162D0] =	vst v1  }
0x102: {  	v1 =	vld [tilespmem:s20+$0x50];
	_ =	sdelay $0x4  }
0x103: {  	v2 =	vand.u32 $0xFFFF, v1;
	v1 =	vshrl.u32 v1, $0x10  }
0x104: {  	[tilespmem:$0x16160] =	vst v2  }
0x105: {  	[tilespmem:$0x162E0] =	vst v1  }
0x106: {  	v1 =	vld [tilespmem:s20+$0x60];
	_ =	sdelay $0x4  }
0x107: {  	v2 =	vand.u32 $0xFFFF, v1;
	v1 =	vshrl.u32 v1, $0x10  }
0x108: {  	[tilespmem:$0x16170] =	vst v2  }
0x109: {  	s16 =	sadd.s32 s22, s16;
	[tilespmem:$0x162F0] =	vst v1  }
0x10a: {  	v1 =	vld [tilespmem:s16+$0x139C0];
	_ =	sdelay $0x3  }
.Ltmp1:
0x10b: {  	(pc) =	sbr.rel @p2 .LBB2_4-.Ltmp1, $4  }
0x10c: {  	v2 =	vand.u32 $0xFFFF, v1;
	v1 =	vshrl.u32 v1, $0x10  }
0x10d: {  	[tilespmem:$0x16180] =	vst v2  }
0x10e: {  	[tilespmem:$0x16300] =	vst v1  }
0x10f: {  	v1 =	vld [tilespmem:s20+$0x80]  }
0x110: {  	_ =	sdelay $0x3  }
0x111: {  	v2 =	vand.u32 $0xFFFF, v1  }
0x112: {  	v1 =	vshrl.u32 v1, $0x10;
	[tilespmem:$0x16190] =	vst v2  }
0x113: {  	[tilespmem:$0x16310] =	vst v1  }
0x114: {  	[tilespmem:s25], [sflag:$0x3] =	stream.indirect.gather [hbm4b:s4+s30], $0x80, s24, s30, $0xb8;
	[tilespmem:$0x1F340] =	vst v63  }
0x115: {  	_ =	swait.ge [sflag:s29], $0x3000  }
0x116: {  	[sflag:s29] =	ssyncset.done $0x0  }
0x117: {  	[sflag:s29] =	ssyncadd.s32 $0xFFFFD000  }
0x118: {  	[spmem:s2] =	stream.indirect.scatter.add.f32 [tilespmem:s26], [sflag:$0x4], $0x80, s0, s30, $0xb8;
	[tilespmem:$0x1F340] =	vst v63  }
0x119: {  	_ =	swait.ge [sflag:s3], $0x3000  }
0x11a: {  	[sflag:s3] =	ssyncset.done $0x0  }
0x11b: {  	[sflag:s3] =	ssyncadd.s32 $0xFFFFD000  }
0x11c: {  	[spmem:s2] =	stream.indirect.scatter.add.f32 [tilespmem:s23], [sflag:$0x5], $0x80, s5, s30, $0xb8;
	[tilespmem:$0x1F340] =	vst v63  }
0x11d: {  	_ =	swait.ge [sflag:s6], $0x3000  }
0x11e: {  	[sflag:s6] =	ssyncset.done $0x0  }
0x11f: {  	[sflag:s6] =	ssyncadd.s32 $0xFFFFD000  }
0x120: {  	[spmem:s2] =	stream.indirect.scatter.add.f32 [tilespmem:s25], [sflag:$0x6], $0x80, s15, s30, $0xb8;
	[tilespmem:$0x1F340] =	vst v63  }
0x121: {  	_ =	swait.ge [sflag:s28], $0x3000  }
0x122: {  	[sflag:s28] =	ssyncset.done $0x0  }
0x123: {  	s16 =	simm.s32 $0x5;
	[sflag:s28] =	ssyncadd.s32 $0xFFFFD000  }
0x124: {  	_ =	swait.ge [sflag:s16], $0x3000  }
0x125: {  	[sflag:s16] =	ssyncset.done $0x0  }
0x126: {  	s17 =	simm.s32 $0x6;
	[sflag:s16] =	ssyncadd.s32 $0xFFFFD000  }
0x127: {  	_ =	swait.ge [sflag:s17], $0x3000  }
0x128: {  	[sflag:s17] =	ssyncset.done $0x0  }
0x129: {  	s20 =	stileid.u32;
	[sflag:s17] =	ssyncadd.s32 $0xFFFFD000  }
0x12a: {  	s16 =	sshll.u32 s20, $0x6;
	[bflag:$0x0] =	sbarrier.arrive $0xFFFF  }
0x12b: {  	s16 =	sor.u32 $0x1C07, s16;
	s17 =	sshrl.u32 s7, $0x3;
	s20 =	rddreg [dreg:$0x5]  }
0x12c: {  	[hbm:s20], [sflag:s16] =	dma.local [spmem:s17], $0x500  }
0x12d: {  	_ =	swait.ge [sflag:s18], $0x500  }
0x12e: {  	[sflag:s18] =	ssyncset.done $0x0  }
0x12f: {  	s21 =	sshrl.u32 s8, $0x3;
	s22 =	rddreg [dreg:$0x6];
	[sflag:s18] =	ssyncadd.s32 $0xFFFFFB00  }
0x130: {  	[hbm:s22], [sflag:s16] =	dma.local [spmem:s21], $0x500  }
0x131: {  	_ =	swait.ge [sflag:s18], $0x500  }
0x132: {  	[sflag:s18] =	ssyncset.done $0x0  }
0x133: {  	s21 =	sshrl.u32 s9, $0x3;
	s22 =	rddreg [dreg:$0x7];
	[sflag:s18] =	ssyncadd.s32 $0xFFFFFB00  }
0x134: {  	[hbm:s22], [sflag:s16] =	dma.local [spmem:s21], $0x500  }
0x135: {  	_ =	swait.ge [sflag:s18], $0x500  }
0x136: {  	[sflag:s18] =	ssyncset.done $0x0  }
0x137: {  	s21 =	sshrl.u32 s10, $0x3;
	s22 =	rddreg [dreg:$0x8];
	[sflag:s18] =	ssyncadd.s32 $0xFFFFFB00  }
0x138: {  	[hbm:s22], [sflag:s16] =	dma.local [spmem:s21], $0x500  }
0x139: {  	_ =	swait.ge [sflag:s18], $0x500  }
0x13a: {  	[sflag:s18] =	ssyncset.done $0x0  }
0x13b: {  	s21 =	sshrl.u32 s11, $0x3;
	s22 =	rddreg [dreg:$0x9];
	[sflag:s18] =	ssyncadd.s32 $0xFFFFFB00  }
0x13c: {  	[hbm:s22], [sflag:s16] =	dma.local [spmem:s21], $0x500  }
0x13d: {  	_ =	swait.ge [sflag:s18], $0x500  }
0x13e: {  	[sflag:s18] =	ssyncset.done $0x0  }
0x13f: {  	s21 =	sshrl.u32 s12, $0x3;
	s22 =	rddreg [dreg:$0xa];
	[sflag:s18] =	ssyncadd.s32 $0xFFFFFB00  }
0x140: {  	[hbm:s22], [sflag:s16] =	dma.local [spmem:s21], $0x500  }
0x141: {  	_ =	swait.ge [sflag:s18], $0x500  }
0x142: {  	[sflag:s18] =	ssyncset.done $0x0  }
0x143: {  	s20 =	sshrl.u32 s13, $0x3;
	s21 =	rddreg [dreg:$0xb];
	[sflag:s18] =	ssyncadd.s32 $0xFFFFFB00  }
0x144: {  	[hbm:s21], [sflag:s16] =	dma.local [spmem:s20], $0x500  }
0x145: {  	_ =	swait.ge [sflag:s18], $0x500  }
0x146: {  	[sflag:s18] =	ssyncset.done $0x0  }
0x147: {  	s17 =	sshrl.u32 @!p0 s14, $0x3;
	s20 =	rddreg [dreg:$0xc];
	[sflag:s18] =	ssyncadd.s32 $0xFFFFFB00  }
0x148: {  	[hbm:s20], [sflag:s16] =	dma.local @!p0 [spmem:s17], $0x500  }
0x149: {  	s16 =	simm.s32 @!p0 $0x7  }
0x14a: {  	_ =	swait.ge @!p0 [sflag:s16], $0x500  }
0x14b: {  	s19 =	sadd.s32 $0x1, s19;
	s22 =	rddreg [dreg:$0x4]  }
0x14c: {  	p2 =	sne.s32 s19, s22  }
.Ltmp2:
0x14d: {  	_ = 	snop;
	(pc) =	sbr.rel @p2 .LBB2_1-.Ltmp2, $3  }
0x14e: {  	_ =	sdelay $0x1  }
0x14f: {  	[sflag:s16] =	ssyncset.done @!p0 $0x0  }
0x150: {  	[sflag:s16] =	ssyncadd.s32 @!p0 $0xFFFFFB00  }
0x151: {  	_ =	sfence.sel $0x180000  }
0x152: {  	[bflag:$0x0] =	sbarrier.arrive $0xFFFF  }
0x153: {  	_ =	strace $0x9000004D  }
0x154: {  	s0 =	stileid.u32;
	[bflag:$0x2] =	sbarrier.arrive $0xFFFF  }
0x155: {  	p0 =	sne.s32 s0, $0x0;
	s0 =	rddreg [dreg:$0x2]  }
0x156: {  	s0 =	sadd.s32 @!p0 $0x100000, s0  }
0x157: {  	[sflag:s0] =	ssyncadd.tile.s32 @!p0 $0x1;
	_ =	shalt  }
.Lfunc_end2:
_tile_overlayer_lowered:
.L_overlay_start_2:
0x158: {  	(tag) =	ssettag $0x2  }
0x159: {  	s0 =	rddreg [dreg:$0x0];
	s2 =	stileid.u32  }
0x15a: {  	s1 =	rddreg [dreg:$0x1];
	p0 =	sne.s32 s2, $0x0  }
0x15b: {  	s3 =	rddreg [dreg:$0x2];
	[bflag:$0x3] =	sbarrier.arrive $0xFFFF;
	s2 =	simm.s32 @!p0 $0x1C07  }
0x15c: {  	[timem:s3], [sflag:s2] =	dma.local @!p0 [hbm:s0], s1  }
0x15d: {  	s0 =	simm.s32 @!p0 $0x7  }
0x15e: {  	_ =	swait.ge @!p0 [sflag:s0], s1  }
0x15f: {  	s1 =	ssub.s32 @!p0 $0x0, s1;
	[sflag:s0] =	ssyncset.done @!p0 $0x0  }
0x160: {  	[sflag:s0] =	ssyncadd.s32 @!p0 s1  }
0x161: {  	[bflag:$0x3] =	sbarrier.arrive $0xFFFF  }
0x162: {  	_ =	shalt  }

// kernel: kernel.19.cloned.1.call-start
scs
__scs_entry_jumppad:
0x0: {  	(pc) =	sbr.rel $0x88, $3  }
0x1: {  	(tag) =	ssettag $0x0;
	lr =	simm.s32 $0x1  }
0x2: {  	[smem:$0x3F89] =	sst lr;
	_ =	strace $0xD0000000  }
0x3: {  	_ = 	snop  }
0x4: {  	_ = 	snop  }
0x5: {  	_ = 	snop  }
0x6: {  	_ = 	snop  }
0x7: {  	_ = 	snop  }
__scs_overlays_trampoline_lowered:
0x8: {  	[smem:$0x3F98] =	sst s0  }
0x9: {  	[smem:$0x3F99] =	sst s1  }
0xa: {  	[smem:$0x3F9A] =	sst s2  }
0xb: {  	[smem:$0x3F9B] =	sst s3  }
0xc: {  	[smem:$0x3F9C] =	sst s4  }
0xd: {  	[smem:$0x3F9D] =	sst s5  }
0xe: {  	[smem:$0x3F9E] =	sst s6  }
0xf: {  	[smem:$0x3F9F] =	sst s7  }
0x10: {  	[smem:$0x3FA0] =	sst s8  }
0x11: {  	[smem:$0x3FA1] =	sst s9;
	s0 =	simm.s32 @!p0 $0x0  }
0x12: {  	s1 =	sld [smem:$0x3F87];
	s0 =	simm.s32 @p0 $0x1  }
0x13: {  	[smem:$0x3FA2] =	sst s0;
	s0 =	simm.s32 @!p1 $0x0  }
0x14: {  	s2 =	sld [smem:$0x3F86];
	s0 =	simm.s32 @p1 $0x1  }
0x15: {  	[smem:$0x3FA3] =	sst s0;
	s0 =	simm.s32 @!p2 $0x0  }
0x16: {  	s3 =	sld [smem:$0x3FDB];
	s0 =	simm.s32 @p2 $0x1  }
0x17: {  	s4 =	simm.s32 $0x1BF5;
	[smem:$0x3FA5] =	sst s0  }
0x18: {  	s0 =	sld [smem:$0x3F88];
	_ =	swait.ge [sflag:s4], $0x0  }
0x19: {  	s7 =	sld [smem:$0x3F89]  }
0x1a: {  	s8 =	sadd.s32 $0xFFFFE003, lr  }
0x1b: {  	s9 =	sadd.s32 $0xFFFFFEF7, lr;
	s5 =	simm.s32 $0xFFFFFFFF;
	p2 =	slt.u32 s8, $0xFFFFF086  }
0x1c: {  	p1 =	slt.u32 s9, $0xF7A;
	s5 =	simm.s32 @!p2 $0x0  }
0x1d: {  	s5 =	simm.s32 @p1 $0x1;
	p0 =	seq.s32 s7, s2  }
0x1e: {  	s7 =	smul.u32 @!p0 $0xF7A, s2;
	p2 =	seq.s32 @!p0 s5, $0x0  }
0x1f: {  	s9 =	smul.u32 $0xF7A, s1;
	s8 =	simm.s32 @!p0 $0x1BF5;
	p2 =	por !p2, p0  }
0x20: {  	[sflag:s8] =	ssyncset.s32 @!p0 $0xFFFFF086;
	s6 =	sadd.s32 @!p0 s3, s7;
	s7 =	simm.s32 @!p0 $0x108  }
0x21: {  	s3 =	sadd.s32 s3, s9;
	s6 =	sadd.s32 @!p0 $0x88, s6;
	s7 =	simm.s32 @p2 $0x1082  }
0x22: {  	[simem:s7], [sflag:s8] =	dma.local @!p0 [hbm:s6], $0xF7A  }
0x23: {  	s9 =	sor.u32 $0xD0000000, s2;
	s6 =	simm.s32 $0x108;
	_ =	swait.ge @!p0 [sflag:s8], $0x0  }
0x24: {  	s3 =	sadd.s32 $0x88, s3;
	s6 =	simm.s32 @!p1 $0x1082;
	[sflag:s4] =	ssyncset.s32 $0xFFFFF086  }
0x25: {  	[simem:s6], [sflag:s4] =	dma.local [hbm:s3], $0xF7A  }
0x26: {  	[smem:$0x3F89] =	sst s1;
	(tag) =	ssettag s2;
	_ =	strace s9  }
0x27: {  	s1 =	sld [smem:$0x3F99]  }
0x28: {  	s2 =	sld [smem:$0x3F9A]  }
0x29: {  	s4 =	sld [smem:$0x3F9C]  }
0x2a: {  	p0 =	seq.s32 s5, $0x0;
	s5 =	sld [smem:$0x3F9D]  }
0x2b: {  	s6 =	sld [smem:$0x3F9E]  }
0x2c: {  	s7 =	sld [smem:$0x3F9F]  }
0x2d: {  	s3 =	simm.s32 $0x108;
	s8 =	sld [smem:$0x3FA0]  }
0x2e: {  	s3 =	simm.s32 @!p0 $0x1082;
	s9 =	sld [smem:$0x3FA1]  }
0x2f: {  	lr =	sadd.s32 s0, s3;
	s0 =	sld [smem:$0x3F98]  }
0x30: {  	s3 =	sld [smem:$0x3F9B]  }
0x31: {  	[smem:$0x3FA4] =	sst s10  }
0x32: {  	s10 =	sld [smem:$0x3FA2];
	_ =	sdelay $0x3  }
0x33: {  	p0 =	seq.s32 s10, $0x1;
	s10 =	sld [smem:$0x3FA4];
	_ =	sdelay $0x3  }
0x34: {  	[smem:$0x3FA4] =	sst s10  }
0x35: {  	s10 =	sld [smem:$0x3FA3];
	_ =	sdelay $0x3  }
0x36: {  	p1 =	seq.s32 s10, $0x1;
	s10 =	sld [smem:$0x3FA4];
	_ =	sdelay $0x3  }
0x37: {  	[smem:$0x3FA4] =	sst s10  }
0x38: {  	s10 =	sld [smem:$0x3FA5]  }
0x39: {  	_ = 	snop;
	(pc) =	sbr.ind lr, $3  }
0x3a: {  	_ = 	snop  }
0x3b: {  	_ = 	snop  }
0x3c: {  	p2 =	seq.s32 s10, $0x1;
	s10 =	sld [smem:$0x3FA4]  }
0x3d: {  	_ =	shalt  }
0x3e: {  	_ =	shalt  }
0x3f: {  	_ =	shalt  }
0x40: {  	_ =	shalt  }
0x41: {  	_ =	shalt  }
0x42: {  	_ =	shalt  }
0x43: {  	_ =	shalt  }
0x44: {  	_ =	shalt  }
0x45: {  	_ =	shalt  }
0x46: {  	_ =	shalt  }
0x47: {  	_ =	shalt  }
0x48: {  	_ =	shalt  }
0x49: {  	_ =	shalt  }
0x4a: {  	_ =	shalt  }
0x4b: {  	_ =	shalt  }
0x4c: {  	_ =	shalt  }
0x4d: {  	_ =	shalt  }
0x4e: {  	_ =	shalt  }
0x4f: {  	_ =	shalt  }
0x50: {  	_ =	shalt  }
0x51: {  	_ =	shalt  }
0x52: {  	_ =	shalt  }
0x53: {  	_ =	shalt  }
0x54: {  	_ =	shalt  }
0x55: {  	_ =	shalt  }
0x56: {  	_ =	shalt  }
0x57: {  	_ =	shalt  }
0x58: {  	_ =	shalt  }
0x59: {  	_ =	shalt  }
0x5a: {  	_ =	shalt  }
0x5b: {  	_ =	shalt  }
0x5c: {  	_ =	shalt  }
0x5d: {  	_ =	shalt  }
0x5e: {  	_ =	shalt  }
0x5f: {  	_ =	shalt  }
0x60: {  	_ =	shalt  }
0x61: {  	_ =	shalt  }
0x62: {  	_ =	shalt  }
0x63: {  	_ =	shalt  }
0x64: {  	_ =	shalt  }
0x65: {  	_ =	shalt  }
0x66: {  	_ =	shalt  }
0x67: {  	_ =	shalt  }
0x68: {  	_ =	shalt  }
0x69: {  	_ =	shalt  }
0x6a: {  	_ =	shalt  }
0x6b: {  	_ =	shalt  }
0x6c: {  	_ =	shalt  }
0x6d: {  	_ =	shalt  }
0x6e: {  	_ =	shalt  }
0x6f: {  	_ =	shalt  }
0x70: {  	_ =	shalt  }
0x71: {  	_ =	shalt  }
0x72: {  	_ =	shalt  }
0x73: {  	_ =	shalt  }
0x74: {  	_ =	shalt  }
0x75: {  	_ =	shalt  }
0x76: {  	_ =	shalt  }
0x77: {  	_ =	shalt  }
0x78: {  	_ =	shalt  }
0x79: {  	_ =	shalt  }
0x7a: {  	_ =	shalt  }
0x7b: {  	_ =	shalt  }
0x7c: {  	_ =	shalt  }
0x7d: {  	_ =	shalt  }
0x7e: {  	_ =	shalt  }
0x7f: {  	_ =	shalt  }
0x80: {  	_ =	shalt  }
0x81: {  	_ =	shalt  }
0x82: {  	_ =	shalt  }
0x83: {  	_ =	shalt  }
0x84: {  	_ =	shalt  }
0x85: {  	_ =	shalt  }
0x86: {  	_ =	shalt  }
0x87: {  	_ =	shalt  }
.Lfunc_end0:
.L_simem_size_0:
called_computation.3_lowered:
.L_overlay_start_0:
0x88: {  	s2 =	sld [smem:$0x3FD9]  }
0x89: {  	s3 =	sld [smem:$0x3FFE];
	_ =	sdelay $0x1  }
0x8a: {  	s1 =	srdreg.scid  }
0x8b: {  	s0 =	sand.u32 $0x1, s1  }
0x8c: {  	s16 =	sshll.u32 s0, $0xA;
	s2 =	sadd.s32 s3, s2  }
0x8d: {  	s2 =	sadd.s32 s2, s16  }
0x8e: {  	[smem:$0x3FB0] =	sst s2  }
0x8f: {  	_ = 	snop  }
0x90: {  	(tm) =	ssettm $0x1  }
0x91: {  	s17 =	sld [smem:$0x3FFB];
	_ =	sdelay $0x3  }
0x92: {  	_ =	strace s17  }
0x93: {  	s2 =	sld [smem:$0x3FFC];
	_ =	sdelay $0x3  }
0x94: {  	_ =	strace s2  }
0x95: {  	s2 =	sld [smem:$0x3FFD];
	_ =	sdelay $0x3  }
0x96: {  	_ =	strace s2  }
0x97: {  	_ =	strace $0x8FFFFFFF  }
0x98: {  	s18 =	sld [smem:$0x3FDB];
	_ =	sdelay $0x1  }
0x99: {  	s19 =	simm.s32 $_scs_section_size  }
0x9a: {  	s4 =	simm.s32 $_size__tile_overlayer_lowered;
	s5 =	simm.s32 $_tile_overlayer_lowered  }
0x9b: {  	s22 =	simm.s32 $0x1BFF;
	s21 =	sshll.u32 s5, $0x1;
	s2 =	sadd.s32 s19, s18  }
0x9c: {  	s6 =	simm.s32 $0x0;
	s20 =	sshll.u32 s4, $0x1;
	s4 =	sadd.s32 s21, s2  }
0x9d: {  	[timem:s6], [sflag:s22] =	dma.local [hbm:s4], s20  }
0x9e: {  	_ =	swait.ge [sflag:s22], s20  }
0x9f: {  	s3 =	ssub.s32 $0x0, s20;
	[sflag:s22] =	ssyncset.done $0x0  }
0xa0: {  	[sflag:s22] =	ssyncadd.s32 s3;
	_ =	sdelay $0x1  }
0xa1: {  	s23 =	simm.s32 $0x1B8B  }
0xa2: {  	_ =	swait.ge [sflag:s23], $0x1  }
0xa3: {  	[sflag:s23] =	ssyncset.done $0x0  }
0xa4: {  	s25 =	simm.s32 $0x1B8E;
	s24 =	sld [smem:$0x3FFE];
	[sflag:s23] =	ssyncadd.s32 $0xFFFFFFFF  }
0xa5: {  	s26 =	simm.s32 $execute0_lowered;
	[smem:$0x3FD2] =	sst s25  }
0xa6: {  	s4 =	sshll.u32 s26, $0x1;
	_ =	strace $0x8000004F;
	[dreg:$0x1] =	wrdreg $0xFFFFFFFF  }
0xa7: {  	s28 =	simm.s32 $_size_execute0_lowered;
	s2 =	sadd.s32 s2, s4;
	[dreg:$0x0] =	wrdreg $0x0  }
0xa8: {  	s4 =	sshll.u32 s28, $0x1;
	[dreg:$0x2] =	wrdreg s2  }
0xa9: {  	[dreg:$0x3] =	wrdreg s4  }
0xaa: {  	[dreg:$0x4] =	wrdreg $0xC0  }
0xab: {  	_ =	task [dreg:s6], $0x5FFFF  }
0xac: {  	[dreg:$0x1] =	wrdreg $0xFFFFFFFF  }
0xad: {  	[dreg:$0x0] =	wrdreg $0x60  }
0xae: {  	[dreg:$0x2] =	wrdreg s24  }
0xaf: {  	[dreg:$0x3] =	wrdreg $0x0  }
0xb0: {  	[dreg:$0x4] =	wrdreg $0x9  }
0xb1: {  	_ =	task.clear_ibuf [dreg:s6], $0x5FFFF;
	_ =	strace $0x9000004F  }
0xb2: {  	s29 =	simm.s32 $0x9;
	_ =	strace $0x80000051  }
0xb3: {  	_ =	swait.ge [sflag:s29], $0x1  }
0xb4: {  	[sflag:s29] =	ssyncadd.s32 $0xFFFFFFFF  }
0xb5: {  	_ =	strace $0x90000051  }
0xb6: {  	_ =	sfence  }
0xb7: {  	s30 =	sld [smem:$0x0];
	_ =	sdelay $0x2  }
0xb8: {  	s31 =	sshll.u32 s1, $0xD;
	s1 =	sshrl.u32 s1, $0x2  }
0xb9: {  	s3 =	sand.u32 $0x4000, s31;
	s1 =	sadd.s32 s1, s30  }
0xba: {  	s0 =	sor.u32 s3, s0;
	s1 =	sshll.u32 s1, $0x11  }
0xbb: {  	s0 =	sor.u32 s1, s0  }
0xbc: {  	s0 =	sadd.s32 $0x8F2B, s0  }
0xbd: {  	[sflag:s0] =	ssyncadd.remote.s32 $0x1  }
0xbe: {  	_ =	sfence.sel $0xFFFF  }
0xbf: {  	[dreg:$0x0] =	wrdreg $0xFFFFFFFF;
	(pc) =	sbr.abs _section_cstart, $3  }
0xc0: {  	[dreg:$0x1] =	wrdreg $0xFFFFFFFF  }
0xc1: {  	_ =	task.clear_ibuf [dreg:s6], $0x2FFFF;
	_ =	strace $0x9FFFFFFF  }
0xc2: {  	(tm) =	ssettm $0x7FFFFFFF  }
0xc3: {  	_ =	shalt  }
tec
execute0_lowered:
.L_overlay_start_1:
0x0: {  	(tag) =	ssettag $0x1  }
0x1: {  	s0 =	srdreg.scid;
	s3 =	rddreg [dreg:$0x0]  }
0x2: {  	s21 =	stileid.u32;
	s2 =	rddreg [dreg:$0x1];
	s5 =	simm.s32 $0x0  }
0x3: {  	s28 =	simm.s32 $0x4;
	s0 =	sand.u32 $0x1, s0;
	s6 =	smul.u32 $0xA000, s21  }
0x4: {  	s29 =	simm.s32 $0x1;
	s11 =	sor.u32 $0x10, s21;
	s20 =	smul.u32 $0x27100, s0  }
0x5: {  	s30 =	simm.s32 $0x60;
	s12 =	sor.u32 $0x20, s21;
	s23 =	smul.u32 $0xA000, s11  }
0x6: {  	s31 =	simm.s32 $0x16040;
	s13 =	sor.u32 $0x30, s21;
	s24 =	smul.u32 $0xA000, s12  }
0x7: {  	s4 =	sshll.u32 s21, $0x7;
	s14 =	sor.u32 $0x40, s21;
	s9 =	smul.u32 $0xA000, s13  }
0x8: {  	[smem:$0x7FF] =	sst s5;
	s15 =	sor.u32 $0x50, s21;
	s25 =	smul.u32 $0xA000, s14  }
0x9: {  	s17 =	sor.u32 $0x60, s21;
	s19 =	sor.u32 $0x70, s21;
	s16 =	smul.u32 $0xA000, s15  }
0xa: {  	p1 =	sgt.u32 s21, $0xC;
	s1 =	sshll.u32 s0, $0x4;
	s18 =	smul.u32 $0xA000, s17  }
0xb: {  	s4 =	sand.u32 $0x380, s4;
	_ =	strace $0x80000050;
	s26 =	smul.u32 $0xA000, s19  }
0xc: {  	s0 =	ssub.s32 $0x2, s0;
	s15 =	smul.u32 $0x500, s15;
	p0 =	sgt.u32 s19, $0x7C  }
0xd: {  	s1 =	sor.u32 s21, s1;
	s22 =	sshrl.u32 s0, $0x1;
	s6 =	sshrl.u32 s6, $0x2  }
0xe: {  	s1 =	sshrl.u32 s1, $0x3;
	s0 =	ssub.s32 s0, s22;
	s5 =	sshrl.u32 s23, $0x2  }
0xf: {  	s7 =	sadd.s32 s6, s2;
	s22 =	sshrl.u32 s9, $0x2;
	s23 =	sshrl.u32 s16, $0x2  }
0x10: {  	s6 =	simm.s32 $0x3;
	s1 =	smul.u32 $0x13C00, s1;
	s0 =	smax.u32 s0, $0x1  }
0x11: {  	s8 =	sadd.s32 s5, s2;
	s10 =	sadd.s32 s22, s2;
	s5 =	sshrl.u32 s26, $0x2  }
0x12: {  	s26 =	smul.u32 $0x500, s14;
	[dreg:$0x4] =	wrdreg s0;
	s1 =	sor.u32 s4, s1  }
0x13: {  	s0 =	sshrl.u32 s25, $0x2;
	s25 =	sshrl.u32 s18, $0x2;
	s1 =	sshrl.u32 s1, $0x3  }
0x14: {  	s14 =	sadd.s32 s5, s2;
	s18 =	simm.s32 $0x7;
	s1 =	sadd.s32 s1, s3  }
0x15: {  	s4 =	sadd.s32 $0x24400, s3;
	s3 =	sadd.s32 s20, s3;
	s1 =	sadd.s32 $0x1A600, s1  }
0x16: {  	s20 =	smul.u32 $0x500, s21;
	s3 =	sadd.s32 $0x72800, s3;
	[dreg:$0x3] =	wrdreg s1  }
0x17: {  	s1 =	sshrl.u32 s24, $0x2;
	s24 =	smul.u32 $0x500, s12;
	s12 =	sadd.s32 s23, s2  }
0x18: {  	s22 =	sadd.s32 s3, s20;
	s23 =	smul.u32 $0x500, s17;
	s26 =	sadd.s32 s3, s26  }
0x19: {  	s5 =	sadd.s32 s3, s15;
	s15 =	simm.s32 $0x162C0;
	s9 =	sadd.s32 s1, s2  }
0x1a: {  	s1 =	smul.u32 $0x500, s11;
	s11 =	sadd.s32 s0, s2;
	[dreg:$0x5] =	wrdreg s22  }
0x1b: {  	s0 =	smul.u32 $0x500, s13;
	s13 =	sadd.s32 s25, s2;
	[dreg:$0x9] =	wrdreg s26  }
0x1c: {  	s25 =	smul.u32 $0x500, s19;
	[dreg:$0xa] =	wrdreg s5;
	s24 =	sadd.s32 s3, s24  }
0x1d: {  	s26 =	simm.s32 $0x16340;
	s1 =	sadd.s32 s3, s1;
	[dreg:$0x7] =	wrdreg s24  }
0x1e: {  	s5 =	simm.s32 $0x16240;
	s0 =	sadd.s32 s3, s0;
	[dreg:$0x6] =	wrdreg s1  }
0x1f: {  	s19 =	simm.s32 $0x0;
	s24 =	simm.s32 $0x16140;
	[dreg:$0x8] =	wrdreg s0  }
0x20: {  	s1 =	sadd.s32 s3, s23;
	s0 =	sadd.s32 s3, s25;
	s23 =	simm.s32 $0x19340  }
0x21: {  	s25 =	simm.s32 $0x1C340;
	s3 =	simm.s32 $0x2;
	[dreg:$0xb] =	wrdreg s1  }
0x22: {  	v0 =	vimm.f32 $0.0e+00;
	[dreg:$0xc] =	wrdreg s0;
	s1 =	simm.s32 $0x160C0;
	s0 =	simm.s32 $0x161C0  }
.LBB2_1:
0x23: {  	s16 =	rddreg [dreg:$0x3]  }
0x24: {  	s17 =	simm.s32 $0x80;
	s20 =	simm.s32 $0x400;
	s21 =	simm.s32 $0x138C0  }
0x25: {  	[tilespmem:s21], [sflag:$0x1] =	stream.strided.gather [hbm4b:s16+s17], $0x2780, s20, s17, $0x38;
	[tilespmem:$0x1F340] =	vst v63  }
0x26: {  	s16 =	simm.s32 $0x0  }
0x27: {  	s20 =	sand.u32 $0xFE00, s16  }
0x28: {  	s21 =	sand.u32 $0x70, s16;
	s22 =	sshrl.u32 s20, $0x2  }
0x29: {  	s16 =	simm.s32 $0x40;
	s20 =	simm.s32 $0x0;
	s21 =	sor.u32 s21, s22  }
.LBB2_2:
0x2a: {  	p2 =	sne.s32 s16, $0x9FC0  }
0x2b: {  	[tilespmem:s21+$0x16340] =	vst v0;
	s20 =	sadd.s32 $0x10, s20;
	s21 =	smov.u32 s16;
	s16 =	sadd.s32 $0x40, s16  }
.Ltmp0:
0x2c: {  	(pc) =	sbr.rel @p2 .LBB2_2-.Ltmp0, $4  }
0x2d: {  	_ = 	snop  }
0x2e: {  	s21 =	sand.u32 $0xFE00, s21  }
0x2f: {  	s22 =	sand.u32 $0x70, s20;
	s21 =	sshrl.u32 s21, $0x2  }
0x30: {  	s21 =	sor.u32 s22, s21  }
0x31: {  	[tilespmem:s21+$0x16340] =	vst v0  }
0x32: {  	[spmem:s7] =	stream.linear.scatter [tilespmem:s26], [sflag:$0x4], $0x2800, $0x38;
	[tilespmem:$0x1F340] =	vst v63  }
0x33: {  	_ = 	snop  }
0x34: {  	[spmem:s8] =	stream.linear.scatter [tilespmem:s26], [sflag:$0x4], $0x2800, $0x38;
	[tilespmem:$0x1F340] =	vst v63  }
0x35: {  	_ = 	snop  }
0x36: {  	[spmem:s9] =	stream.linear.scatter [tilespmem:s26], [sflag:$0x4], $0x2800, $0x38;
	[tilespmem:$0x1F340] =	vst v63  }
0x37: {  	_ = 	snop  }
0x38: {  	[spmem:s10] =	stream.linear.scatter [tilespmem:s26], [sflag:$0x4], $0x2800, $0x38;
	[tilespmem:$0x1F340] =	vst v63  }
0x39: {  	_ = 	snop  }
0x3a: {  	[spmem:s11] =	stream.linear.scatter [tilespmem:s26], [sflag:$0x4], $0x2800, $0x38;
	[tilespmem:$0x1F340] =	vst v63  }
0x3b: {  	_ = 	snop  }
0x3c: {  	[spmem:s12] =	stream.linear.scatter [tilespmem:s26], [sflag:$0x4], $0x2800, $0x38;
	[tilespmem:$0x1F340] =	vst v63  }
0x3d: {  	_ = 	snop  }
0x3e: {  	[spmem:s13] =	stream.linear.scatter [tilespmem:s26], [sflag:$0x4], $0x2800, $0x38;
	[tilespmem:$0x1F340] =	vst v63  }
0x3f: {  	s16 =	simm.s32 @!p0 $0x16340  }
0x40: {  	[spmem:s14] =	stream.linear.scatter @!p0 [tilespmem:s16], [sflag:$0x4], $0x2800, $0x38;
	[tilespmem:$0x1F340] =	vst v63  }
0x41: {  	_ =	swait.ge [sflag:s28], $0x2800  }
0x42: {  	[sflag:s28] =	ssyncset.done $0x0  }
0x43: {  	[sflag:s28] =	ssyncadd.s32 $0xFFFFD800  }
0x44: {  	_ =	swait.ge [sflag:s28], $0x2800  }
0x45: {  	[sflag:s28] =	ssyncset.done $0x0  }
0x46: {  	[sflag:s28] =	ssyncadd.s32 $0xFFFFD800  }
0x47: {  	_ =	swait.ge [sflag:s28], $0x2800  }
0x48: {  	[sflag:s28] =	ssyncset.done $0x0  }
0x49: {  	[sflag:s28] =	ssyncadd.s32 $0xFFFFD800  }
0x4a: {  	_ =	swait.ge [sflag:s28], $0x2800  }
0x4b: {  	[sflag:s28] =	ssyncset.done $0x0  }
0x4c: {  	[sflag:s28] =	ssyncadd.s32 $0xFFFFD800  }
0x4d: {  	_ =	swait.ge [sflag:s28], $0x2800  }
0x4e: {  	[sflag:s28] =	ssyncset.done $0x0  }
0x4f: {  	[sflag:s28] =	ssyncadd.s32 $0xFFFFD800  }
0x50: {  	_ =	swait.ge [sflag:s28], $0x2800  }
0x51: {  	[sflag:s28] =	ssyncset.done $0x0  }
0x52: {  	[sflag:s28] =	ssyncadd.s32 $0xFFFFD800  }
0x53: {  	_ =	swait.ge [sflag:s28], $0x2800  }
0x54: {  	[sflag:s28] =	ssyncset.done $0x0  }
0x55: {  	s16 =	simm.s32 @!p1 $0x4;
	[sflag:s28] =	ssyncadd.s32 $0xFFFFD800  }
0x56: {  	_ =	swait.ge @!p1 [sflag:s16], $0x2800  }
0x57: {  	[sflag:s16] =	ssyncset.done @!p1 $0x0  }
0x58: {  	[sflag:s16] =	ssyncadd.s32 @!p1 $0xFFFFD800  }
0x59: {  	_ =	swait.ge [sflag:s29], $0x2780  }
0x5a: {  	[sflag:s29] =	ssyncset.done $0x0  }
0x5b: {  	p2 =	por $0x1, $0x1;
	[sflag:s29] =	ssyncadd.s32 $0xFFFFD880  }
0x5c: {  	s16 =	simm.s32 @!p2 $0x4;
	[bflag:$0x0] =	sbarrier.arrive $0xFFFF  }
0x5d: {  	_ =	swait.ge @!p2 [sflag:s16], $0x3000  }
0x5e: {  	[sflag:s16] =	ssyncset.done @!p2 $0x0  }
0x5f: {  	s20 =	simm.s32 $0x13950;
	[sflag:s16] =	ssyncadd.s32 @!p2 $0xFFFFD000  }
0x60: {  	v1 =	vld [tilespmem:s20+$0xFFFFFF70];
	_ =	sdelay $0x4  }
0x61: {  	v2 =	vand.u32 $0xFFFF, v1  }
0x62: {  	v1 =	vshrl.u32 v1, $0x10;
	[tilespmem:$0x16040] =	vst v2  }
0x63: {  	[tilespmem:$0x161C0] =	vst v1  }
0x64: {  	v1 =	vld [tilespmem:s20+$0xFFFFFF80];
	_ =	sdelay $0x4  }
0x65: {  	v2 =	vand.u32 $0xFFFF, v1  }
0x66: {  	v1 =	vshrl.u32 v1, $0x10;
	[tilespmem:$0x16050] =	vst v2  }
0x67: {  	[tilespmem:$0x161D0] =	vst v1  }
0x68: {  	v1 =	vld [tilespmem:s20+$0xFFFFFF90];
	_ =	sdelay $0x4  }
0x69: {  	v2 =	vand.u32 $0xFFFF, v1  }
0x6a: {  	v1 =	vshrl.u32 v1, $0x10;
	[tilespmem:$0x16060] =	vst v2  }
0x6b: {  	[tilespmem:$0x161E0] =	vst v1  }
0x6c: {  	v1 =	vld [tilespmem:s20+$0xFFFFFFA0];
	_ =	sdelay $0x4  }
0x6d: {  	v2 =	vand.u32 $0xFFFF, v1  }
0x6e: {  	v1 =	vshrl.u32 v1, $0x10;
	[tilespmem:$0x16070] =	vst v2  }
0x6f: {  	[tilespmem:$0x161F0] =	vst v1  }
0x70: {  	v1 =	vld [tilespmem:s20+$0xFFFFFFB0];
	_ =	sdelay $0x4  }
0x71: {  	v2 =	vand.u32 $0xFFFF, v1  }
0x72: {  	v1 =	vshrl.u32 v1, $0x10;
	[tilespmem:$0x16080] =	vst v2  }
0x73: {  	[tilespmem:$0x16200] =	vst v1  }
0x74: {  	v1 =	vld [tilespmem:s20+$0xFFFFFFC0];
	_ =	sdelay $0x4  }
0x75: {  	v2 =	vand.u32 $0xFFFF, v1  }
0x76: {  	v1 =	vshrl.u32 v1, $0x10;
	[tilespmem:$0x16090] =	vst v2  }
0x77: {  	s16 =	simm.s32 @!p2 $0x5;
	[tilespmem:$0x16210] =	vst v1  }
0x78: {  	[tilespmem:s26], [sflag:$0x1] =	stream.indirect.gather [hbm4b:s4+s30], $0x80, s31, s30, $0xb8;
	[tilespmem:$0x1F340] =	vst v63  }
0x79: {  	_ =	swait.ge @!p2 [sflag:s16], $0x3000  }
0x7a: {  	[sflag:s16] =	ssyncset.done @!p2 $0x0  }
0x7b: {  	[sflag:s16] =	ssyncadd.s32 @!p2 $0xFFFFD000  }
0x7c: {  	v1 =	vld [tilespmem:s20+$0xFFFFFFD0];
	_ =	sdelay $0x4  }
0x7d: {  	v2 =	vand.u32 $0xFFFF, v1  }
0x7e: {  	v1 =	vshrl.u32 v1, $0x10;
	[tilespmem:$0x160C0] =	vst v2  }
0x7f: {  	[tilespmem:$0x16240] =	vst v1  }
0x80: {  	v1 =	vld [tilespmem:s20+$0xFFFFFFE0];
	_ =	sdelay $0x4  }
0x81: {  	s22 =	simm.s32 $0x0;
	v2 =	vand.u32 $0xFFFF, v1  }
0x82: {  	s17 =	sand.u32 $0x7F80, s22;
	s16 =	sand.u32 $0x60, s22;
	v1 =	vshrl.u32 v1, $0x10;
	[tilespmem:$0x160D0] =	vst v2  }
0x83: {  	s22 =	sor.u32 s16, s17;
	[tilespmem:$0x16250] =	vst v1  }
0x84: {  	v1 =	vld [tilespmem:s22+$0x13940];
	_ =	sdelay $0x4  }
0x85: {  	v2 =	vand.u32 $0xFFFF, v1  }
0x86: {  	v1 =	vshrl.u32 v1, $0x10;
	[tilespmem:$0x160E0] =	vst v2  }
0x87: {  	[tilespmem:$0x16260] =	vst v1  }
0x88: {  	v1 =	vld [tilespmem:s20+$0x0];
	_ =	sdelay $0x4  }
0x89: {  	v2 =	vand.u32 $0xFFFF, v1  }
0x8a: {  	v1 =	vshrl.u32 v1, $0x10;
	[tilespmem:$0x160F0] =	vst v2  }
0x8b: {  	[tilespmem:$0x16270] =	vst v1  }
0x8c: {  	v1 =	vld [tilespmem:s20+$0x10];
	_ =	sdelay $0x4  }
0x8d: {  	v2 =	vand.u32 $0xFFFF, v1  }
0x8e: {  	v1 =	vshrl.u32 v1, $0x10;
	[tilespmem:$0x16100] =	vst v2  }
0x8f: {  	[tilespmem:$0x16280] =	vst v1  }
0x90: {  	v1 =	vld [tilespmem:s20+$0x20];
	_ =	sdelay $0x4  }
0x91: {  	v2 =	vand.u32 $0xFFFF, v1  }
0x92: {  	v1 =	vshrl.u32 v1, $0x10;
	[tilespmem:$0x16110] =	vst v2  }
0x93: {  	s22 =	simm.s32 @!p2 $0x6;
	[tilespmem:$0x16290] =	vst v1  }
0x94: {  	[tilespmem:s23], [sflag:$0x2] =	stream.indirect.gather [hbm4b:s4+s30], $0x80, s1, s30, $0xb8;
	[tilespmem:$0x1F340] =	vst v63  }
0x95: {  	_ =	swait.ge @!p2 [sflag:s22], $0x3000  }
0x96: {  	[sflag:s22] =	ssyncset.done @!p2 $0x0  }
0x97: {  	[sflag:s22] =	ssyncadd.s32 @!p2 $0xFFFFD000  }
0x98: {  	v1 =	vld [tilespmem:s20+$0x30];
	_ =	sdelay $0x4  }
0x99: {  	v2 =	vand.u32 $0xFFFF, v1  }
0x9a: {  	v1 =	vshrl.u32 v1, $0x10;
	[tilespmem:$0x16140] =	vst v2  }
0x9b: {  	[tilespmem:$0x162C0] =	vst v1  }
0x9c: {  	v1 =	vld [tilespmem:s20+$0x40];
	_ =	sdelay $0x4  }
0x9d: {  	v2 =	vand.u32 $0xFFFF, v1  }
0x9e: {  	v1 =	vshrl.u32 v1, $0x10;
	[tilespmem:$0x16150] =	vst v2  }
0x9f: {  	[tilespmem:$0x162D0] =	vst v1  }
0xa0: {  	v1 =	vld [tilespmem:s20+$0x50];
	_ =	sdelay $0x4  }
0xa1: {  	v2 =	vand.u32 $0xFFFF, v1  }
0xa2: {  	v1 =	vshrl.u32 v1, $0x10;
	[tilespmem:$0x16160] =	vst v2  }
0xa3: {  	[tilespmem:$0x162E0] =	vst v1  }
0xa4: {  	v1 =	vld [tilespmem:s20+$0x60];
	_ =	sdelay $0x4  }
0xa5: {  	v2 =	vand.u32 $0xFFFF, v1  }
0xa6: {  	v1 =	vshrl.u32 v1, $0x10;
	[tilespmem:$0x16170] =	vst v2  }
0xa7: {  	s16 =	sadd.s32 s16, s17;
	[tilespmem:$0x162F0] =	vst v1  }
0xa8: {  	v1 =	vld [tilespmem:s16+$0x139C0];
	_ =	sdelay $0x4  }
0xa9: {  	v2 =	vand.u32 $0xFFFF, v1  }
0xaa: {  	v1 =	vshrl.u32 v1, $0x10;
	[tilespmem:$0x16180] =	vst v2  }
0xab: {  	[tilespmem:$0x16300] =	vst v1  }
0xac: {  	s21 =	simm.s32 $0x120;
	v1 =	vld [tilespmem:s20+$0x80]  }
.LBB2_4:
0xad: {  	s20 =	sadd.s32 $0x120, s20;
	s22 =	smov.u32 s21;
	s21 =	sadd.s32 $0x120, s21  }
0xae: {  	p2 =	sne.s32 s21, $0x2760;
	_ =	sdelay $0x2  }
0xaf: {  	v2 =	vand.u32 $0xFFFF, v1;
	v1 =	vshrl.u32 v1, $0x10  }
0xb0: {  	[tilespmem:$0x16190] =	vst v2  }
0xb1: {  	[tilespmem:$0x16310] =	vst v1  }
0xb2: {  	[tilespmem:s25], [sflag:$0x3] =	stream.indirect.gather [hbm4b:s4+s30], $0x80, s24, s30, $0xb8;
	[tilespmem:$0x1F340] =	vst v63  }
0xb3: {  	_ =	swait.ge [sflag:s29], $0x3000  }
0xb4: {  	[sflag:s29] =	ssyncset.done $0x0  }
0xb5: {  	[sflag:s29] =	ssyncadd.s32 $0xFFFFD000  }
0xb6: {  	[spmem:s2] =	stream.indirect.scatter.add.f32 [tilespmem:s26], [sflag:$0x4], $0x80, s0, s30, $0xb8;
	[tilespmem:$0x1F340] =	vst v63  }
0xb7: {  	_ =	swait.ge [sflag:s3], $0x3000  }
0xb8: {  	[sflag:s3] =	ssyncset.done $0x0  }
0xb9: {  	[sflag:s3] =	ssyncadd.s32 $0xFFFFD000  }
0xba: {  	[spmem:s2] =	stream.indirect.scatter.add.f32 [tilespmem:s23], [sflag:$0x5], $0x80, s5, s30, $0xb8;
	[tilespmem:$0x1F340] =	vst v63  }
0xbb: {  	_ =	swait.ge [sflag:s6], $0x3000  }
0xbc: {  	p3 =	seq.s32 s22, $0x0;
	[sflag:s6] =	ssyncset.done $0x0  }
0xbd: {  	s16 =	simm.s32 @!p3 $0x4;
	[sflag:s6] =	ssyncadd.s32 $0xFFFFD000  }
0xbe: {  	[spmem:s2] =	stream.indirect.scatter.add.f32 [tilespmem:s25], [sflag:$0x6], $0x80, s15, s30, $0xb8;
	[tilespmem:$0x1F340] =	vst v63  }
0xbf: {  	_ =	swait.ge @!p3 [sflag:s16], $0x3000  }
0xc0: {  	[sflag:s16] =	ssyncset.done @!p3 $0x0  }
0xc1: {  	[sflag:s16] =	ssyncadd.s32 @!p3 $0xFFFFD000  }
0xc2: {  	v1 =	vld [tilespmem:s20+$0xFFFFFF70];
	_ =	sdelay $0x4  }
0xc3: {  	v2 =	vand.u32 $0xFFFF, v1;
	v1 =	vshrl.u32 v1, $0x10  }
0xc4: {  	[tilespmem:$0x16040] =	vst v2  }
0xc5: {  	[tilespmem:$0x161C0] =	vst v1  }
0xc6: {  	v1 =	vld [tilespmem:s20+$0xFFFFFF80];
	_ =	sdelay $0x4  }
0xc7: {  	v2 =	vand.u32 $0xFFFF, v1;
	v1 =	vshrl.u32 v1, $0x10  }
0xc8: {  	[tilespmem:$0x16050] =	vst v2  }
0xc9: {  	[tilespmem:$0x161D0] =	vst v1  }
0xca: {  	v1 =	vld [tilespmem:s20+$0xFFFFFF90];
	_ =	sdelay $0x4  }
0xcb: {  	v2 =	vand.u32 $0xFFFF, v1;
	v1 =	vshrl.u32 v1, $0x10  }
0xcc: {  	[tilespmem:$0x16060] =	vst v2  }
0xcd: {  	[tilespmem:$0x161E0] =	vst v1  }
0xce: {  	v1 =	vld [tilespmem:s20+$0xFFFFFFA0];
	_ =	sdelay $0x4  }
0xcf: {  	v2 =	vand.u32 $0xFFFF, v1;
	v1 =	vshrl.u32 v1, $0x10  }
0xd0: {  	[tilespmem:$0x16070] =	vst v2  }
0xd1: {  	[tilespmem:$0x161F0] =	vst v1  }
0xd2: {  	v1 =	vld [tilespmem:s20+$0xFFFFFFB0];
	_ =	sdelay $0x4  }
0xd3: {  	v2 =	vand.u32 $0xFFFF, v1;
	v1 =	vshrl.u32 v1, $0x10  }
0xd4: {  	[tilespmem:$0x16080] =	vst v2  }
0xd5: {  	[tilespmem:$0x16200] =	vst v1  }
0xd6: {  	v1 =	vld [tilespmem:s20+$0xFFFFFFC0];
	_ =	sdelay $0x4  }
0xd7: {  	v2 =	vand.u32 $0xFFFF, v1;
	v1 =	vshrl.u32 v1, $0x10  }
0xd8: {  	[tilespmem:$0x16090] =	vst v2  }
0xd9: {  	s16 =	simm.s32 @!p3 $0x5;
	[tilespmem:$0x16210] =	vst v1  }
0xda: {  	[tilespmem:s26], [sflag:$0x1] =	stream.indirect.gather [hbm4b:s4+s30], $0x80, s31, s30, $0xb8;
	[tilespmem:$0x1F340] =	vst v63  }
0xdb: {  	_ =	swait.ge @!p3 [sflag:s16], $0x3000  }
0xdc: {  	[sflag:s16] =	ssyncset.done @!p3 $0x0  }
0xdd: {  	[sflag:s16] =	ssyncadd.s32 @!p3 $0xFFFFD000  }
0xde: {  	v1 =	vld [tilespmem:s20+$0xFFFFFFD0];
	_ =	sdelay $0x4  }
0xdf: {  	v2 =	vand.u32 $0xFFFF, v1;
	v1 =	vshrl.u32 v1, $0x10  }
0xe0: {  	[tilespmem:$0x160C0] =	vst v2  }
0xe1: {  	[tilespmem:$0x16240] =	vst v1  }
0xe2: {  	v1 =	vld [tilespmem:s20+$0xFFFFFFE0];
	_ =	sdelay $0x4  }
0xe3: {  	v2 =	vand.u32 $0xFFFF, v1;
	v1 =	vshrl.u32 v1, $0x10  }
0xe4: {  	s16 =	sand.u32 $0x7F80, s22;
	s22 =	sand.u32 $0x60, s22;
	[tilespmem:$0x160D0] =	vst v2  }
0xe5: {  	s17 =	sor.u32 s22, s16;
	[tilespmem:$0x16250] =	vst v1  }
0xe6: {  	v1 =	vld [tilespmem:s17+$0x13940];
	_ =	sdelay $0x4  }
0xe7: {  	v2 =	vand.u32 $0xFFFF, v1;
	v1 =	vshrl.u32 v1, $0x10  }
0xe8: {  	[tilespmem:$0x160E0] =	vst v2  }
0xe9: {  	[tilespmem:$0x16260] =	vst v1  }
0xea: {  	v1 =	vld [tilespmem:s20+$0x0];
	_ =	sdelay $0x4  }
0xeb: {  	v2 =	vand.u32 $0xFFFF, v1;
	v1 =	vshrl.u32 v1, $0x10  }
0xec: {  	[tilespmem:$0x160F0] =	vst v2  }
0xed: {  	[tilespmem:$0x16270] =	vst v1  }
0xee: {  	v1 =	vld [tilespmem:s20+$0x10];
	_ =	sdelay $0x4  }
0xef: {  	v2 =	vand.u32 $0xFFFF, v1;
	v1 =	vshrl.u32 v1, $0x10  }
0xf0: {  	[tilespmem:$0x16100] =	vst v2  }
0xf1: {  	[tilespmem:$0x16280] =	vst v1  }
0xf2: {  	v1 =	vld [tilespmem:s20+$0x20];
	_ =	sdelay $0x4  }
0xf3: {  	v2 =	vand.u32 $0xFFFF, v1;
	v1 =	vshrl.u32 v1, $0x10  }
0xf4: {  	[tilespmem:$0x16110] =	vst v2  }
0xf5: {  	s17 =	simm.s32 @!p3 $0x6;
	[tilespmem:$0x16290] =	vst v1  }
0xf6: {  	[tilespmem:s23], [sflag:$0x2] =	stream.indirect.gather [hbm4b:s4+s30], $0x80, s1, s30, $0xb8;
	[tilespmem:$0x1F340] =	vst v63  }
0xf7: {  	_ =	swait.ge @!p3 [sflag:s17], $0x3000  }
0xf8: {  	[sflag:s17] =	ssyncset.done @!p3 $0x0  }
0xf9: {  	[sflag:s17] =	ssyncadd.s32 @!p3 $0xFFFFD000  }
0xfa: {  	v1 =	vld [tilespmem:s20+$0x30];
	_ =	sdelay $0x4  }
0xfb: {  	v2 =	vand.u32 $0xFFFF, v1;
	v1 =	vshrl.u32 v1, $0x10  }
0xfc: {  	[tilespmem:$0x16140] =	vst v2  }
0xfd: {  	[tilespmem:$0x162C0] =	vst v1  }
0xfe: {  	v1 =	vld [tilespmem:s20+$0x40];
	_ =	sdelay $0x4  }
0xff: {  	v2 =	vand.u32 $0xFFFF, v1;
	v1 =	vshrl.u32 v1, $0x10  }
0x100: {  	[tilespmem:$0x16150] =	vst v2  }
0x101: {  	[tilespmem:$0x162D0] =	vst v1  }
0x102: {  	v1 =	vld [tilespmem:s20+$0x50];
	_ =	sdelay $0x4  }
0x103: {  	v2 =	vand.u32 $0xFFFF, v1;
	v1 =	vshrl.u32 v1, $0x10  }
0x104: {  	[tilespmem:$0x16160] =	vst v2  }
0x105: {  	[tilespmem:$0x162E0] =	vst v1  }
0x106: {  	v1 =	vld [tilespmem:s20+$0x60];
	_ =	sdelay $0x4  }
0x107: {  	v2 =	vand.u32 $0xFFFF, v1;
	v1 =	vshrl.u32 v1, $0x10  }
0x108: {  	[tilespmem:$0x16170] =	vst v2  }
0x109: {  	s16 =	sadd.s32 s22, s16;
	[tilespmem:$0x162F0] =	vst v1  }
0x10a: {  	v1 =	vld [tilespmem:s16+$0x139C0];
	_ =	sdelay $0x3  }
.Ltmp1:
0x10b: {  	(pc) =	sbr.rel @p2 .LBB2_4-.Ltmp1, $4  }
0x10c: {  	v2 =	vand.u32 $0xFFFF, v1;
	v1 =	vshrl.u32 v1, $0x10  }
0x10d: {  	[tilespmem:$0x16180] =	vst v2  }
0x10e: {  	[tilespmem:$0x16300] =	vst v1  }
0x10f: {  	v1 =	vld [tilespmem:s20+$0x80]  }
0x110: {  	_ =	sdelay $0x3  }
0x111: {  	v2 =	vand.u32 $0xFFFF, v1  }
0x112: {  	v1 =	vshrl.u32 v1, $0x10;
	[tilespmem:$0x16190] =	vst v2  }
0x113: {  	[tilespmem:$0x16310] =	vst v1  }
0x114: {  	[tilespmem:s25], [sflag:$0x3] =	stream.indirect.gather [hbm4b:s4+s30], $0x80, s24, s30, $0xb8;
	[tilespmem:$0x1F340] =	vst v63  }
0x115: {  	_ =	swait.ge [sflag:s29], $0x3000  }
0x116: {  	[sflag:s29] =	ssyncset.done $0x0  }
0x117: {  	[sflag:s29] =	ssyncadd.s32 $0xFFFFD000  }
0x118: {  	[spmem:s2] =	stream.indirect.scatter.add.f32 [tilespmem:s26], [sflag:$0x4], $0x80, s0, s30, $0xb8;
	[tilespmem:$0x1F340] =	vst v63  }
0x119: {  	_ =	swait.ge [sflag:s3], $0x3000  }
0x11a: {  	[sflag:s3] =	ssyncset.done $0x0  }
0x11b: {  	[sflag:s3] =	ssyncadd.s32 $0xFFFFD000  }
0x11c: {  	[spmem:s2] =	stream.indirect.scatter.add.f32 [tilespmem:s23], [sflag:$0x5], $0x80, s5, s30, $0xb8;
	[tilespmem:$0x1F340] =	vst v63  }
0x11d: {  	_ =	swait.ge [sflag:s6], $0x3000  }
0x11e: {  	[sflag:s6] =	ssyncset.done $0x0  }
0x11f: {  	[sflag:s6] =	ssyncadd.s32 $0xFFFFD000  }
0x120: {  	[spmem:s2] =	stream.indirect.scatter.add.f32 [tilespmem:s25], [sflag:$0x6], $0x80, s15, s30, $0xb8;
	[tilespmem:$0x1F340] =	vst v63  }
0x121: {  	_ =	swait.ge [sflag:s28], $0x3000  }
0x122: {  	[sflag:s28] =	ssyncset.done $0x0  }
0x123: {  	s16 =	simm.s32 $0x5;
	[sflag:s28] =	ssyncadd.s32 $0xFFFFD000  }
0x124: {  	_ =	swait.ge [sflag:s16], $0x3000  }
0x125: {  	[sflag:s16] =	ssyncset.done $0x0  }
0x126: {  	s17 =	simm.s32 $0x6;
	[sflag:s16] =	ssyncadd.s32 $0xFFFFD000  }
0x127: {  	_ =	swait.ge [sflag:s17], $0x3000  }
0x128: {  	[sflag:s17] =	ssyncset.done $0x0  }
0x129: {  	s20 =	stileid.u32;
	[sflag:s17] =	ssyncadd.s32 $0xFFFFD000  }
0x12a: {  	s16 =	sshll.u32 s20, $0x6;
	[bflag:$0x0] =	sbarrier.arrive $0xFFFF  }
0x12b: {  	s16 =	sor.u32 $0x1C07, s16;
	s17 =	sshrl.u32 s7, $0x3;
	s20 =	rddreg [dreg:$0x5]  }
0x12c: {  	[hbm:s20], [sflag:s16] =	dma.local [spmem:s17], $0x500  }
0x12d: {  	_ =	swait.ge [sflag:s18], $0x500  }
0x12e: {  	[sflag:s18] =	ssyncset.done $0x0  }
0x12f: {  	s21 =	sshrl.u32 s8, $0x3;
	s22 =	rddreg [dreg:$0x6];
	[sflag:s18] =	ssyncadd.s32 $0xFFFFFB00  }
0x130: {  	[hbm:s22], [sflag:s16] =	dma.local [spmem:s21], $0x500  }
0x131: {  	_ =	swait.ge [sflag:s18], $0x500  }
0x132: {  	[sflag:s18] =	ssyncset.done $0x0  }
0x133: {  	s21 =	sshrl.u32 s9, $0x3;
	s22 =	rddreg [dreg:$0x7];
	[sflag:s18] =	ssyncadd.s32 $0xFFFFFB00  }
0x134: {  	[hbm:s22], [sflag:s16] =	dma.local [spmem:s21], $0x500  }
0x135: {  	_ =	swait.ge [sflag:s18], $0x500  }
0x136: {  	[sflag:s18] =	ssyncset.done $0x0  }
0x137: {  	s21 =	sshrl.u32 s10, $0x3;
	s22 =	rddreg [dreg:$0x8];
	[sflag:s18] =	ssyncadd.s32 $0xFFFFFB00  }
0x138: {  	[hbm:s22], [sflag:s16] =	dma.local [spmem:s21], $0x500  }
0x139: {  	_ =	swait.ge [sflag:s18], $0x500  }
0x13a: {  	[sflag:s18] =	ssyncset.done $0x0  }
0x13b: {  	s21 =	sshrl.u32 s11, $0x3;
	s22 =	rddreg [dreg:$0x9];
	[sflag:s18] =	ssyncadd.s32 $0xFFFFFB00  }
0x13c: {  	[hbm:s22], [sflag:s16] =	dma.local [spmem:s21], $0x500  }
0x13d: {  	_ =	swait.ge [sflag:s18], $0x500  }
0x13e: {  	[sflag:s18] =	ssyncset.done $0x0  }
0x13f: {  	s21 =	sshrl.u32 s12, $0x3;
	s22 =	rddreg [dreg:$0xa];
	[sflag:s18] =	ssyncadd.s32 $0xFFFFFB00  }
0x140: {  	[hbm:s22], [sflag:s16] =	dma.local [spmem:s21], $0x500  }
0x141: {  	_ =	swait.ge [sflag:s18], $0x500  }
0x142: {  	[sflag:s18] =	ssyncset.done $0x0  }
0x143: {  	s20 =	sshrl.u32 s13, $0x3;
	s21 =	rddreg [dreg:$0xb];
	[sflag:s18] =	ssyncadd.s32 $0xFFFFFB00  }
0x144: {  	[hbm:s21], [sflag:s16] =	dma.local [spmem:s20], $0x500  }
0x145: {  	_ =	swait.ge [sflag:s18], $0x500  }
0x146: {  	[sflag:s18] =	ssyncset.done $0x0  }
0x147: {  	s17 =	sshrl.u32 @!p0 s14, $0x3;
	s20 =	rddreg [dreg:$0xc];
	[sflag:s18] =	ssyncadd.s32 $0xFFFFFB00  }
0x148: {  	[hbm:s20], [sflag:s16] =	dma.local @!p0 [spmem:s17], $0x500  }
0x149: {  	s16 =	simm.s32 @!p0 $0x7  }
0x14a: {  	_ =	swait.ge @!p0 [sflag:s16], $0x500  }
0x14b: {  	s19 =	sadd.s32 $0x1, s19;
	s22 =	rddreg [dreg:$0x4]  }
0x14c: {  	p2 =	sne.s32 s19, s22  }
.Ltmp2:
0x14d: {  	_ = 	snop;
	(pc) =	sbr.rel @p2 .LBB2_1-.Ltmp2, $3  }
0x14e: {  	_ =	sdelay $0x1  }
0x14f: {  	[sflag:s16] =	ssyncset.done @!p0 $0x0  }
0x150: {  	[sflag:s16] =	ssyncadd.s32 @!p0 $0xFFFFFB00  }
0x151: {  	_ =	sfence.sel $0x180000  }
0x152: {  	[bflag:$0x0] =	sbarrier.arrive $0xFFFF  }
0x153: {  	_ =	strace $0x90000050  }
0x154: {  	s0 =	stileid.u32;
	[bflag:$0x2] =	sbarrier.arrive $0xFFFF  }
0x155: {  	p0 =	sne.s32 s0, $0x0;
	s0 =	rddreg [dreg:$0x2]  }
0x156: {  	s0 =	sadd.s32 @!p0 $0x100000, s0  }
0x157: {  	[sflag:s0] =	ssyncadd.tile.s32 @!p0 $0x1;
	_ =	shalt  }
.Lfunc_end2:
_tile_overlayer_lowered:
.L_overlay_start_2:
0x158: {  	(tag) =	ssettag $0x2  }
0x159: {  	s0 =	rddreg [dreg:$0x0];
	s2 =	stileid.u32  }
0x15a: {  	s1 =	rddreg [dreg:$0x1];
	p0 =	sne.s32 s2, $0x0  }
0x15b: {  	s3 =	rddreg [dreg:$0x2];
	[bflag:$0x3] =	sbarrier.arrive $0xFFFF;
	s2 =	simm.s32 @!p0 $0x1C07  }
0x15c: {  	[timem:s3], [sflag:s2] =	dma.local @!p0 [hbm:s0], s1  }
0x15d: {  	s0 =	simm.s32 @!p0 $0x7  }
0x15e: {  	_ =	swait.ge @!p0 [sflag:s0], s1  }
0x15f: {  	s1 =	ssub.s32 @!p0 $0x0, s1;
	[sflag:s0] =	ssyncset.done @!p0 $0x0  }
0x160: {  	[sflag:s0] =	ssyncadd.s32 @!p0 s1  }
0x161: {  	[bflag:$0x3] =	sbarrier.arrive $0xFFFF  }
0x162: {  	_ =	shalt  }

</sc_bundles>
